<compile_context>
chip_gen: v7x
topology: tpu7x:2x2x1
jax: 0.10.2.dev20260603
libtpu: 0.0.44.dev20260713+nightly
codegen_flags: <defaults>
</compile_context>

<pallas_src>
import functools

import jax
import jax.numpy as jnp
from jax import lax
from jax.experimental import pallas as pl
from jax.experimental.pallas import tpu as pltpu
from jax.experimental.pallas import tpu_sc as plsc

N = 10000
E = 160000
IN_DIM = 256
HID = 512
OUT_DIM = 256

NC = 2
NS = 16
NW = NC * NS
L = 16

RB = 400
GRID = N // RB

EPW = E // NW
DEG_BATCHES = (EPW + L - 1) // L
EPW_PAD = DEG_BATCHES * L


def _deg_body(row_hbm, parts_hbm, rowv, degv):
    wid = lax.axis_index("s") * NC + lax.axis_index("c")
    pltpu.sync_copy(row_hbm.at[pl.ds(wid * EPW, EPW)], rowv.at[pl.ds(0, EPW)])

    def zero_step(i, _):
        degv[pl.ds(i * L, L)] = jnp.zeros((L,), jnp.float32)
        return 0

    lax.fori_loop(0, N // L, zero_step, 0)

    ones = jnp.ones((L,), jnp.float32)
    lane = lax.iota(jnp.int32, L)

    def step(j, _):
        idx = rowv[pl.ds(j * L, L)]
        mask = (j * L + lane) < EPW
        plsc.addupdate_scatter(degv, [idx], ones, mask=mask)
        return 0

    lax.fori_loop(0, DEG_BATCHES, step, 0)
    pltpu.sync_copy(degv, parts_hbm.at[pl.ds(wid * N, N)])


@functools.lru_cache(maxsize=None)
def _deg_kernel():
    return pl.kernel(
        _deg_body,
        out_type=jax.ShapeDtypeStruct((NW * N,), jnp.float32),
        mesh=plsc.VectorSubcoreMesh(
            core_axis_name="c", subcore_axis_name="s",
            num_cores=NC, num_subcores=NS),
        scratch_types=[
            pltpu.VMEM((EPW_PAD,), jnp.int32),
            pltpu.VMEM((N,), jnp.float32),
        ],
        compiler_params=pltpu.CompilerParams(needs_layout_passes=False),
    )


def _deg_call(row_flat):
    return _deg_kernel()(row_flat).reshape(NW, N)

K = 80
EPS = E // NS
NB = EPS // K
NP = 10240
RPT = NP // NS
ZR = 40


def _spmm_body(cpc, hs_hbm, rows_hbm, cols_hbm, zeros_hbm, agg_hbm,
               rowb0, rowb1, rowb2, rowb3, colb0, colb1, colb2, colb3,
               gbuf0, gbuf1, gbuf2, gbuf3, acc,
               isem0, isem1, isem2, isem3,
               gsem0, gsem1, gsem2, gsem3,
               ssem0, ssem1, ssem2, ssem3):
    cid = lax.axis_index("c")
    sid = lax.axis_index("s")
    ibase = sid * EPS
    rowb = (rowb0, rowb1, rowb2, rowb3)
    colb = (colb0, colb1, colb2, colb3)
    gbuf = (gbuf0, gbuf1, gbuf2, gbuf3)
    isem = (isem0, isem1, isem2, isem3)
    gsem = (gsem0, gsem1, gsem2, gsem3)
    ssem = (ssem0, ssem1, ssem2, ssem3)

    def start_idx(j, r):
        pltpu.async_copy(rows_hbm.at[pl.ds(ibase + j * K, K)],
                         rowb[r], isem[r])
        pltpu.async_copy(cols_hbm.at[pl.ds(ibase + j * K, K)],
                         colb[r], isem[r])

    def wait_idx(r):
        pltpu.make_async_copy(rows_hbm.at[pl.ds(0, K)],
                              rowb[r], isem[r]).wait()
        pltpu.make_async_copy(cols_hbm.at[pl.ds(0, K)],
                              colb[r], isem[r]).wait()

    def add_off_and_gather(offv, r):
        def add_step(i, _):
            colb[r][pl.ds(i * L, L)] = colb[r][pl.ds(i * L, L)] + offv
            return 0

        lax.fori_loop(0, K // L, add_step, 0)
        pltpu.async_copy(hs_hbm.at[colb[r]], gbuf[r], gsem[r])

    def wait_gather(r):
        pltpu.make_async_copy(hs_hbm.at[pl.ds(0, K)],
                              gbuf[r], gsem[r]).wait()

    def start_scatter(r):
        pltpu.async_copy(gbuf[r], acc.at[rowb[r]], ssem[r], add=True)

    def wait_scatter(r):
        pltpu.make_async_copy(hs_hbm.at[pl.ds(0, K)],
                              gbuf[r], ssem[r]).wait()

    for l in range(cpc):
        chunk = cid * cpc + l
        offv = chunk * NP

        pltpu.sync_copy(zeros_hbm, acc.at[pl.ds(sid * RPT, RPT)])
        plsc.subcore_barrier()

        start_idx(0, 0)
        start_idx(1, 1)
        wait_idx(0)
        add_off_and_gather(offv, 0)

        def batch_step(j, _):
            @pl.when(j >= 2)
            def _():
                for r in range(4):
                    @pl.when((j - 2) % 4 == r)
                    def _(r=r):
                        wait_scatter(r)

            @pl.when(j + 2 < NB)
            def _():
                for r in range(4):
                    @pl.when((j + 2) % 4 == r)
                    def _(r=r):
                        start_idx(j + 2, r)

            @pl.when(j + 1 < NB)
            def _():
                for r in range(4):
                    @pl.when((j + 1) % 4 == r)
                    def _(r=r):
                        wait_idx(r)
                        add_off_and_gather(offv, r)

            for r in range(4):
                @pl.when(j % 4 == r)
                def _(r=r):
                    wait_gather(r)
                    start_scatter(r)

            return 0

        lax.fori_loop(0, NB, batch_step, 0)

        for r in range(4):
            @pl.when((NB - 2) % 4 == r)
            def _(r=r):
                wait_scatter(r)

            @pl.when((NB - 1) % 4 == r)
            def _(r=r):
                wait_scatter(r)

        plsc.subcore_barrier()
        pltpu.sync_copy(
            acc.at[pl.ds(sid * RPT, RPT)],
            agg_hbm.at[pl.ds(offv + sid * RPT, RPT)],
        )
        plsc.subcore_barrier()


def _svec_body(dinv_hbm, rows_hbm, cols_hbm, sparts_hbm,
               rowv, colv, dinvv, sacc):
    wid = lax.axis_index("s") * NC + lax.axis_index("c")
    rowv[pl.ds(EPW_PAD - L, L)] = jnp.zeros((L,), jnp.int32)
    colv[pl.ds(EPW_PAD - L, L)] = jnp.zeros((L,), jnp.int32)
    pltpu.sync_copy(rows_hbm.at[pl.ds(wid * EPW, EPW)], rowv.at[pl.ds(0, EPW)])
    pltpu.sync_copy(cols_hbm.at[pl.ds(wid * EPW, EPW)], colv.at[pl.ds(0, EPW)])
    pltpu.sync_copy(dinv_hbm, dinvv)

    def zero_step(i, _):
        sacc[pl.ds(i * L, L)] = jnp.zeros((L,), jnp.float32)
        return 0

    lax.fori_loop(0, N // L, zero_step, 0)

    lane = lax.iota(jnp.int32, L)

    def step(j, _):
        idx_c = colv[pl.ds(j * L, L)]
        idx_r = rowv[pl.ds(j * L, L)]
        mask = (j * L + lane) < EPW
        val = plsc.load_gather(dinvv, [idx_c], mask=mask)
        plsc.addupdate_scatter(sacc, [idx_r], val, mask=mask)
        return 0

    lax.fori_loop(0, DEG_BATCHES, step, 0)
    pltpu.sync_copy(sacc, sparts_hbm.at[pl.ds(wid * N, N)])


@functools.lru_cache(maxsize=None)
def _svec_kernel():
    return pl.kernel(
        _svec_body,
        out_type=jax.ShapeDtypeStruct((NW * N,), jnp.float32),
        mesh=plsc.VectorSubcoreMesh(
            core_axis_name="c", subcore_axis_name="s",
            num_cores=NC, num_subcores=NS),
        scratch_types=[
            pltpu.VMEM((EPW_PAD,), jnp.int32),
            pltpu.VMEM((EPW_PAD,), jnp.int32),
            pltpu.VMEM((N,), jnp.float32),
            pltpu.VMEM((N,), jnp.float32),
        ],
        compiler_params=pltpu.CompilerParams(needs_layout_passes=False),
    )


def _svec_call(dinv_vec, row, col):
    return _svec_kernel()(dinv_vec, row, col).reshape(NW, N)


@functools.lru_cache(maxsize=None)
def _make_spmm(c_chunks):
    cpc = c_chunks // NC
    return pl.kernel(
        functools.partial(_spmm_body, cpc),
        out_type=jax.ShapeDtypeStruct((c_chunks * NP, 128), jnp.float32),
        mesh=plsc.VectorSubcoreMesh(
            core_axis_name="c", subcore_axis_name="s",
            num_cores=NC, num_subcores=NS),
        scratch_types=(
            [pltpu.VMEM((K,), jnp.int32) for _ in range(8)]
            + [pltpu.VMEM((K, 128), jnp.float32) for _ in range(4)]
            + [pltpu.VMEM_SHARED((NP, 128), jnp.float32)]
            + [pltpu.SemaphoreType.DMA for _ in range(12)]
        ),
        compiler_params=pltpu.CompilerParams(needs_layout_passes=False),
    )


def _spmm4(hs_flat, row, col, zeros):
    return _make_spmm(4)(hs_flat, row, col, zeros)


def _spmm2(hs_flat, row, col, zeros):
    return _make_spmm(2)(hs_flat, row, col, zeros)



def _tc_dinv_body(parts_ref, dinv_ref):
    deg = jnp.sum(parts_ref[...], axis=0)
    dinv_ref[...] = jnp.where(
        deg > 0, lax.rsqrt(jnp.maximum(deg, 1e-12)), 0.0)


def _tc_dinv(parts):
    return pl.pallas_call(
        _tc_dinv_body,
        out_shape=jax.ShapeDtypeStruct((N,), jnp.float32),
    )(parts).reshape(N, 1)


def _tc_scale_body(dinv_ref, x_ref, xsf_ref):
    xs = x_ref[...] * dinv_ref[...]
    for c in range(xsf_ref.shape[0]):
        xsf_ref[c] = xs[:, c * 128:(c + 1) * 128]


def _tc_scale(dinv, x):
    d = x.shape[1]
    cout = d // 128
    return pl.pallas_call(
        _tc_scale_body,
        grid=(GRID,),
        in_specs=[_dinv_spec(), _rows_spec(d)],
        out_specs=_chunk_spec(cout),
        out_shape=jax.ShapeDtypeStruct((cout, NP, 128), jnp.float32),
    )(dinv, x)


def _tc_h1_body(x_ref, w_ref, b_ref, h_ref):
    h = jnp.dot(x_ref[...].astype(jnp.bfloat16), w_ref[...],
                preferred_element_type=jnp.float32)
    h_ref[...] = h + b_ref[...]


def _tc_h1(x, w, b):
    d_in, d_out = w.shape
    return pl.pallas_call(
        _tc_h1_body,
        grid=(GRID,),
        in_specs=[_rows_spec(d_in), _full_spec(d_in, d_out),
                  _full_spec(1, d_out)],
        out_specs=_rows_spec(d_out),
        out_shape=jax.ShapeDtypeStruct((N, d_out), jnp.float32),
    )(x, w, b)


def _tc_svec_body(sparts_ref, dinv_ref, s_ref):
    sp = jnp.sum(sparts_ref[...], axis=0)
    s_ref[...] = sp * dinv_ref[...][:, 0]


def _tc_svec(sparts, dinv):
    return pl.pallas_call(
        _tc_svec_body,
        out_shape=jax.ShapeDtypeStruct((N,), jnp.float32),
    )(sparts, dinv).reshape(N, 1)


def _tc_layer2_body(dinv_ref, s_ref, h1_ref, aggxf_ref, w1_ref, b1_ref,
                    w2_ref, b2_ref, ho_ref, hsf_ref):
    dinv = dinv_ref[...]
    aggx = jnp.concatenate(
        [aggxf_ref[c] for c in range(aggxf_ref.shape[0])], axis=1)
    corr = jnp.dot((dinv * aggx).astype(jnp.bfloat16), w1_ref[...],
                   preferred_element_type=jnp.float32)
    t = jnp.maximum(h1_ref[...] - corr - s_ref[...] * b1_ref[...], 0.0)
    h = jnp.dot(t.astype(jnp.bfloat16), w2_ref[...],
                preferred_element_type=jnp.float32)
    h = h + b2_ref[...]
    ho_ref[...] = h
    hs = h * dinv
    for c in range(hsf_ref.shape[0]):
        hsf_ref[c] = hs[:, c * 128:(c + 1) * 128]


def _tc_layer2(dinv, svec, h1, aggxf, w1, b1, w2, b2, cout):
    d1_in, d1_out = w1.shape
    d2_out = w2.shape[1]
    cin = aggxf.shape[0]
    return pl.pallas_call(
        _tc_layer2_body,
        grid=(GRID,),
        in_specs=[
            _dinv_spec(), _dinv_spec(), _rows_spec(d1_out), _chunk_spec(cin),
            _full_spec(d1_in, d1_out), _full_spec(1, d1_out),
            _full_spec(d1_out, d2_out), _full_spec(1, d2_out),
        ],
        out_specs=[_rows_spec(d2_out), _chunk_spec(cout)],
        out_shape=[
            jax.ShapeDtypeStruct((N, d2_out), jnp.float32),
            jax.ShapeDtypeStruct((cout, NP, 128), jnp.float32),
        ],
    )(dinv, svec, h1, aggxf, w1, b1, w2, b2)


def _tc_mid_body(dinv_ref, h_ref, aggf_ref, w_ref, b_ref, ho_ref, hsf_ref):
    dinv = dinv_ref[...]
    agg = jnp.concatenate(
        [aggf_ref[c] for c in range(aggf_ref.shape[0])], axis=1)
    t = jnp.maximum(h_ref[...] - dinv * agg, 0.0)
    h = jnp.dot(t.astype(jnp.bfloat16), w_ref[...],
                preferred_element_type=jnp.float32)
    h = h + b_ref[...]
    ho_ref[...] = h
    hs = h * dinv
    for c in range(hsf_ref.shape[0]):
        hsf_ref[c] = hs[:, c * 128:(c + 1) * 128]


def _tc_last_body(dinv_ref, h_ref, aggf_ref, out_ref):
    dinv = dinv_ref[...]
    agg = jnp.concatenate(
        [aggf_ref[c] for c in range(aggf_ref.shape[0])], axis=1)
    out_ref[...] = h_ref[...] - dinv * agg


def _dinv_spec():
    return pl.BlockSpec((RB, 1), lambda i: (i, 0))


def _rows_spec(d):
    return pl.BlockSpec((RB, d), lambda i: (i, 0))


def _full_spec(r, c):
    return pl.BlockSpec((r, c), lambda i: (0, 0))


def _chunk_spec(c):
    return pl.BlockSpec((c, RB, 128), lambda i: (0, i, 0))


def _tc_mid(dinv, h, aggf, w, b, cout):
    d_in, d_out = w.shape
    cin = aggf.shape[0]
    return pl.pallas_call(
        _tc_mid_body,
        grid=(GRID,),
        in_specs=[
            _dinv_spec(), _rows_spec(d_in), _chunk_spec(cin),
            _full_spec(d_in, d_out), _full_spec(1, d_out),
        ],
        out_specs=[_rows_spec(d_out), _chunk_spec(cout)],
        out_shape=[
            jax.ShapeDtypeStruct((N, d_out), jnp.float32),
            jax.ShapeDtypeStruct((cout, NP, 128), jnp.float32),
        ],
    )(dinv, h, aggf, w, b)


def _tc_last(dinv, h, aggf):
    d = h.shape[1]
    cin = aggf.shape[0]
    return pl.pallas_call(
        _tc_last_body,
        grid=(GRID,),
        in_specs=[_dinv_spec(), _rows_spec(d), _chunk_spec(cin)],
        out_specs=_rows_spec(d),
        out_shape=jax.ShapeDtypeStruct((N, d), jnp.float32),
    )(dinv, h, aggf)




def kernel(x, edge_index, W1, b1, W2, b2, W3, b3):
    row = edge_index[0]
    col = edge_index[1]
    zeros = jnp.zeros((RPT, 128), jnp.float32)

    parts = _deg_call(row)
    dinv = _tc_dinv(parts)

    w1b = W1.astype(jnp.bfloat16)
    xsf = _tc_scale(dinv, x)
    aggx = _make_spmm(2)(xsf.reshape(-1, 128), row, col, zeros)
    sparts = _svec_call(dinv.reshape(-1), row, col)
    h1 = _tc_h1(x, w1b, b1.reshape(1, -1))
    svec = _tc_svec(sparts, dinv)

    h2, hs2 = _tc_layer2(
        dinv, svec, h1, aggx.reshape(-1, NP, 128),
        w1b, b1.reshape(1, -1), W2.astype(jnp.bfloat16),
        b2.reshape(1, -1), HID // 128)
    agg2 = _spmm4(hs2.reshape(-1, 128), row, col, zeros).reshape(-1, NP, 128)

    h3, hs3 = _tc_mid(dinv, h2, agg2, W3.astype(jnp.bfloat16),
                      b3.reshape(1, -1), OUT_DIM // 128)
    agg3 = _spmm2(hs3.reshape(-1, 128), row, col, zeros).reshape(-1, NP, 128)

    return _tc_last(dinv, h3, agg3)

# --- scband reference (transcript-rebuilt; emitter-appended) ---
"""Pipeline reference for scband-hfgcn-85538568667369 (READ-ONLY COPY).

The authoritative reference and input builder live on the scoring server;
editing this copy changes nothing except your own understanding.
"""

import jax, jax.numpy as jnp
import numpy as np

N = 10000
E = 160000
IN_DIM = 256
HID = 512
OUT_DIM = 256


def setup_inputs(seed: int = 0) -> dict:
    key = jax.random.key(seed)
    ks = jax.random.split(key, 8)
    x = jax.random.normal(ks[0], (N, IN_DIM), dtype=jnp.float32)
    edge_index = jax.random.randint(ks[1], (2, E), 0, N, dtype=jnp.int32)
    # Linear layer params (PyTorch default init scale approximated)
    W1 = jax.random.normal(ks[2], (IN_DIM, HID), dtype=jnp.float32) * (1.0 / np.sqrt(IN_DIM))
    b1 = jnp.zeros((HID,), dtype=jnp.float32)
    W2 = jax.random.normal(ks[3], (HID, HID), dtype=jnp.float32) * (1.0 / np.sqrt(HID))
    b2 = jnp.zeros((HID,), dtype=jnp.float32)
    W3 = jax.random.normal(ks[4], (HID, OUT_DIM), dtype=jnp.float32) * (1.0 / np.sqrt(HID))
    b3 = jnp.zeros((OUT_DIM,), dtype=jnp.float32)
    return {"x": x, "edge_index": edge_index, "W1": W1, "b1": b1, "W2": W2, "b2": b2, "W3": W3, "b3": b3}


def _laplacian_mm(edge_index, h):
    # L = I - D^{-1/2} A D^{-1/2}  (get_laplacian normalization='sym')
    row = edge_index[0]
    col = edge_index[1]
    n = h.shape[0]
    ones = jnp.ones((row.shape[0],), dtype=h.dtype)
    deg = jnp.zeros((n,), dtype=h.dtype).at[row].add(ones)
    deg_inv_sqrt = jnp.where(deg > 0, jax.lax.rsqrt(jnp.maximum(deg, 1e-12)), 0.0)
    w = deg_inv_sqrt[row] * deg_inv_sqrt[col]
    gathered = h[col] * w[:, None]           # gather over src nodes
    agg = jnp.zeros_like(h).at[row].add(gathered)  # scatter-add to dst nodes
    return h - agg


def reference(x, edge_index, W1, b1, W2, b2, W3, b3):
    # eval mode: dropout is identity
    h = x @ W1 + b1
    h = _laplacian_mm(edge_index, h)
    h = jax.nn.relu(h)
    h = h @ W2 + b2
    h = _laplacian_mm(edge_index, h)
    h = jax.nn.relu(h)
    h = h @ W3 + b3
    out = _laplacian_mm(edge_index, h)
    return out

if __name__ == "__main__":
    import jax
    _d = setup_inputs()
    print(jax.jit(kernel)(*tuple(_d.values())))

</pallas_src>

<mosaic_0001>
#map = affine_map<(d0, d1) -> (0)>
module attributes {stable_mosaic.version = 14 : i64} {
  func.func @_svec_body(%arg0: i32, %arg1: i32, %arg2: memref<10000xf32, #tpu.memory_space<hbm>>, %arg3: memref<160000xi32, #tpu.memory_space<hbm>>, %arg4: memref<160000xi32, #tpu.memory_space<hbm>>, %arg5: memref<320000xf32, #tpu.memory_space<hbm>>, %arg6: memref<5008xi32, #tpu.memory_space<vmem>>, %arg7: memref<5008xi32, #tpu.memory_space<vmem>>, %arg8: memref<10000xf32, #tpu.memory_space<vmem>>, %arg9: memref<10000xf32, #tpu.memory_space<vmem>>) attributes {dimension_semantics = [#tpu.dimension_semantics<core_parallel>, #tpu.dimension_semantics<subcore_parallel>], iteration_bounds = array<i64: 2, 16>, scalar_prefetch = 0 : i64, scratch_operands = 4 : i64, tpu.core_type = #tpu.core_type<sc_vector_subcore>, window_params = [{transform_indices = #map}, {transform_indices = #map}, {transform_indices = #map}, {transform_indices = #map}]} {
    %mul3A = arith.constant 2 : i32
    %mul3A_0 = arith.muli %arg1, %mul3A : i32
    %add3A = arith.addi %mul3A_0, %arg0 : i32
    %broadcast_in_dim3A = arith.constant 0 : i32
    %broadcast_in_dim3A_1 = vector.broadcast %broadcast_in_dim3A : i32 to vector<16xi32>
    %swap3A = arith.constant 4992 : index
    %swap3A_2 = tpu.vector_load %arg6[%swap3A] {strides = array<i32>} : memref<5008xi32, #tpu.memory_space<vmem>>, vector<16xi32>,
    tpu.vector_store %arg6[%swap3A], %broadcast_in_dim3A_1 {strides = array<i32>} : memref<5008xi32, #tpu.memory_space<vmem>>, vector<16xi32>,
    %broadcast_in_dim3A_3 = arith.constant 0 : i32
    %broadcast_in_dim3A_4 = vector.broadcast %broadcast_in_dim3A_3 : i32 to vector<16xi32>
    %swap3A_5 = arith.constant 4992 : index
    %swap3A_6 = tpu.vector_load %arg7[%swap3A_5] {strides = array<i32>} : memref<5008xi32, #tpu.memory_space<vmem>>, vector<16xi32>,
    tpu.vector_store %arg7[%swap3A_5], %broadcast_in_dim3A_4 {strides = array<i32>} : memref<5008xi32, #tpu.memory_space<vmem>>, vector<16xi32>,
    %mul3A_7 = arith.constant 5000 : i32
    %mul3A_8 = arith.muli %add3A, %mul3A_7 : i32
    "tpu.region"() ({
      %run_scoped3A = tpu.sem_alloc : memref<!tpu.dma_semaphore, #tpu.memory_space<semaphore_mem>>
      %dma_start3A = arith.constant 0 : i32
      %dma_start3A_26 = tpu.memref_slice %arg6[%dma_start3A] : memref<5008xi32, #tpu.memory_space<vmem>> -> memref<5000xi32, #tpu.memory_space<vmem>>
      %dma_start3A_27 = tpu.memref_slice %arg3[%mul3A_8] : memref<160000xi32, #tpu.memory_space<hbm>> -> memref<5000xi32, #tpu.memory_space<hbm>>
      %dma_start3A_28 = arith.constant 0 : i32
      %dma_start3A_29 = tpu.memref_slice %arg6[%dma_start3A_28] : memref<5008xi32, #tpu.memory_space<vmem>> -> memref<5000xi32, #tpu.memory_space<vmem>>
      %dma_start3A_30 = tpu.memref_slice %arg3[%mul3A_8] : memref<160000xi32, #tpu.memory_space<hbm>> -> memref<5000xi32, #tpu.memory_space<hbm>>
      tpu.enqueue_dma source(%dma_start3A_30 : memref<5000xi32, #tpu.memory_space<hbm>>) target(%dma_start3A_29 : memref<5000xi32, #tpu.memory_space<vmem>>) target_semaphore(%run_scoped3A : memref<!tpu.dma_semaphore, #tpu.memory_space<semaphore_mem>>)
      %dma_wait3A = arith.constant 0 : i32
      %dma_wait3A_31 = tpu.memref_slice %arg6[%dma_wait3A] : memref<5008xi32, #tpu.memory_space<vmem>> -> memref<5000xi32, #tpu.memory_space<vmem>>
      %dma_wait3A_32 = tpu.memref_slice %arg3[%mul3A_8] : memref<160000xi32, #tpu.memory_space<hbm>> -> memref<5000xi32, #tpu.memory_space<hbm>>
      %dma_wait3A_33 = arith.constant 0 : i32
      %dma_wait3A_34 = tpu.memref_slice %arg6[%dma_wait3A_33] : memref<5008xi32, #tpu.memory_space<vmem>> -> memref<5000xi32, #tpu.memory_space<vmem>>
      %dma_wait3A_35 = tpu.memref_slice %arg3[%mul3A_8] : memref<160000xi32, #tpu.memory_space<hbm>> -> memref<5000xi32, #tpu.memory_space<hbm>>
      tpu.wait_dma2 semaphore(%run_scoped3A : memref<!tpu.dma_semaphore, #tpu.memory_space<semaphore_mem>>) src(%dma_wait3A_35 : memref<5000xi32, #tpu.memory_space<hbm>>) dst(%dma_wait3A_34 : memref<5000xi32, #tpu.memory_space<vmem>>)
      tpu.yield
    }) : () -> ()
    %mul3A_9 = arith.constant 5000 : i32
    %mul3A_10 = arith.muli %add3A, %mul3A_9 : i32
    "tpu.region"() ({
      %run_scoped3A = tpu.sem_alloc : memref<!tpu.dma_semaphore, #tpu.memory_space<semaphore_mem>>
      %dma_start3A = arith.constant 0 : i32
      %dma_start3A_26 = tpu.memref_slice %arg7[%dma_start3A] : memref<5008xi32, #tpu.memory_space<vmem>> -> memref<5000xi32, #tpu.memory_space<vmem>>
      %dma_start3A_27 = tpu.memref_slice %arg4[%mul3A_10] : memref<160000xi32, #tpu.memory_space<hbm>> -> memref<5000xi32, #tpu.memory_space<hbm>>
      %dma_start3A_28 = arith.constant 0 : i32
      %dma_start3A_29 = tpu.memref_slice %arg7[%dma_start3A_28] : memref<5008xi32, #tpu.memory_space<vmem>> -> memref<5000xi32, #tpu.memory_space<vmem>>
      %dma_start3A_30 = tpu.memref_slice %arg4[%mul3A_10] : memref<160000xi32, #tpu.memory_space<hbm>> -> memref<5000xi32, #tpu.memory_space<hbm>>
      tpu.enqueue_dma source(%dma_start3A_30 : memref<5000xi32, #tpu.memory_space<hbm>>) target(%dma_start3A_29 : memref<5000xi32, #tpu.memory_space<vmem>>) target_semaphore(%run_scoped3A : memref<!tpu.dma_semaphore, #tpu.memory_space<semaphore_mem>>)
      %dma_wait3A = arith.constant 0 : i32
      %dma_wait3A_31 = tpu.memref_slice %arg7[%dma_wait3A] : memref<5008xi32, #tpu.memory_space<vmem>> -> memref<5000xi32, #tpu.memory_space<vmem>>
      %dma_wait3A_32 = tpu.memref_slice %arg4[%mul3A_10] : memref<160000xi32, #tpu.memory_space<hbm>> -> memref<5000xi32, #tpu.memory_space<hbm>>
      %dma_wait3A_33 = arith.constant 0 : i32
      %dma_wait3A_34 = tpu.memref_slice %arg7[%dma_wait3A_33] : memref<5008xi32, #tpu.memory_space<vmem>> -> memref<5000xi32, #tpu.memory_space<vmem>>
      %dma_wait3A_35 = tpu.memref_slice %arg4[%mul3A_10] : memref<160000xi32, #tpu.memory_space<hbm>> -> memref<5000xi32, #tpu.memory_space<hbm>>
      tpu.wait_dma2 semaphore(%run_scoped3A : memref<!tpu.dma_semaphore, #tpu.memory_space<semaphore_mem>>) src(%dma_wait3A_35 : memref<5000xi32, #tpu.memory_space<hbm>>) dst(%dma_wait3A_34 : memref<5000xi32, #tpu.memory_space<vmem>>)
      tpu.yield
    }) : () -> ()
    "tpu.region"() ({
      %run_scoped3A = tpu.sem_alloc : memref<!tpu.dma_semaphore, #tpu.memory_space<semaphore_mem>>
      tpu.enqueue_dma source(%arg2 : memref<10000xf32, #tpu.memory_space<hbm>>) target(%arg8 : memref<10000xf32, #tpu.memory_space<vmem>>) target_semaphore(%run_scoped3A : memref<!tpu.dma_semaphore, #tpu.memory_space<semaphore_mem>>)
      tpu.wait_dma2 semaphore(%run_scoped3A : memref<!tpu.dma_semaphore, #tpu.memory_space<semaphore_mem>>) src(%arg2 : memref<10000xf32, #tpu.memory_space<hbm>>) dst(%arg8 : memref<10000xf32, #tpu.memory_space<vmem>>)
      tpu.yield
    }) : () -> ()
    %scan3A = arith.constant 0 : i32
    %scan3A_11 = arith.constant 0 : i32
    %scan3A_12 = arith.constant 625 : i32
    %scan3A_13 = arith.addi %scan3A_11, %scan3A_12 : i32
    %scan3A_14 = arith.constant 1 : i32
    %scan3A_15 = scf.for %scan3A_26 = %scan3A_11 to %scan3A_13 step %scan3A_14 iter_args(%scan3A_27 = %scan3A) -> (i32)  : i32 {
      %broadcast_in_dim3A_28 = arith.constant 0.000000e+00 : f32
      %broadcast_in_dim3A_29 = vector.broadcast %broadcast_in_dim3A_28 : f32 to vector<16xf32>
      %mul3A_30 = arith.constant 16 : i32
      %mul3A_31 = arith.muli %scan3A_26, %mul3A_30 : i32
      %swap3A_32 = arith.index_cast %mul3A_31 : i32 to index
      %swap3A_33 = tpu.vector_load %arg9[%swap3A_32] {strides = array<i32>} : memref<10000xf32, #tpu.memory_space<vmem>>, vector<16xf32>,
      tpu.vector_store %arg9[%swap3A_32], %broadcast_in_dim3A_29 {strides = array<i32>} : memref<10000xf32, #tpu.memory_space<vmem>>, vector<16xf32>,
      %scan3A_34 = arith.constant 0 : i32
      scf.yield %scan3A_34 : i32
    }
    %scan3A_16 = arith.constant 625 : i32
    %iota3A = tpu.iota {dimensions = array<i32: 0>} : vector<16xi32>
    %scan3A_17 = arith.constant 0 : i32
    %scan3A_18 = arith.constant 0 : i32
    %scan3A_19 = arith.constant 313 : i32
    %scan3A_20 = arith.addi %scan3A_18, %scan3A_19 : i32
    %scan3A_21 = arith.constant 1 : i32
    %scan3A_22 = scf.for %scan3A_26 = %scan3A_18 to %scan3A_20 step %scan3A_21 iter_args(%scan3A_27 = %scan3A_17) -> (i32)  : i32 {
      %mul3A_28 = arith.constant 16 : i32
      %mul3A_29 = arith.muli %scan3A_26, %mul3A_28 : i32
      %get3A = arith.index_cast %mul3A_29 : i32 to index
      %get3A_30 = tpu.vector_load %arg7[%get3A] {strides = array<i32>} : memref<5008xi32, #tpu.memory_space<vmem>>, vector<16xi32>,
      %mul3A_31 = arith.constant 16 : i32
      %mul3A_32 = arith.muli %scan3A_26, %mul3A_31 : i32
      %get3A_33 = arith.index_cast %mul3A_32 : i32 to index
      %get3A_34 = tpu.vector_load %arg6[%get3A_33] {strides = array<i32>} : memref<5008xi32, #tpu.memory_space<vmem>>, vector<16xi32>,
      %mul3A_35 = arith.constant 16 : i32
      %mul3A_36 = arith.muli %scan3A_26, %mul3A_35 : i32
      %add3A_37 = vector.broadcast %mul3A_36 : i32 to vector<16xi32>
      %add3A_38 = arith.addi %add3A_37, %iota3A : vector<16xi32>
      %lt3A = arith.constant 5000 : i32
      %lt3A_39 = vector.broadcast %lt3A : i32 to vector<16xi32>
      %lt3A_40 = arith.cmpi slt, %add3A_38, %lt3A_39 : vector<16xi32>
      %gather3A = tpu.vector_load_idx %arg8[%get3A_30] masked %lt3A_40 : memref<10000xf32, #tpu.memory_space<vmem>>[vector<16xi32>], vector<16xf32>, vector<16xi1>
      tpu.vector_store_idx %arg9[%get3A_34], %gather3A masked %lt3A_40 {add = true} : memref<10000xf32, #tpu.memory_space<vmem>>[vector<16xi32>], vector<16xf32>, vector<16xi1>
      %scan3A_41 = arith.constant 0 : i32
      scf.yield %scan3A_41 : i32
    }
    %scan3A_23 = arith.constant 313 : i32
    %mul3A_24 = arith.constant 10000 : i32
    %mul3A_25 = arith.muli %add3A, %mul3A_24 : i32
    "tpu.region"() ({
      %run_scoped3A = tpu.sem_alloc : memref<!tpu.dma_semaphore, #tpu.memory_space<semaphore_mem>>
      %dma_start3A = tpu.memref_slice %arg5[%mul3A_25] : memref<320000xf32, #tpu.memory_space<hbm>> -> memref<10000xf32, #tpu.memory_space<hbm>>
      %dma_start3A_26 = tpu.memref_slice %arg5[%mul3A_25] : memref<320000xf32, #tpu.memory_space<hbm>> -> memref<10000xf32, #tpu.memory_space<hbm>>
      tpu.enqueue_dma source(%arg9 : memref<10000xf32, #tpu.memory_space<vmem>>) target(%dma_start3A_26 : memref<10000xf32, #tpu.memory_space<hbm>>) target_semaphore(%run_scoped3A : memref<!tpu.dma_semaphore, #tpu.memory_space<semaphore_mem>>)
      %dma_wait3A = tpu.memref_slice %arg5[%mul3A_25] : memref<320000xf32, #tpu.memory_space<hbm>> -> memref<10000xf32, #tpu.memory_space<hbm>>
      %dma_wait3A_27 = tpu.memref_slice %arg5[%mul3A_25] : memref<320000xf32, #tpu.memory_space<hbm>> -> memref<10000xf32, #tpu.memory_space<hbm>>
      tpu.wait_dma2 semaphore(%run_scoped3A : memref<!tpu.dma_semaphore, #tpu.memory_space<semaphore_mem>>) src(%arg9 : memref<10000xf32, #tpu.memory_space<vmem>>) dst(%dma_wait3A_27 : memref<10000xf32, #tpu.memory_space<hbm>>)
      tpu.yield
    }) : () -> ()
    return
  }
}

#map = affine_map<(d0, d1) -> (0)>
module attributes {stable_mosaic.version = 14 : i64} {
  func.func @_deg_body(%arg0: i32, %arg1: i32, %arg2: memref<160000xi32, #tpu.memory_space<hbm>>, %arg3: memref<320000xf32, #tpu.memory_space<hbm>>, %arg4: memref<5008xi32, #tpu.memory_space<vmem>>, %arg5: memref<10000xf32, #tpu.memory_space<vmem>>) attributes {dimension_semantics = [#tpu.dimension_semantics<core_parallel>, #tpu.dimension_semantics<subcore_parallel>], iteration_bounds = array<i64: 2, 16>, scalar_prefetch = 0 : i64, scratch_operands = 2 : i64, tpu.core_type = #tpu.core_type<sc_vector_subcore>, window_params = [{transform_indices = #map}, {transform_indices = #map}]} {
    %mul3A = arith.constant 2 : i32
    %mul3A_0 = arith.muli %arg1, %mul3A : i32
    %add3A = arith.addi %mul3A_0, %arg0 : i32
    %mul3A_1 = arith.constant 5000 : i32
    %mul3A_2 = arith.muli %add3A, %mul3A_1 : i32
    "tpu.region"() ({
      %run_scoped3A = tpu.sem_alloc : memref<!tpu.dma_semaphore, #tpu.memory_space<semaphore_mem>>
      %dma_start3A = arith.constant 0 : i32
      %dma_start3A_19 = tpu.memref_slice %arg4[%dma_start3A] : memref<5008xi32, #tpu.memory_space<vmem>> -> memref<5000xi32, #tpu.memory_space<vmem>>
      %dma_start3A_20 = tpu.memref_slice %arg2[%mul3A_2] : memref<160000xi32, #tpu.memory_space<hbm>> -> memref<5000xi32, #tpu.memory_space<hbm>>
      %dma_start3A_21 = arith.constant 0 : i32
      %dma_start3A_22 = tpu.memref_slice %arg4[%dma_start3A_21] : memref<5008xi32, #tpu.memory_space<vmem>> -> memref<5000xi32, #tpu.memory_space<vmem>>
      %dma_start3A_23 = tpu.memref_slice %arg2[%mul3A_2] : memref<160000xi32, #tpu.memory_space<hbm>> -> memref<5000xi32, #tpu.memory_space<hbm>>
      tpu.enqueue_dma source(%dma_start3A_23 : memref<5000xi32, #tpu.memory_space<hbm>>) target(%dma_start3A_22 : memref<5000xi32, #tpu.memory_space<vmem>>) target_semaphore(%run_scoped3A : memref<!tpu.dma_semaphore, #tpu.memory_space<semaphore_mem>>)
      %dma_wait3A = arith.constant 0 : i32
      %dma_wait3A_24 = tpu.memref_slice %arg4[%dma_wait3A] : memref<5008xi32, #tpu.memory_space<vmem>> -> memref<5000xi32, #tpu.memory_space<vmem>>
      %dma_wait3A_25 = tpu.memref_slice %arg2[%mul3A_2] : memref<160000xi32, #tpu.memory_space<hbm>> -> memref<5000xi32, #tpu.memory_space<hbm>>
      %dma_wait3A_26 = arith.constant 0 : i32
      %dma_wait3A_27 = tpu.memref_slice %arg4[%dma_wait3A_26] : memref<5008xi32, #tpu.memory_space<vmem>> -> memref<5000xi32, #tpu.memory_space<vmem>>
      %dma_wait3A_28 = tpu.memref_slice %arg2[%mul3A_2] : memref<160000xi32, #tpu.memory_space<hbm>> -> memref<5000xi32, #tpu.memory_space<hbm>>
      tpu.wait_dma2 semaphore(%run_scoped3A : memref<!tpu.dma_semaphore, #tpu.memory_space<semaphore_mem>>) src(%dma_wait3A_28 : memref<5000xi32, #tpu.memory_space<hbm>>) dst(%dma_wait3A_27 : memref<5000xi32, #tpu.memory_space<vmem>>)
      tpu.yield
    }) : () -> ()
    %scan3A = arith.constant 0 : i32
    %scan3A_3 = arith.constant 0 : i32
    %scan3A_4 = arith.constant 625 : i32
    %scan3A_5 = arith.addi %scan3A_3, %scan3A_4 : i32
    %scan3A_6 = arith.constant 1 : i32
    %scan3A_7 = scf.for %scan3A_19 = %scan3A_3 to %scan3A_5 step %scan3A_6 iter_args(%scan3A_20 = %scan3A) -> (i32)  : i32 {
      %broadcast_in_dim3A_21 = arith.constant 0.000000e+00 : f32
      %broadcast_in_dim3A_22 = vector.broadcast %broadcast_in_dim3A_21 : f32 to vector<16xf32>
      %mul3A_23 = arith.constant 16 : i32
      %mul3A_24 = arith.muli %scan3A_19, %mul3A_23 : i32
      %swap3A = arith.index_cast %mul3A_24 : i32 to index
      %swap3A_25 = tpu.vector_load %arg5[%swap3A] {strides = array<i32>} : memref<10000xf32, #tpu.memory_space<vmem>>, vector<16xf32>,
      tpu.vector_store %arg5[%swap3A], %broadcast_in_dim3A_22 {strides = array<i32>} : memref<10000xf32, #tpu.memory_space<vmem>>, vector<16xf32>,
      %scan3A_26 = arith.constant 0 : i32
      scf.yield %scan3A_26 : i32
    }
    %scan3A_8 = arith.constant 625 : i32
    %broadcast_in_dim3A = arith.constant 1.000000e+00 : f32
    %broadcast_in_dim3A_9 = vector.broadcast %broadcast_in_dim3A : f32 to vector<16xf32>
    %iota3A = tpu.iota {dimensions = array<i32: 0>} : vector<16xi32>
    %scan3A_10 = arith.constant 0 : i32
    %scan3A_11 = arith.constant 0 : i32
    %scan3A_12 = arith.constant 313 : i32
    %scan3A_13 = arith.addi %scan3A_11, %scan3A_12 : i32
    %scan3A_14 = arith.constant 1 : i32
    %scan3A_15 = scf.for %scan3A_19 = %scan3A_11 to %scan3A_13 step %scan3A_14 iter_args(%scan3A_20 = %scan3A_10) -> (i32)  : i32 {
      %mul3A_21 = arith.constant 16 : i32
      %mul3A_22 = arith.muli %scan3A_19, %mul3A_21 : i32
      %get3A = arith.index_cast %mul3A_22 : i32 to index
      %get3A_23 = tpu.vector_load %arg4[%get3A] {strides = array<i32>} : memref<5008xi32, #tpu.memory_space<vmem>>, vector<16xi32>,
      %mul3A_24 = arith.constant 16 : i32
      %mul3A_25 = arith.muli %scan3A_19, %mul3A_24 : i32
      %add3A_26 = vector.broadcast %mul3A_25 : i32 to vector<16xi32>
      %add3A_27 = arith.addi %add3A_26, %iota3A : vector<16xi32>
      %lt3A = arith.constant 5000 : i32
      %lt3A_28 = vector.broadcast %lt3A : i32 to vector<16xi32>
      %lt3A_29 = arith.cmpi slt, %add3A_27, %lt3A_28 : vector<16xi32>
      tpu.vector_store_idx %arg5[%get3A_23], %broadcast_in_dim3A_9 masked %lt3A_29 {add = true} : memref<10000xf32, #tpu.memory_space<vmem>>[vector<16xi32>], vector<16xf32>, vector<16xi1>
      %scan3A_30 = arith.constant 0 : i32
      scf.yield %scan3A_30 : i32
    }
    %scan3A_16 = arith.constant 313 : i32
    %mul3A_17 = arith.constant 10000 : i32
    %mul3A_18 = arith.muli %add3A, %mul3A_17 : i32
    "tpu.region"() ({
      %run_scoped3A = tpu.sem_alloc : memref<!tpu.dma_semaphore, #tpu.memory_space<semaphore_mem>>
      %dma_start3A = tpu.memref_slice %arg3[%mul3A_18] : memref<320000xf32, #tpu.memory_space<hbm>> -> memref<10000xf32, #tpu.memory_space<hbm>>
      %dma_start3A_19 = tpu.memref_slice %arg3[%mul3A_18] : memref<320000xf32, #tpu.memory_space<hbm>> -> memref<10000xf32, #tpu.memory_space<hbm>>
      tpu.enqueue_dma source(%arg5 : memref<10000xf32, #tpu.memory_space<vmem>>) target(%dma_start3A_19 : memref<10000xf32, #tpu.memory_space<hbm>>) target_semaphore(%run_scoped3A : memref<!tpu.dma_semaphore, #tpu.memory_space<semaphore_mem>>)
      %dma_wait3A = tpu.memref_slice %arg3[%mul3A_18] : memref<320000xf32, #tpu.memory_space<hbm>> -> memref<10000xf32, #tpu.memory_space<hbm>>
      %dma_wait3A_20 = tpu.memref_slice %arg3[%mul3A_18] : memref<320000xf32, #tpu.memory_space<hbm>> -> memref<10000xf32, #tpu.memory_space<hbm>>
      tpu.wait_dma2 semaphore(%run_scoped3A : memref<!tpu.dma_semaphore, #tpu.memory_space<semaphore_mem>>) src(%arg5 : memref<10000xf32, #tpu.memory_space<vmem>>) dst(%dma_wait3A_20 : memref<10000xf32, #tpu.memory_space<hbm>>)
      tpu.yield
    }) : () -> ()
    return
  }
}

#map = affine_map<(d0, d1) -> (0, 0)>
#map1 = affine_map<(d0, d1) -> (0)>
module attributes {stable_mosaic.version = 14 : i64} {
  func.func @_spmm_body(%arg0: i32, %arg1: i32, %arg2: memref<40960x128xf32, #tpu.memory_space<hbm>>, %arg3: memref<160000xi32, #tpu.memory_space<hbm>>, %arg4: memref<160000xi32, #tpu.memory_space<hbm>>, %arg5: memref<640x128xf32, #tpu.memory_space<hbm>>, %arg6: memref<40960x128xf32, #tpu.memory_space<hbm>>, %arg7: memref<80xi32, #tpu.memory_space<vmem>>, %arg8: memref<80xi32, #tpu.memory_space<vmem>>, %arg9: memref<80xi32, #tpu.memory_space<vmem>>, %arg10: memref<80xi32, #tpu.memory_space<vmem>>, %arg11: memref<80xi32, #tpu.memory_space<vmem>>, %arg12: memref<80xi32, #tpu.memory_space<vmem>>, %arg13: memref<80xi32, #tpu.memory_space<vmem>>, %arg14: memref<80xi32, #tpu.memory_space<vmem>>, %arg15: memref<80x128xf32, #tpu.memory_space<vmem>>, %arg16: memref<80x128xf32, #tpu.memory_space<vmem>>, %arg17: memref<80x128xf32, #tpu.memory_space<vmem>>, %arg18: memref<80x128xf32, #tpu.memory_space<vmem>>, %arg19: memref<10240x128xf32, #tpu.memory_space<vmem_shared>>, %arg20: memref<!tpu.dma_semaphore, #tpu.memory_space<semaphore_mem>>, %arg21: memref<!tpu.dma_semaphore, #tpu.memory_space<semaphore_mem>>, %arg22: memref<!tpu.dma_semaphore, #tpu.memory_space<semaphore_mem>>, %arg23: memref<!tpu.dma_semaphore, #tpu.memory_space<semaphore_mem>>, %arg24: memref<!tpu.dma_semaphore, #tpu.memory_space<semaphore_mem>>, %arg25: memref<!tpu.dma_semaphore, #tpu.memory_space<semaphore_mem>>, %arg26: memref<!tpu.dma_semaphore, #tpu.memory_space<semaphore_mem>>, %arg27: memref<!tpu.dma_semaphore, #tpu.memory_space<semaphore_mem>>, %arg28: memref<!tpu.dma_semaphore, #tpu.memory_space<semaphore_mem>>, %arg29: memref<!tpu.dma_semaphore, #tpu.memory_space<semaphore_mem>>, %arg30: memref<!tpu.dma_semaphore, #tpu.memory_space<semaphore_mem>>, %arg31: memref<!tpu.dma_semaphore, #tpu.memory_space<semaphore_mem>>) attributes {dimension_semantics = [#tpu.dimension_semantics<core_parallel>, #tpu.dimension_semantics<subcore_parallel>], iteration_bounds = array<i64: 2, 16>, scalar_prefetch = 0 : i64, scratch_operands = 25 : i64, tpu.core_type = #tpu.core_type<sc_vector_subcore>, window_params = [{transform_indices = #map}, {transform_indices = #map1}, {transform_indices = #map1}, {transform_indices = #map}, {transform_indices = #map}]} {
    %mul3A = arith.constant 10000 : i32
    %mul3A_0 = arith.muli %arg1, %mul3A : i32
    %mul3A_1 = arith.constant 2 : i32
    %mul3A_2 = arith.muli %arg0, %mul3A_1 : i32
    %add3A = arith.constant 0 : i32
    %add3A_3 = arith.addi %mul3A_2, %add3A : i32
    %mul3A_4 = arith.constant 10240 : i32
    %mul3A_5 = arith.muli %add3A_3, %mul3A_4 : i32
    %mul3A_6 = arith.constant 640 : i32
    %mul3A_7 = arith.muli %arg1, %mul3A_6 : i32
    "tpu.region"() ({
      %run_scoped3A = tpu.sem_alloc : memref<!tpu.dma_semaphore, #tpu.memory_space<semaphore_mem>>
      %dma_start3A_134 = arith.constant 0 : i32
      %dma_start3A_135 = tpu.memref_slice %arg19[%mul3A_7, %dma_start3A_134] : memref<10240x128xf32, #tpu.memory_space<vmem_shared>> -> memref<640x128xf32, #tpu.memory_space<vmem_shared>>
      tpu.enqueue_dma source(%arg5 : memref<640x128xf32, #tpu.memory_space<hbm>>) target(%dma_start3A_135 : memref<640x128xf32, #tpu.memory_space<vmem_shared>>) target_semaphore(%run_scoped3A : memref<!tpu.dma_semaphore, #tpu.memory_space<semaphore_mem>>)
      %dma_wait3A_136 = arith.constant 0 : i32
      %dma_wait3A_137 = tpu.memref_slice %arg19[%mul3A_7, %dma_wait3A_136] : memref<10240x128xf32, #tpu.memory_space<vmem_shared>> -> memref<640x128xf32, #tpu.memory_space<vmem_shared>>
      tpu.wait_dma2 semaphore(%run_scoped3A : memref<!tpu.dma_semaphore, #tpu.memory_space<semaphore_mem>>) src(%arg5 : memref<640x128xf32, #tpu.memory_space<hbm>>) dst(%dma_wait3A_137 : memref<640x128xf32, #tpu.memory_space<vmem_shared>>)
      tpu.yield
    }) : () -> ()
    %barrier3A = arith.constant 0 : index
    tpu.barrier barrier_id(%barrier3A)
    %add3A_8 = arith.constant 0 : i32
    %add3A_9 = arith.addi %mul3A_0, %add3A_8 : i32
    %dma_start3A = tpu.memref_slice %arg3[%add3A_9] : memref<160000xi32, #tpu.memory_space<hbm>> -> memref<80xi32, #tpu.memory_space<hbm>>
    %dma_start3A_10 = tpu.memref_slice %arg3[%add3A_9] : memref<160000xi32, #tpu.memory_space<hbm>> -> memref<80xi32, #tpu.memory_space<hbm>>
    tpu.enqueue_dma source(%dma_start3A_10 : memref<80xi32, #tpu.memory_space<hbm>>) target(%arg7 : memref<80xi32, #tpu.memory_space<vmem>>) target_semaphore(%arg20 : memref<!tpu.dma_semaphore, #tpu.memory_space<semaphore_mem>>)
    %add3A_11 = arith.constant 0 : i32
    %add3A_12 = arith.addi %mul3A_0, %add3A_11 : i32
    %dma_start3A_13 = tpu.memref_slice %arg4[%add3A_12] : memref<160000xi32, #tpu.memory_space<hbm>> -> memref<80xi32, #tpu.memory_space<hbm>>
    %dma_start3A_14 = tpu.memref_slice %arg4[%add3A_12] : memref<160000xi32, #tpu.memory_space<hbm>> -> memref<80xi32, #tpu.memory_space<hbm>>
    tpu.enqueue_dma source(%dma_start3A_14 : memref<80xi32, #tpu.memory_space<hbm>>) target(%arg11 : memref<80xi32, #tpu.memory_space<vmem>>) target_semaphore(%arg20 : memref<!tpu.dma_semaphore, #tpu.memory_space<semaphore_mem>>)
    %add3A_15 = arith.constant 80 : i32
    %add3A_16 = arith.addi %mul3A_0, %add3A_15 : i32
    %dma_start3A_17 = tpu.memref_slice %arg3[%add3A_16] : memref<160000xi32, #tpu.memory_space<hbm>> -> memref<80xi32, #tpu.memory_space<hbm>>
    %dma_start3A_18 = tpu.memref_slice %arg3[%add3A_16] : memref<160000xi32, #tpu.memory_space<hbm>> -> memref<80xi32, #tpu.memory_space<hbm>>
    tpu.enqueue_dma source(%dma_start3A_18 : memref<80xi32, #tpu.memory_space<hbm>>) target(%arg8 : memref<80xi32, #tpu.memory_space<vmem>>) target_semaphore(%arg21 : memref<!tpu.dma_semaphore, #tpu.memory_space<semaphore_mem>>)
    %add3A_19 = arith.constant 80 : i32
    %add3A_20 = arith.addi %mul3A_0, %add3A_19 : i32
    %dma_start3A_21 = tpu.memref_slice %arg4[%add3A_20] : memref<160000xi32, #tpu.memory_space<hbm>> -> memref<80xi32, #tpu.memory_space<hbm>>
    %dma_start3A_22 = tpu.memref_slice %arg4[%add3A_20] : memref<160000xi32, #tpu.memory_space<hbm>> -> memref<80xi32, #tpu.memory_space<hbm>>
    tpu.enqueue_dma source(%dma_start3A_22 : memref<80xi32, #tpu.memory_space<hbm>>) target(%arg12 : memref<80xi32, #tpu.memory_space<vmem>>) target_semaphore(%arg21 : memref<!tpu.dma_semaphore, #tpu.memory_space<semaphore_mem>>)
    %dma_wait3A = arith.constant 0 : i32
    %dma_wait3A_23 = tpu.memref_slice %arg3[%dma_wait3A] : memref<160000xi32, #tpu.memory_space<hbm>> -> memref<80xi32, #tpu.memory_space<hbm>>
    %dma_wait3A_24 = arith.constant 0 : i32
    %dma_wait3A_25 = tpu.memref_slice %arg3[%dma_wait3A_24] : memref<160000xi32, #tpu.memory_space<hbm>> -> memref<80xi32, #tpu.memory_space<hbm>>
    tpu.wait_dma2 semaphore(%arg20 : memref<!tpu.dma_semaphore, #tpu.memory_space<semaphore_mem>>) src(%dma_wait3A_25 : memref<80xi32, #tpu.memory_space<hbm>>) dst(%arg7 : memref<80xi32, #tpu.memory_space<vmem>>)
    %dma_wait3A_26 = arith.constant 0 : i32
    %dma_wait3A_27 = tpu.memref_slice %arg4[%dma_wait3A_26] : memref<160000xi32, #tpu.memory_space<hbm>> -> memref<80xi32, #tpu.memory_space<hbm>>
    %dma_wait3A_28 = arith.constant 0 : i32
    %dma_wait3A_29 = tpu.memref_slice %arg4[%dma_wait3A_28] : memref<160000xi32, #tpu.memory_space<hbm>> -> memref<80xi32, #tpu.memory_space<hbm>>
    tpu.wait_dma2 semaphore(%arg20 : memref<!tpu.dma_semaphore, #tpu.memory_space<semaphore_mem>>) src(%dma_wait3A_29 : memref<80xi32, #tpu.memory_space<hbm>>) dst(%arg11 : memref<80xi32, #tpu.memory_space<vmem>>)
    %scan3A = arith.constant 0 : i32
    %scan3A_30 = arith.constant 0 : i32
    %scan3A_31 = arith.constant 5 : i32
    %scan3A_32 = arith.addi %scan3A_30, %scan3A_31 : i32
    %scan3A_33 = arith.constant 1 : i32
    %scan3A_34 = scf.for %scan3A_134 = %scan3A_30 to %scan3A_32 step %scan3A_33 iter_args(%scan3A_135 = %scan3A) -> (i32)  : i32 {
      %mul3A_136 = arith.constant 16 : i32
      %mul3A_137 = arith.muli %scan3A_134, %mul3A_136 : i32
      %get3A = arith.index_cast %mul3A_137 : i32 to index
      %get3A_138 = tpu.vector_load %arg11[%get3A] {strides = array<i32>} : memref<80xi32, #tpu.memory_space<vmem>>, vector<16xi32>,
      %add3A_139 = vector.broadcast %mul3A_5 : i32 to vector<16xi32>
      %add3A_140 = arith.addi %get3A_138, %add3A_139 : vector<16xi32>
      %mul3A_141 = arith.constant 16 : i32
      %mul3A_142 = arith.muli %scan3A_134, %mul3A_141 : i32
      %swap3A = arith.index_cast %mul3A_142 : i32 to index
      %swap3A_143 = tpu.vector_load %arg11[%swap3A] {strides = array<i32>} : memref<80xi32, #tpu.memory_space<vmem>>, vector<16xi32>,
      tpu.vector_store %arg11[%swap3A], %add3A_140 {strides = array<i32>} : memref<80xi32, #tpu.memory_space<vmem>>, vector<16xi32>,
      %scan3A_144 = arith.constant 0 : i32
      scf.yield %scan3A_144 : i32
    }
    %scan3A_35 = arith.constant 5 : i32
    %dma_start3A_36 = arith.constant 0 : i32
    %dma_start3A_37 = arith.constant 0 : i32
    %dma_start3A_38 = tpu.memref_slice %arg2[%dma_start3A_36, %dma_start3A_37] : memref<40960x128xf32, #tpu.memory_space<hbm>> -> memref<40960x128xf32, #tpu.memory_space<hbm>>
    tpu.enqueue_indirect_dma source(%dma_start3A_38 : memref<40960x128xf32, #tpu.memory_space<hbm>>) target(%arg15 : memref<80x128xf32, #tpu.memory_space<vmem>>) offsets(%arg11 : memref<80xi32, #tpu.memory_space<vmem>>) semaphore(%arg24 : memref<!tpu.dma_semaphore, #tpu.memory_space<semaphore_mem>>)
    %scan3A_39 = arith.constant 0 : i32
    %scan3A_40 = arith.constant 0 : i32
    %scan3A_41 = arith.constant 125 : i32
    %scan3A_42 = arith.addi %scan3A_40, %scan3A_41 : i32
    %scan3A_43 = arith.constant 1 : i32
    %scan3A_44 = scf.for %scan3A_134 = %scan3A_40 to %scan3A_42 step %scan3A_43 iter_args(%scan3A_135 = %scan3A_39) -> (i32)  : i32 {
      %ge3A = arith.constant 2 : i32
      %ge3A_136 = arith.cmpi sge, %scan3A_134, %ge3A : i32
      %convert_element_type3A = arith.extui %ge3A_136 : i1 to i32
      %cond3A = arith.constant 0 : i32
      %cond3A_137 = arith.cmpi ne, %convert_element_type3A, %cond3A : i32
      scf.if %cond3A_137 {
        %sub3A = arith.constant 2 : i32
        %sub3A_230 = arith.subi %scan3A_134, %sub3A : i32
        %jit3A_231 = arith.constant 4 : i32
        %eq3A_232 = arith.constant 0 : i32
        %eq3A_233 = arith.cmpi eq, %jit3A_231, %eq3A_232 : i32
        %jit3A_234 = arith.constant 1 : i32
        %select_n3A_235 = arith.select %eq3A_233, %jit3A_234, %jit3A_231 : i32
        %rem3A_236 = arith.remsi %sub3A_230, %select_n3A_235 : i32
        %ne3A_237 = arith.constant 0 : i32
        %ne3A_238 = arith.cmpi ne, %rem3A_236, %ne3A_237 : i32
        %lt3A_239 = arith.constant 0 : i32
        %lt3A_240 = arith.cmpi slt, %rem3A_236, %lt3A_239 : i32
        %lt3A_241 = arith.constant 0 : i32
        %lt3A_242 = arith.cmpi slt, %select_n3A_235, %lt3A_241 : i32
        %ne3A_243 = arith.xori %lt3A_240, %lt3A_242 : i1
        %and3A_244 = arith.andi %ne3A_243, %ne3A_238 : i1
        %add3A_245 = arith.addi %rem3A_236, %select_n3A_235 : i32
        %select_n3A_246 = arith.select %and3A_244, %add3A_245, %rem3A_236 : i32
        %eq3A_247 = arith.constant 0 : i32
        %eq3A_248 = arith.cmpi eq, %select_n3A_246, %eq3A_247 : i32
        %convert_element_type3A_249 = arith.extui %eq3A_248 : i1 to i32
        %cond3A_250 = arith.constant 0 : i32
        %cond3A_251 = arith.cmpi ne, %convert_element_type3A_249, %cond3A_250 : i32
        scf.if %cond3A_251 {
          %dma_wait3A_321 = arith.constant 0 : i32
          %dma_wait3A_322 = arith.constant 0 : i32
          %dma_wait3A_323 = tpu.memref_slice %arg2[%dma_wait3A_321, %dma_wait3A_322] : memref<40960x128xf32, #tpu.memory_space<hbm>> -> memref<80x128xf32, #tpu.memory_space<hbm>>
          %dma_wait3A_324 = arith.constant 0 : i32
          %dma_wait3A_325 = arith.constant 0 : i32
          %dma_wait3A_326 = tpu.memref_slice %arg2[%dma_wait3A_324, %dma_wait3A_325] : memref<40960x128xf32, #tpu.memory_space<hbm>> -> memref<80x128xf32, #tpu.memory_space<hbm>>
          tpu.wait_dma2 semaphore(%arg28 : memref<!tpu.dma_semaphore, #tpu.memory_space<semaphore_mem>>) src(%dma_wait3A_326 : memref<80x128xf32, #tpu.memory_space<hbm>>) dst(%arg15 : memref<80x128xf32, #tpu.memory_space<vmem>>)
        } else {
        }
        %sub3A_252 = arith.constant 2 : i32
        %sub3A_253 = arith.subi %scan3A_134, %sub3A_252 : i32
        %jit3A_254 = arith.constant 4 : i32
        %eq3A_255 = arith.constant 0 : i32
        %eq3A_256 = arith.cmpi eq, %jit3A_254, %eq3A_255 : i32
        %jit3A_257 = arith.constant 1 : i32
        %select_n3A_258 = arith.select %eq3A_256, %jit3A_257, %jit3A_254 : i32
        %rem3A_259 = arith.remsi %sub3A_253, %select_n3A_258 : i32
        %ne3A_260 = arith.constant 0 : i32
        %ne3A_261 = arith.cmpi ne, %rem3A_259, %ne3A_260 : i32
        %lt3A_262 = arith.constant 0 : i32
        %lt3A_263 = arith.cmpi slt, %rem3A_259, %lt3A_262 : i32
        %lt3A_264 = arith.constant 0 : i32
        %lt3A_265 = arith.cmpi slt, %select_n3A_258, %lt3A_264 : i32
        %ne3A_266 = arith.xori %lt3A_263, %lt3A_265 : i1
        %and3A_267 = arith.andi %ne3A_266, %ne3A_261 : i1
        %add3A_268 = arith.addi %rem3A_259, %select_n3A_258 : i32
        %select_n3A_269 = arith.select %and3A_267, %add3A_268, %rem3A_259 : i32
        %eq3A_270 = arith.constant 1 : i32
        %eq3A_271 = arith.cmpi eq, %select_n3A_269, %eq3A_270 : i32
        %convert_element_type3A_272 = arith.extui %eq3A_271 : i1 to i32
        %cond3A_273 = arith.constant 0 : i32
        %cond3A_274 = arith.cmpi ne, %convert_element_type3A_272, %cond3A_273 : i32
        scf.if %cond3A_274 {
          %dma_wait3A_321 = arith.constant 0 : i32
          %dma_wait3A_322 = arith.constant 0 : i32
          %dma_wait3A_323 = tpu.memref_slice %arg2[%dma_wait3A_321, %dma_wait3A_322] : memref<40960x128xf32, #tpu.memory_space<hbm>> -> memref<80x128xf32, #tpu.memory_space<hbm>>
          %dma_wait3A_324 = arith.constant 0 : i32
          %dma_wait3A_325 = arith.constant 0 : i32
          %dma_wait3A_326 = tpu.memref_slice %arg2[%dma_wait3A_324, %dma_wait3A_325] : memref<40960x128xf32, #tpu.memory_space<hbm>> -> memref<80x128xf32, #tpu.memory_space<hbm>>
          tpu.wait_dma2 semaphore(%arg29 : memref<!tpu.dma_semaphore, #tpu.memory_space<semaphore_mem>>) src(%dma_wait3A_326 : memref<80x128xf32, #tpu.memory_space<hbm>>) dst(%arg16 : memref<80x128xf32, #tpu.memory_space<vmem>>)
        } else {
        }
        %sub3A_275 = arith.constant 2 : i32
        %sub3A_276 = arith.subi %scan3A_134, %sub3A_275 : i32
        %jit3A_277 = arith.constant 4 : i32
        %eq3A_278 = arith.constant 0 : i32
        %eq3A_279 = arith.cmpi eq, %jit3A_277, %eq3A_278 : i32
        %jit3A_280 = arith.constant 1 : i32
        %select_n3A_281 = arith.select %eq3A_279, %jit3A_280, %jit3A_277 : i32
        %rem3A_282 = arith.remsi %sub3A_276, %select_n3A_281 : i32
        %ne3A_283 = arith.constant 0 : i32
        %ne3A_284 = arith.cmpi ne, %rem3A_282, %ne3A_283 : i32
        %lt3A_285 = arith.constant 0 : i32
        %lt3A_286 = arith.cmpi slt, %rem3A_282, %lt3A_285 : i32
        %lt3A_287 = arith.constant 0 : i32
        %lt3A_288 = arith.cmpi slt, %select_n3A_281, %lt3A_287 : i32
        %ne3A_289 = arith.xori %lt3A_286, %lt3A_288 : i1
        %and3A_290 = arith.andi %ne3A_289, %ne3A_284 : i1
        %add3A_291 = arith.addi %rem3A_282, %select_n3A_281 : i32
        %select_n3A_292 = arith.select %and3A_290, %add3A_291, %rem3A_282 : i32
        %eq3A_293 = arith.constant 2 : i32
        %eq3A_294 = arith.cmpi eq, %select_n3A_292, %eq3A_293 : i32
        %convert_element_type3A_295 = arith.extui %eq3A_294 : i1 to i32
        %cond3A_296 = arith.constant 0 : i32
        %cond3A_297 = arith.cmpi ne, %convert_element_type3A_295, %cond3A_296 : i32
        scf.if %cond3A_297 {
          %dma_wait3A_321 = arith.constant 0 : i32
          %dma_wait3A_322 = arith.constant 0 : i32
          %dma_wait3A_323 = tpu.memref_slice %arg2[%dma_wait3A_321, %dma_wait3A_322] : memref<40960x128xf32, #tpu.memory_space<hbm>> -> memref<80x128xf32, #tpu.memory_space<hbm>>
          %dma_wait3A_324 = arith.constant 0 : i32
          %dma_wait3A_325 = arith.constant 0 : i32
          %dma_wait3A_326 = tpu.memref_slice %arg2[%dma_wait3A_324, %dma_wait3A_325] : memref<40960x128xf32, #tpu.memory_space<hbm>> -> memref<80x128xf32, #tpu.memory_space<hbm>>
          tpu.wait_dma2 semaphore(%arg30 : memref<!tpu.dma_semaphore, #tpu.memory_space<semaphore_mem>>) src(%dma_wait3A_326 : memref<80x128xf32, #tpu.memory_space<hbm>>) dst(%arg17 : memref<80x128xf32, #tpu.memory_space<vmem>>)
        } else {
        }
        %sub3A_298 = arith.constant 2 : i32
        %sub3A_299 = arith.subi %scan3A_134, %sub3A_298 : i32
        %jit3A_300 = arith.constant 4 : i32
        %eq3A_301 = arith.constant 0 : i32
        %eq3A_302 = arith.cmpi eq, %jit3A_300, %eq3A_301 : i32
        %jit3A_303 = arith.constant 1 : i32
        %select_n3A_304 = arith.select %eq3A_302, %jit3A_303, %jit3A_300 : i32
        %rem3A_305 = arith.remsi %sub3A_299, %select_n3A_304 : i32
        %ne3A_306 = arith.constant 0 : i32
        %ne3A_307 = arith.cmpi ne, %rem3A_305, %ne3A_306 : i32
        %lt3A_308 = arith.constant 0 : i32
        %lt3A_309 = arith.cmpi slt, %rem3A_305, %lt3A_308 : i32
        %lt3A_310 = arith.constant 0 : i32
        %lt3A_311 = arith.cmpi slt, %select_n3A_304, %lt3A_310 : i32
        %ne3A_312 = arith.xori %lt3A_309, %lt3A_311 : i1
        %and3A_313 = arith.andi %ne3A_312, %ne3A_307 : i1
        %add3A_314 = arith.addi %rem3A_305, %select_n3A_304 : i32
        %select_n3A_315 = arith.select %and3A_313, %add3A_314, %rem3A_305 : i32
        %eq3A_316 = arith.constant 3 : i32
        %eq3A_317 = arith.cmpi eq, %select_n3A_315, %eq3A_316 : i32
        %convert_element_type3A_318 = arith.extui %eq3A_317 : i1 to i32
        %cond3A_319 = arith.constant 0 : i32
        %cond3A_320 = arith.cmpi ne, %convert_element_type3A_318, %cond3A_319 : i32
        scf.if %cond3A_320 {
          %dma_wait3A_321 = arith.constant 0 : i32
          %dma_wait3A_322 = arith.constant 0 : i32
          %dma_wait3A_323 = tpu.memref_slice %arg2[%dma_wait3A_321, %dma_wait3A_322] : memref<40960x128xf32, #tpu.memory_space<hbm>> -> memref<80x128xf32, #tpu.memory_space<hbm>>
          %dma_wait3A_324 = arith.constant 0 : i32
          %dma_wait3A_325 = arith.constant 0 : i32
          %dma_wait3A_326 = tpu.memref_slice %arg2[%dma_wait3A_324, %dma_wait3A_325] : memref<40960x128xf32, #tpu.memory_space<hbm>> -> memref<80x128xf32, #tpu.memory_space<hbm>>
          tpu.wait_dma2 semaphore(%arg31 : memref<!tpu.dma_semaphore, #tpu.memory_space<semaphore_mem>>) src(%dma_wait3A_326 : memref<80x128xf32, #tpu.memory_space<hbm>>) dst(%arg18 : memref<80x128xf32, #tpu.memory_space<vmem>>)
        } else {
        }
      } else {
      }
      %add3A_138 = arith.constant 2 : i32
      %add3A_139 = arith.addi %scan3A_134, %add3A_138 : i32
      %lt3A = arith.constant 125 : i32
      %lt3A_140 = arith.cmpi slt, %add3A_139, %lt3A : i32
      %convert_element_type3A_141 = arith.extui %lt3A_140 : i1 to i32
      %cond3A_142 = arith.constant 0 : i32
      %cond3A_143 = arith.cmpi ne, %convert_element_type3A_141, %cond3A_142 : i32
      scf.if %cond3A_143 {
        %add3A_230 = arith.constant 2 : i32
        %add3A_231 = arith.addi %scan3A_134, %add3A_230 : i32
        %jit3A_232 = arith.constant 4 : i32
        %eq3A_233 = arith.constant 0 : i32
        %eq3A_234 = arith.cmpi eq, %jit3A_232, %eq3A_233 : i32
        %jit3A_235 = arith.constant 1 : i32
        %select_n3A_236 = arith.select %eq3A_234, %jit3A_235, %jit3A_232 : i32
        %rem3A_237 = arith.remsi %add3A_231, %select_n3A_236 : i32
        %ne3A_238 = arith.constant 0 : i32
        %ne3A_239 = arith.cmpi ne, %rem3A_237, %ne3A_238 : i32
        %lt3A_240 = arith.constant 0 : i32
        %lt3A_241 = arith.cmpi slt, %rem3A_237, %lt3A_240 : i32
        %lt3A_242 = arith.constant 0 : i32
        %lt3A_243 = arith.cmpi slt, %select_n3A_236, %lt3A_242 : i32
        %ne3A_244 = arith.xori %lt3A_241, %lt3A_243 : i1
        %and3A_245 = arith.andi %ne3A_244, %ne3A_239 : i1
        %add3A_246 = arith.addi %rem3A_237, %select_n3A_236 : i32
        %select_n3A_247 = arith.select %and3A_245, %add3A_246, %rem3A_237 : i32
        %eq3A_248 = arith.constant 0 : i32
        %eq3A_249 = arith.cmpi eq, %select_n3A_247, %eq3A_248 : i32
        %convert_element_type3A_250 = arith.extui %eq3A_249 : i1 to i32
        %cond3A_251 = arith.constant 0 : i32
        %cond3A_252 = arith.cmpi ne, %convert_element_type3A_250, %cond3A_251 : i32
        scf.if %cond3A_252 {
          %add3A_322 = arith.constant 2 : i32
          %add3A_323 = arith.addi %scan3A_134, %add3A_322 : i32
          %mul3A_324 = arith.constant 80 : i32
          %mul3A_325 = arith.muli %add3A_323, %mul3A_324 : i32
          %add3A_326 = arith.addi %mul3A_0, %mul3A_325 : i32
          %dma_start3A_327 = tpu.memref_slice %arg3[%add3A_326] : memref<160000xi32, #tpu.memory_space<hbm>> -> memref<80xi32, #tpu.memory_space<hbm>>
          %dma_start3A_328 = tpu.memref_slice %arg3[%add3A_326] : memref<160000xi32, #tpu.memory_space<hbm>> -> memref<80xi32, #tpu.memory_space<hbm>>
          tpu.enqueue_dma source(%dma_start3A_328 : memref<80xi32, #tpu.memory_space<hbm>>) target(%arg7 : memref<80xi32, #tpu.memory_space<vmem>>) target_semaphore(%arg20 : memref<!tpu.dma_semaphore, #tpu.memory_space<semaphore_mem>>)
          %mul3A_329 = arith.constant 80 : i32
          %mul3A_330 = arith.muli %add3A_323, %mul3A_329 : i32
          %add3A_331 = arith.addi %mul3A_0, %mul3A_330 : i32
          %dma_start3A_332 = tpu.memref_slice %arg4[%add3A_331] : memref<160000xi32, #tpu.memory_space<hbm>> -> memref<80xi32, #tpu.memory_space<hbm>>
          %dma_start3A_333 = tpu.memref_slice %arg4[%add3A_331] : memref<160000xi32, #tpu.memory_space<hbm>> -> memref<80xi32, #tpu.memory_space<hbm>>
          tpu.enqueue_dma source(%dma_start3A_333 : memref<80xi32, #tpu.memory_space<hbm>>) target(%arg11 : memref<80xi32, #tpu.memory_space<vmem>>) target_semaphore(%arg20 : memref<!tpu.dma_semaphore, #tpu.memory_space<semaphore_mem>>)
        } else {
        }
        %add3A_253 = arith.constant 2 : i32
        %add3A_254 = arith.addi %scan3A_134, %add3A_253 : i32
        %jit3A_255 = arith.constant 4 : i32
        %eq3A_256 = arith.constant 0 : i32
        %eq3A_257 = arith.cmpi eq, %jit3A_255, %eq3A_256 : i32
        %jit3A_258 = arith.constant 1 : i32
        %select_n3A_259 = arith.select %eq3A_257, %jit3A_258, %jit3A_255 : i32
        %rem3A_260 = arith.remsi %add3A_254, %select_n3A_259 : i32
        %ne3A_261 = arith.constant 0 : i32
        %ne3A_262 = arith.cmpi ne, %rem3A_260, %ne3A_261 : i32
        %lt3A_263 = arith.constant 0 : i32
        %lt3A_264 = arith.cmpi slt, %rem3A_260, %lt3A_263 : i32
        %lt3A_265 = arith.constant 0 : i32
        %lt3A_266 = arith.cmpi slt, %select_n3A_259, %lt3A_265 : i32
        %ne3A_267 = arith.xori %lt3A_264, %lt3A_266 : i1
        %and3A_268 = arith.andi %ne3A_267, %ne3A_262 : i1
        %add3A_269 = arith.addi %rem3A_260, %select_n3A_259 : i32
        %select_n3A_270 = arith.select %and3A_268, %add3A_269, %rem3A_260 : i32
        %eq3A_271 = arith.constant 1 : i32
        %eq3A_272 = arith.cmpi eq, %select_n3A_270, %eq3A_271 : i32
        %convert_element_type3A_273 = arith.extui %eq3A_272 : i1 to i32
        %cond3A_274 = arith.constant 0 : i32
        %cond3A_275 = arith.cmpi ne, %convert_element_type3A_273, %cond3A_274 : i32
        scf.if %cond3A_275 {
          %add3A_322 = arith.constant 2 : i32
          %add3A_323 = arith.addi %scan3A_134, %add3A_322 : i32
          %mul3A_324 = arith.constant 80 : i32
          %mul3A_325 = arith.muli %add3A_323, %mul3A_324 : i32
          %add3A_326 = arith.addi %mul3A_0, %mul3A_325 : i32
          %dma_start3A_327 = tpu.memref_slice %arg3[%add3A_326] : memref<160000xi32, #tpu.memory_space<hbm>> -> memref<80xi32, #tpu.memory_space<hbm>>
          %dma_start3A_328 = tpu.memref_slice %arg3[%add3A_326] : memref<160000xi32, #tpu.memory_space<hbm>> -> memref<80xi32, #tpu.memory_space<hbm>>
          tpu.enqueue_dma source(%dma_start3A_328 : memref<80xi32, #tpu.memory_space<hbm>>) target(%arg8 : memref<80xi32, #tpu.memory_space<vmem>>) target_semaphore(%arg21 : memref<!tpu.dma_semaphore, #tpu.memory_space<semaphore_mem>>)
          %mul3A_329 = arith.constant 80 : i32
          %mul3A_330 = arith.muli %add3A_323, %mul3A_329 : i32
          %add3A_331 = arith.addi %mul3A_0, %mul3A_330 : i32
          %dma_start3A_332 = tpu.memref_slice %arg4[%add3A_331] : memref<160000xi32, #tpu.memory_space<hbm>> -> memref<80xi32, #tpu.memory_space<hbm>>
          %dma_start3A_333 = tpu.memref_slice %arg4[%add3A_331] : memref<160000xi32, #tpu.memory_space<hbm>> -> memref<80xi32, #tpu.memory_space<hbm>>
          tpu.enqueue_dma source(%dma_start3A_333 : memref<80xi32, #tpu.memory_space<hbm>>) target(%arg12 : memref<80xi32, #tpu.memory_space<vmem>>) target_semaphore(%arg21 : memref<!tpu.dma_semaphore, #tpu.memory_space<semaphore_mem>>)
        } else {
        }
        %add3A_276 = arith.constant 2 : i32
        %add3A_277 = arith.addi %scan3A_134, %add3A_276 : i32
        %jit3A_278 = arith.constant 4 : i32
        %eq3A_279 = arith.constant 0 : i32
        %eq3A_280 = arith.cmpi eq, %jit3A_278, %eq3A_279 : i32
        %jit3A_281 = arith.constant 1 : i32
        %select_n3A_282 = arith.select %eq3A_280, %jit3A_281, %jit3A_278 : i32
        %rem3A_283 = arith.remsi %add3A_277, %select_n3A_282 : i32
        %ne3A_284 = arith.constant 0 : i32
        %ne3A_285 = arith.cmpi ne, %rem3A_283, %ne3A_284 : i32
        %lt3A_286 = arith.constant 0 : i32
        %lt3A_287 = arith.cmpi slt, %rem3A_283, %lt3A_286 : i32
        %lt3A_288 = arith.constant 0 : i32
        %lt3A_289 = arith.cmpi slt, %select_n3A_282, %lt3A_288 : i32
        %ne3A_290 = arith.xori %lt3A_287, %lt3A_289 : i1
        %and3A_291 = arith.andi %ne3A_290, %ne3A_285 : i1
        %add3A_292 = arith.addi %rem3A_283, %select_n3A_282 : i32
        %select_n3A_293 = arith.select %and3A_291, %add3A_292, %rem3A_283 : i32
        %eq3A_294 = arith.constant 2 : i32
        %eq3A_295 = arith.cmpi eq, %select_n3A_293, %eq3A_294 : i32
        %convert_element_type3A_296 = arith.extui %eq3A_295 : i1 to i32
        %cond3A_297 = arith.constant 0 : i32
        %cond3A_298 = arith.cmpi ne, %convert_element_type3A_296, %cond3A_297 : i32
        scf.if %cond3A_298 {
          %add3A_322 = arith.constant 2 : i32
          %add3A_323 = arith.addi %scan3A_134, %add3A_322 : i32
          %mul3A_324 = arith.constant 80 : i32
          %mul3A_325 = arith.muli %add3A_323, %mul3A_324 : i32
          %add3A_326 = arith.addi %mul3A_0, %mul3A_325 : i32
          %dma_start3A_327 = tpu.memref_slice %arg3[%add3A_326] : memref<160000xi32, #tpu.memory_space<hbm>> -> memref<80xi32, #tpu.memory_space<hbm>>
          %dma_start3A_328 = tpu.memref_slice %arg3[%add3A_326] : memref<160000xi32, #tpu.memory_space<hbm>> -> memref<80xi32, #tpu.memory_space<hbm>>
          tpu.enqueue_dma source(%dma_start3A_328 : memref<80xi32, #tpu.memory_space<hbm>>) target(%arg9 : memref<80xi32, #tpu.memory_space<vmem>>) target_semaphore(%arg22 : memref<!tpu.dma_semaphore, #tpu.memory_space<semaphore_mem>>)
          %mul3A_329 = arith.constant 80 : i32
          %mul3A_330 = arith.muli %add3A_323, %mul3A_329 : i32
          %add3A_331 = arith.addi %mul3A_0, %mul3A_330 : i32
          %dma_start3A_332 = tpu.memref_slice %arg4[%add3A_331] : memref<160000xi32, #tpu.memory_space<hbm>> -> memref<80xi32, #tpu.memory_space<hbm>>
          %dma_start3A_333 = tpu.memref_slice %arg4[%add3A_331] : memref<160000xi32, #tpu.memory_space<hbm>> -> memref<80xi32, #tpu.memory_space<hbm>>
          tpu.enqueue_dma source(%dma_start3A_333 : memref<80xi32, #tpu.memory_space<hbm>>) target(%arg13 : memref<80xi32, #tpu.memory_space<vmem>>) target_semaphore(%arg22 : memref<!tpu.dma_semaphore, #tpu.memory_space<semaphore_mem>>)
        } else {
        }
        %add3A_299 = arith.constant 2 : i32
        %add3A_300 = arith.addi %scan3A_134, %add3A_299 : i32
        %jit3A_301 = arith.constant 4 : i32
        %eq3A_302 = arith.constant 0 : i32
        %eq3A_303 = arith.cmpi eq, %jit3A_301, %eq3A_302 : i32
        %jit3A_304 = arith.constant 1 : i32
        %select_n3A_305 = arith.select %eq3A_303, %jit3A_304, %jit3A_301 : i32
        %rem3A_306 = arith.remsi %add3A_300, %select_n3A_305 : i32
        %ne3A_307 = arith.constant 0 : i32
        %ne3A_308 = arith.cmpi ne, %rem3A_306, %ne3A_307 : i32
        %lt3A_309 = arith.constant 0 : i32
        %lt3A_310 = arith.cmpi slt, %rem3A_306, %lt3A_309 : i32
        %lt3A_311 = arith.constant 0 : i32
        %lt3A_312 = arith.cmpi slt, %select_n3A_305, %lt3A_311 : i32
        %ne3A_313 = arith.xori %lt3A_310, %lt3A_312 : i1
        %and3A_314 = arith.andi %ne3A_313, %ne3A_308 : i1
        %add3A_315 = arith.addi %rem3A_306, %select_n3A_305 : i32
        %select_n3A_316 = arith.select %and3A_314, %add3A_315, %rem3A_306 : i32
        %eq3A_317 = arith.constant 3 : i32
        %eq3A_318 = arith.cmpi eq, %select_n3A_316, %eq3A_317 : i32
        %convert_element_type3A_319 = arith.extui %eq3A_318 : i1 to i32
        %cond3A_320 = arith.constant 0 : i32
        %cond3A_321 = arith.cmpi ne, %convert_element_type3A_319, %cond3A_320 : i32
        scf.if %cond3A_321 {
          %add3A_322 = arith.constant 2 : i32
          %add3A_323 = arith.addi %scan3A_134, %add3A_322 : i32
          %mul3A_324 = arith.constant 80 : i32
          %mul3A_325 = arith.muli %add3A_323, %mul3A_324 : i32
          %add3A_326 = arith.addi %mul3A_0, %mul3A_325 : i32
          %dma_start3A_327 = tpu.memref_slice %arg3[%add3A_326] : memref<160000xi32, #tpu.memory_space<hbm>> -> memref<80xi32, #tpu.memory_space<hbm>>
          %dma_start3A_328 = tpu.memref_slice %arg3[%add3A_326] : memref<160000xi32, #tpu.memory_space<hbm>> -> memref<80xi32, #tpu.memory_space<hbm>>
          tpu.enqueue_dma source(%dma_start3A_328 : memref<80xi32, #tpu.memory_space<hbm>>) target(%arg10 : memref<80xi32, #tpu.memory_space<vmem>>) target_semaphore(%arg23 : memref<!tpu.dma_semaphore, #tpu.memory_space<semaphore_mem>>)
          %mul3A_329 = arith.constant 80 : i32
          %mul3A_330 = arith.muli %add3A_323, %mul3A_329 : i32
          %add3A_331 = arith.addi %mul3A_0, %mul3A_330 : i32
          %dma_start3A_332 = tpu.memref_slice %arg4[%add3A_331] : memref<160000xi32, #tpu.memory_space<hbm>> -> memref<80xi32, #tpu.memory_space<hbm>>
          %dma_start3A_333 = tpu.memref_slice %arg4[%add3A_331] : memref<160000xi32, #tpu.memory_space<hbm>> -> memref<80xi32, #tpu.memory_space<hbm>>
          tpu.enqueue_dma source(%dma_start3A_333 : memref<80xi32, #tpu.memory_space<hbm>>) target(%arg14 : memref<80xi32, #tpu.memory_space<vmem>>) target_semaphore(%arg23 : memref<!tpu.dma_semaphore, #tpu.memory_space<semaphore_mem>>)
        } else {
        }
      } else {
      }
      %add3A_144 = arith.constant 1 : i32
      %add3A_145 = arith.addi %scan3A_134, %add3A_144 : i32
      %lt3A_146 = arith.constant 125 : i32
      %lt3A_147 = arith.cmpi slt, %add3A_145, %lt3A_146 : i32
      %convert_element_type3A_148 = arith.extui %lt3A_147 : i1 to i32
      %cond3A_149 = arith.constant 0 : i32
      %cond3A_150 = arith.cmpi ne, %convert_element_type3A_148, %cond3A_149 : i32
      scf.if %cond3A_150 {
        %add3A_230 = arith.constant 1 : i32
        %add3A_231 = arith.addi %scan3A_134, %add3A_230 : i32
        %jit3A_232 = arith.constant 4 : i32
        %eq3A_233 = arith.constant 0 : i32
        %eq3A_234 = arith.cmpi eq, %jit3A_232, %eq3A_233 : i32
        %jit3A_235 = arith.constant 1 : i32
        %select_n3A_236 = arith.select %eq3A_234, %jit3A_235, %jit3A_232 : i32
        %rem3A_237 = arith.remsi %add3A_231, %select_n3A_236 : i32
        %ne3A_238 = arith.constant 0 : i32
        %ne3A_239 = arith.cmpi ne, %rem3A_237, %ne3A_238 : i32
        %lt3A_240 = arith.constant 0 : i32
        %lt3A_241 = arith.cmpi slt, %rem3A_237, %lt3A_240 : i32
        %lt3A_242 = arith.constant 0 : i32
        %lt3A_243 = arith.cmpi slt, %select_n3A_236, %lt3A_242 : i32
        %ne3A_244 = arith.xori %lt3A_241, %lt3A_243 : i1
        %and3A_245 = arith.andi %ne3A_244, %ne3A_239 : i1
        %add3A_246 = arith.addi %rem3A_237, %select_n3A_236 : i32
        %select_n3A_247 = arith.select %and3A_245, %add3A_246, %rem3A_237 : i32
        %eq3A_248 = arith.constant 0 : i32
        %eq3A_249 = arith.cmpi eq, %select_n3A_247, %eq3A_248 : i32
        %convert_element_type3A_250 = arith.extui %eq3A_249 : i1 to i32
        %cond3A_251 = arith.constant 0 : i32
        %cond3A_252 = arith.cmpi ne, %convert_element_type3A_250, %cond3A_251 : i32
        scf.if %cond3A_252 {
          %dma_wait3A_322 = arith.constant 0 : i32
          %dma_wait3A_323 = tpu.memref_slice %arg3[%dma_wait3A_322] : memref<160000xi32, #tpu.memory_space<hbm>> -> memref<80xi32, #tpu.memory_space<hbm>>
          %dma_wait3A_324 = arith.constant 0 : i32
          %dma_wait3A_325 = tpu.memref_slice %arg3[%dma_wait3A_324] : memref<160000xi32, #tpu.memory_space<hbm>> -> memref<80xi32, #tpu.memory_space<hbm>>
          tpu.wait_dma2 semaphore(%arg20 : memref<!tpu.dma_semaphore, #tpu.memory_space<semaphore_mem>>) src(%dma_wait3A_325 : memref<80xi32, #tpu.memory_space<hbm>>) dst(%arg7 : memref<80xi32, #tpu.memory_space<vmem>>)
          %dma_wait3A_326 = arith.constant 0 : i32
          %dma_wait3A_327 = tpu.memref_slice %arg4[%dma_wait3A_326] : memref<160000xi32, #tpu.memory_space<hbm>> -> memref<80xi32, #tpu.memory_space<hbm>>
          %dma_wait3A_328 = arith.constant 0 : i32
          %dma_wait3A_329 = tpu.memref_slice %arg4[%dma_wait3A_328] : memref<160000xi32, #tpu.memory_space<hbm>> -> memref<80xi32, #tpu.memory_space<hbm>>
          tpu.wait_dma2 semaphore(%arg20 : memref<!tpu.dma_semaphore, #tpu.memory_space<semaphore_mem>>) src(%dma_wait3A_329 : memref<80xi32, #tpu.memory_space<hbm>>) dst(%arg11 : memref<80xi32, #tpu.memory_space<vmem>>)
          %scan3A_330 = arith.constant 0 : i32
          %scan3A_331 = arith.constant 0 : i32
          %scan3A_332 = arith.constant 5 : i32
          %scan3A_333 = arith.addi %scan3A_331, %scan3A_332 : i32
          %scan3A_334 = arith.constant 1 : i32
          %scan3A_335 = scf.for %scan3A_340 = %scan3A_331 to %scan3A_333 step %scan3A_334 iter_args(%scan3A_341 = %scan3A_330) -> (i32)  : i32 {
            %mul3A_342 = arith.constant 16 : i32
            %mul3A_343 = arith.muli %scan3A_340, %mul3A_342 : i32
            %get3A = arith.index_cast %mul3A_343 : i32 to index
            %get3A_344 = tpu.vector_load %arg11[%get3A] {strides = array<i32>} : memref<80xi32, #tpu.memory_space<vmem>>, vector<16xi32>,
            %add3A_345 = vector.broadcast %mul3A_5 : i32 to vector<16xi32>
            %add3A_346 = arith.addi %get3A_344, %add3A_345 : vector<16xi32>
            %mul3A_347 = arith.constant 16 : i32
            %mul3A_348 = arith.muli %scan3A_340, %mul3A_347 : i32
            %swap3A = arith.index_cast %mul3A_348 : i32 to index
            %swap3A_349 = tpu.vector_load %arg11[%swap3A] {strides = array<i32>} : memref<80xi32, #tpu.memory_space<vmem>>, vector<16xi32>,
            tpu.vector_store %arg11[%swap3A], %add3A_346 {strides = array<i32>} : memref<80xi32, #tpu.memory_space<vmem>>, vector<16xi32>,
            %scan3A_350 = arith.constant 0 : i32
            scf.yield %scan3A_350 : i32
          }
          %scan3A_336 = arith.constant 5 : i32
          %dma_start3A_337 = arith.constant 0 : i32
          %dma_start3A_338 = arith.constant 0 : i32
          %dma_start3A_339 = tpu.memref_slice %arg2[%dma_start3A_337, %dma_start3A_338] : memref<40960x128xf32, #tpu.memory_space<hbm>> -> memref<40960x128xf32, #tpu.memory_space<hbm>>
          tpu.enqueue_indirect_dma source(%dma_start3A_339 : memref<40960x128xf32, #tpu.memory_space<hbm>>) target(%arg15 : memref<80x128xf32, #tpu.memory_space<vmem>>) offsets(%arg11 : memref<80xi32, #tpu.memory_space<vmem>>) semaphore(%arg24 : memref<!tpu.dma_semaphore, #tpu.memory_space<semaphore_mem>>)
        } else {
        }
        %add3A_253 = arith.constant 1 : i32
        %add3A_254 = arith.addi %scan3A_134, %add3A_253 : i32
        %jit3A_255 = arith.constant 4 : i32
        %eq3A_256 = arith.constant 0 : i32
        %eq3A_257 = arith.cmpi eq, %jit3A_255, %eq3A_256 : i32
        %jit3A_258 = arith.constant 1 : i32
        %select_n3A_259 = arith.select %eq3A_257, %jit3A_258, %jit3A_255 : i32
        %rem3A_260 = arith.remsi %add3A_254, %select_n3A_259 : i32
        %ne3A_261 = arith.constant 0 : i32
        %ne3A_262 = arith.cmpi ne, %rem3A_260, %ne3A_261 : i32
        %lt3A_263 = arith.constant 0 : i32
        %lt3A_264 = arith.cmpi slt, %rem3A_260, %lt3A_263 : i32
        %lt3A_265 = arith.constant 0 : i32
        %lt3A_266 = arith.cmpi slt, %select_n3A_259, %lt3A_265 : i32
        %ne3A_267 = arith.xori %lt3A_264, %lt3A_266 : i1
        %and3A_268 = arith.andi %ne3A_267, %ne3A_262 : i1
        %add3A_269 = arith.addi %rem3A_260, %select_n3A_259 : i32
        %select_n3A_270 = arith.select %and3A_268, %add3A_269, %rem3A_260 : i32
        %eq3A_271 = arith.constant 1 : i32
        %eq3A_272 = arith.cmpi eq, %select_n3A_270, %eq3A_271 : i32
        %convert_element_type3A_273 = arith.extui %eq3A_272 : i1 to i32
        %cond3A_274 = arith.constant 0 : i32
        %cond3A_275 = arith.cmpi ne, %convert_element_type3A_273, %cond3A_274 : i32
        scf.if %cond3A_275 {
          %dma_wait3A_322 = arith.constant 0 : i32
          %dma_wait3A_323 = tpu.memref_slice %arg3[%dma_wait3A_322] : memref<160000xi32, #tpu.memory_space<hbm>> -> memref<80xi32, #tpu.memory_space<hbm>>
          %dma_wait3A_324 = arith.constant 0 : i32
          %dma_wait3A_325 = tpu.memref_slice %arg3[%dma_wait3A_324] : memref<160000xi32, #tpu.memory_space<hbm>> -> memref<80xi32, #tpu.memory_space<hbm>>
          tpu.wait_dma2 semaphore(%arg21 : memref<!tpu.dma_semaphore, #tpu.memory_space<semaphore_mem>>) src(%dma_wait3A_325 : memref<80xi32, #tpu.memory_space<hbm>>) dst(%arg8 : memref<80xi32, #tpu.memory_space<vmem>>)
          %dma_wait3A_326 = arith.constant 0 : i32
          %dma_wait3A_327 = tpu.memref_slice %arg4[%dma_wait3A_326] : memref<160000xi32, #tpu.memory_space<hbm>> -> memref<80xi32, #tpu.memory_space<hbm>>
          %dma_wait3A_328 = arith.constant 0 : i32
          %dma_wait3A_329 = tpu.memref_slice %arg4[%dma_wait3A_328] : memref<160000xi32, #tpu.memory_space<hbm>> -> memref<80xi32, #tpu.memory_space<hbm>>
          tpu.wait_dma2 semaphore(%arg21 : memref<!tpu.dma_semaphore, #tpu.memory_space<semaphore_mem>>) src(%dma_wait3A_329 : memref<80xi32, #tpu.memory_space<hbm>>) dst(%arg12 : memref<80xi32, #tpu.memory_space<vmem>>)
          %scan3A_330 = arith.constant 0 : i32
          %scan3A_331 = arith.constant 0 : i32
          %scan3A_332 = arith.constant 5 : i32
          %scan3A_333 = arith.addi %scan3A_331, %scan3A_332 : i32
          %scan3A_334 = arith.constant 1 : i32
          %scan3A_335 = scf.for %scan3A_340 = %scan3A_331 to %scan3A_333 step %scan3A_334 iter_args(%scan3A_341 = %scan3A_330) -> (i32)  : i32 {
            %mul3A_342 = arith.constant 16 : i32
            %mul3A_343 = arith.muli %scan3A_340, %mul3A_342 : i32
            %get3A = arith.index_cast %mul3A_343 : i32 to index
            %get3A_344 = tpu.vector_load %arg12[%get3A] {strides = array<i32>} : memref<80xi32, #tpu.memory_space<vmem>>, vector<16xi32>,
            %add3A_345 = vector.broadcast %mul3A_5 : i32 to vector<16xi32>
            %add3A_346 = arith.addi %get3A_344, %add3A_345 : vector<16xi32>
            %mul3A_347 = arith.constant 16 : i32
            %mul3A_348 = arith.muli %scan3A_340, %mul3A_347 : i32
            %swap3A = arith.index_cast %mul3A_348 : i32 to index
            %swap3A_349 = tpu.vector_load %arg12[%swap3A] {strides = array<i32>} : memref<80xi32, #tpu.memory_space<vmem>>, vector<16xi32>,
            tpu.vector_store %arg12[%swap3A], %add3A_346 {strides = array<i32>} : memref<80xi32, #tpu.memory_space<vmem>>, vector<16xi32>,
            %scan3A_350 = arith.constant 0 : i32
            scf.yield %scan3A_350 : i32
          }
          %scan3A_336 = arith.constant 5 : i32
          %dma_start3A_337 = arith.constant 0 : i32
          %dma_start3A_338 = arith.constant 0 : i32
          %dma_start3A_339 = tpu.memref_slice %arg2[%dma_start3A_337, %dma_start3A_338] : memref<40960x128xf32, #tpu.memory_space<hbm>> -> memref<40960x128xf32, #tpu.memory_space<hbm>>
          tpu.enqueue_indirect_dma source(%dma_start3A_339 : memref<40960x128xf32, #tpu.memory_space<hbm>>) target(%arg16 : memref<80x128xf32, #tpu.memory_space<vmem>>) offsets(%arg12 : memref<80xi32, #tpu.memory_space<vmem>>) semaphore(%arg25 : memref<!tpu.dma_semaphore, #tpu.memory_space<semaphore_mem>>)
        } else {
        }
        %add3A_276 = arith.constant 1 : i32
        %add3A_277 = arith.addi %scan3A_134, %add3A_276 : i32
        %jit3A_278 = arith.constant 4 : i32
        %eq3A_279 = arith.constant 0 : i32
        %eq3A_280 = arith.cmpi eq, %jit3A_278, %eq3A_279 : i32
        %jit3A_281 = arith.constant 1 : i32
        %select_n3A_282 = arith.select %eq3A_280, %jit3A_281, %jit3A_278 : i32
        %rem3A_283 = arith.remsi %add3A_277, %select_n3A_282 : i32
        %ne3A_284 = arith.constant 0 : i32
        %ne3A_285 = arith.cmpi ne, %rem3A_283, %ne3A_284 : i32
        %lt3A_286 = arith.constant 0 : i32
        %lt3A_287 = arith.cmpi slt, %rem3A_283, %lt3A_286 : i32
        %lt3A_288 = arith.constant 0 : i32
        %lt3A_289 = arith.cmpi slt, %select_n3A_282, %lt3A_288 : i32
        %ne3A_290 = arith.xori %lt3A_287, %lt3A_289 : i1
        %and3A_291 = arith.andi %ne3A_290, %ne3A_285 : i1
        %add3A_292 = arith.addi %rem3A_283, %select_n3A_282 : i32
        %select_n3A_293 = arith.select %and3A_291, %add3A_292, %rem3A_283 : i32
        %eq3A_294 = arith.constant 2 : i32
        %eq3A_295 = arith.cmpi eq, %select_n3A_293, %eq3A_294 : i32
        %convert_element_type3A_296 = arith.extui %eq3A_295 : i1 to i32
        %cond3A_297 = arith.constant 0 : i32
        %cond3A_298 = arith.cmpi ne, %convert_element_type3A_296, %cond3A_297 : i32
        scf.if %cond3A_298 {
          %dma_wait3A_322 = arith.constant 0 : i32
          %dma_wait3A_323 = tpu.memref_slice %arg3[%dma_wait3A_322] : memref<160000xi32, #tpu.memory_space<hbm>> -> memref<80xi32, #tpu.memory_space<hbm>>
          %dma_wait3A_324 = arith.constant 0 : i32
          %dma_wait3A_325 = tpu.memref_slice %arg3[%dma_wait3A_324] : memref<160000xi32, #tpu.memory_space<hbm>> -> memref<80xi32, #tpu.memory_space<hbm>>
          tpu.wait_dma2 semaphore(%arg22 : memref<!tpu.dma_semaphore, #tpu.memory_space<semaphore_mem>>) src(%dma_wait3A_325 : memref<80xi32, #tpu.memory_space<hbm>>) dst(%arg9 : memref<80xi32, #tpu.memory_space<vmem>>)
          %dma_wait3A_326 = arith.constant 0 : i32
          %dma_wait3A_327 = tpu.memref_slice %arg4[%dma_wait3A_326] : memref<160000xi32, #tpu.memory_space<hbm>> -> memref<80xi32, #tpu.memory_space<hbm>>
          %dma_wait3A_328 = arith.constant 0 : i32
          %dma_wait3A_329 = tpu.memref_slice %arg4[%dma_wait3A_328] : memref<160000xi32, #tpu.memory_space<hbm>> -> memref<80xi32, #tpu.memory_space<hbm>>
          tpu.wait_dma2 semaphore(%arg22 : memref<!tpu.dma_semaphore, #tpu.memory_space<semaphore_mem>>) src(%dma_wait3A_329 : memref<80xi32, #tpu.memory_space<hbm>>) dst(%arg13 : memref<80xi32, #tpu.memory_space<vmem>>)
          %scan3A_330 = arith.constant 0 : i32
          %scan3A_331 = arith.constant 0 : i32
          %scan3A_332 = arith.constant 5 : i32
          %scan3A_333 = arith.addi %scan3A_331, %scan3A_332 : i32
          %scan3A_334 = arith.constant 1 : i32
          %scan3A_335 = scf.for %scan3A_340 = %scan3A_331 to %scan3A_333 step %scan3A_334 iter_args(%scan3A_341 = %scan3A_330) -> (i32)  : i32 {
            %mul3A_342 = arith.constant 16 : i32
            %mul3A_343 = arith.muli %scan3A_340, %mul3A_342 : i32
            %get3A = arith.index_cast %mul3A_343 : i32 to index
            %get3A_344 = tpu.vector_load %arg13[%get3A] {strides = array<i32>} : memref<80xi32, #tpu.memory_space<vmem>>, vector<16xi32>,
            %add3A_345 = vector.broadcast %mul3A_5 : i32 to vector<16xi32>
            %add3A_346 = arith.addi %get3A_344, %add3A_345 : vector<16xi32>
            %mul3A_347 = arith.constant 16 : i32
            %mul3A_348 = arith.muli %scan3A_340, %mul3A_347 : i32
            %swap3A = arith.index_cast %mul3A_348 : i32 to index
            %swap3A_349 = tpu.vector_load %arg13[%swap3A] {strides = array<i32>} : memref<80xi32, #tpu.memory_space<vmem>>, vector<16xi32>,
            tpu.vector_store %arg13[%swap3A], %add3A_346 {strides = array<i32>} : memref<80xi32, #tpu.memory_space<vmem>>, vector<16xi32>,
            %scan3A_350 = arith.constant 0 : i32
            scf.yield %scan3A_350 : i32
          }
          %scan3A_336 = arith.constant 5 : i32
          %dma_start3A_337 = arith.constant 0 : i32
          %dma_start3A_338 = arith.constant 0 : i32
          %dma_start3A_339 = tpu.memref_slice %arg2[%dma_start3A_337, %dma_start3A_338] : memref<40960x128xf32, #tpu.memory_space<hbm>> -> memref<40960x128xf32, #tpu.memory_space<hbm>>
          tpu.enqueue_indirect_dma source(%dma_start3A_339 : memref<40960x128xf32, #tpu.memory_space<hbm>>) target(%arg17 : memref<80x128xf32, #tpu.memory_space<vmem>>) offsets(%arg13 : memref<80xi32, #tpu.memory_space<vmem>>) semaphore(%arg26 : memref<!tpu.dma_semaphore, #tpu.memory_space<semaphore_mem>>)
        } else {
        }
        %add3A_299 = arith.constant 1 : i32
        %add3A_300 = arith.addi %scan3A_134, %add3A_299 : i32
        %jit3A_301 = arith.constant 4 : i32
        %eq3A_302 = arith.constant 0 : i32
        %eq3A_303 = arith.cmpi eq, %jit3A_301, %eq3A_302 : i32
        %jit3A_304 = arith.constant 1 : i32
        %select_n3A_305 = arith.select %eq3A_303, %jit3A_304, %jit3A_301 : i32
        %rem3A_306 = arith.remsi %add3A_300, %select_n3A_305 : i32
        %ne3A_307 = arith.constant 0 : i32
        %ne3A_308 = arith.cmpi ne, %rem3A_306, %ne3A_307 : i32
        %lt3A_309 = arith.constant 0 : i32
        %lt3A_310 = arith.cmpi slt, %rem3A_306, %lt3A_309 : i32
        %lt3A_311 = arith.constant 0 : i32
        %lt3A_312 = arith.cmpi slt, %select_n3A_305, %lt3A_311 : i32
        %ne3A_313 = arith.xori %lt3A_310, %lt3A_312 : i1
        %and3A_314 = arith.andi %ne3A_313, %ne3A_308 : i1
        %add3A_315 = arith.addi %rem3A_306, %select_n3A_305 : i32
        %select_n3A_316 = arith.select %and3A_314, %add3A_315, %rem3A_306 : i32
        %eq3A_317 = arith.constant 3 : i32
        %eq3A_318 = arith.cmpi eq, %select_n3A_316, %eq3A_317 : i32
        %convert_element_type3A_319 = arith.extui %eq3A_318 : i1 to i32
        %cond3A_320 = arith.constant 0 : i32
        %cond3A_321 = arith.cmpi ne, %convert_element_type3A_319, %cond3A_320 : i32
        scf.if %cond3A_321 {
          %dma_wait3A_322 = arith.constant 0 : i32
          %dma_wait3A_323 = tpu.memref_slice %arg3[%dma_wait3A_322] : memref<160000xi32, #tpu.memory_space<hbm>> -> memref<80xi32, #tpu.memory_space<hbm>>
          %dma_wait3A_324 = arith.constant 0 : i32
          %dma_wait3A_325 = tpu.memref_slice %arg3[%dma_wait3A_324] : memref<160000xi32, #tpu.memory_space<hbm>> -> memref<80xi32, #tpu.memory_space<hbm>>
          tpu.wait_dma2 semaphore(%arg23 : memref<!tpu.dma_semaphore, #tpu.memory_space<semaphore_mem>>) src(%dma_wait3A_325 : memref<80xi32, #tpu.memory_space<hbm>>) dst(%arg10 : memref<80xi32, #tpu.memory_space<vmem>>)
          %dma_wait3A_326 = arith.constant 0 : i32
          %dma_wait3A_327 = tpu.memref_slice %arg4[%dma_wait3A_326] : memref<160000xi32, #tpu.memory_space<hbm>> -> memref<80xi32, #tpu.memory_space<hbm>>
          %dma_wait3A_328 = arith.constant 0 : i32
          %dma_wait3A_329 = tpu.memref_slice %arg4[%dma_wait3A_328] : memref<160000xi32, #tpu.memory_space<hbm>> -> memref<80xi32, #tpu.memory_space<hbm>>
          tpu.wait_dma2 semaphore(%arg23 : memref<!tpu.dma_semaphore, #tpu.memory_space<semaphore_mem>>) src(%dma_wait3A_329 : memref<80xi32, #tpu.memory_space<hbm>>) dst(%arg14 : memref<80xi32, #tpu.memory_space<vmem>>)
          %scan3A_330 = arith.constant 0 : i32
          %scan3A_331 = arith.constant 0 : i32
          %scan3A_332 = arith.constant 5 : i32
          %scan3A_333 = arith.addi %scan3A_331, %scan3A_332 : i32
          %scan3A_334 = arith.constant 1 : i32
          %scan3A_335 = scf.for %scan3A_340 = %scan3A_331 to %scan3A_333 step %scan3A_334 iter_args(%scan3A_341 = %scan3A_330) -> (i32)  : i32 {
            %mul3A_342 = arith.constant 16 : i32
            %mul3A_343 = arith.muli %scan3A_340, %mul3A_342 : i32
            %get3A = arith.index_cast %mul3A_343 : i32 to index
            %get3A_344 = tpu.vector_load %arg14[%get3A] {strides = array<i32>} : memref<80xi32, #tpu.memory_space<vmem>>, vector<16xi32>,
            %add3A_345 = vector.broadcast %mul3A_5 : i32 to vector<16xi32>
            %add3A_346 = arith.addi %get3A_344, %add3A_345 : vector<16xi32>
            %mul3A_347 = arith.constant 16 : i32
            %mul3A_348 = arith.muli %scan3A_340, %mul3A_347 : i32
            %swap3A = arith.index_cast %mul3A_348 : i32 to index
            %swap3A_349 = tpu.vector_load %arg14[%swap3A] {strides = array<i32>} : memref<80xi32, #tpu.memory_space<vmem>>, vector<16xi32>,
            tpu.vector_store %arg14[%swap3A], %add3A_346 {strides = array<i32>} : memref<80xi32, #tpu.memory_space<vmem>>, vector<16xi32>,
            %scan3A_350 = arith.constant 0 : i32
            scf.yield %scan3A_350 : i32
          }
          %scan3A_336 = arith.constant 5 : i32
          %dma_start3A_337 = arith.constant 0 : i32
          %dma_start3A_338 = arith.constant 0 : i32
          %dma_start3A_339 = tpu.memref_slice %arg2[%dma_start3A_337, %dma_start3A_338] : memref<40960x128xf32, #tpu.memory_space<hbm>> -> memref<40960x128xf32, #tpu.memory_space<hbm>>
          tpu.enqueue_indirect_dma source(%dma_start3A_339 : memref<40960x128xf32, #tpu.memory_space<hbm>>) target(%arg18 : memref<80x128xf32, #tpu.memory_space<vmem>>) offsets(%arg14 : memref<80xi32, #tpu.memory_space<vmem>>) semaphore(%arg27 : memref<!tpu.dma_semaphore, #tpu.memory_space<semaphore_mem>>)
        } else {
        }
      } else {
      }
      %jit3A = arith.constant 4 : i32
      %eq3A = arith.constant 0 : i32
      %eq3A_151 = arith.cmpi eq, %jit3A, %eq3A : i32
      %jit3A_152 = arith.constant 1 : i32
      %select_n3A = arith.select %eq3A_151, %jit3A_152, %jit3A : i32
      %rem3A = arith.remsi %scan3A_134, %select_n3A : i32
      %ne3A = arith.constant 0 : i32
      %ne3A_153 = arith.cmpi ne, %rem3A, %ne3A : i32
      %lt3A_154 = arith.constant 0 : i32
      %lt3A_155 = arith.cmpi slt, %rem3A, %lt3A_154 : i32
      %lt3A_156 = arith.constant 0 : i32
      %lt3A_157 = arith.cmpi slt, %select_n3A, %lt3A_156 : i32
      %ne3A_158 = arith.xori %lt3A_155, %lt3A_157 : i1
      %and3A = arith.andi %ne3A_158, %ne3A_153 : i1
      %add3A_159 = arith.addi %rem3A, %select_n3A : i32
      %select_n3A_160 = arith.select %and3A, %add3A_159, %rem3A : i32
      %eq3A_161 = arith.constant 0 : i32
      %eq3A_162 = arith.cmpi eq, %select_n3A_160, %eq3A_161 : i32
      %convert_element_type3A_163 = arith.extui %eq3A_162 : i1 to i32
      %cond3A_164 = arith.constant 0 : i32
      %cond3A_165 = arith.cmpi ne, %convert_element_type3A_163, %cond3A_164 : i32
      scf.if %cond3A_165 {
        %dma_wait3A_230 = arith.constant 0 : i32
        %dma_wait3A_231 = arith.constant 0 : i32
        %dma_wait3A_232 = tpu.memref_slice %arg2[%dma_wait3A_230, %dma_wait3A_231] : memref<40960x128xf32, #tpu.memory_space<hbm>> -> memref<80x128xf32, #tpu.memory_space<hbm>>
        %dma_wait3A_233 = arith.constant 0 : i32
        %dma_wait3A_234 = arith.constant 0 : i32
        %dma_wait3A_235 = tpu.memref_slice %arg2[%dma_wait3A_233, %dma_wait3A_234] : memref<40960x128xf32, #tpu.memory_space<hbm>> -> memref<80x128xf32, #tpu.memory_space<hbm>>
        tpu.wait_dma2 semaphore(%arg24 : memref<!tpu.dma_semaphore, #tpu.memory_space<semaphore_mem>>) src(%dma_wait3A_235 : memref<80x128xf32, #tpu.memory_space<hbm>>) dst(%arg15 : memref<80x128xf32, #tpu.memory_space<vmem>>)
        %dma_start3A_236 = arith.constant 0 : i32
        %dma_start3A_237 = arith.constant 0 : i32
        %dma_start3A_238 = tpu.memref_slice %arg19[%dma_start3A_236, %dma_start3A_237] : memref<10240x128xf32, #tpu.memory_space<vmem_shared>> -> memref<10240x128xf32, #tpu.memory_space<vmem_shared>>
        tpu.enqueue_indirect_dma source(%arg15 : memref<80x128xf32, #tpu.memory_space<vmem>>) target(%dma_start3A_238 : memref<10240x128xf32, #tpu.memory_space<vmem_shared>>) offsets(%arg7 : memref<80xi32, #tpu.memory_space<vmem>>) semaphore(%arg28 : memref<!tpu.dma_semaphore, #tpu.memory_space<semaphore_mem>>) {add = true}
      } else {
      }
      %jit3A_166 = arith.constant 4 : i32
      %eq3A_167 = arith.constant 0 : i32
      %eq3A_168 = arith.cmpi eq, %jit3A_166, %eq3A_167 : i32
      %jit3A_169 = arith.constant 1 : i32
      %select_n3A_170 = arith.select %eq3A_168, %jit3A_169, %jit3A_166 : i32
      %rem3A_171 = arith.remsi %scan3A_134, %select_n3A_170 : i32
      %ne3A_172 = arith.constant 0 : i32
      %ne3A_173 = arith.cmpi ne, %rem3A_171, %ne3A_172 : i32
      %lt3A_174 = arith.constant 0 : i32
      %lt3A_175 = arith.cmpi slt, %rem3A_171, %lt3A_174 : i32
      %lt3A_176 = arith.constant 0 : i32
      %lt3A_177 = arith.cmpi slt, %select_n3A_170, %lt3A_176 : i32
      %ne3A_178 = arith.xori %lt3A_175, %lt3A_177 : i1
      %and3A_179 = arith.andi %ne3A_178, %ne3A_173 : i1
      %add3A_180 = arith.addi %rem3A_171, %select_n3A_170 : i32
      %select_n3A_181 = arith.select %and3A_179, %add3A_180, %rem3A_171 : i32
      %eq3A_182 = arith.constant 1 : i32
      %eq3A_183 = arith.cmpi eq, %select_n3A_181, %eq3A_182 : i32
      %convert_element_type3A_184 = arith.extui %eq3A_183 : i1 to i32
      %cond3A_185 = arith.constant 0 : i32
      %cond3A_186 = arith.cmpi ne, %convert_element_type3A_184, %cond3A_185 : i32
      scf.if %cond3A_186 {
        %dma_wait3A_230 = arith.constant 0 : i32
        %dma_wait3A_231 = arith.constant 0 : i32
        %dma_wait3A_232 = tpu.memref_slice %arg2[%dma_wait3A_230, %dma_wait3A_231] : memref<40960x128xf32, #tpu.memory_space<hbm>> -> memref<80x128xf32, #tpu.memory_space<hbm>>
        %dma_wait3A_233 = arith.constant 0 : i32
        %dma_wait3A_234 = arith.constant 0 : i32
        %dma_wait3A_235 = tpu.memref_slice %arg2[%dma_wait3A_233, %dma_wait3A_234] : memref<40960x128xf32, #tpu.memory_space<hbm>> -> memref<80x128xf32, #tpu.memory_space<hbm>>
        tpu.wait_dma2 semaphore(%arg25 : memref<!tpu.dma_semaphore, #tpu.memory_space<semaphore_mem>>) src(%dma_wait3A_235 : memref<80x128xf32, #tpu.memory_space<hbm>>) dst(%arg16 : memref<80x128xf32, #tpu.memory_space<vmem>>)
        %dma_start3A_236 = arith.constant 0 : i32
        %dma_start3A_237 = arith.constant 0 : i32
        %dma_start3A_238 = tpu.memref_slice %arg19[%dma_start3A_236, %dma_start3A_237] : memref<10240x128xf32, #tpu.memory_space<vmem_shared>> -> memref<10240x128xf32, #tpu.memory_space<vmem_shared>>
        tpu.enqueue_indirect_dma source(%arg16 : memref<80x128xf32, #tpu.memory_space<vmem>>) target(%dma_start3A_238 : memref<10240x128xf32, #tpu.memory_space<vmem_shared>>) offsets(%arg8 : memref<80xi32, #tpu.memory_space<vmem>>) semaphore(%arg29 : memref<!tpu.dma_semaphore, #tpu.memory_space<semaphore_mem>>) {add = true}
      } else {
      }
      %jit3A_187 = arith.constant 4 : i32
      %eq3A_188 = arith.constant 0 : i32
      %eq3A_189 = arith.cmpi eq, %jit3A_187, %eq3A_188 : i32
      %jit3A_190 = arith.constant 1 : i32
      %select_n3A_191 = arith.select %eq3A_189, %jit3A_190, %jit3A_187 : i32
      %rem3A_192 = arith.remsi %scan3A_134, %select_n3A_191 : i32
      %ne3A_193 = arith.constant 0 : i32
      %ne3A_194 = arith.cmpi ne, %rem3A_192, %ne3A_193 : i32
      %lt3A_195 = arith.constant 0 : i32
      %lt3A_196 = arith.cmpi slt, %rem3A_192, %lt3A_195 : i32
      %lt3A_197 = arith.constant 0 : i32
      %lt3A_198 = arith.cmpi slt, %select_n3A_191, %lt3A_197 : i32
      %ne3A_199 = arith.xori %lt3A_196, %lt3A_198 : i1
      %and3A_200 = arith.andi %ne3A_199, %ne3A_194 : i1
      %add3A_201 = arith.addi %rem3A_192, %select_n3A_191 : i32
      %select_n3A_202 = arith.select %and3A_200, %add3A_201, %rem3A_192 : i32
      %eq3A_203 = arith.constant 2 : i32
      %eq3A_204 = arith.cmpi eq, %select_n3A_202, %eq3A_203 : i32
      %convert_element_type3A_205 = arith.extui %eq3A_204 : i1 to i32
      %cond3A_206 = arith.constant 0 : i32
      %cond3A_207 = arith.cmpi ne, %convert_element_type3A_205, %cond3A_206 : i32
      scf.if %cond3A_207 {
        %dma_wait3A_230 = arith.constant 0 : i32
        %dma_wait3A_231 = arith.constant 0 : i32
        %dma_wait3A_232 = tpu.memref_slice %arg2[%dma_wait3A_230, %dma_wait3A_231] : memref<40960x128xf32, #tpu.memory_space<hbm>> -> memref<80x128xf32, #tpu.memory_space<hbm>>
        %dma_wait3A_233 = arith.constant 0 : i32
        %dma_wait3A_234 = arith.constant 0 : i32
        %dma_wait3A_235 = tpu.memref_slice %arg2[%dma_wait3A_233, %dma_wait3A_234] : memref<40960x128xf32, #tpu.memory_space<hbm>> -> memref<80x128xf32, #tpu.memory_space<hbm>>
        tpu.wait_dma2 semaphore(%arg26 : memref<!tpu.dma_semaphore, #tpu.memory_space<semaphore_mem>>) src(%dma_wait3A_235 : memref<80x128xf32, #tpu.memory_space<hbm>>) dst(%arg17 : memref<80x128xf32, #tpu.memory_space<vmem>>)
        %dma_start3A_236 = arith.constant 0 : i32
        %dma_start3A_237 = arith.constant 0 : i32
        %dma_start3A_238 = tpu.memref_slice %arg19[%dma_start3A_236, %dma_start3A_237] : memref<10240x128xf32, #tpu.memory_space<vmem_shared>> -> memref<10240x128xf32, #tpu.memory_space<vmem_shared>>
        tpu.enqueue_indirect_dma source(%arg17 : memref<80x128xf32, #tpu.memory_space<vmem>>) target(%dma_start3A_238 : memref<10240x128xf32, #tpu.memory_space<vmem_shared>>) offsets(%arg9 : memref<80xi32, #tpu.memory_space<vmem>>) semaphore(%arg30 : memref<!tpu.dma_semaphore, #tpu.memory_space<semaphore_mem>>) {add = true}
      } else {
      }
      %jit3A_208 = arith.constant 4 : i32
      %eq3A_209 = arith.constant 0 : i32
      %eq3A_210 = arith.cmpi eq, %jit3A_208, %eq3A_209 : i32
      %jit3A_211 = arith.constant 1 : i32
      %select_n3A_212 = arith.select %eq3A_210, %jit3A_211, %jit3A_208 : i32
      %rem3A_213 = arith.remsi %scan3A_134, %select_n3A_212 : i32
      %ne3A_214 = arith.constant 0 : i32
      %ne3A_215 = arith.cmpi ne, %rem3A_213, %ne3A_214 : i32
      %lt3A_216 = arith.constant 0 : i32
      %lt3A_217 = arith.cmpi slt, %rem3A_213, %lt3A_216 : i32
      %lt3A_218 = arith.constant 0 : i32
      %lt3A_219 = arith.cmpi slt, %select_n3A_212, %lt3A_218 : i32
      %ne3A_220 = arith.xori %lt3A_217, %lt3A_219 : i1
      %and3A_221 = arith.andi %ne3A_220, %ne3A_215 : i1
      %add3A_222 = arith.addi %rem3A_213, %select_n3A_212 : i32
      %select_n3A_223 = arith.select %and3A_221, %add3A_222, %rem3A_213 : i32
      %eq3A_224 = arith.constant 3 : i32
      %eq3A_225 = arith.cmpi eq, %select_n3A_223, %eq3A_224 : i32
      %convert_element_type3A_226 = arith.extui %eq3A_225 : i1 to i32
      %cond3A_227 = arith.constant 0 : i32
      %cond3A_228 = arith.cmpi ne, %convert_element_type3A_226, %cond3A_227 : i32
      scf.if %cond3A_228 {
        %dma_wait3A_230 = arith.constant 0 : i32
        %dma_wait3A_231 = arith.constant 0 : i32
        %dma_wait3A_232 = tpu.memref_slice %arg2[%dma_wait3A_230, %dma_wait3A_231] : memref<40960x128xf32, #tpu.memory_space<hbm>> -> memref<80x128xf32, #tpu.memory_space<hbm>>
        %dma_wait3A_233 = arith.constant 0 : i32
        %dma_wait3A_234 = arith.constant 0 : i32
        %dma_wait3A_235 = tpu.memref_slice %arg2[%dma_wait3A_233, %dma_wait3A_234] : memref<40960x128xf32, #tpu.memory_space<hbm>> -> memref<80x128xf32, #tpu.memory_space<hbm>>
        tpu.wait_dma2 semaphore(%arg27 : memref<!tpu.dma_semaphore, #tpu.memory_space<semaphore_mem>>) src(%dma_wait3A_235 : memref<80x128xf32, #tpu.memory_space<hbm>>) dst(%arg18 : memref<80x128xf32, #tpu.memory_space<vmem>>)
        %dma_start3A_236 = arith.constant 0 : i32
        %dma_start3A_237 = arith.constant 0 : i32
        %dma_start3A_238 = tpu.memref_slice %arg19[%dma_start3A_236, %dma_start3A_237] : memref<10240x128xf32, #tpu.memory_space<vmem_shared>> -> memref<10240x128xf32, #tpu.memory_space<vmem_shared>>
        tpu.enqueue_indirect_dma source(%arg18 : memref<80x128xf32, #tpu.memory_space<vmem>>) target(%dma_start3A_238 : memref<10240x128xf32, #tpu.memory_space<vmem_shared>>) offsets(%arg10 : memref<80xi32, #tpu.memory_space<vmem>>) semaphore(%arg31 : memref<!tpu.dma_semaphore, #tpu.memory_space<semaphore_mem>>) {add = true}
      } else {
      }
      %scan3A_229 = arith.constant 0 : i32
      scf.yield %scan3A_229 : i32
    }
    %scan3A_45 = arith.constant 125 : i32
    %dma_wait3A_46 = arith.constant 0 : i32
    %dma_wait3A_47 = arith.constant 0 : i32
    %dma_wait3A_48 = tpu.memref_slice %arg2[%dma_wait3A_46, %dma_wait3A_47] : memref<40960x128xf32, #tpu.memory_space<hbm>> -> memref<80x128xf32, #tpu.memory_space<hbm>>
    %dma_wait3A_49 = arith.constant 0 : i32
    %dma_wait3A_50 = arith.constant 0 : i32
    %dma_wait3A_51 = tpu.memref_slice %arg2[%dma_wait3A_49, %dma_wait3A_50] : memref<40960x128xf32, #tpu.memory_space<hbm>> -> memref<80x128xf32, #tpu.memory_space<hbm>>
    tpu.wait_dma2 semaphore(%arg28 : memref<!tpu.dma_semaphore, #tpu.memory_space<semaphore_mem>>) src(%dma_wait3A_51 : memref<80x128xf32, #tpu.memory_space<hbm>>) dst(%arg15 : memref<80x128xf32, #tpu.memory_space<vmem>>)
    %dma_wait3A_52 = arith.constant 0 : i32
    %dma_wait3A_53 = arith.constant 0 : i32
    %dma_wait3A_54 = tpu.memref_slice %arg2[%dma_wait3A_52, %dma_wait3A_53] : memref<40960x128xf32, #tpu.memory_space<hbm>> -> memref<80x128xf32, #tpu.memory_space<hbm>>
    %dma_wait3A_55 = arith.constant 0 : i32
    %dma_wait3A_56 = arith.constant 0 : i32
    %dma_wait3A_57 = tpu.memref_slice %arg2[%dma_wait3A_55, %dma_wait3A_56] : memref<40960x128xf32, #tpu.memory_space<hbm>> -> memref<80x128xf32, #tpu.memory_space<hbm>>
    tpu.wait_dma2 semaphore(%arg31 : memref<!tpu.dma_semaphore, #tpu.memory_space<semaphore_mem>>) src(%dma_wait3A_57 : memref<80x128xf32, #tpu.memory_space<hbm>>) dst(%arg18 : memref<80x128xf32, #tpu.memory_space<vmem>>)
    %barrier3A_58 = arith.constant 0 : index
    tpu.barrier barrier_id(%barrier3A_58)
    %mul3A_59 = arith.constant 640 : i32
    %mul3A_60 = arith.muli %arg1, %mul3A_59 : i32
    %mul3A_61 = arith.constant 640 : i32
    %mul3A_62 = arith.muli %arg1, %mul3A_61 : i32
    %add3A_63 = arith.addi %mul3A_5, %mul3A_62 : i32
    "tpu.region"() ({
      %run_scoped3A = tpu.sem_alloc : memref<!tpu.dma_semaphore, #tpu.memory_space<semaphore_mem>>
      %dma_start3A_134 = arith.constant 0 : i32
      %dma_start3A_135 = tpu.memref_slice %arg6[%add3A_63, %dma_start3A_134] : memref<40960x128xf32, #tpu.memory_space<hbm>> -> memref<640x128xf32, #tpu.memory_space<hbm>>
      %dma_start3A_136 = arith.constant 0 : i32
      %dma_start3A_137 = tpu.memref_slice %arg19[%mul3A_60, %dma_start3A_136] : memref<10240x128xf32, #tpu.memory_space<vmem_shared>> -> memref<640x128xf32, #tpu.memory_space<vmem_shared>>
      tpu.enqueue_dma source(%dma_start3A_137 : memref<640x128xf32, #tpu.memory_space<vmem_shared>>) target(%dma_start3A_135 : memref<640x128xf32, #tpu.memory_space<hbm>>) target_semaphore(%run_scoped3A : memref<!tpu.dma_semaphore, #tpu.memory_space<semaphore_mem>>)
      %dma_wait3A_138 = arith.constant 0 : i32
      %dma_wait3A_139 = tpu.memref_slice %arg6[%add3A_63, %dma_wait3A_138] : memref<40960x128xf32, #tpu.memory_space<hbm>> -> memref<640x128xf32, #tpu.memory_space<hbm>>
      %dma_wait3A_140 = arith.constant 0 : i32
      %dma_wait3A_141 = tpu.memref_slice %arg19[%mul3A_60, %dma_wait3A_140] : memref<10240x128xf32, #tpu.memory_space<vmem_shared>> -> memref<640x128xf32, #tpu.memory_space<vmem_shared>>
      tpu.wait_dma2 semaphore(%run_scoped3A : memref<!tpu.dma_semaphore, #tpu.memory_space<semaphore_mem>>) src(%dma_wait3A_141 : memref<640x128xf32, #tpu.memory_space<vmem_shared>>) dst(%dma_wait3A_139 : memref<640x128xf32, #tpu.memory_space<hbm>>)
      tpu.yield
    }) : () -> ()
    %barrier3A_64 = arith.constant 0 : index
    tpu.barrier barrier_id(%barrier3A_64)
    %mul3A_65 = arith.constant 2 : i32
    %mul3A_66 = arith.muli %arg0, %mul3A_65 : i32
    %add3A_67 = arith.constant 1 : i32
    %add3A_68 = arith.addi %mul3A_66, %add3A_67 : i32
    %mul3A_69 = arith.constant 10240 : i32
    %mul3A_70 = arith.muli %add3A_68, %mul3A_69 : i32
    %mul3A_71 = arith.constant 640 : i32
    %mul3A_72 = arith.muli %arg1, %mul3A_71 : i32
    "tpu.region"() ({
      %run_scoped3A = tpu.sem_alloc : memref<!tpu.dma_semaphore, #tpu.memory_space<semaphore_mem>>
      %dma_start3A_134 = arith.constant 0 : i32
      %dma_start3A_135 = tpu.memref_slice %arg19[%mul3A_72, %dma_start3A_134] : memref<10240x128xf32, #tpu.memory_space<vmem_shared>> -> memref<640x128xf32, #tpu.memory_space<vmem_shared>>
      tpu.enqueue_dma source(%arg5 : memref<640x128xf32, #tpu.memory_space<hbm>>) target(%dma_start3A_135 : memref<640x128xf32, #tpu.memory_space<vmem_shared>>) target_semaphore(%run_scoped3A : memref<!tpu.dma_semaphore, #tpu.memory_space<semaphore_mem>>)
      %dma_wait3A_136 = arith.constant 0 : i32
      %dma_wait3A_137 = tpu.memref_slice %arg19[%mul3A_72, %dma_wait3A_136] : memref<10240x128xf32, #tpu.memory_space<vmem_shared>> -> memref<640x128xf32, #tpu.memory_space<vmem_shared>>
      tpu.wait_dma2 semaphore(%run_scoped3A : memref<!tpu.dma_semaphore, #tpu.memory_space<semaphore_mem>>) src(%arg5 : memref<640x128xf32, #tpu.memory_space<hbm>>) dst(%dma_wait3A_137 : memref<640x128xf32, #tpu.memory_space<vmem_shared>>)
      tpu.yield
    }) : () -> ()
    %barrier3A_73 = arith.constant 0 : index
    tpu.barrier barrier_id(%barrier3A_73)
    %add3A_74 = arith.constant 0 : i32
    %add3A_75 = arith.addi %mul3A_0, %add3A_74 : i32
    %dma_start3A_76 = tpu.memref_slice %arg3[%add3A_75] : memref<160000xi32, #tpu.memory_space<hbm>> -> memref<80xi32, #tpu.memory_space<hbm>>
    %dma_start3A_77 = tpu.memref_slice %arg3[%add3A_75] : memref<160000xi32, #tpu.memory_space<hbm>> -> memref<80xi32, #tpu.memory_space<hbm>>
    tpu.enqueue_dma source(%dma_start3A_77 : memref<80xi32, #tpu.memory_space<hbm>>) target(%arg7 : memref<80xi32, #tpu.memory_space<vmem>>) target_semaphore(%arg20 : memref<!tpu.dma_semaphore, #tpu.memory_space<semaphore_mem>>)
    %add3A_78 = arith.constant 0 : i32
    %add3A_79 = arith.addi %mul3A_0, %add3A_78 : i32
    %dma_start3A_80 = tpu.memref_slice %arg4[%add3A_79] : memref<160000xi32, #tpu.memory_space<hbm>> -> memref<80xi32, #tpu.memory_space<hbm>>
    %dma_start3A_81 = tpu.memref_slice %arg4[%add3A_79] : memref<160000xi32, #tpu.memory_space<hbm>> -> memref<80xi32, #tpu.memory_space<hbm>>
    tpu.enqueue_dma source(%dma_start3A_81 : memref<80xi32, #tpu.memory_space<hbm>>) target(%arg11 : memref<80xi32, #tpu.memory_space<vmem>>) target_semaphore(%arg20 : memref<!tpu.dma_semaphore, #tpu.memory_space<semaphore_mem>>)
    %add3A_82 = arith.constant 80 : i32
    %add3A_83 = arith.addi %mul3A_0, %add3A_82 : i32
    %dma_start3A_84 = tpu.memref_slice %arg3[%add3A_83] : memref<160000xi32, #tpu.memory_space<hbm>> -> memref<80xi32, #tpu.memory_space<hbm>>
    %dma_start3A_85 = tpu.memref_slice %arg3[%add3A_83] : memref<160000xi32, #tpu.memory_space<hbm>> -> memref<80xi32, #tpu.memory_space<hbm>>
    tpu.enqueue_dma source(%dma_start3A_85 : memref<80xi32, #tpu.memory_space<hbm>>) target(%arg8 : memref<80xi32, #tpu.memory_space<vmem>>) target_semaphore(%arg21 : memref<!tpu.dma_semaphore, #tpu.memory_space<semaphore_mem>>)
    %add3A_86 = arith.constant 80 : i32
    %add3A_87 = arith.addi %mul3A_0, %add3A_86 : i32
    %dma_start3A_88 = tpu.memref_slice %arg4[%add3A_87] : memref<160000xi32, #tpu.memory_space<hbm>> -> memref<80xi32, #tpu.memory_space<hbm>>
    %dma_start3A_89 = tpu.memref_slice %arg4[%add3A_87] : memref<160000xi32, #tpu.memory_space<hbm>> -> memref<80xi32, #tpu.memory_space<hbm>>
    tpu.enqueue_dma source(%dma_start3A_89 : memref<80xi32, #tpu.memory_space<hbm>>) target(%arg12 : memref<80xi32, #tpu.memory_space<vmem>>) target_semaphore(%arg21 : memref<!tpu.dma_semaphore, #tpu.memory_space<semaphore_mem>>)
    %dma_wait3A_90 = arith.constant 0 : i32
    %dma_wait3A_91 = tpu.memref_slice %arg3[%dma_wait3A_90] : memref<160000xi32, #tpu.memory_space<hbm>> -> memref<80xi32, #tpu.memory_space<hbm>>
    %dma_wait3A_92 = arith.constant 0 : i32
    %dma_wait3A_93 = tpu.memref_slice %arg3[%dma_wait3A_92] : memref<160000xi32, #tpu.memory_space<hbm>> -> memref<80xi32, #tpu.memory_space<hbm>>
    tpu.wait_dma2 semaphore(%arg20 : memref<!tpu.dma_semaphore, #tpu.memory_space<semaphore_mem>>) src(%dma_wait3A_93 : memref<80xi32, #tpu.memory_space<hbm>>) dst(%arg7 : memref<80xi32, #tpu.memory_space<vmem>>)
    %dma_wait3A_94 = arith.constant 0 : i32
    %dma_wait3A_95 = tpu.memref_slice %arg4[%dma_wait3A_94] : memref<160000xi32, #tpu.memory_space<hbm>> -> memref<80xi32, #tpu.memory_space<hbm>>
    %dma_wait3A_96 = arith.constant 0 : i32
    %dma_wait3A_97 = tpu.memref_slice %arg4[%dma_wait3A_96] : memref<160000xi32, #tpu.memory_space<hbm>> -> memref<80xi32, #tpu.memory_space<hbm>>
    tpu.wait_dma2 semaphore(%arg20 : memref<!tpu.dma_semaphore, #tpu.memory_space<semaphore_mem>>) src(%dma_wait3A_97 : memref<80xi32, #tpu.memory_space<hbm>>) dst(%arg11 : memref<80xi32, #tpu.memory_space<vmem>>)
    %scan3A_98 = arith.constant 0 : i32
    %scan3A_99 = arith.constant 0 : i32
    %scan3A_100 = arith.constant 5 : i32
    %scan3A_101 = arith.addi %scan3A_99, %scan3A_100 : i32
    %scan3A_102 = arith.constant 1 : i32
    %scan3A_103 = scf.for %scan3A_134 = %scan3A_99 to %scan3A_101 step %scan3A_102 iter_args(%scan3A_135 = %scan3A_98) -> (i32)  : i32 {
      %mul3A_136 = arith.constant 16 : i32
      %mul3A_137 = arith.muli %scan3A_134, %mul3A_136 : i32
      %get3A = arith.index_cast %mul3A_137 : i32 to index
      %get3A_138 = tpu.vector_load %arg11[%get3A] {strides = array<i32>} : memref<80xi32, #tpu.memory_space<vmem>>, vector<16xi32>,
      %add3A_139 = vector.broadcast %mul3A_70 : i32 to vector<16xi32>
      %add3A_140 = arith.addi %get3A_138, %add3A_139 : vector<16xi32>
      %mul3A_141 = arith.constant 16 : i32
      %mul3A_142 = arith.muli %scan3A_134, %mul3A_141 : i32
      %swap3A = arith.index_cast %mul3A_142 : i32 to index
      %swap3A_143 = tpu.vector_load %arg11[%swap3A] {strides = array<i32>} : memref<80xi32, #tpu.memory_space<vmem>>, vector<16xi32>,
      tpu.vector_store %arg11[%swap3A], %add3A_140 {strides = array<i32>} : memref<80xi32, #tpu.memory_space<vmem>>, vector<16xi32>,
      %scan3A_144 = arith.constant 0 : i32
      scf.yield %scan3A_144 : i32
    }
    %scan3A_104 = arith.constant 5 : i32
    %dma_start3A_105 = arith.constant 0 : i32
    %dma_start3A_106 = arith.constant 0 : i32
    %dma_start3A_107 = tpu.memref_slice %arg2[%dma_start3A_105, %dma_start3A_106] : memref<40960x128xf32, #tpu.memory_space<hbm>> -> memref<40960x128xf32, #tpu.memory_space<hbm>>
    tpu.enqueue_indirect_dma source(%dma_start3A_107 : memref<40960x128xf32, #tpu.memory_space<hbm>>) target(%arg15 : memref<80x128xf32, #tpu.memory_space<vmem>>) offsets(%arg11 : memref<80xi32, #tpu.memory_space<vmem>>) semaphore(%arg24 : memref<!tpu.dma_semaphore, #tpu.memory_space<semaphore_mem>>)
    %scan3A_108 = arith.constant 0 : i32
    %scan3A_109 = arith.constant 0 : i32
    %scan3A_110 = arith.constant 125 : i32
    %scan3A_111 = arith.addi %scan3A_109, %scan3A_110 : i32
    %scan3A_112 = arith.constant 1 : i32
    %scan3A_113 = scf.for %scan3A_134 = %scan3A_109 to %scan3A_111 step %scan3A_112 iter_args(%scan3A_135 = %scan3A_108) -> (i32)  : i32 {
      %ge3A = arith.constant 2 : i32
      %ge3A_136 = arith.cmpi sge, %scan3A_134, %ge3A : i32
      %convert_element_type3A = arith.extui %ge3A_136 : i1 to i32
      %cond3A = arith.constant 0 : i32
      %cond3A_137 = arith.cmpi ne, %convert_element_type3A, %cond3A : i32
      scf.if %cond3A_137 {
        %sub3A = arith.constant 2 : i32
        %sub3A_230 = arith.subi %scan3A_134, %sub3A : i32
        %jit3A_231 = arith.constant 4 : i32
        %eq3A_232 = arith.constant 0 : i32
        %eq3A_233 = arith.cmpi eq, %jit3A_231, %eq3A_232 : i32
        %jit3A_234 = arith.constant 1 : i32
        %select_n3A_235 = arith.select %eq3A_233, %jit3A_234, %jit3A_231 : i32
        %rem3A_236 = arith.remsi %sub3A_230, %select_n3A_235 : i32
        %ne3A_237 = arith.constant 0 : i32
        %ne3A_238 = arith.cmpi ne, %rem3A_236, %ne3A_237 : i32
        %lt3A_239 = arith.constant 0 : i32
        %lt3A_240 = arith.cmpi slt, %rem3A_236, %lt3A_239 : i32
        %lt3A_241 = arith.constant 0 : i32
        %lt3A_242 = arith.cmpi slt, %select_n3A_235, %lt3A_241 : i32
        %ne3A_243 = arith.xori %lt3A_240, %lt3A_242 : i1
        %and3A_244 = arith.andi %ne3A_243, %ne3A_238 : i1
        %add3A_245 = arith.addi %rem3A_236, %select_n3A_235 : i32
        %select_n3A_246 = arith.select %and3A_244, %add3A_245, %rem3A_236 : i32
        %eq3A_247 = arith.constant 0 : i32
        %eq3A_248 = arith.cmpi eq, %select_n3A_246, %eq3A_247 : i32
        %convert_element_type3A_249 = arith.extui %eq3A_248 : i1 to i32
        %cond3A_250 = arith.constant 0 : i32
        %cond3A_251 = arith.cmpi ne, %convert_element_type3A_249, %cond3A_250 : i32
        scf.if %cond3A_251 {
          %dma_wait3A_321 = arith.constant 0 : i32
          %dma_wait3A_322 = arith.constant 0 : i32
          %dma_wait3A_323 = tpu.memref_slice %arg2[%dma_wait3A_321, %dma_wait3A_322] : memref<40960x128xf32, #tpu.memory_space<hbm>> -> memref<80x128xf32, #tpu.memory_space<hbm>>
          %dma_wait3A_324 = arith.constant 0 : i32
          %dma_wait3A_325 = arith.constant 0 : i32
          %dma_wait3A_326 = tpu.memref_slice %arg2[%dma_wait3A_324, %dma_wait3A_325] : memref<40960x128xf32, #tpu.memory_space<hbm>> -> memref<80x128xf32, #tpu.memory_space<hbm>>
          tpu.wait_dma2 semaphore(%arg28 : memref<!tpu.dma_semaphore, #tpu.memory_space<semaphore_mem>>) src(%dma_wait3A_326 : memref<80x128xf32, #tpu.memory_space<hbm>>) dst(%arg15 : memref<80x128xf32, #tpu.memory_space<vmem>>)
        } else {
        }
        %sub3A_252 = arith.constant 2 : i32
        %sub3A_253 = arith.subi %scan3A_134, %sub3A_252 : i32
        %jit3A_254 = arith.constant 4 : i32
        %eq3A_255 = arith.constant 0 : i32
        %eq3A_256 = arith.cmpi eq, %jit3A_254, %eq3A_255 : i32
        %jit3A_257 = arith.constant 1 : i32
        %select_n3A_258 = arith.select %eq3A_256, %jit3A_257, %jit3A_254 : i32
        %rem3A_259 = arith.remsi %sub3A_253, %select_n3A_258 : i32
        %ne3A_260 = arith.constant 0 : i32
        %ne3A_261 = arith.cmpi ne, %rem3A_259, %ne3A_260 : i32
        %lt3A_262 = arith.constant 0 : i32
        %lt3A_263 = arith.cmpi slt, %rem3A_259, %lt3A_262 : i32
        %lt3A_264 = arith.constant 0 : i32
        %lt3A_265 = arith.cmpi slt, %select_n3A_258, %lt3A_264 : i32
        %ne3A_266 = arith.xori %lt3A_263, %lt3A_265 : i1
        %and3A_267 = arith.andi %ne3A_266, %ne3A_261 : i1
        %add3A_268 = arith.addi %rem3A_259, %select_n3A_258 : i32
        %select_n3A_269 = arith.select %and3A_267, %add3A_268, %rem3A_259 : i32
        %eq3A_270 = arith.constant 1 : i32
        %eq3A_271 = arith.cmpi eq, %select_n3A_269, %eq3A_270 : i32
        %convert_element_type3A_272 = arith.extui %eq3A_271 : i1 to i32
        %cond3A_273 = arith.constant 0 : i32
        %cond3A_274 = arith.cmpi ne, %convert_element_type3A_272, %cond3A_273 : i32
        scf.if %cond3A_274 {
          %dma_wait3A_321 = arith.constant 0 : i32
          %dma_wait3A_322 = arith.constant 0 : i32
          %dma_wait3A_323 = tpu.memref_slice %arg2[%dma_wait3A_321, %dma_wait3A_322] : memref<40960x128xf32, #tpu.memory_space<hbm>> -> memref<80x128xf32, #tpu.memory_space<hbm>>
          %dma_wait3A_324 = arith.constant 0 : i32
          %dma_wait3A_325 = arith.constant 0 : i32
          %dma_wait3A_326 = tpu.memref_slice %arg2[%dma_wait3A_324, %dma_wait3A_325] : memref<40960x128xf32, #tpu.memory_space<hbm>> -> memref<80x128xf32, #tpu.memory_space<hbm>>
          tpu.wait_dma2 semaphore(%arg29 : memref<!tpu.dma_semaphore, #tpu.memory_space<semaphore_mem>>) src(%dma_wait3A_326 : memref<80x128xf32, #tpu.memory_space<hbm>>) dst(%arg16 : memref<80x128xf32, #tpu.memory_space<vmem>>)
        } else {
        }
        %sub3A_275 = arith.constant 2 : i32
        %sub3A_276 = arith.subi %scan3A_134, %sub3A_275 : i32
        %jit3A_277 = arith.constant 4 : i32
        %eq3A_278 = arith.constant 0 : i32
        %eq3A_279 = arith.cmpi eq, %jit3A_277, %eq3A_278 : i32
        %jit3A_280 = arith.constant 1 : i32
        %select_n3A_281 = arith.select %eq3A_279, %jit3A_280, %jit3A_277 : i32
        %rem3A_282 = arith.remsi %sub3A_276, %select_n3A_281 : i32
        %ne3A_283 = arith.constant 0 : i32
        %ne3A_284 = arith.cmpi ne, %rem3A_282, %ne3A_283 : i32
        %lt3A_285 = arith.constant 0 : i32
        %lt3A_286 = arith.cmpi slt, %rem3A_282, %lt3A_285 : i32
        %lt3A_287 = arith.constant 0 : i32
        %lt3A_288 = arith.cmpi slt, %select_n3A_281, %lt3A_287 : i32
        %ne3A_289 = arith.xori %lt3A_286, %lt3A_288 : i1
        %and3A_290 = arith.andi %ne3A_289, %ne3A_284 : i1
        %add3A_291 = arith.addi %rem3A_282, %select_n3A_281 : i32
        %select_n3A_292 = arith.select %and3A_290, %add3A_291, %rem3A_282 : i32
        %eq3A_293 = arith.constant 2 : i32
        %eq3A_294 = arith.cmpi eq, %select_n3A_292, %eq3A_293 : i32
        %convert_element_type3A_295 = arith.extui %eq3A_294 : i1 to i32
        %cond3A_296 = arith.constant 0 : i32
        %cond3A_297 = arith.cmpi ne, %convert_element_type3A_295, %cond3A_296 : i32
        scf.if %cond3A_297 {
          %dma_wait3A_321 = arith.constant 0 : i32
          %dma_wait3A_322 = arith.constant 0 : i32
          %dma_wait3A_323 = tpu.memref_slice %arg2[%dma_wait3A_321, %dma_wait3A_322] : memref<40960x128xf32, #tpu.memory_space<hbm>> -> memref<80x128xf32, #tpu.memory_space<hbm>>
          %dma_wait3A_324 = arith.constant 0 : i32
          %dma_wait3A_325 = arith.constant 0 : i32
          %dma_wait3A_326 = tpu.memref_slice %arg2[%dma_wait3A_324, %dma_wait3A_325] : memref<40960x128xf32, #tpu.memory_space<hbm>> -> memref<80x128xf32, #tpu.memory_space<hbm>>
          tpu.wait_dma2 semaphore(%arg30 : memref<!tpu.dma_semaphore, #tpu.memory_space<semaphore_mem>>) src(%dma_wait3A_326 : memref<80x128xf32, #tpu.memory_space<hbm>>) dst(%arg17 : memref<80x128xf32, #tpu.memory_space<vmem>>)
        } else {
        }
        %sub3A_298 = arith.constant 2 : i32
        %sub3A_299 = arith.subi %scan3A_134, %sub3A_298 : i32
        %jit3A_300 = arith.constant 4 : i32
        %eq3A_301 = arith.constant 0 : i32
        %eq3A_302 = arith.cmpi eq, %jit3A_300, %eq3A_301 : i32
        %jit3A_303 = arith.constant 1 : i32
        %select_n3A_304 = arith.select %eq3A_302, %jit3A_303, %jit3A_300 : i32
        %rem3A_305 = arith.remsi %sub3A_299, %select_n3A_304 : i32
        %ne3A_306 = arith.constant 0 : i32
        %ne3A_307 = arith.cmpi ne, %rem3A_305, %ne3A_306 : i32
        %lt3A_308 = arith.constant 0 : i32
        %lt3A_309 = arith.cmpi slt, %rem3A_305, %lt3A_308 : i32
        %lt3A_310 = arith.constant 0 : i32
        %lt3A_311 = arith.cmpi slt, %select_n3A_304, %lt3A_310 : i32
        %ne3A_312 = arith.xori %lt3A_309, %lt3A_311 : i1
        %and3A_313 = arith.andi %ne3A_312, %ne3A_307 : i1
        %add3A_314 = arith.addi %rem3A_305, %select_n3A_304 : i32
        %select_n3A_315 = arith.select %and3A_313, %add3A_314, %rem3A_305 : i32
        %eq3A_316 = arith.constant 3 : i32
        %eq3A_317 = arith.cmpi eq, %select_n3A_315, %eq3A_316 : i32
        %convert_element_type3A_318 = arith.extui %eq3A_317 : i1 to i32
        %cond3A_319 = arith.constant 0 : i32
        %cond3A_320 = arith.cmpi ne, %convert_element_type3A_318, %cond3A_319 : i32
        scf.if %cond3A_320 {
          %dma_wait3A_321 = arith.constant 0 : i32
          %dma_wait3A_322 = arith.constant 0 : i32
          %dma_wait3A_323 = tpu.memref_slice %arg2[%dma_wait3A_321, %dma_wait3A_322] : memref<40960x128xf32, #tpu.memory_space<hbm>> -> memref<80x128xf32, #tpu.memory_space<hbm>>
          %dma_wait3A_324 = arith.constant 0 : i32
          %dma_wait3A_325 = arith.constant 0 : i32
          %dma_wait3A_326 = tpu.memref_slice %arg2[%dma_wait3A_324, %dma_wait3A_325] : memref<40960x128xf32, #tpu.memory_space<hbm>> -> memref<80x128xf32, #tpu.memory_space<hbm>>
          tpu.wait_dma2 semaphore(%arg31 : memref<!tpu.dma_semaphore, #tpu.memory_space<semaphore_mem>>) src(%dma_wait3A_326 : memref<80x128xf32, #tpu.memory_space<hbm>>) dst(%arg18 : memref<80x128xf32, #tpu.memory_space<vmem>>)
        } else {
        }
      } else {
      }
      %add3A_138 = arith.constant 2 : i32
      %add3A_139 = arith.addi %scan3A_134, %add3A_138 : i32
      %lt3A = arith.constant 125 : i32
      %lt3A_140 = arith.cmpi slt, %add3A_139, %lt3A : i32
      %convert_element_type3A_141 = arith.extui %lt3A_140 : i1 to i32
      %cond3A_142 = arith.constant 0 : i32
      %cond3A_143 = arith.cmpi ne, %convert_element_type3A_141, %cond3A_142 : i32
      scf.if %cond3A_143 {
        %add3A_230 = arith.constant 2 : i32
        %add3A_231 = arith.addi %scan3A_134, %add3A_230 : i32
        %jit3A_232 = arith.constant 4 : i32
        %eq3A_233 = arith.constant 0 : i32
        %eq3A_234 = arith.cmpi eq, %jit3A_232, %eq3A_233 : i32
        %jit3A_235 = arith.constant 1 : i32
        %select_n3A_236 = arith.select %eq3A_234, %jit3A_235, %jit3A_232 : i32
        %rem3A_237 = arith.remsi %add3A_231, %select_n3A_236 : i32
        %ne3A_238 = arith.constant 0 : i32
        %ne3A_239 = arith.cmpi ne, %rem3A_237, %ne3A_238 : i32
        %lt3A_240 = arith.constant 0 : i32
        %lt3A_241 = arith.cmpi slt, %rem3A_237, %lt3A_240 : i32
        %lt3A_242 = arith.constant 0 : i32
        %lt3A_243 = arith.cmpi slt, %select_n3A_236, %lt3A_242 : i32
        %ne3A_244 = arith.xori %lt3A_241, %lt3A_243 : i1
        %and3A_245 = arith.andi %ne3A_244, %ne3A_239 : i1
        %add3A_246 = arith.addi %rem3A_237, %select_n3A_236 : i32
        %select_n3A_247 = arith.select %and3A_245, %add3A_246, %rem3A_237 : i32
        %eq3A_248 = arith.constant 0 : i32
        %eq3A_249 = arith.cmpi eq, %select_n3A_247, %eq3A_248 : i32
        %convert_element_type3A_250 = arith.extui %eq3A_249 : i1 to i32
        %cond3A_251 = arith.constant 0 : i32
        %cond3A_252 = arith.cmpi ne, %convert_element_type3A_250, %cond3A_251 : i32
        scf.if %cond3A_252 {
          %add3A_322 = arith.constant 2 : i32
          %add3A_323 = arith.addi %scan3A_134, %add3A_322 : i32
          %mul3A_324 = arith.constant 80 : i32
          %mul3A_325 = arith.muli %add3A_323, %mul3A_324 : i32
          %add3A_326 = arith.addi %mul3A_0, %mul3A_325 : i32
          %dma_start3A_327 = tpu.memref_slice %arg3[%add3A_326] : memref<160000xi32, #tpu.memory_space<hbm>> -> memref<80xi32, #tpu.memory_space<hbm>>
          %dma_start3A_328 = tpu.memref_slice %arg3[%add3A_326] : memref<160000xi32, #tpu.memory_space<hbm>> -> memref<80xi32, #tpu.memory_space<hbm>>
          tpu.enqueue_dma source(%dma_start3A_328 : memref<80xi32, #tpu.memory_space<hbm>>) target(%arg7 : memref<80xi32, #tpu.memory_space<vmem>>) target_semaphore(%arg20 : memref<!tpu.dma_semaphore, #tpu.memory_space<semaphore_mem>>)
          %mul3A_329 = arith.constant 80 : i32
          %mul3A_330 = arith.muli %add3A_323, %mul3A_329 : i32
          %add3A_331 = arith.addi %mul3A_0, %mul3A_330 : i32
          %dma_start3A_332 = tpu.memref_slice %arg4[%add3A_331] : memref<160000xi32, #tpu.memory_space<hbm>> -> memref<80xi32, #tpu.memory_space<hbm>>
          %dma_start3A_333 = tpu.memref_slice %arg4[%add3A_331] : memref<160000xi32, #tpu.memory_space<hbm>> -> memref<80xi32, #tpu.memory_space<hbm>>
          tpu.enqueue_dma source(%dma_start3A_333 : memref<80xi32, #tpu.memory_space<hbm>>) target(%arg11 : memref<80xi32, #tpu.memory_space<vmem>>) target_semaphore(%arg20 : memref<!tpu.dma_semaphore, #tpu.memory_space<semaphore_mem>>)
        } else {
        }
        %add3A_253 = arith.constant 2 : i32
        %add3A_254 = arith.addi %scan3A_134, %add3A_253 : i32
        %jit3A_255 = arith.constant 4 : i32
        %eq3A_256 = arith.constant 0 : i32
        %eq3A_257 = arith.cmpi eq, %jit3A_255, %eq3A_256 : i32
        %jit3A_258 = arith.constant 1 : i32
        %select_n3A_259 = arith.select %eq3A_257, %jit3A_258, %jit3A_255 : i32
        %rem3A_260 = arith.remsi %add3A_254, %select_n3A_259 : i32
        %ne3A_261 = arith.constant 0 : i32
        %ne3A_262 = arith.cmpi ne, %rem3A_260, %ne3A_261 : i32
        %lt3A_263 = arith.constant 0 : i32
        %lt3A_264 = arith.cmpi slt, %rem3A_260, %lt3A_263 : i32
        %lt3A_265 = arith.constant 0 : i32
        %lt3A_266 = arith.cmpi slt, %select_n3A_259, %lt3A_265 : i32
        %ne3A_267 = arith.xori %lt3A_264, %lt3A_266 : i1
        %and3A_268 = arith.andi %ne3A_267, %ne3A_262 : i1
        %add3A_269 = arith.addi %rem3A_260, %select_n3A_259 : i32
        %select_n3A_270 = arith.select %and3A_268, %add3A_269, %rem3A_260 : i32
        %eq3A_271 = arith.constant 1 : i32
        %eq3A_272 = arith.cmpi eq, %select_n3A_270, %eq3A_271 : i32
        %convert_element_type3A_273 = arith.extui %eq3A_272 : i1 to i32
        %cond3A_274 = arith.constant 0 : i32
        %cond3A_275 = arith.cmpi ne, %convert_element_type3A_273, %cond3A_274 : i32
        scf.if %cond3A_275 {
          %add3A_322 = arith.constant 2 : i32
          %add3A_323 = arith.addi %scan3A_134, %add3A_322 : i32
          %mul3A_324 = arith.constant 80 : i32
          %mul3A_325 = arith.muli %add3A_323, %mul3A_324 : i32
          %add3A_326 = arith.addi %mul3A_0, %mul3A_325 : i32
          %dma_start3A_327 = tpu.memref_slice %arg3[%add3A_326] : memref<160000xi32, #tpu.memory_space<hbm>> -> memref<80xi32, #tpu.memory_space<hbm>>
          %dma_start3A_328 = tpu.memref_slice %arg3[%add3A_326] : memref<160000xi32, #tpu.memory_space<hbm>> -> memref<80xi32, #tpu.memory_space<hbm>>
          tpu.enqueue_dma source(%dma_start3A_328 : memref<80xi32, #tpu.memory_space<hbm>>) target(%arg8 : memref<80xi32, #tpu.memory_space<vmem>>) target_semaphore(%arg21 : memref<!tpu.dma_semaphore, #tpu.memory_space<semaphore_mem>>)
          %mul3A_329 = arith.constant 80 : i32
          %mul3A_330 = arith.muli %add3A_323, %mul3A_329 : i32
          %add3A_331 = arith.addi %mul3A_0, %mul3A_330 : i32
          %dma_start3A_332 = tpu.memref_slice %arg4[%add3A_331] : memref<160000xi32, #tpu.memory_space<hbm>> -> memref<80xi32, #tpu.memory_space<hbm>>
          %dma_start3A_333 = tpu.memref_slice %arg4[%add3A_331] : memref<160000xi32, #tpu.memory_space<hbm>> -> memref<80xi32, #tpu.memory_space<hbm>>
          tpu.enqueue_dma source(%dma_start3A_333 : memref<80xi32, #tpu.memory_space<hbm>>) target(%arg12 : memref<80xi32, #tpu.memory_space<vmem>>) target_semaphore(%arg21 : memref<!tpu.dma_semaphore, #tpu.memory_space<semaphore_mem>>)
        } else {
        }
        %add3A_276 = arith.constant 2 : i32
        %add3A_277 = arith.addi %scan3A_134, %add3A_276 : i32
        %jit3A_278 = arith.constant 4 : i32
        %eq3A_279 = arith.constant 0 : i32
        %eq3A_280 = arith.cmpi eq, %jit3A_278, %eq3A_279 : i32
        %jit3A_281 = arith.constant 1 : i32
        %select_n3A_282 = arith.select %eq3A_280, %jit3A_281, %jit3A_278 : i32
        %rem3A_283 = arith.remsi %add3A_277, %select_n3A_282 : i32
        %ne3A_284 = arith.constant 0 : i32
        %ne3A_285 = arith.cmpi ne, %rem3A_283, %ne3A_284 : i32
        %lt3A_286 = arith.constant 0 : i32
        %lt3A_287 = arith.cmpi slt, %rem3A_283, %lt3A_286 : i32
        %lt3A_288 = arith.constant 0 : i32
        %lt3A_289 = arith.cmpi slt, %select_n3A_282, %lt3A_288 : i32
        %ne3A_290 = arith.xori %lt3A_287, %lt3A_289 : i1
        %and3A_291 = arith.andi %ne3A_290, %ne3A_285 : i1
        %add3A_292 = arith.addi %rem3A_283, %select_n3A_282 : i32
        %select_n3A_293 = arith.select %and3A_291, %add3A_292, %rem3A_283 : i32
        %eq3A_294 = arith.constant 2 : i32
        %eq3A_295 = arith.cmpi eq, %select_n3A_293, %eq3A_294 : i32
        %convert_element_type3A_296 = arith.extui %eq3A_295 : i1 to i32
        %cond3A_297 = arith.constant 0 : i32
        %cond3A_298 = arith.cmpi ne, %convert_element_type3A_296, %cond3A_297 : i32
        scf.if %cond3A_298 {
          %add3A_322 = arith.constant 2 : i32
          %add3A_323 = arith.addi %scan3A_134, %add3A_322 : i32
          %mul3A_324 = arith.constant 80 : i32
          %mul3A_325 = arith.muli %add3A_323, %mul3A_324 : i32
          %add3A_326 = arith.addi %mul3A_0, %mul3A_325 : i32
          %dma_start3A_327 = tpu.memref_slice %arg3[%add3A_326] : memref<160000xi32, #tpu.memory_space<hbm>> -> memref<80xi32, #tpu.memory_space<hbm>>
          %dma_start3A_328 = tpu.memref_slice %arg3[%add3A_326] : memref<160000xi32, #tpu.memory_space<hbm>> -> memref<80xi32, #tpu.memory_space<hbm>>
          tpu.enqueue_dma source(%dma_start3A_328 : memref<80xi32, #tpu.memory_space<hbm>>) target(%arg9 : memref<80xi32, #tpu.memory_space<vmem>>) target_semaphore(%arg22 : memref<!tpu.dma_semaphore, #tpu.memory_space<semaphore_mem>>)
          %mul3A_329 = arith.constant 80 : i32
          %mul3A_330 = arith.muli %add3A_323, %mul3A_329 : i32
          %add3A_331 = arith.addi %mul3A_0, %mul3A_330 : i32
          %dma_start3A_332 = tpu.memref_slice %arg4[%add3A_331] : memref<160000xi32, #tpu.memory_space<hbm>> -> memref<80xi32, #tpu.memory_space<hbm>>
          %dma_start3A_333 = tpu.memref_slice %arg4[%add3A_331] : memref<160000xi32, #tpu.memory_space<hbm>> -> memref<80xi32, #tpu.memory_space<hbm>>
          tpu.enqueue_dma source(%dma_start3A_333 : memref<80xi32, #tpu.memory_space<hbm>>) target(%arg13 : memref<80xi32, #tpu.memory_space<vmem>>) target_semaphore(%arg22 : memref<!tpu.dma_semaphore, #tpu.memory_space<semaphore_mem>>)
        } else {
        }
        %add3A_299 = arith.constant 2 : i32
        %add3A_300 = arith.addi %scan3A_134, %add3A_299 : i32
        %jit3A_301 = arith.constant 4 : i32
        %eq3A_302 = arith.constant 0 : i32
        %eq3A_303 = arith.cmpi eq, %jit3A_301, %eq3A_302 : i32
        %jit3A_304 = arith.constant 1 : i32
        %select_n3A_305 = arith.select %eq3A_303, %jit3A_304, %jit3A_301 : i32
        %rem3A_306 = arith.remsi %add3A_300, %select_n3A_305 : i32
        %ne3A_307 = arith.constant 0 : i32
        %ne3A_308 = arith.cmpi ne, %rem3A_306, %ne3A_307 : i32
        %lt3A_309 = arith.constant 0 : i32
        %lt3A_310 = arith.cmpi slt, %rem3A_306, %lt3A_309 : i32
        %lt3A_311 = arith.constant 0 : i32
        %lt3A_312 = arith.cmpi slt, %select_n3A_305, %lt3A_311 : i32
        %ne3A_313 = arith.xori %lt3A_310, %lt3A_312 : i1
        %and3A_314 = arith.andi %ne3A_313, %ne3A_308 : i1
        %add3A_315 = arith.addi %rem3A_306, %select_n3A_305 : i32
        %select_n3A_316 = arith.select %and3A_314, %add3A_315, %rem3A_306 : i32
        %eq3A_317 = arith.constant 3 : i32
        %eq3A_318 = arith.cmpi eq, %select_n3A_316, %eq3A_317 : i32
        %convert_element_type3A_319 = arith.extui %eq3A_318 : i1 to i32
        %cond3A_320 = arith.constant 0 : i32
        %cond3A_321 = arith.cmpi ne, %convert_element_type3A_319, %cond3A_320 : i32
        scf.if %cond3A_321 {
          %add3A_322 = arith.constant 2 : i32
          %add3A_323 = arith.addi %scan3A_134, %add3A_322 : i32
          %mul3A_324 = arith.constant 80 : i32
          %mul3A_325 = arith.muli %add3A_323, %mul3A_324 : i32
          %add3A_326 = arith.addi %mul3A_0, %mul3A_325 : i32
          %dma_start3A_327 = tpu.memref_slice %arg3[%add3A_326] : memref<160000xi32, #tpu.memory_space<hbm>> -> memref<80xi32, #tpu.memory_space<hbm>>
          %dma_start3A_328 = tpu.memref_slice %arg3[%add3A_326] : memref<160000xi32, #tpu.memory_space<hbm>> -> memref<80xi32, #tpu.memory_space<hbm>>
          tpu.enqueue_dma source(%dma_start3A_328 : memref<80xi32, #tpu.memory_space<hbm>>) target(%arg10 : memref<80xi32, #tpu.memory_space<vmem>>) target_semaphore(%arg23 : memref<!tpu.dma_semaphore, #tpu.memory_space<semaphore_mem>>)
          %mul3A_329 = arith.constant 80 : i32
          %mul3A_330 = arith.muli %add3A_323, %mul3A_329 : i32
          %add3A_331 = arith.addi %mul3A_0, %mul3A_330 : i32
          %dma_start3A_332 = tpu.memref_slice %arg4[%add3A_331] : memref<160000xi32, #tpu.memory_space<hbm>> -> memref<80xi32, #tpu.memory_space<hbm>>
          %dma_start3A_333 = tpu.memref_slice %arg4[%add3A_331] : memref<160000xi32, #tpu.memory_space<hbm>> -> memref<80xi32, #tpu.memory_space<hbm>>
          tpu.enqueue_dma source(%dma_start3A_333 : memref<80xi32, #tpu.memory_space<hbm>>) target(%arg14 : memref<80xi32, #tpu.memory_space<vmem>>) target_semaphore(%arg23 : memref<!tpu.dma_semaphore, #tpu.memory_space<semaphore_mem>>)
        } else {
        }
      } else {
      }
      %add3A_144 = arith.constant 1 : i32
      %add3A_145 = arith.addi %scan3A_134, %add3A_144 : i32
      %lt3A_146 = arith.constant 125 : i32
      %lt3A_147 = arith.cmpi slt, %add3A_145, %lt3A_146 : i32
      %convert_element_type3A_148 = arith.extui %lt3A_147 : i1 to i32
      %cond3A_149 = arith.constant 0 : i32
      %cond3A_150 = arith.cmpi ne, %convert_element_type3A_148, %cond3A_149 : i32
      scf.if %cond3A_150 {
        %add3A_230 = arith.constant 1 : i32
        %add3A_231 = arith.addi %scan3A_134, %add3A_230 : i32
        %jit3A_232 = arith.constant 4 : i32
        %eq3A_233 = arith.constant 0 : i32
        %eq3A_234 = arith.cmpi eq, %jit3A_232, %eq3A_233 : i32
        %jit3A_235 = arith.constant 1 : i32
        %select_n3A_236 = arith.select %eq3A_234, %jit3A_235, %jit3A_232 : i32
        %rem3A_237 = arith.remsi %add3A_231, %select_n3A_236 : i32
        %ne3A_238 = arith.constant 0 : i32
        %ne3A_239 = arith.cmpi ne, %rem3A_237, %ne3A_238 : i32
        %lt3A_240 = arith.constant 0 : i32
        %lt3A_241 = arith.cmpi slt, %rem3A_237, %lt3A_240 : i32
        %lt3A_242 = arith.constant 0 : i32
        %lt3A_243 = arith.cmpi slt, %select_n3A_236, %lt3A_242 : i32
        %ne3A_244 = arith.xori %lt3A_241, %lt3A_243 : i1
        %and3A_245 = arith.andi %ne3A_244, %ne3A_239 : i1
        %add3A_246 = arith.addi %rem3A_237, %select_n3A_236 : i32
        %select_n3A_247 = arith.select %and3A_245, %add3A_246, %rem3A_237 : i32
        %eq3A_248 = arith.constant 0 : i32
        %eq3A_249 = arith.cmpi eq, %select_n3A_247, %eq3A_248 : i32
        %convert_element_type3A_250 = arith.extui %eq3A_249 : i1 to i32
        %cond3A_251 = arith.constant 0 : i32
        %cond3A_252 = arith.cmpi ne, %convert_element_type3A_250, %cond3A_251 : i32
        scf.if %cond3A_252 {
          %dma_wait3A_322 = arith.constant 0 : i32
          %dma_wait3A_323 = tpu.memref_slice %arg3[%dma_wait3A_322] : memref<160000xi32, #tpu.memory_space<hbm>> -> memref<80xi32, #tpu.memory_space<hbm>>
          %dma_wait3A_324 = arith.constant 0 : i32
          %dma_wait3A_325 = tpu.memref_slice %arg3[%dma_wait3A_324] : memref<160000xi32, #tpu.memory_space<hbm>> -> memref<80xi32, #tpu.memory_space<hbm>>
          tpu.wait_dma2 semaphore(%arg20 : memref<!tpu.dma_semaphore, #tpu.memory_space<semaphore_mem>>) src(%dma_wait3A_325 : memref<80xi32, #tpu.memory_space<hbm>>) dst(%arg7 : memref<80xi32, #tpu.memory_space<vmem>>)
          %dma_wait3A_326 = arith.constant 0 : i32
          %dma_wait3A_327 = tpu.memref_slice %arg4[%dma_wait3A_326] : memref<160000xi32, #tpu.memory_space<hbm>> -> memref<80xi32, #tpu.memory_space<hbm>>
          %dma_wait3A_328 = arith.constant 0 : i32
          %dma_wait3A_329 = tpu.memref_slice %arg4[%dma_wait3A_328] : memref<160000xi32, #tpu.memory_space<hbm>> -> memref<80xi32, #tpu.memory_space<hbm>>
          tpu.wait_dma2 semaphore(%arg20 : memref<!tpu.dma_semaphore, #tpu.memory_space<semaphore_mem>>) src(%dma_wait3A_329 : memref<80xi32, #tpu.memory_space<hbm>>) dst(%arg11 : memref<80xi32, #tpu.memory_space<vmem>>)
          %scan3A_330 = arith.constant 0 : i32
          %scan3A_331 = arith.constant 0 : i32
          %scan3A_332 = arith.constant 5 : i32
          %scan3A_333 = arith.addi %scan3A_331, %scan3A_332 : i32
          %scan3A_334 = arith.constant 1 : i32
          %scan3A_335 = scf.for %scan3A_340 = %scan3A_331 to %scan3A_333 step %scan3A_334 iter_args(%scan3A_341 = %scan3A_330) -> (i32)  : i32 {
            %mul3A_342 = arith.constant 16 : i32
            %mul3A_343 = arith.muli %scan3A_340, %mul3A_342 : i32
            %get3A = arith.index_cast %mul3A_343 : i32 to index
            %get3A_344 = tpu.vector_load %arg11[%get3A] {strides = array<i32>} : memref<80xi32, #tpu.memory_space<vmem>>, vector<16xi32>,
            %add3A_345 = vector.broadcast %mul3A_70 : i32 to vector<16xi32>
            %add3A_346 = arith.addi %get3A_344, %add3A_345 : vector<16xi32>
            %mul3A_347 = arith.constant 16 : i32
            %mul3A_348 = arith.muli %scan3A_340, %mul3A_347 : i32
            %swap3A = arith.index_cast %mul3A_348 : i32 to index
            %swap3A_349 = tpu.vector_load %arg11[%swap3A] {strides = array<i32>} : memref<80xi32, #tpu.memory_space<vmem>>, vector<16xi32>,
            tpu.vector_store %arg11[%swap3A], %add3A_346 {strides = array<i32>} : memref<80xi32, #tpu.memory_space<vmem>>, vector<16xi32>,
            %scan3A_350 = arith.constant 0 : i32
            scf.yield %scan3A_350 : i32
          }
          %scan3A_336 = arith.constant 5 : i32
          %dma_start3A_337 = arith.constant 0 : i32
          %dma_start3A_338 = arith.constant 0 : i32
          %dma_start3A_339 = tpu.memref_slice %arg2[%dma_start3A_337, %dma_start3A_338] : memref<40960x128xf32, #tpu.memory_space<hbm>> -> memref<40960x128xf32, #tpu.memory_space<hbm>>
          tpu.enqueue_indirect_dma source(%dma_start3A_339 : memref<40960x128xf32, #tpu.memory_space<hbm>>) target(%arg15 : memref<80x128xf32, #tpu.memory_space<vmem>>) offsets(%arg11 : memref<80xi32, #tpu.memory_space<vmem>>) semaphore(%arg24 : memref<!tpu.dma_semaphore, #tpu.memory_space<semaphore_mem>>)
        } else {
        }
        %add3A_253 = arith.constant 1 : i32
        %add3A_254 = arith.addi %scan3A_134, %add3A_253 : i32
        %jit3A_255 = arith.constant 4 : i32
        %eq3A_256 = arith.constant 0 : i32
        %eq3A_257 = arith.cmpi eq, %jit3A_255, %eq3A_256 : i32
        %jit3A_258 = arith.constant 1 : i32
        %select_n3A_259 = arith.select %eq3A_257, %jit3A_258, %jit3A_255 : i32
        %rem3A_260 = arith.remsi %add3A_254, %select_n3A_259 : i32
        %ne3A_261 = arith.constant 0 : i32
        %ne3A_262 = arith.cmpi ne, %rem3A_260, %ne3A_261 : i32
        %lt3A_263 = arith.constant 0 : i32
        %lt3A_264 = arith.cmpi slt, %rem3A_260, %lt3A_263 : i32
        %lt3A_265 = arith.constant 0 : i32
        %lt3A_266 = arith.cmpi slt, %select_n3A_259, %lt3A_265 : i32
        %ne3A_267 = arith.xori %lt3A_264, %lt3A_266 : i1
        %and3A_268 = arith.andi %ne3A_267, %ne3A_262 : i1
        %add3A_269 = arith.addi %rem3A_260, %select_n3A_259 : i32
        %select_n3A_270 = arith.select %and3A_268, %add3A_269, %rem3A_260 : i32
        %eq3A_271 = arith.constant 1 : i32
        %eq3A_272 = arith.cmpi eq, %select_n3A_270, %eq3A_271 : i32
        %convert_element_type3A_273 = arith.extui %eq3A_272 : i1 to i32
        %cond3A_274 = arith.constant 0 : i32
        %cond3A_275 = arith.cmpi ne, %convert_element_type3A_273, %cond3A_274 : i32
        scf.if %cond3A_275 {
          %dma_wait3A_322 = arith.constant 0 : i32
          %dma_wait3A_323 = tpu.memref_slice %arg3[%dma_wait3A_322] : memref<160000xi32, #tpu.memory_space<hbm>> -> memref<80xi32, #tpu.memory_space<hbm>>
          %dma_wait3A_324 = arith.constant 0 : i32
          %dma_wait3A_325 = tpu.memref_slice %arg3[%dma_wait3A_324] : memref<160000xi32, #tpu.memory_space<hbm>> -> memref<80xi32, #tpu.memory_space<hbm>>
          tpu.wait_dma2 semaphore(%arg21 : memref<!tpu.dma_semaphore, #tpu.memory_space<semaphore_mem>>) src(%dma_wait3A_325 : memref<80xi32, #tpu.memory_space<hbm>>) dst(%arg8 : memref<80xi32, #tpu.memory_space<vmem>>)
          %dma_wait3A_326 = arith.constant 0 : i32
          %dma_wait3A_327 = tpu.memref_slice %arg4[%dma_wait3A_326] : memref<160000xi32, #tpu.memory_space<hbm>> -> memref<80xi32, #tpu.memory_space<hbm>>
          %dma_wait3A_328 = arith.constant 0 : i32
          %dma_wait3A_329 = tpu.memref_slice %arg4[%dma_wait3A_328] : memref<160000xi32, #tpu.memory_space<hbm>> -> memref<80xi32, #tpu.memory_space<hbm>>
          tpu.wait_dma2 semaphore(%arg21 : memref<!tpu.dma_semaphore, #tpu.memory_space<semaphore_mem>>) src(%dma_wait3A_329 : memref<80xi32, #tpu.memory_space<hbm>>) dst(%arg12 : memref<80xi32, #tpu.memory_space<vmem>>)
          %scan3A_330 = arith.constant 0 : i32
          %scan3A_331 = arith.constant 0 : i32
          %scan3A_332 = arith.constant 5 : i32
          %scan3A_333 = arith.addi %scan3A_331, %scan3A_332 : i32
          %scan3A_334 = arith.constant 1 : i32
          %scan3A_335 = scf.for %scan3A_340 = %scan3A_331 to %scan3A_333 step %scan3A_334 iter_args(%scan3A_341 = %scan3A_330) -> (i32)  : i32 {
            %mul3A_342 = arith.constant 16 : i32
            %mul3A_343 = arith.muli %scan3A_340, %mul3A_342 : i32
            %get3A = arith.index_cast %mul3A_343 : i32 to index
            %get3A_344 = tpu.vector_load %arg12[%get3A] {strides = array<i32>} : memref<80xi32, #tpu.memory_space<vmem>>, vector<16xi32>,
            %add3A_345 = vector.broadcast %mul3A_70 : i32 to vector<16xi32>
            %add3A_346 = arith.addi %get3A_344, %add3A_345 : vector<16xi32>
            %mul3A_347 = arith.constant 16 : i32
            %mul3A_348 = arith.muli %scan3A_340, %mul3A_347 : i32
            %swap3A = arith.index_cast %mul3A_348 : i32 to index
            %swap3A_349 = tpu.vector_load %arg12[%swap3A] {strides = array<i32>} : memref<80xi32, #tpu.memory_space<vmem>>, vector<16xi32>,
            tpu.vector_store %arg12[%swap3A], %add3A_346 {strides = array<i32>} : memref<80xi32, #tpu.memory_space<vmem>>, vector<16xi32>,
            %scan3A_350 = arith.constant 0 : i32
            scf.yield %scan3A_350 : i32
          }
          %scan3A_336 = arith.constant 5 : i32
          %dma_start3A_337 = arith.constant 0 : i32
          %dma_start3A_338 = arith.constant 0 : i32
          %dma_start3A_339 = tpu.memref_slice %arg2[%dma_start3A_337, %dma_start3A_338] : memref<40960x128xf32, #tpu.memory_space<hbm>> -> memref<40960x128xf32, #tpu.memory_space<hbm>>
          tpu.enqueue_indirect_dma source(%dma_start3A_339 : memref<40960x128xf32, #tpu.memory_space<hbm>>) target(%arg16 : memref<80x128xf32, #tpu.memory_space<vmem>>) offsets(%arg12 : memref<80xi32, #tpu.memory_space<vmem>>) semaphore(%arg25 : memref<!tpu.dma_semaphore, #tpu.memory_space<semaphore_mem>>)
        } else {
        }
        %add3A_276 = arith.constant 1 : i32
        %add3A_277 = arith.addi %scan3A_134, %add3A_276 : i32
        %jit3A_278 = arith.constant 4 : i32
        %eq3A_279 = arith.constant 0 : i32
        %eq3A_280 = arith.cmpi eq, %jit3A_278, %eq3A_279 : i32
        %jit3A_281 = arith.constant 1 : i32
        %select_n3A_282 = arith.select %eq3A_280, %jit3A_281, %jit3A_278 : i32
        %rem3A_283 = arith.remsi %add3A_277, %select_n3A_282 : i32
        %ne3A_284 = arith.constant 0 : i32
        %ne3A_285 = arith.cmpi ne, %rem3A_283, %ne3A_284 : i32
        %lt3A_286 = arith.constant 0 : i32
        %lt3A_287 = arith.cmpi slt, %rem3A_283, %lt3A_286 : i32
        %lt3A_288 = arith.constant 0 : i32
        %lt3A_289 = arith.cmpi slt, %select_n3A_282, %lt3A_288 : i32
        %ne3A_290 = arith.xori %lt3A_287, %lt3A_289 : i1
        %and3A_291 = arith.andi %ne3A_290, %ne3A_285 : i1
        %add3A_292 = arith.addi %rem3A_283, %select_n3A_282 : i32
        %select_n3A_293 = arith.select %and3A_291, %add3A_292, %rem3A_283 : i32
        %eq3A_294 = arith.constant 2 : i32
        %eq3A_295 = arith.cmpi eq, %select_n3A_293, %eq3A_294 : i32
        %convert_element_type3A_296 = arith.extui %eq3A_295 : i1 to i32
        %cond3A_297 = arith.constant 0 : i32
        %cond3A_298 = arith.cmpi ne, %convert_element_type3A_296, %cond3A_297 : i32
        scf.if %cond3A_298 {
          %dma_wait3A_322 = arith.constant 0 : i32
          %dma_wait3A_323 = tpu.memref_slice %arg3[%dma_wait3A_322] : memref<160000xi32, #tpu.memory_space<hbm>> -> memref<80xi32, #tpu.memory_space<hbm>>
          %dma_wait3A_324 = arith.constant 0 : i32
          %dma_wait3A_325 = tpu.memref_slice %arg3[%dma_wait3A_324] : memref<160000xi32, #tpu.memory_space<hbm>> -> memref<80xi32, #tpu.memory_space<hbm>>
          tpu.wait_dma2 semaphore(%arg22 : memref<!tpu.dma_semaphore, #tpu.memory_space<semaphore_mem>>) src(%dma_wait3A_325 : memref<80xi32, #tpu.memory_space<hbm>>) dst(%arg9 : memref<80xi32, #tpu.memory_space<vmem>>)
          %dma_wait3A_326 = arith.constant 0 : i32
          %dma_wait3A_327 = tpu.memref_slice %arg4[%dma_wait3A_326] : memref<160000xi32, #tpu.memory_space<hbm>> -> memref<80xi32, #tpu.memory_space<hbm>>
          %dma_wait3A_328 = arith.constant 0 : i32
          %dma_wait3A_329 = tpu.memref_slice %arg4[%dma_wait3A_328] : memref<160000xi32, #tpu.memory_space<hbm>> -> memref<80xi32, #tpu.memory_space<hbm>>
          tpu.wait_dma2 semaphore(%arg22 : memref<!tpu.dma_semaphore, #tpu.memory_space<semaphore_mem>>) src(%dma_wait3A_329 : memref<80xi32, #tpu.memory_space<hbm>>) dst(%arg13 : memref<80xi32, #tpu.memory_space<vmem>>)
          %scan3A_330 = arith.constant 0 : i32
          %scan3A_331 = arith.constant 0 : i32
          %scan3A_332 = arith.constant 5 : i32
          %scan3A_333 = arith.addi %scan3A_331, %scan3A_332 : i32
          %scan3A_334 = arith.constant 1 : i32
          %scan3A_335 = scf.for %scan3A_340 = %scan3A_331 to %scan3A_333 step %scan3A_334 iter_args(%scan3A_341 = %scan3A_330) -> (i32)  : i32 {
            %mul3A_342 = arith.constant 16 : i32
            %mul3A_343 = arith.muli %scan3A_340, %mul3A_342 : i32
            %get3A = arith.index_cast %mul3A_343 : i32 to index
            %get3A_344 = tpu.vector_load %arg13[%get3A] {strides = array<i32>} : memref<80xi32, #tpu.memory_space<vmem>>, vector<16xi32>,
            %add3A_345 = vector.broadcast %mul3A_70 : i32 to vector<16xi32>
            %add3A_346 = arith.addi %get3A_344, %add3A_345 : vector<16xi32>
            %mul3A_347 = arith.constant 16 : i32
            %mul3A_348 = arith.muli %scan3A_340, %mul3A_347 : i32
            %swap3A = arith.index_cast %mul3A_348 : i32 to index
            %swap3A_349 = tpu.vector_load %arg13[%swap3A] {strides = array<i32>} : memref<80xi32, #tpu.memory_space<vmem>>, vector<16xi32>,
            tpu.vector_store %arg13[%swap3A], %add3A_346 {strides = array<i32>} : memref<80xi32, #tpu.memory_space<vmem>>, vector<16xi32>,
            %scan3A_350 = arith.constant 0 : i32
            scf.yield %scan3A_350 : i32
          }
          %scan3A_336 = arith.constant 5 : i32
          %dma_start3A_337 = arith.constant 0 : i32
          %dma_start3A_338 = arith.constant 0 : i32
          %dma_start3A_339 = tpu.memref_slice %arg2[%dma_start3A_337, %dma_start3A_338] : memref<40960x128xf32, #tpu.memory_space<hbm>> -> memref<40960x128xf32, #tpu.memory_space<hbm>>
          tpu.enqueue_indirect_dma source(%dma_start3A_339 : memref<40960x128xf32, #tpu.memory_space<hbm>>) target(%arg17 : memref<80x128xf32, #tpu.memory_space<vmem>>) offsets(%arg13 : memref<80xi32, #tpu.memory_space<vmem>>) semaphore(%arg26 : memref<!tpu.dma_semaphore, #tpu.memory_space<semaphore_mem>>)
        } else {
        }
        %add3A_299 = arith.constant 1 : i32
        %add3A_300 = arith.addi %scan3A_134, %add3A_299 : i32
        %jit3A_301 = arith.constant 4 : i32
        %eq3A_302 = arith.constant 0 : i32
        %eq3A_303 = arith.cmpi eq, %jit3A_301, %eq3A_302 : i32
        %jit3A_304 = arith.constant 1 : i32
        %select_n3A_305 = arith.select %eq3A_303, %jit3A_304, %jit3A_301 : i32
        %rem3A_306 = arith.remsi %add3A_300, %select_n3A_305 : i32
        %ne3A_307 = arith.constant 0 : i32
        %ne3A_308 = arith.cmpi ne, %rem3A_306, %ne3A_307 : i32
        %lt3A_309 = arith.constant 0 : i32
        %lt3A_310 = arith.cmpi slt, %rem3A_306, %lt3A_309 : i32
        %lt3A_311 = arith.constant 0 : i32
        %lt3A_312 = arith.cmpi slt, %select_n3A_305, %lt3A_311 : i32
        %ne3A_313 = arith.xori %lt3A_310, %lt3A_312 : i1
        %and3A_314 = arith.andi %ne3A_313, %ne3A_308 : i1
        %add3A_315 = arith.addi %rem3A_306, %select_n3A_305 : i32
        %select_n3A_316 = arith.select %and3A_314, %add3A_315, %rem3A_306 : i32
        %eq3A_317 = arith.constant 3 : i32
        %eq3A_318 = arith.cmpi eq, %select_n3A_316, %eq3A_317 : i32
        %convert_element_type3A_319 = arith.extui %eq3A_318 : i1 to i32
        %cond3A_320 = arith.constant 0 : i32
        %cond3A_321 = arith.cmpi ne, %convert_element_type3A_319, %cond3A_320 : i32
        scf.if %cond3A_321 {
          %dma_wait3A_322 = arith.constant 0 : i32
          %dma_wait3A_323 = tpu.memref_slice %arg3[%dma_wait3A_322] : memref<160000xi32, #tpu.memory_space<hbm>> -> memref<80xi32, #tpu.memory_space<hbm>>
          %dma_wait3A_324 = arith.constant 0 : i32
          %dma_wait3A_325 = tpu.memref_slice %arg3[%dma_wait3A_324] : memref<160000xi32, #tpu.memory_space<hbm>> -> memref<80xi32, #tpu.memory_space<hbm>>
          tpu.wait_dma2 semaphore(%arg23 : memref<!tpu.dma_semaphore, #tpu.memory_space<semaphore_mem>>) src(%dma_wait3A_325 : memref<80xi32, #tpu.memory_space<hbm>>) dst(%arg10 : memref<80xi32, #tpu.memory_space<vmem>>)
          %dma_wait3A_326 = arith.constant 0 : i32
          %dma_wait3A_327 = tpu.memref_slice %arg4[%dma_wait3A_326] : memref<160000xi32, #tpu.memory_space<hbm>> -> memref<80xi32, #tpu.memory_space<hbm>>
          %dma_wait3A_328 = arith.constant 0 : i32
          %dma_wait3A_329 = tpu.memref_slice %arg4[%dma_wait3A_328] : memref<160000xi32, #tpu.memory_space<hbm>> -> memref<80xi32, #tpu.memory_space<hbm>>
          tpu.wait_dma2 semaphore(%arg23 : memref<!tpu.dma_semaphore, #tpu.memory_space<semaphore_mem>>) src(%dma_wait3A_329 : memref<80xi32, #tpu.memory_space<hbm>>) dst(%arg14 : memref<80xi32, #tpu.memory_space<vmem>>)
          %scan3A_330 = arith.constant 0 : i32
          %scan3A_331 = arith.constant 0 : i32
          %scan3A_332 = arith.constant 5 : i32
          %scan3A_333 = arith.addi %scan3A_331, %scan3A_332 : i32
          %scan3A_334 = arith.constant 1 : i32
          %scan3A_335 = scf.for %scan3A_340 = %scan3A_331 to %scan3A_333 step %scan3A_334 iter_args(%scan3A_341 = %scan3A_330) -> (i32)  : i32 {
            %mul3A_342 = arith.constant 16 : i32
            %mul3A_343 = arith.muli %scan3A_340, %mul3A_342 : i32
            %get3A = arith.index_cast %mul3A_343 : i32 to index
            %get3A_344 = tpu.vector_load %arg14[%get3A] {strides = array<i32>} : memref<80xi32, #tpu.memory_space<vmem>>, vector<16xi32>,
            %add3A_345 = vector.broadcast %mul3A_70 : i32 to vector<16xi32>
            %add3A_346 = arith.addi %get3A_344, %add3A_345 : vector<16xi32>
            %mul3A_347 = arith.constant 16 : i32
            %mul3A_348 = arith.muli %scan3A_340, %mul3A_347 : i32
            %swap3A = arith.index_cast %mul3A_348 : i32 to index
            %swap3A_349 = tpu.vector_load %arg14[%swap3A] {strides = array<i32>} : memref<80xi32, #tpu.memory_space<vmem>>, vector<16xi32>,
            tpu.vector_store %arg14[%swap3A], %add3A_346 {strides = array<i32>} : memref<80xi32, #tpu.memory_space<vmem>>, vector<16xi32>,
            %scan3A_350 = arith.constant 0 : i32
            scf.yield %scan3A_350 : i32
          }
          %scan3A_336 = arith.constant 5 : i32
          %dma_start3A_337 = arith.constant 0 : i32
          %dma_start3A_338 = arith.constant 0 : i32
          %dma_start3A_339 = tpu.memref_slice %arg2[%dma_start3A_337, %dma_start3A_338] : memref<40960x128xf32, #tpu.memory_space<hbm>> -> memref<40960x128xf32, #tpu.memory_space<hbm>>
          tpu.enqueue_indirect_dma source(%dma_start3A_339 : memref<40960x128xf32, #tpu.memory_space<hbm>>) target(%arg18 : memref<80x128xf32, #tpu.memory_space<vmem>>) offsets(%arg14 : memref<80xi32, #tpu.memory_space<vmem>>) semaphore(%arg27 : memref<!tpu.dma_semaphore, #tpu.memory_space<semaphore_mem>>)
        } else {
        }
      } else {
      }
      %jit3A = arith.constant 4 : i32
      %eq3A = arith.constant 0 : i32
      %eq3A_151 = arith.cmpi eq, %jit3A, %eq3A : i32
      %jit3A_152 = arith.constant 1 : i32
      %select_n3A = arith.select %eq3A_151, %jit3A_152, %jit3A : i32
      %rem3A = arith.remsi %scan3A_134, %select_n3A : i32
      %ne3A = arith.constant 0 : i32
      %ne3A_153 = arith.cmpi ne, %rem3A, %ne3A : i32
      %lt3A_154 = arith.constant 0 : i32
      %lt3A_155 = arith.cmpi slt, %rem3A, %lt3A_154 : i32
      %lt3A_156 = arith.constant 0 : i32
      %lt3A_157 = arith.cmpi slt, %select_n3A, %lt3A_156 : i32
      %ne3A_158 = arith.xori %lt3A_155, %lt3A_157 : i1
      %and3A = arith.andi %ne3A_158, %ne3A_153 : i1
      %add3A_159 = arith.addi %rem3A, %select_n3A : i32
      %select_n3A_160 = arith.select %and3A, %add3A_159, %rem3A : i32
      %eq3A_161 = arith.constant 0 : i32
      %eq3A_162 = arith.cmpi eq, %select_n3A_160, %eq3A_161 : i32
      %convert_element_type3A_163 = arith.extui %eq3A_162 : i1 to i32
      %cond3A_164 = arith.constant 0 : i32
      %cond3A_165 = arith.cmpi ne, %convert_element_type3A_163, %cond3A_164 : i32
      scf.if %cond3A_165 {
        %dma_wait3A_230 = arith.constant 0 : i32
        %dma_wait3A_231 = arith.constant 0 : i32
        %dma_wait3A_232 = tpu.memref_slice %arg2[%dma_wait3A_230, %dma_wait3A_231] : memref<40960x128xf32, #tpu.memory_space<hbm>> -> memref<80x128xf32, #tpu.memory_space<hbm>>
        %dma_wait3A_233 = arith.constant 0 : i32
        %dma_wait3A_234 = arith.constant 0 : i32
        %dma_wait3A_235 = tpu.memref_slice %arg2[%dma_wait3A_233, %dma_wait3A_234] : memref<40960x128xf32, #tpu.memory_space<hbm>> -> memref<80x128xf32, #tpu.memory_space<hbm>>
        tpu.wait_dma2 semaphore(%arg24 : memref<!tpu.dma_semaphore, #tpu.memory_space<semaphore_mem>>) src(%dma_wait3A_235 : memref<80x128xf32, #tpu.memory_space<hbm>>) dst(%arg15 : memref<80x128xf32, #tpu.memory_space<vmem>>)
        %dma_start3A_236 = arith.constant 0 : i32
        %dma_start3A_237 = arith.constant 0 : i32
        %dma_start3A_238 = tpu.memref_slice %arg19[%dma_start3A_236, %dma_start3A_237] : memref<10240x128xf32, #tpu.memory_space<vmem_shared>> -> memref<10240x128xf32, #tpu.memory_space<vmem_shared>>
        tpu.enqueue_indirect_dma source(%arg15 : memref<80x128xf32, #tpu.memory_space<vmem>>) target(%dma_start3A_238 : memref<10240x128xf32, #tpu.memory_space<vmem_shared>>) offsets(%arg7 : memref<80xi32, #tpu.memory_space<vmem>>) semaphore(%arg28 : memref<!tpu.dma_semaphore, #tpu.memory_space<semaphore_mem>>) {add = true}
      } else {
      }
      %jit3A_166 = arith.constant 4 : i32
      %eq3A_167 = arith.constant 0 : i32
      %eq3A_168 = arith.cmpi eq, %jit3A_166, %eq3A_167 : i32
      %jit3A_169 = arith.constant 1 : i32
      %select_n3A_170 = arith.select %eq3A_168, %jit3A_169, %jit3A_166 : i32
      %rem3A_171 = arith.remsi %scan3A_134, %select_n3A_170 : i32
      %ne3A_172 = arith.constant 0 : i32
      %ne3A_173 = arith.cmpi ne, %rem3A_171, %ne3A_172 : i32
      %lt3A_174 = arith.constant 0 : i32
      %lt3A_175 = arith.cmpi slt, %rem3A_171, %lt3A_174 : i32
      %lt3A_176 = arith.constant 0 : i32
      %lt3A_177 = arith.cmpi slt, %select_n3A_170, %lt3A_176 : i32
      %ne3A_178 = arith.xori %lt3A_175, %lt3A_177 : i1
      %and3A_179 = arith.andi %ne3A_178, %ne3A_173 : i1
      %add3A_180 = arith.addi %rem3A_171, %select_n3A_170 : i32
      %select_n3A_181 = arith.select %and3A_179, %add3A_180, %rem3A_171 : i32
      %eq3A_182 = arith.constant 1 : i32
      %eq3A_183 = arith.cmpi eq, %select_n3A_181, %eq3A_182 : i32
      %convert_element_type3A_184 = arith.extui %eq3A_183 : i1 to i32
      %cond3A_185 = arith.constant 0 : i32
      %cond3A_186 = arith.cmpi ne, %convert_element_type3A_184, %cond3A_185 : i32
      scf.if %cond3A_186 {
        %dma_wait3A_230 = arith.constant 0 : i32
        %dma_wait3A_231 = arith.constant 0 : i32
        %dma_wait3A_232 = tpu.memref_slice %arg2[%dma_wait3A_230, %dma_wait3A_231] : memref<40960x128xf32, #tpu.memory_space<hbm>> -> memref<80x128xf32, #tpu.memory_space<hbm>>
        %dma_wait3A_233 = arith.constant 0 : i32
        %dma_wait3A_234 = arith.constant 0 : i32
        %dma_wait3A_235 = tpu.memref_slice %arg2[%dma_wait3A_233, %dma_wait3A_234] : memref<40960x128xf32, #tpu.memory_space<hbm>> -> memref<80x128xf32, #tpu.memory_space<hbm>>
        tpu.wait_dma2 semaphore(%arg25 : memref<!tpu.dma_semaphore, #tpu.memory_space<semaphore_mem>>) src(%dma_wait3A_235 : memref<80x128xf32, #tpu.memory_space<hbm>>) dst(%arg16 : memref<80x128xf32, #tpu.memory_space<vmem>>)
        %dma_start3A_236 = arith.constant 0 : i32
        %dma_start3A_237 = arith.constant 0 : i32
        %dma_start3A_238 = tpu.memref_slice %arg19[%dma_start3A_236, %dma_start3A_237] : memref<10240x128xf32, #tpu.memory_space<vmem_shared>> -> memref<10240x128xf32, #tpu.memory_space<vmem_shared>>
        tpu.enqueue_indirect_dma source(%arg16 : memref<80x128xf32, #tpu.memory_space<vmem>>) target(%dma_start3A_238 : memref<10240x128xf32, #tpu.memory_space<vmem_shared>>) offsets(%arg8 : memref<80xi32, #tpu.memory_space<vmem>>) semaphore(%arg29 : memref<!tpu.dma_semaphore, #tpu.memory_space<semaphore_mem>>) {add = true}
      } else {
      }
      %jit3A_187 = arith.constant 4 : i32
      %eq3A_188 = arith.constant 0 : i32
      %eq3A_189 = arith.cmpi eq, %jit3A_187, %eq3A_188 : i32
      %jit3A_190 = arith.constant 1 : i32
      %select_n3A_191 = arith.select %eq3A_189, %jit3A_190, %jit3A_187 : i32
      %rem3A_192 = arith.remsi %scan3A_134, %select_n3A_191 : i32
      %ne3A_193 = arith.constant 0 : i32
      %ne3A_194 = arith.cmpi ne, %rem3A_192, %ne3A_193 : i32
      %lt3A_195 = arith.constant 0 : i32
      %lt3A_196 = arith.cmpi slt, %rem3A_192, %lt3A_195 : i32
      %lt3A_197 = arith.constant 0 : i32
      %lt3A_198 = arith.cmpi slt, %select_n3A_191, %lt3A_197 : i32
      %ne3A_199 = arith.xori %lt3A_196, %lt3A_198 : i1
      %and3A_200 = arith.andi %ne3A_199, %ne3A_194 : i1
      %add3A_201 = arith.addi %rem3A_192, %select_n3A_191 : i32
      %select_n3A_202 = arith.select %and3A_200, %add3A_201, %rem3A_192 : i32
      %eq3A_203 = arith.constant 2 : i32
      %eq3A_204 = arith.cmpi eq, %select_n3A_202, %eq3A_203 : i32
      %convert_element_type3A_205 = arith.extui %eq3A_204 : i1 to i32
      %cond3A_206 = arith.constant 0 : i32
      %cond3A_207 = arith.cmpi ne, %convert_element_type3A_205, %cond3A_206 : i32
      scf.if %cond3A_207 {
        %dma_wait3A_230 = arith.constant 0 : i32
        %dma_wait3A_231 = arith.constant 0 : i32
        %dma_wait3A_232 = tpu.memref_slice %arg2[%dma_wait3A_230, %dma_wait3A_231] : memref<40960x128xf32, #tpu.memory_space<hbm>> -> memref<80x128xf32, #tpu.memory_space<hbm>>
        %dma_wait3A_233 = arith.constant 0 : i32
        %dma_wait3A_234 = arith.constant 0 : i32
        %dma_wait3A_235 = tpu.memref_slice %arg2[%dma_wait3A_233, %dma_wait3A_234] : memref<40960x128xf32, #tpu.memory_space<hbm>> -> memref<80x128xf32, #tpu.memory_space<hbm>>
        tpu.wait_dma2 semaphore(%arg26 : memref<!tpu.dma_semaphore, #tpu.memory_space<semaphore_mem>>) src(%dma_wait3A_235 : memref<80x128xf32, #tpu.memory_space<hbm>>) dst(%arg17 : memref<80x128xf32, #tpu.memory_space<vmem>>)
        %dma_start3A_236 = arith.constant 0 : i32
        %dma_start3A_237 = arith.constant 0 : i32
        %dma_start3A_238 = tpu.memref_slice %arg19[%dma_start3A_236, %dma_start3A_237] : memref<10240x128xf32, #tpu.memory_space<vmem_shared>> -> memref<10240x128xf32, #tpu.memory_space<vmem_shared>>
        tpu.enqueue_indirect_dma source(%arg17 : memref<80x128xf32, #tpu.memory_space<vmem>>) target(%dma_start3A_238 : memref<10240x128xf32, #tpu.memory_space<vmem_shared>>) offsets(%arg9 : memref<80xi32, #tpu.memory_space<vmem>>) semaphore(%arg30 : memref<!tpu.dma_semaphore, #tpu.memory_space<semaphore_mem>>) {add = true}
      } else {
      }
      %jit3A_208 = arith.constant 4 : i32
      %eq3A_209 = arith.constant 0 : i32
      %eq3A_210 = arith.cmpi eq, %jit3A_208, %eq3A_209 : i32
      %jit3A_211 = arith.constant 1 : i32
      %select_n3A_212 = arith.select %eq3A_210, %jit3A_211, %jit3A_208 : i32
      %rem3A_213 = arith.remsi %scan3A_134, %select_n3A_212 : i32
      %ne3A_214 = arith.constant 0 : i32
      %ne3A_215 = arith.cmpi ne, %rem3A_213, %ne3A_214 : i32
      %lt3A_216 = arith.constant 0 : i32
      %lt3A_217 = arith.cmpi slt, %rem3A_213, %lt3A_216 : i32
      %lt3A_218 = arith.constant 0 : i32
      %lt3A_219 = arith.cmpi slt, %select_n3A_212, %lt3A_218 : i32
      %ne3A_220 = arith.xori %lt3A_217, %lt3A_219 : i1
      %and3A_221 = arith.andi %ne3A_220, %ne3A_215 : i1
      %add3A_222 = arith.addi %rem3A_213, %select_n3A_212 : i32
      %select_n3A_223 = arith.select %and3A_221, %add3A_222, %rem3A_213 : i32
      %eq3A_224 = arith.constant 3 : i32
      %eq3A_225 = arith.cmpi eq, %select_n3A_223, %eq3A_224 : i32
      %convert_element_type3A_226 = arith.extui %eq3A_225 : i1 to i32
      %cond3A_227 = arith.constant 0 : i32
      %cond3A_228 = arith.cmpi ne, %convert_element_type3A_226, %cond3A_227 : i32
      scf.if %cond3A_228 {
        %dma_wait3A_230 = arith.constant 0 : i32
        %dma_wait3A_231 = arith.constant 0 : i32
        %dma_wait3A_232 = tpu.memref_slice %arg2[%dma_wait3A_230, %dma_wait3A_231] : memref<40960x128xf32, #tpu.memory_space<hbm>> -> memref<80x128xf32, #tpu.memory_space<hbm>>
        %dma_wait3A_233 = arith.constant 0 : i32
        %dma_wait3A_234 = arith.constant 0 : i32
        %dma_wait3A_235 = tpu.memref_slice %arg2[%dma_wait3A_233, %dma_wait3A_234] : memref<40960x128xf32, #tpu.memory_space<hbm>> -> memref<80x128xf32, #tpu.memory_space<hbm>>
        tpu.wait_dma2 semaphore(%arg27 : memref<!tpu.dma_semaphore, #tpu.memory_space<semaphore_mem>>) src(%dma_wait3A_235 : memref<80x128xf32, #tpu.memory_space<hbm>>) dst(%arg18 : memref<80x128xf32, #tpu.memory_space<vmem>>)
        %dma_start3A_236 = arith.constant 0 : i32
        %dma_start3A_237 = arith.constant 0 : i32
        %dma_start3A_238 = tpu.memref_slice %arg19[%dma_start3A_236, %dma_start3A_237] : memref<10240x128xf32, #tpu.memory_space<vmem_shared>> -> memref<10240x128xf32, #tpu.memory_space<vmem_shared>>
        tpu.enqueue_indirect_dma source(%arg18 : memref<80x128xf32, #tpu.memory_space<vmem>>) target(%dma_start3A_238 : memref<10240x128xf32, #tpu.memory_space<vmem_shared>>) offsets(%arg10 : memref<80xi32, #tpu.memory_space<vmem>>) semaphore(%arg31 : memref<!tpu.dma_semaphore, #tpu.memory_space<semaphore_mem>>) {add = true}
      } else {
      }
      %scan3A_229 = arith.constant 0 : i32
      scf.yield %scan3A_229 : i32
    }
    %scan3A_114 = arith.constant 125 : i32
    %dma_wait3A_115 = arith.constant 0 : i32
    %dma_wait3A_116 = arith.constant 0 : i32
    %dma_wait3A_117 = tpu.memref_slice %arg2[%dma_wait3A_115, %dma_wait3A_116] : memref<40960x128xf32, #tpu.memory_space<hbm>> -> memref<80x128xf32, #tpu.memory_space<hbm>>
    %dma_wait3A_118 = arith.constant 0 : i32
    %dma_wait3A_119 = arith.constant 0 : i32
    %dma_wait3A_120 = tpu.memref_slice %arg2[%dma_wait3A_118, %dma_wait3A_119] : memref<40960x128xf32, #tpu.memory_space<hbm>> -> memref<80x128xf32, #tpu.memory_space<hbm>>
    tpu.wait_dma2 semaphore(%arg28 : memref<!tpu.dma_semaphore, #tpu.memory_space<semaphore_mem>>) src(%dma_wait3A_120 : memref<80x128xf32, #tpu.memory_space<hbm>>) dst(%arg15 : memref<80x128xf32, #tpu.memory_space<vmem>>)
    %dma_wait3A_121 = arith.constant 0 : i32
    %dma_wait3A_122 = arith.constant 0 : i32
    %dma_wait3A_123 = tpu.memref_slice %arg2[%dma_wait3A_121, %dma_wait3A_122] : memref<40960x128xf32, #tpu.memory_space<hbm>> -> memref<80x128xf32, #tpu.memory_space<hbm>>
    %dma_wait3A_124 = arith.constant 0 : i32
    %dma_wait3A_125 = arith.constant 0 : i32
    %dma_wait3A_126 = tpu.memref_slice %arg2[%dma_wait3A_124, %dma_wait3A_125] : memref<40960x128xf32, #tpu.memory_space<hbm>> -> memref<80x128xf32, #tpu.memory_space<hbm>>
    tpu.wait_dma2 semaphore(%arg31 : memref<!tpu.dma_semaphore, #tpu.memory_space<semaphore_mem>>) src(%dma_wait3A_126 : memref<80x128xf32, #tpu.memory_space<hbm>>) dst(%arg18 : memref<80x128xf32, #tpu.memory_space<vmem>>)
    %barrier3A_127 = arith.constant 0 : index
    tpu.barrier barrier_id(%barrier3A_127)
    %mul3A_128 = arith.constant 640 : i32
    %mul3A_129 = arith.muli %arg1, %mul3A_128 : i32
    %mul3A_130 = arith.constant 640 : i32
    %mul3A_131 = arith.muli %arg1, %mul3A_130 : i32
    %add3A_132 = arith.addi %mul3A_70, %mul3A_131 : i32
    "tpu.region"() ({
      %run_scoped3A = tpu.sem_alloc : memref<!tpu.dma_semaphore, #tpu.memory_space<semaphore_mem>>
      %dma_start3A_134 = arith.constant 0 : i32
      %dma_start3A_135 = tpu.memref_slice %arg6[%add3A_132, %dma_start3A_134] : memref<40960x128xf32, #tpu.memory_space<hbm>> -> memref<640x128xf32, #tpu.memory_space<hbm>>
      %dma_start3A_136 = arith.constant 0 : i32
      %dma_start3A_137 = tpu.memref_slice %arg19[%mul3A_129, %dma_start3A_136] : memref<10240x128xf32, #tpu.memory_space<vmem_shared>> -> memref<640x128xf32, #tpu.memory_space<vmem_shared>>
      tpu.enqueue_dma source(%dma_start3A_137 : memref<640x128xf32, #tpu.memory_space<vmem_shared>>) target(%dma_start3A_135 : memref<640x128xf32, #tpu.memory_space<hbm>>) target_semaphore(%run_scoped3A : memref<!tpu.dma_semaphore, #tpu.memory_space<semaphore_mem>>)
      %dma_wait3A_138 = arith.constant 0 : i32
      %dma_wait3A_139 = tpu.memref_slice %arg6[%add3A_132, %dma_wait3A_138] : memref<40960x128xf32, #tpu.memory_space<hbm>> -> memref<640x128xf32, #tpu.memory_space<hbm>>
      %dma_wait3A_140 = arith.constant 0 : i32
      %dma_wait3A_141 = tpu.memref_slice %arg19[%mul3A_129, %dma_wait3A_140] : memref<10240x128xf32, #tpu.memory_space<vmem_shared>> -> memref<640x128xf32, #tpu.memory_space<vmem_shared>>
      tpu.wait_dma2 semaphore(%run_scoped3A : memref<!tpu.dma_semaphore, #tpu.memory_space<semaphore_mem>>) src(%dma_wait3A_141 : memref<640x128xf32, #tpu.memory_space<vmem_shared>>) dst(%dma_wait3A_139 : memref<640x128xf32, #tpu.memory_space<hbm>>)
      tpu.yield
    }) : () -> ()
    %barrier3A_133 = arith.constant 0 : index
    tpu.barrier barrier_id(%barrier3A_133)
    return
  }
}

#map = affine_map<(d0, d1) -> (0, 0)>
#map1 = affine_map<(d0, d1) -> (0)>
module attributes {stable_mosaic.version = 14 : i64} {
  func.func @_spmm_body(%arg0: i32, %arg1: i32, %arg2: memref<20480x128xf32, #tpu.memory_space<hbm>>, %arg3: memref<160000xi32, #tpu.memory_space<hbm>>, %arg4: memref<160000xi32, #tpu.memory_space<hbm>>, %arg5: memref<640x128xf32, #tpu.memory_space<hbm>>, %arg6: memref<20480x128xf32, #tpu.memory_space<hbm>>, %arg7: memref<80xi32, #tpu.memory_space<vmem>>, %arg8: memref<80xi32, #tpu.memory_space<vmem>>, %arg9: memref<80xi32, #tpu.memory_space<vmem>>, %arg10: memref<80xi32, #tpu.memory_space<vmem>>, %arg11: memref<80xi32, #tpu.memory_space<vmem>>, %arg12: memref<80xi32, #tpu.memory_space<vmem>>, %arg13: memref<80xi32, #tpu.memory_space<vmem>>, %arg14: memref<80xi32, #tpu.memory_space<vmem>>, %arg15: memref<80x128xf32, #tpu.memory_space<vmem>>, %arg16: memref<80x128xf32, #tpu.memory_space<vmem>>, %arg17: memref<80x128xf32, #tpu.memory_space<vmem>>, %arg18: memref<80x128xf32, #tpu.memory_space<vmem>>, %arg19: memref<10240x128xf32, #tpu.memory_space<vmem_shared>>, %arg20: memref<!tpu.dma_semaphore, #tpu.memory_space<semaphore_mem>>, %arg21: memref<!tpu.dma_semaphore, #tpu.memory_space<semaphore_mem>>, %arg22: memref<!tpu.dma_semaphore, #tpu.memory_space<semaphore_mem>>, %arg23: memref<!tpu.dma_semaphore, #tpu.memory_space<semaphore_mem>>, %arg24: memref<!tpu.dma_semaphore, #tpu.memory_space<semaphore_mem>>, %arg25: memref<!tpu.dma_semaphore, #tpu.memory_space<semaphore_mem>>, %arg26: memref<!tpu.dma_semaphore, #tpu.memory_space<semaphore_mem>>, %arg27: memref<!tpu.dma_semaphore, #tpu.memory_space<semaphore_mem>>, %arg28: memref<!tpu.dma_semaphore, #tpu.memory_space<semaphore_mem>>, %arg29: memref<!tpu.dma_semaphore, #tpu.memory_space<semaphore_mem>>, %arg30: memref<!tpu.dma_semaphore, #tpu.memory_space<semaphore_mem>>, %arg31: memref<!tpu.dma_semaphore, #tpu.memory_space<semaphore_mem>>) attributes {dimension_semantics = [#tpu.dimension_semantics<core_parallel>, #tpu.dimension_semantics<subcore_parallel>], iteration_bounds = array<i64: 2, 16>, scalar_prefetch = 0 : i64, scratch_operands = 25 : i64, tpu.core_type = #tpu.core_type<sc_vector_subcore>, window_params = [{transform_indices = #map}, {transform_indices = #map1}, {transform_indices = #map1}, {transform_indices = #map}, {transform_indices = #map}]} {
    %mul3A = arith.constant 10000 : i32
    %mul3A_0 = arith.muli %arg1, %mul3A : i32
    %mul3A_1 = arith.constant 1 : i32
    %mul3A_2 = arith.muli %arg0, %mul3A_1 : i32
    %add3A = arith.constant 0 : i32
    %add3A_3 = arith.addi %mul3A_2, %add3A : i32
    %mul3A_4 = arith.constant 10240 : i32
    %mul3A_5 = arith.muli %add3A_3, %mul3A_4 : i32
    %mul3A_6 = arith.constant 640 : i32
    %mul3A_7 = arith.muli %arg1, %mul3A_6 : i32
    "tpu.region"() ({
      %run_scoped3A = tpu.sem_alloc : memref<!tpu.dma_semaphore, #tpu.memory_space<semaphore_mem>>
      %dma_start3A_65 = arith.constant 0 : i32
      %dma_start3A_66 = tpu.memref_slice %arg19[%mul3A_7, %dma_start3A_65] : memref<10240x128xf32, #tpu.memory_space<vmem_shared>> -> memref<640x128xf32, #tpu.memory_space<vmem_shared>>
      tpu.enqueue_dma source(%arg5 : memref<640x128xf32, #tpu.memory_space<hbm>>) target(%dma_start3A_66 : memref<640x128xf32, #tpu.memory_space<vmem_shared>>) target_semaphore(%run_scoped3A : memref<!tpu.dma_semaphore, #tpu.memory_space<semaphore_mem>>)
      %dma_wait3A_67 = arith.constant 0 : i32
      %dma_wait3A_68 = tpu.memref_slice %arg19[%mul3A_7, %dma_wait3A_67] : memref<10240x128xf32, #tpu.memory_space<vmem_shared>> -> memref<640x128xf32, #tpu.memory_space<vmem_shared>>
      tpu.wait_dma2 semaphore(%run_scoped3A : memref<!tpu.dma_semaphore, #tpu.memory_space<semaphore_mem>>) src(%arg5 : memref<640x128xf32, #tpu.memory_space<hbm>>) dst(%dma_wait3A_68 : memref<640x128xf32, #tpu.memory_space<vmem_shared>>)
      tpu.yield
    }) : () -> ()
    %barrier3A = arith.constant 0 : index
    tpu.barrier barrier_id(%barrier3A)
    %add3A_8 = arith.constant 0 : i32
    %add3A_9 = arith.addi %mul3A_0, %add3A_8 : i32
    %dma_start3A = tpu.memref_slice %arg3[%add3A_9] : memref<160000xi32, #tpu.memory_space<hbm>> -> memref<80xi32, #tpu.memory_space<hbm>>
    %dma_start3A_10 = tpu.memref_slice %arg3[%add3A_9] : memref<160000xi32, #tpu.memory_space<hbm>> -> memref<80xi32, #tpu.memory_space<hbm>>
    tpu.enqueue_dma source(%dma_start3A_10 : memref<80xi32, #tpu.memory_space<hbm>>) target(%arg7 : memref<80xi32, #tpu.memory_space<vmem>>) target_semaphore(%arg20 : memref<!tpu.dma_semaphore, #tpu.memory_space<semaphore_mem>>)
    %add3A_11 = arith.constant 0 : i32
    %add3A_12 = arith.addi %mul3A_0, %add3A_11 : i32
    %dma_start3A_13 = tpu.memref_slice %arg4[%add3A_12] : memref<160000xi32, #tpu.memory_space<hbm>> -> memref<80xi32, #tpu.memory_space<hbm>>
    %dma_start3A_14 = tpu.memref_slice %arg4[%add3A_12] : memref<160000xi32, #tpu.memory_space<hbm>> -> memref<80xi32, #tpu.memory_space<hbm>>
    tpu.enqueue_dma source(%dma_start3A_14 : memref<80xi32, #tpu.memory_space<hbm>>) target(%arg11 : memref<80xi32, #tpu.memory_space<vmem>>) target_semaphore(%arg20 : memref<!tpu.dma_semaphore, #tpu.memory_space<semaphore_mem>>)
    %add3A_15 = arith.constant 80 : i32
    %add3A_16 = arith.addi %mul3A_0, %add3A_15 : i32
    %dma_start3A_17 = tpu.memref_slice %arg3[%add3A_16] : memref<160000xi32, #tpu.memory_space<hbm>> -> memref<80xi32, #tpu.memory_space<hbm>>
    %dma_start3A_18 = tpu.memref_slice %arg3[%add3A_16] : memref<160000xi32, #tpu.memory_space<hbm>> -> memref<80xi32, #tpu.memory_space<hbm>>
    tpu.enqueue_dma source(%dma_start3A_18 : memref<80xi32, #tpu.memory_space<hbm>>) target(%arg8 : memref<80xi32, #tpu.memory_space<vmem>>) target_semaphore(%arg21 : memref<!tpu.dma_semaphore, #tpu.memory_space<semaphore_mem>>)
    %add3A_19 = arith.constant 80 : i32
    %add3A_20 = arith.addi %mul3A_0, %add3A_19 : i32
    %dma_start3A_21 = tpu.memref_slice %arg4[%add3A_20] : memref<160000xi32, #tpu.memory_space<hbm>> -> memref<80xi32, #tpu.memory_space<hbm>>
    %dma_start3A_22 = tpu.memref_slice %arg4[%add3A_20] : memref<160000xi32, #tpu.memory_space<hbm>> -> memref<80xi32, #tpu.memory_space<hbm>>
    tpu.enqueue_dma source(%dma_start3A_22 : memref<80xi32, #tpu.memory_space<hbm>>) target(%arg12 : memref<80xi32, #tpu.memory_space<vmem>>) target_semaphore(%arg21 : memref<!tpu.dma_semaphore, #tpu.memory_space<semaphore_mem>>)
    %dma_wait3A = arith.constant 0 : i32
    %dma_wait3A_23 = tpu.memref_slice %arg3[%dma_wait3A] : memref<160000xi32, #tpu.memory_space<hbm>> -> memref<80xi32, #tpu.memory_space<hbm>>
    %dma_wait3A_24 = arith.constant 0 : i32
    %dma_wait3A_25 = tpu.memref_slice %arg3[%dma_wait3A_24] : memref<160000xi32, #tpu.memory_space<hbm>> -> memref<80xi32, #tpu.memory_space<hbm>>
    tpu.wait_dma2 semaphore(%arg20 : memref<!tpu.dma_semaphore, #tpu.memory_space<semaphore_mem>>) src(%dma_wait3A_25 : memref<80xi32, #tpu.memory_space<hbm>>) dst(%arg7 : memref<80xi32, #tpu.memory_space<vmem>>)
    %dma_wait3A_26 = arith.constant 0 : i32
    %dma_wait3A_27 = tpu.memref_slice %arg4[%dma_wait3A_26] : memref<160000xi32, #tpu.memory_space<hbm>> -> memref<80xi32, #tpu.memory_space<hbm>>
    %dma_wait3A_28 = arith.constant 0 : i32
    %dma_wait3A_29 = tpu.memref_slice %arg4[%dma_wait3A_28] : memref<160000xi32, #tpu.memory_space<hbm>> -> memref<80xi32, #tpu.memory_space<hbm>>
    tpu.wait_dma2 semaphore(%arg20 : memref<!tpu.dma_semaphore, #tpu.memory_space<semaphore_mem>>) src(%dma_wait3A_29 : memref<80xi32, #tpu.memory_space<hbm>>) dst(%arg11 : memref<80xi32, #tpu.memory_space<vmem>>)
    %scan3A = arith.constant 0 : i32
    %scan3A_30 = arith.constant 0 : i32
    %scan3A_31 = arith.constant 5 : i32
    %scan3A_32 = arith.addi %scan3A_30, %scan3A_31 : i32
    %scan3A_33 = arith.constant 1 : i32
    %scan3A_34 = scf.for %scan3A_65 = %scan3A_30 to %scan3A_32 step %scan3A_33 iter_args(%scan3A_66 = %scan3A) -> (i32)  : i32 {
      %mul3A_67 = arith.constant 16 : i32
      %mul3A_68 = arith.muli %scan3A_65, %mul3A_67 : i32
      %get3A = arith.index_cast %mul3A_68 : i32 to index
      %get3A_69 = tpu.vector_load %arg11[%get3A] {strides = array<i32>} : memref<80xi32, #tpu.memory_space<vmem>>, vector<16xi32>,
      %add3A_70 = vector.broadcast %mul3A_5 : i32 to vector<16xi32>
      %add3A_71 = arith.addi %get3A_69, %add3A_70 : vector<16xi32>
      %mul3A_72 = arith.constant 16 : i32
      %mul3A_73 = arith.muli %scan3A_65, %mul3A_72 : i32
      %swap3A = arith.index_cast %mul3A_73 : i32 to index
      %swap3A_74 = tpu.vector_load %arg11[%swap3A] {strides = array<i32>} : memref<80xi32, #tpu.memory_space<vmem>>, vector<16xi32>,
      tpu.vector_store %arg11[%swap3A], %add3A_71 {strides = array<i32>} : memref<80xi32, #tpu.memory_space<vmem>>, vector<16xi32>,
      %scan3A_75 = arith.constant 0 : i32
      scf.yield %scan3A_75 : i32
    }
    %scan3A_35 = arith.constant 5 : i32
    %dma_start3A_36 = arith.constant 0 : i32
    %dma_start3A_37 = arith.constant 0 : i32
    %dma_start3A_38 = tpu.memref_slice %arg2[%dma_start3A_36, %dma_start3A_37] : memref<20480x128xf32, #tpu.memory_space<hbm>> -> memref<20480x128xf32, #tpu.memory_space<hbm>>
    tpu.enqueue_indirect_dma source(%dma_start3A_38 : memref<20480x128xf32, #tpu.memory_space<hbm>>) target(%arg15 : memref<80x128xf32, #tpu.memory_space<vmem>>) offsets(%arg11 : memref<80xi32, #tpu.memory_space<vmem>>) semaphore(%arg24 : memref<!tpu.dma_semaphore, #tpu.memory_space<semaphore_mem>>)
    %scan3A_39 = arith.constant 0 : i32
    %scan3A_40 = arith.constant 0 : i32
    %scan3A_41 = arith.constant 125 : i32
    %scan3A_42 = arith.addi %scan3A_40, %scan3A_41 : i32
    %scan3A_43 = arith.constant 1 : i32
    %scan3A_44 = scf.for %scan3A_65 = %scan3A_40 to %scan3A_42 step %scan3A_43 iter_args(%scan3A_66 = %scan3A_39) -> (i32)  : i32 {
      %ge3A = arith.constant 2 : i32
      %ge3A_67 = arith.cmpi sge, %scan3A_65, %ge3A : i32
      %convert_element_type3A = arith.extui %ge3A_67 : i1 to i32
      %cond3A = arith.constant 0 : i32
      %cond3A_68 = arith.cmpi ne, %convert_element_type3A, %cond3A : i32
      scf.if %cond3A_68 {
        %sub3A = arith.constant 2 : i32
        %sub3A_161 = arith.subi %scan3A_65, %sub3A : i32
        %jit3A_162 = arith.constant 4 : i32
        %eq3A_163 = arith.constant 0 : i32
        %eq3A_164 = arith.cmpi eq, %jit3A_162, %eq3A_163 : i32
        %jit3A_165 = arith.constant 1 : i32
        %select_n3A_166 = arith.select %eq3A_164, %jit3A_165, %jit3A_162 : i32
        %rem3A_167 = arith.remsi %sub3A_161, %select_n3A_166 : i32
        %ne3A_168 = arith.constant 0 : i32
        %ne3A_169 = arith.cmpi ne, %rem3A_167, %ne3A_168 : i32
        %lt3A_170 = arith.constant 0 : i32
        %lt3A_171 = arith.cmpi slt, %rem3A_167, %lt3A_170 : i32
        %lt3A_172 = arith.constant 0 : i32
        %lt3A_173 = arith.cmpi slt, %select_n3A_166, %lt3A_172 : i32
        %ne3A_174 = arith.xori %lt3A_171, %lt3A_173 : i1
        %and3A_175 = arith.andi %ne3A_174, %ne3A_169 : i1
        %add3A_176 = arith.addi %rem3A_167, %select_n3A_166 : i32
        %select_n3A_177 = arith.select %and3A_175, %add3A_176, %rem3A_167 : i32
        %eq3A_178 = arith.constant 0 : i32
        %eq3A_179 = arith.cmpi eq, %select_n3A_177, %eq3A_178 : i32
        %convert_element_type3A_180 = arith.extui %eq3A_179 : i1 to i32
        %cond3A_181 = arith.constant 0 : i32
        %cond3A_182 = arith.cmpi ne, %convert_element_type3A_180, %cond3A_181 : i32
        scf.if %cond3A_182 {
          %dma_wait3A_252 = arith.constant 0 : i32
          %dma_wait3A_253 = arith.constant 0 : i32
          %dma_wait3A_254 = tpu.memref_slice %arg2[%dma_wait3A_252, %dma_wait3A_253] : memref<20480x128xf32, #tpu.memory_space<hbm>> -> memref<80x128xf32, #tpu.memory_space<hbm>>
          %dma_wait3A_255 = arith.constant 0 : i32
          %dma_wait3A_256 = arith.constant 0 : i32
          %dma_wait3A_257 = tpu.memref_slice %arg2[%dma_wait3A_255, %dma_wait3A_256] : memref<20480x128xf32, #tpu.memory_space<hbm>> -> memref<80x128xf32, #tpu.memory_space<hbm>>
          tpu.wait_dma2 semaphore(%arg28 : memref<!tpu.dma_semaphore, #tpu.memory_space<semaphore_mem>>) src(%dma_wait3A_257 : memref<80x128xf32, #tpu.memory_space<hbm>>) dst(%arg15 : memref<80x128xf32, #tpu.memory_space<vmem>>)
        } else {
        }
        %sub3A_183 = arith.constant 2 : i32
        %sub3A_184 = arith.subi %scan3A_65, %sub3A_183 : i32
        %jit3A_185 = arith.constant 4 : i32
        %eq3A_186 = arith.constant 0 : i32
        %eq3A_187 = arith.cmpi eq, %jit3A_185, %eq3A_186 : i32
        %jit3A_188 = arith.constant 1 : i32
        %select_n3A_189 = arith.select %eq3A_187, %jit3A_188, %jit3A_185 : i32
        %rem3A_190 = arith.remsi %sub3A_184, %select_n3A_189 : i32
        %ne3A_191 = arith.constant 0 : i32
        %ne3A_192 = arith.cmpi ne, %rem3A_190, %ne3A_191 : i32
        %lt3A_193 = arith.constant 0 : i32
        %lt3A_194 = arith.cmpi slt, %rem3A_190, %lt3A_193 : i32
        %lt3A_195 = arith.constant 0 : i32
        %lt3A_196 = arith.cmpi slt, %select_n3A_189, %lt3A_195 : i32
        %ne3A_197 = arith.xori %lt3A_194, %lt3A_196 : i1
        %and3A_198 = arith.andi %ne3A_197, %ne3A_192 : i1
        %add3A_199 = arith.addi %rem3A_190, %select_n3A_189 : i32
        %select_n3A_200 = arith.select %and3A_198, %add3A_199, %rem3A_190 : i32
        %eq3A_201 = arith.constant 1 : i32
        %eq3A_202 = arith.cmpi eq, %select_n3A_200, %eq3A_201 : i32
        %convert_element_type3A_203 = arith.extui %eq3A_202 : i1 to i32
        %cond3A_204 = arith.constant 0 : i32
        %cond3A_205 = arith.cmpi ne, %convert_element_type3A_203, %cond3A_204 : i32
        scf.if %cond3A_205 {
          %dma_wait3A_252 = arith.constant 0 : i32
          %dma_wait3A_253 = arith.constant 0 : i32
          %dma_wait3A_254 = tpu.memref_slice %arg2[%dma_wait3A_252, %dma_wait3A_253] : memref<20480x128xf32, #tpu.memory_space<hbm>> -> memref<80x128xf32, #tpu.memory_space<hbm>>
          %dma_wait3A_255 = arith.constant 0 : i32
          %dma_wait3A_256 = arith.constant 0 : i32
          %dma_wait3A_257 = tpu.memref_slice %arg2[%dma_wait3A_255, %dma_wait3A_256] : memref<20480x128xf32, #tpu.memory_space<hbm>> -> memref<80x128xf32, #tpu.memory_space<hbm>>
          tpu.wait_dma2 semaphore(%arg29 : memref<!tpu.dma_semaphore, #tpu.memory_space<semaphore_mem>>) src(%dma_wait3A_257 : memref<80x128xf32, #tpu.memory_space<hbm>>) dst(%arg16 : memref<80x128xf32, #tpu.memory_space<vmem>>)
        } else {
        }
        %sub3A_206 = arith.constant 2 : i32
        %sub3A_207 = arith.subi %scan3A_65, %sub3A_206 : i32
        %jit3A_208 = arith.constant 4 : i32
        %eq3A_209 = arith.constant 0 : i32
        %eq3A_210 = arith.cmpi eq, %jit3A_208, %eq3A_209 : i32
        %jit3A_211 = arith.constant 1 : i32
        %select_n3A_212 = arith.select %eq3A_210, %jit3A_211, %jit3A_208 : i32
        %rem3A_213 = arith.remsi %sub3A_207, %select_n3A_212 : i32
        %ne3A_214 = arith.constant 0 : i32
        %ne3A_215 = arith.cmpi ne, %rem3A_213, %ne3A_214 : i32
        %lt3A_216 = arith.constant 0 : i32
        %lt3A_217 = arith.cmpi slt, %rem3A_213, %lt3A_216 : i32
        %lt3A_218 = arith.constant 0 : i32
        %lt3A_219 = arith.cmpi slt, %select_n3A_212, %lt3A_218 : i32
        %ne3A_220 = arith.xori %lt3A_217, %lt3A_219 : i1
        %and3A_221 = arith.andi %ne3A_220, %ne3A_215 : i1
        %add3A_222 = arith.addi %rem3A_213, %select_n3A_212 : i32
        %select_n3A_223 = arith.select %and3A_221, %add3A_222, %rem3A_213 : i32
        %eq3A_224 = arith.constant 2 : i32
        %eq3A_225 = arith.cmpi eq, %select_n3A_223, %eq3A_224 : i32
        %convert_element_type3A_226 = arith.extui %eq3A_225 : i1 to i32
        %cond3A_227 = arith.constant 0 : i32
        %cond3A_228 = arith.cmpi ne, %convert_element_type3A_226, %cond3A_227 : i32
        scf.if %cond3A_228 {
          %dma_wait3A_252 = arith.constant 0 : i32
          %dma_wait3A_253 = arith.constant 0 : i32
          %dma_wait3A_254 = tpu.memref_slice %arg2[%dma_wait3A_252, %dma_wait3A_253] : memref<20480x128xf32, #tpu.memory_space<hbm>> -> memref<80x128xf32, #tpu.memory_space<hbm>>
          %dma_wait3A_255 = arith.constant 0 : i32
          %dma_wait3A_256 = arith.constant 0 : i32
          %dma_wait3A_257 = tpu.memref_slice %arg2[%dma_wait3A_255, %dma_wait3A_256] : memref<20480x128xf32, #tpu.memory_space<hbm>> -> memref<80x128xf32, #tpu.memory_space<hbm>>
          tpu.wait_dma2 semaphore(%arg30 : memref<!tpu.dma_semaphore, #tpu.memory_space<semaphore_mem>>) src(%dma_wait3A_257 : memref<80x128xf32, #tpu.memory_space<hbm>>) dst(%arg17 : memref<80x128xf32, #tpu.memory_space<vmem>>)
        } else {
        }
        %sub3A_229 = arith.constant 2 : i32
        %sub3A_230 = arith.subi %scan3A_65, %sub3A_229 : i32
        %jit3A_231 = arith.constant 4 : i32
        %eq3A_232 = arith.constant 0 : i32
        %eq3A_233 = arith.cmpi eq, %jit3A_231, %eq3A_232 : i32
        %jit3A_234 = arith.constant 1 : i32
        %select_n3A_235 = arith.select %eq3A_233, %jit3A_234, %jit3A_231 : i32
        %rem3A_236 = arith.remsi %sub3A_230, %select_n3A_235 : i32
        %ne3A_237 = arith.constant 0 : i32
        %ne3A_238 = arith.cmpi ne, %rem3A_236, %ne3A_237 : i32
        %lt3A_239 = arith.constant 0 : i32
        %lt3A_240 = arith.cmpi slt, %rem3A_236, %lt3A_239 : i32
        %lt3A_241 = arith.constant 0 : i32
        %lt3A_242 = arith.cmpi slt, %select_n3A_235, %lt3A_241 : i32
        %ne3A_243 = arith.xori %lt3A_240, %lt3A_242 : i1
        %and3A_244 = arith.andi %ne3A_243, %ne3A_238 : i1
        %add3A_245 = arith.addi %rem3A_236, %select_n3A_235 : i32
        %select_n3A_246 = arith.select %and3A_244, %add3A_245, %rem3A_236 : i32
        %eq3A_247 = arith.constant 3 : i32
        %eq3A_248 = arith.cmpi eq, %select_n3A_246, %eq3A_247 : i32
        %convert_element_type3A_249 = arith.extui %eq3A_248 : i1 to i32
        %cond3A_250 = arith.constant 0 : i32
        %cond3A_251 = arith.cmpi ne, %convert_element_type3A_249, %cond3A_250 : i32
        scf.if %cond3A_251 {
          %dma_wait3A_252 = arith.constant 0 : i32
          %dma_wait3A_253 = arith.constant 0 : i32
          %dma_wait3A_254 = tpu.memref_slice %arg2[%dma_wait3A_252, %dma_wait3A_253] : memref<20480x128xf32, #tpu.memory_space<hbm>> -> memref<80x128xf32, #tpu.memory_space<hbm>>
          %dma_wait3A_255 = arith.constant 0 : i32
          %dma_wait3A_256 = arith.constant 0 : i32
          %dma_wait3A_257 = tpu.memref_slice %arg2[%dma_wait3A_255, %dma_wait3A_256] : memref<20480x128xf32, #tpu.memory_space<hbm>> -> memref<80x128xf32, #tpu.memory_space<hbm>>
          tpu.wait_dma2 semaphore(%arg31 : memref<!tpu.dma_semaphore, #tpu.memory_space<semaphore_mem>>) src(%dma_wait3A_257 : memref<80x128xf32, #tpu.memory_space<hbm>>) dst(%arg18 : memref<80x128xf32, #tpu.memory_space<vmem>>)
        } else {
        }
      } else {
      }
      %add3A_69 = arith.constant 2 : i32
      %add3A_70 = arith.addi %scan3A_65, %add3A_69 : i32
      %lt3A = arith.constant 125 : i32
      %lt3A_71 = arith.cmpi slt, %add3A_70, %lt3A : i32
      %convert_element_type3A_72 = arith.extui %lt3A_71 : i1 to i32
      %cond3A_73 = arith.constant 0 : i32
      %cond3A_74 = arith.cmpi ne, %convert_element_type3A_72, %cond3A_73 : i32
      scf.if %cond3A_74 {
        %add3A_161 = arith.constant 2 : i32
        %add3A_162 = arith.addi %scan3A_65, %add3A_161 : i32
        %jit3A_163 = arith.constant 4 : i32
        %eq3A_164 = arith.constant 0 : i32
        %eq3A_165 = arith.cmpi eq, %jit3A_163, %eq3A_164 : i32
        %jit3A_166 = arith.constant 1 : i32
        %select_n3A_167 = arith.select %eq3A_165, %jit3A_166, %jit3A_163 : i32
        %rem3A_168 = arith.remsi %add3A_162, %select_n3A_167 : i32
        %ne3A_169 = arith.constant 0 : i32
        %ne3A_170 = arith.cmpi ne, %rem3A_168, %ne3A_169 : i32
        %lt3A_171 = arith.constant 0 : i32
        %lt3A_172 = arith.cmpi slt, %rem3A_168, %lt3A_171 : i32
        %lt3A_173 = arith.constant 0 : i32
        %lt3A_174 = arith.cmpi slt, %select_n3A_167, %lt3A_173 : i32
        %ne3A_175 = arith.xori %lt3A_172, %lt3A_174 : i1
        %and3A_176 = arith.andi %ne3A_175, %ne3A_170 : i1
        %add3A_177 = arith.addi %rem3A_168, %select_n3A_167 : i32
        %select_n3A_178 = arith.select %and3A_176, %add3A_177, %rem3A_168 : i32
        %eq3A_179 = arith.constant 0 : i32
        %eq3A_180 = arith.cmpi eq, %select_n3A_178, %eq3A_179 : i32
        %convert_element_type3A_181 = arith.extui %eq3A_180 : i1 to i32
        %cond3A_182 = arith.constant 0 : i32
        %cond3A_183 = arith.cmpi ne, %convert_element_type3A_181, %cond3A_182 : i32
        scf.if %cond3A_183 {
          %add3A_253 = arith.constant 2 : i32
          %add3A_254 = arith.addi %scan3A_65, %add3A_253 : i32
          %mul3A_255 = arith.constant 80 : i32
          %mul3A_256 = arith.muli %add3A_254, %mul3A_255 : i32
          %add3A_257 = arith.addi %mul3A_0, %mul3A_256 : i32
          %dma_start3A_258 = tpu.memref_slice %arg3[%add3A_257] : memref<160000xi32, #tpu.memory_space<hbm>> -> memref<80xi32, #tpu.memory_space<hbm>>
          %dma_start3A_259 = tpu.memref_slice %arg3[%add3A_257] : memref<160000xi32, #tpu.memory_space<hbm>> -> memref<80xi32, #tpu.memory_space<hbm>>
          tpu.enqueue_dma source(%dma_start3A_259 : memref<80xi32, #tpu.memory_space<hbm>>) target(%arg7 : memref<80xi32, #tpu.memory_space<vmem>>) target_semaphore(%arg20 : memref<!tpu.dma_semaphore, #tpu.memory_space<semaphore_mem>>)
          %mul3A_260 = arith.constant 80 : i32
          %mul3A_261 = arith.muli %add3A_254, %mul3A_260 : i32
          %add3A_262 = arith.addi %mul3A_0, %mul3A_261 : i32
          %dma_start3A_263 = tpu.memref_slice %arg4[%add3A_262] : memref<160000xi32, #tpu.memory_space<hbm>> -> memref<80xi32, #tpu.memory_space<hbm>>
          %dma_start3A_264 = tpu.memref_slice %arg4[%add3A_262] : memref<160000xi32, #tpu.memory_space<hbm>> -> memref<80xi32, #tpu.memory_space<hbm>>
          tpu.enqueue_dma source(%dma_start3A_264 : memref<80xi32, #tpu.memory_space<hbm>>) target(%arg11 : memref<80xi32, #tpu.memory_space<vmem>>) target_semaphore(%arg20 : memref<!tpu.dma_semaphore, #tpu.memory_space<semaphore_mem>>)
        } else {
        }
        %add3A_184 = arith.constant 2 : i32
        %add3A_185 = arith.addi %scan3A_65, %add3A_184 : i32
        %jit3A_186 = arith.constant 4 : i32
        %eq3A_187 = arith.constant 0 : i32
        %eq3A_188 = arith.cmpi eq, %jit3A_186, %eq3A_187 : i32
        %jit3A_189 = arith.constant 1 : i32
        %select_n3A_190 = arith.select %eq3A_188, %jit3A_189, %jit3A_186 : i32
        %rem3A_191 = arith.remsi %add3A_185, %select_n3A_190 : i32
        %ne3A_192 = arith.constant 0 : i32
        %ne3A_193 = arith.cmpi ne, %rem3A_191, %ne3A_192 : i32
        %lt3A_194 = arith.constant 0 : i32
        %lt3A_195 = arith.cmpi slt, %rem3A_191, %lt3A_194 : i32
        %lt3A_196 = arith.constant 0 : i32
        %lt3A_197 = arith.cmpi slt, %select_n3A_190, %lt3A_196 : i32
        %ne3A_198 = arith.xori %lt3A_195, %lt3A_197 : i1
        %and3A_199 = arith.andi %ne3A_198, %ne3A_193 : i1
        %add3A_200 = arith.addi %rem3A_191, %select_n3A_190 : i32
        %select_n3A_201 = arith.select %and3A_199, %add3A_200, %rem3A_191 : i32
        %eq3A_202 = arith.constant 1 : i32
        %eq3A_203 = arith.cmpi eq, %select_n3A_201, %eq3A_202 : i32
        %convert_element_type3A_204 = arith.extui %eq3A_203 : i1 to i32
        %cond3A_205 = arith.constant 0 : i32
        %cond3A_206 = arith.cmpi ne, %convert_element_type3A_204, %cond3A_205 : i32
        scf.if %cond3A_206 {
          %add3A_253 = arith.constant 2 : i32
          %add3A_254 = arith.addi %scan3A_65, %add3A_253 : i32
          %mul3A_255 = arith.constant 80 : i32
          %mul3A_256 = arith.muli %add3A_254, %mul3A_255 : i32
          %add3A_257 = arith.addi %mul3A_0, %mul3A_256 : i32
          %dma_start3A_258 = tpu.memref_slice %arg3[%add3A_257] : memref<160000xi32, #tpu.memory_space<hbm>> -> memref<80xi32, #tpu.memory_space<hbm>>
          %dma_start3A_259 = tpu.memref_slice %arg3[%add3A_257] : memref<160000xi32, #tpu.memory_space<hbm>> -> memref<80xi32, #tpu.memory_space<hbm>>
          tpu.enqueue_dma source(%dma_start3A_259 : memref<80xi32, #tpu.memory_space<hbm>>) target(%arg8 : memref<80xi32, #tpu.memory_space<vmem>>) target_semaphore(%arg21 : memref<!tpu.dma_semaphore, #tpu.memory_space<semaphore_mem>>)
          %mul3A_260 = arith.constant 80 : i32
          %mul3A_261 = arith.muli %add3A_254, %mul3A_260 : i32
          %add3A_262 = arith.addi %mul3A_0, %mul3A_261 : i32
          %dma_start3A_263 = tpu.memref_slice %arg4[%add3A_262] : memref<160000xi32, #tpu.memory_space<hbm>> -> memref<80xi32, #tpu.memory_space<hbm>>
          %dma_start3A_264 = tpu.memref_slice %arg4[%add3A_262] : memref<160000xi32, #tpu.memory_space<hbm>> -> memref<80xi32, #tpu.memory_space<hbm>>
          tpu.enqueue_dma source(%dma_start3A_264 : memref<80xi32, #tpu.memory_space<hbm>>) target(%arg12 : memref<80xi32, #tpu.memory_space<vmem>>) target_semaphore(%arg21 : memref<!tpu.dma_semaphore, #tpu.memory_space<semaphore_mem>>)
        } else {
        }
        %add3A_207 = arith.constant 2 : i32
        %add3A_208 = arith.addi %scan3A_65, %add3A_207 : i32
        %jit3A_209 = arith.constant 4 : i32
        %eq3A_210 = arith.constant 0 : i32
        %eq3A_211 = arith.cmpi eq, %jit3A_209, %eq3A_210 : i32
        %jit3A_212 = arith.constant 1 : i32
        %select_n3A_213 = arith.select %eq3A_211, %jit3A_212, %jit3A_209 : i32
        %rem3A_214 = arith.remsi %add3A_208, %select_n3A_213 : i32
        %ne3A_215 = arith.constant 0 : i32
        %ne3A_216 = arith.cmpi ne, %rem3A_214, %ne3A_215 : i32
        %lt3A_217 = arith.constant 0 : i32
        %lt3A_218 = arith.cmpi slt, %rem3A_214, %lt3A_217 : i32
        %lt3A_219 = arith.constant 0 : i32
        %lt3A_220 = arith.cmpi slt, %select_n3A_213, %lt3A_219 : i32
        %ne3A_221 = arith.xori %lt3A_218, %lt3A_220 : i1
        %and3A_222 = arith.andi %ne3A_221, %ne3A_216 : i1
        %add3A_223 = arith.addi %rem3A_214, %select_n3A_213 : i32
        %select_n3A_224 = arith.select %and3A_222, %add3A_223, %rem3A_214 : i32
        %eq3A_225 = arith.constant 2 : i32
        %eq3A_226 = arith.cmpi eq, %select_n3A_224, %eq3A_225 : i32
        %convert_element_type3A_227 = arith.extui %eq3A_226 : i1 to i32
        %cond3A_228 = arith.constant 0 : i32
        %cond3A_229 = arith.cmpi ne, %convert_element_type3A_227, %cond3A_228 : i32
        scf.if %cond3A_229 {
          %add3A_253 = arith.constant 2 : i32
          %add3A_254 = arith.addi %scan3A_65, %add3A_253 : i32
          %mul3A_255 = arith.constant 80 : i32
          %mul3A_256 = arith.muli %add3A_254, %mul3A_255 : i32
          %add3A_257 = arith.addi %mul3A_0, %mul3A_256 : i32
          %dma_start3A_258 = tpu.memref_slice %arg3[%add3A_257] : memref<160000xi32, #tpu.memory_space<hbm>> -> memref<80xi32, #tpu.memory_space<hbm>>
          %dma_start3A_259 = tpu.memref_slice %arg3[%add3A_257] : memref<160000xi32, #tpu.memory_space<hbm>> -> memref<80xi32, #tpu.memory_space<hbm>>
          tpu.enqueue_dma source(%dma_start3A_259 : memref<80xi32, #tpu.memory_space<hbm>>) target(%arg9 : memref<80xi32, #tpu.memory_space<vmem>>) target_semaphore(%arg22 : memref<!tpu.dma_semaphore, #tpu.memory_space<semaphore_mem>>)
          %mul3A_260 = arith.constant 80 : i32
          %mul3A_261 = arith.muli %add3A_254, %mul3A_260 : i32
          %add3A_262 = arith.addi %mul3A_0, %mul3A_261 : i32
          %dma_start3A_263 = tpu.memref_slice %arg4[%add3A_262] : memref<160000xi32, #tpu.memory_space<hbm>> -> memref<80xi32, #tpu.memory_space<hbm>>
          %dma_start3A_264 = tpu.memref_slice %arg4[%add3A_262] : memref<160000xi32, #tpu.memory_space<hbm>> -> memref<80xi32, #tpu.memory_space<hbm>>
          tpu.enqueue_dma source(%dma_start3A_264 : memref<80xi32, #tpu.memory_space<hbm>>) target(%arg13 : memref<80xi32, #tpu.memory_space<vmem>>) target_semaphore(%arg22 : memref<!tpu.dma_semaphore, #tpu.memory_space<semaphore_mem>>)
        } else {
        }
        %add3A_230 = arith.constant 2 : i32
        %add3A_231 = arith.addi %scan3A_65, %add3A_230 : i32
        %jit3A_232 = arith.constant 4 : i32
        %eq3A_233 = arith.constant 0 : i32
        %eq3A_234 = arith.cmpi eq, %jit3A_232, %eq3A_233 : i32
        %jit3A_235 = arith.constant 1 : i32
        %select_n3A_236 = arith.select %eq3A_234, %jit3A_235, %jit3A_232 : i32
        %rem3A_237 = arith.remsi %add3A_231, %select_n3A_236 : i32
        %ne3A_238 = arith.constant 0 : i32
        %ne3A_239 = arith.cmpi ne, %rem3A_237, %ne3A_238 : i32
        %lt3A_240 = arith.constant 0 : i32
        %lt3A_241 = arith.cmpi slt, %rem3A_237, %lt3A_240 : i32
        %lt3A_242 = arith.constant 0 : i32
        %lt3A_243 = arith.cmpi slt, %select_n3A_236, %lt3A_242 : i32
        %ne3A_244 = arith.xori %lt3A_241, %lt3A_243 : i1
        %and3A_245 = arith.andi %ne3A_244, %ne3A_239 : i1
        %add3A_246 = arith.addi %rem3A_237, %select_n3A_236 : i32
        %select_n3A_247 = arith.select %and3A_245, %add3A_246, %rem3A_237 : i32
        %eq3A_248 = arith.constant 3 : i32
        %eq3A_249 = arith.cmpi eq, %select_n3A_247, %eq3A_248 : i32
        %convert_element_type3A_250 = arith.extui %eq3A_249 : i1 to i32
        %cond3A_251 = arith.constant 0 : i32
        %cond3A_252 = arith.cmpi ne, %convert_element_type3A_250, %cond3A_251 : i32
        scf.if %cond3A_252 {
          %add3A_253 = arith.constant 2 : i32
          %add3A_254 = arith.addi %scan3A_65, %add3A_253 : i32
          %mul3A_255 = arith.constant 80 : i32
          %mul3A_256 = arith.muli %add3A_254, %mul3A_255 : i32
          %add3A_257 = arith.addi %mul3A_0, %mul3A_256 : i32
          %dma_start3A_258 = tpu.memref_slice %arg3[%add3A_257] : memref<160000xi32, #tpu.memory_space<hbm>> -> memref<80xi32, #tpu.memory_space<hbm>>
          %dma_start3A_259 = tpu.memref_slice %arg3[%add3A_257] : memref<160000xi32, #tpu.memory_space<hbm>> -> memref<80xi32, #tpu.memory_space<hbm>>
          tpu.enqueue_dma source(%dma_start3A_259 : memref<80xi32, #tpu.memory_space<hbm>>) target(%arg10 : memref<80xi32, #tpu.memory_space<vmem>>) target_semaphore(%arg23 : memref<!tpu.dma_semaphore, #tpu.memory_space<semaphore_mem>>)
          %mul3A_260 = arith.constant 80 : i32
          %mul3A_261 = arith.muli %add3A_254, %mul3A_260 : i32
          %add3A_262 = arith.addi %mul3A_0, %mul3A_261 : i32
          %dma_start3A_263 = tpu.memref_slice %arg4[%add3A_262] : memref<160000xi32, #tpu.memory_space<hbm>> -> memref<80xi32, #tpu.memory_space<hbm>>
          %dma_start3A_264 = tpu.memref_slice %arg4[%add3A_262] : memref<160000xi32, #tpu.memory_space<hbm>> -> memref<80xi32, #tpu.memory_space<hbm>>
          tpu.enqueue_dma source(%dma_start3A_264 : memref<80xi32, #tpu.memory_space<hbm>>) target(%arg14 : memref<80xi32, #tpu.memory_space<vmem>>) target_semaphore(%arg23 : memref<!tpu.dma_semaphore, #tpu.memory_space<semaphore_mem>>)
        } else {
        }
      } else {
      }
      %add3A_75 = arith.constant 1 : i32
      %add3A_76 = arith.addi %scan3A_65, %add3A_75 : i32
      %lt3A_77 = arith.constant 125 : i32
      %lt3A_78 = arith.cmpi slt, %add3A_76, %lt3A_77 : i32
      %convert_element_type3A_79 = arith.extui %lt3A_78 : i1 to i32
      %cond3A_80 = arith.constant 0 : i32
      %cond3A_81 = arith.cmpi ne, %convert_element_type3A_79, %cond3A_80 : i32
      scf.if %cond3A_81 {
        %add3A_161 = arith.constant 1 : i32
        %add3A_162 = arith.addi %scan3A_65, %add3A_161 : i32
        %jit3A_163 = arith.constant 4 : i32
        %eq3A_164 = arith.constant 0 : i32
        %eq3A_165 = arith.cmpi eq, %jit3A_163, %eq3A_164 : i32
        %jit3A_166 = arith.constant 1 : i32
        %select_n3A_167 = arith.select %eq3A_165, %jit3A_166, %jit3A_163 : i32
        %rem3A_168 = arith.remsi %add3A_162, %select_n3A_167 : i32
        %ne3A_169 = arith.constant 0 : i32
        %ne3A_170 = arith.cmpi ne, %rem3A_168, %ne3A_169 : i32
        %lt3A_171 = arith.constant 0 : i32
        %lt3A_172 = arith.cmpi slt, %rem3A_168, %lt3A_171 : i32
        %lt3A_173 = arith.constant 0 : i32
        %lt3A_174 = arith.cmpi slt, %select_n3A_167, %lt3A_173 : i32
        %ne3A_175 = arith.xori %lt3A_172, %lt3A_174 : i1
        %and3A_176 = arith.andi %ne3A_175, %ne3A_170 : i1
        %add3A_177 = arith.addi %rem3A_168, %select_n3A_167 : i32
        %select_n3A_178 = arith.select %and3A_176, %add3A_177, %rem3A_168 : i32
        %eq3A_179 = arith.constant 0 : i32
        %eq3A_180 = arith.cmpi eq, %select_n3A_178, %eq3A_179 : i32
        %convert_element_type3A_181 = arith.extui %eq3A_180 : i1 to i32
        %cond3A_182 = arith.constant 0 : i32
        %cond3A_183 = arith.cmpi ne, %convert_element_type3A_181, %cond3A_182 : i32
        scf.if %cond3A_183 {
          %dma_wait3A_253 = arith.constant 0 : i32
          %dma_wait3A_254 = tpu.memref_slice %arg3[%dma_wait3A_253] : memref<160000xi32, #tpu.memory_space<hbm>> -> memref<80xi32, #tpu.memory_space<hbm>>
          %dma_wait3A_255 = arith.constant 0 : i32
          %dma_wait3A_256 = tpu.memref_slice %arg3[%dma_wait3A_255] : memref<160000xi32, #tpu.memory_space<hbm>> -> memref<80xi32, #tpu.memory_space<hbm>>
          tpu.wait_dma2 semaphore(%arg20 : memref<!tpu.dma_semaphore, #tpu.memory_space<semaphore_mem>>) src(%dma_wait3A_256 : memref<80xi32, #tpu.memory_space<hbm>>) dst(%arg7 : memref<80xi32, #tpu.memory_space<vmem>>)
          %dma_wait3A_257 = arith.constant 0 : i32
          %dma_wait3A_258 = tpu.memref_slice %arg4[%dma_wait3A_257] : memref<160000xi32, #tpu.memory_space<hbm>> -> memref<80xi32, #tpu.memory_space<hbm>>
          %dma_wait3A_259 = arith.constant 0 : i32
          %dma_wait3A_260 = tpu.memref_slice %arg4[%dma_wait3A_259] : memref<160000xi32, #tpu.memory_space<hbm>> -> memref<80xi32, #tpu.memory_space<hbm>>
          tpu.wait_dma2 semaphore(%arg20 : memref<!tpu.dma_semaphore, #tpu.memory_space<semaphore_mem>>) src(%dma_wait3A_260 : memref<80xi32, #tpu.memory_space<hbm>>) dst(%arg11 : memref<80xi32, #tpu.memory_space<vmem>>)
          %scan3A_261 = arith.constant 0 : i32
          %scan3A_262 = arith.constant 0 : i32
          %scan3A_263 = arith.constant 5 : i32
          %scan3A_264 = arith.addi %scan3A_262, %scan3A_263 : i32
          %scan3A_265 = arith.constant 1 : i32
          %scan3A_266 = scf.for %scan3A_271 = %scan3A_262 to %scan3A_264 step %scan3A_265 iter_args(%scan3A_272 = %scan3A_261) -> (i32)  : i32 {
            %mul3A_273 = arith.constant 16 : i32
            %mul3A_274 = arith.muli %scan3A_271, %mul3A_273 : i32
            %get3A = arith.index_cast %mul3A_274 : i32 to index
            %get3A_275 = tpu.vector_load %arg11[%get3A] {strides = array<i32>} : memref<80xi32, #tpu.memory_space<vmem>>, vector<16xi32>,
            %add3A_276 = vector.broadcast %mul3A_5 : i32 to vector<16xi32>
            %add3A_277 = arith.addi %get3A_275, %add3A_276 : vector<16xi32>
            %mul3A_278 = arith.constant 16 : i32
            %mul3A_279 = arith.muli %scan3A_271, %mul3A_278 : i32
            %swap3A = arith.index_cast %mul3A_279 : i32 to index
            %swap3A_280 = tpu.vector_load %arg11[%swap3A] {strides = array<i32>} : memref<80xi32, #tpu.memory_space<vmem>>, vector<16xi32>,
            tpu.vector_store %arg11[%swap3A], %add3A_277 {strides = array<i32>} : memref<80xi32, #tpu.memory_space<vmem>>, vector<16xi32>,
            %scan3A_281 = arith.constant 0 : i32
            scf.yield %scan3A_281 : i32
          }
          %scan3A_267 = arith.constant 5 : i32
          %dma_start3A_268 = arith.constant 0 : i32
          %dma_start3A_269 = arith.constant 0 : i32
          %dma_start3A_270 = tpu.memref_slice %arg2[%dma_start3A_268, %dma_start3A_269] : memref<20480x128xf32, #tpu.memory_space<hbm>> -> memref<20480x128xf32, #tpu.memory_space<hbm>>
          tpu.enqueue_indirect_dma source(%dma_start3A_270 : memref<20480x128xf32, #tpu.memory_space<hbm>>) target(%arg15 : memref<80x128xf32, #tpu.memory_space<vmem>>) offsets(%arg11 : memref<80xi32, #tpu.memory_space<vmem>>) semaphore(%arg24 : memref<!tpu.dma_semaphore, #tpu.memory_space<semaphore_mem>>)
        } else {
        }
        %add3A_184 = arith.constant 1 : i32
        %add3A_185 = arith.addi %scan3A_65, %add3A_184 : i32
        %jit3A_186 = arith.constant 4 : i32
        %eq3A_187 = arith.constant 0 : i32
        %eq3A_188 = arith.cmpi eq, %jit3A_186, %eq3A_187 : i32
        %jit3A_189 = arith.constant 1 : i32
        %select_n3A_190 = arith.select %eq3A_188, %jit3A_189, %jit3A_186 : i32
        %rem3A_191 = arith.remsi %add3A_185, %select_n3A_190 : i32
        %ne3A_192 = arith.constant 0 : i32
        %ne3A_193 = arith.cmpi ne, %rem3A_191, %ne3A_192 : i32
        %lt3A_194 = arith.constant 0 : i32
        %lt3A_195 = arith.cmpi slt, %rem3A_191, %lt3A_194 : i32
        %lt3A_196 = arith.constant 0 : i32
        %lt3A_197 = arith.cmpi slt, %select_n3A_190, %lt3A_196 : i32
        %ne3A_198 = arith.xori %lt3A_195, %lt3A_197 : i1
        %and3A_199 = arith.andi %ne3A_198, %ne3A_193 : i1
        %add3A_200 = arith.addi %rem3A_191, %select_n3A_190 : i32
        %select_n3A_201 = arith.select %and3A_199, %add3A_200, %rem3A_191 : i32
        %eq3A_202 = arith.constant 1 : i32
        %eq3A_203 = arith.cmpi eq, %select_n3A_201, %eq3A_202 : i32
        %convert_element_type3A_204 = arith.extui %eq3A_203 : i1 to i32
        %cond3A_205 = arith.constant 0 : i32
        %cond3A_206 = arith.cmpi ne, %convert_element_type3A_204, %cond3A_205 : i32
        scf.if %cond3A_206 {
          %dma_wait3A_253 = arith.constant 0 : i32
          %dma_wait3A_254 = tpu.memref_slice %arg3[%dma_wait3A_253] : memref<160000xi32, #tpu.memory_space<hbm>> -> memref<80xi32, #tpu.memory_space<hbm>>
          %dma_wait3A_255 = arith.constant 0 : i32
          %dma_wait3A_256 = tpu.memref_slice %arg3[%dma_wait3A_255] : memref<160000xi32, #tpu.memory_space<hbm>> -> memref<80xi32, #tpu.memory_space<hbm>>
          tpu.wait_dma2 semaphore(%arg21 : memref<!tpu.dma_semaphore, #tpu.memory_space<semaphore_mem>>) src(%dma_wait3A_256 : memref<80xi32, #tpu.memory_space<hbm>>) dst(%arg8 : memref<80xi32, #tpu.memory_space<vmem>>)
          %dma_wait3A_257 = arith.constant 0 : i32
          %dma_wait3A_258 = tpu.memref_slice %arg4[%dma_wait3A_257] : memref<160000xi32, #tpu.memory_space<hbm>> -> memref<80xi32, #tpu.memory_space<hbm>>
          %dma_wait3A_259 = arith.constant 0 : i32
          %dma_wait3A_260 = tpu.memref_slice %arg4[%dma_wait3A_259] : memref<160000xi32, #tpu.memory_space<hbm>> -> memref<80xi32, #tpu.memory_space<hbm>>
          tpu.wait_dma2 semaphore(%arg21 : memref<!tpu.dma_semaphore, #tpu.memory_space<semaphore_mem>>) src(%dma_wait3A_260 : memref<80xi32, #tpu.memory_space<hbm>>) dst(%arg12 : memref<80xi32, #tpu.memory_space<vmem>>)
          %scan3A_261 = arith.constant 0 : i32
          %scan3A_262 = arith.constant 0 : i32
          %scan3A_263 = arith.constant 5 : i32
          %scan3A_264 = arith.addi %scan3A_262, %scan3A_263 : i32
          %scan3A_265 = arith.constant 1 : i32
          %scan3A_266 = scf.for %scan3A_271 = %scan3A_262 to %scan3A_264 step %scan3A_265 iter_args(%scan3A_272 = %scan3A_261) -> (i32)  : i32 {
            %mul3A_273 = arith.constant 16 : i32
            %mul3A_274 = arith.muli %scan3A_271, %mul3A_273 : i32
            %get3A = arith.index_cast %mul3A_274 : i32 to index
            %get3A_275 = tpu.vector_load %arg12[%get3A] {strides = array<i32>} : memref<80xi32, #tpu.memory_space<vmem>>, vector<16xi32>,
            %add3A_276 = vector.broadcast %mul3A_5 : i32 to vector<16xi32>
            %add3A_277 = arith.addi %get3A_275, %add3A_276 : vector<16xi32>
            %mul3A_278 = arith.constant 16 : i32
            %mul3A_279 = arith.muli %scan3A_271, %mul3A_278 : i32
            %swap3A = arith.index_cast %mul3A_279 : i32 to index
            %swap3A_280 = tpu.vector_load %arg12[%swap3A] {strides = array<i32>} : memref<80xi32, #tpu.memory_space<vmem>>, vector<16xi32>,
            tpu.vector_store %arg12[%swap3A], %add3A_277 {strides = array<i32>} : memref<80xi32, #tpu.memory_space<vmem>>, vector<16xi32>,
            %scan3A_281 = arith.constant 0 : i32
            scf.yield %scan3A_281 : i32
          }
          %scan3A_267 = arith.constant 5 : i32
          %dma_start3A_268 = arith.constant 0 : i32
          %dma_start3A_269 = arith.constant 0 : i32
          %dma_start3A_270 = tpu.memref_slice %arg2[%dma_start3A_268, %dma_start3A_269] : memref<20480x128xf32, #tpu.memory_space<hbm>> -> memref<20480x128xf32, #tpu.memory_space<hbm>>
          tpu.enqueue_indirect_dma source(%dma_start3A_270 : memref<20480x128xf32, #tpu.memory_space<hbm>>) target(%arg16 : memref<80x128xf32, #tpu.memory_space<vmem>>) offsets(%arg12 : memref<80xi32, #tpu.memory_space<vmem>>) semaphore(%arg25 : memref<!tpu.dma_semaphore, #tpu.memory_space<semaphore_mem>>)
        } else {
        }
        %add3A_207 = arith.constant 1 : i32
        %add3A_208 = arith.addi %scan3A_65, %add3A_207 : i32
        %jit3A_209 = arith.constant 4 : i32
        %eq3A_210 = arith.constant 0 : i32
        %eq3A_211 = arith.cmpi eq, %jit3A_209, %eq3A_210 : i32
        %jit3A_212 = arith.constant 1 : i32
        %select_n3A_213 = arith.select %eq3A_211, %jit3A_212, %jit3A_209 : i32
        %rem3A_214 = arith.remsi %add3A_208, %select_n3A_213 : i32
        %ne3A_215 = arith.constant 0 : i32
        %ne3A_216 = arith.cmpi ne, %rem3A_214, %ne3A_215 : i32
        %lt3A_217 = arith.constant 0 : i32
        %lt3A_218 = arith.cmpi slt, %rem3A_214, %lt3A_217 : i32
        %lt3A_219 = arith.constant 0 : i32
        %lt3A_220 = arith.cmpi slt, %select_n3A_213, %lt3A_219 : i32
        %ne3A_221 = arith.xori %lt3A_218, %lt3A_220 : i1
        %and3A_222 = arith.andi %ne3A_221, %ne3A_216 : i1
        %add3A_223 = arith.addi %rem3A_214, %select_n3A_213 : i32
        %select_n3A_224 = arith.select %and3A_222, %add3A_223, %rem3A_214 : i32
        %eq3A_225 = arith.constant 2 : i32
        %eq3A_226 = arith.cmpi eq, %select_n3A_224, %eq3A_225 : i32
        %convert_element_type3A_227 = arith.extui %eq3A_226 : i1 to i32
        %cond3A_228 = arith.constant 0 : i32
        %cond3A_229 = arith.cmpi ne, %convert_element_type3A_227, %cond3A_228 : i32
        scf.if %cond3A_229 {
          %dma_wait3A_253 = arith.constant 0 : i32
          %dma_wait3A_254 = tpu.memref_slice %arg3[%dma_wait3A_253] : memref<160000xi32, #tpu.memory_space<hbm>> -> memref<80xi32, #tpu.memory_space<hbm>>
          %dma_wait3A_255 = arith.constant 0 : i32
          %dma_wait3A_256 = tpu.memref_slice %arg3[%dma_wait3A_255] : memref<160000xi32, #tpu.memory_space<hbm>> -> memref<80xi32, #tpu.memory_space<hbm>>
          tpu.wait_dma2 semaphore(%arg22 : memref<!tpu.dma_semaphore, #tpu.memory_space<semaphore_mem>>) src(%dma_wait3A_256 : memref<80xi32, #tpu.memory_space<hbm>>) dst(%arg9 : memref<80xi32, #tpu.memory_space<vmem>>)
          %dma_wait3A_257 = arith.constant 0 : i32
          %dma_wait3A_258 = tpu.memref_slice %arg4[%dma_wait3A_257] : memref<160000xi32, #tpu.memory_space<hbm>> -> memref<80xi32, #tpu.memory_space<hbm>>
          %dma_wait3A_259 = arith.constant 0 : i32
          %dma_wait3A_260 = tpu.memref_slice %arg4[%dma_wait3A_259] : memref<160000xi32, #tpu.memory_space<hbm>> -> memref<80xi32, #tpu.memory_space<hbm>>
          tpu.wait_dma2 semaphore(%arg22 : memref<!tpu.dma_semaphore, #tpu.memory_space<semaphore_mem>>) src(%dma_wait3A_260 : memref<80xi32, #tpu.memory_space<hbm>>) dst(%arg13 : memref<80xi32, #tpu.memory_space<vmem>>)
          %scan3A_261 = arith.constant 0 : i32
          %scan3A_262 = arith.constant 0 : i32
          %scan3A_263 = arith.constant 5 : i32
          %scan3A_264 = arith.addi %scan3A_262, %scan3A_263 : i32
          %scan3A_265 = arith.constant 1 : i32
          %scan3A_266 = scf.for %scan3A_271 = %scan3A_262 to %scan3A_264 step %scan3A_265 iter_args(%scan3A_272 = %scan3A_261) -> (i32)  : i32 {
            %mul3A_273 = arith.constant 16 : i32
            %mul3A_274 = arith.muli %scan3A_271, %mul3A_273 : i32
            %get3A = arith.index_cast %mul3A_274 : i32 to index
            %get3A_275 = tpu.vector_load %arg13[%get3A] {strides = array<i32>} : memref<80xi32, #tpu.memory_space<vmem>>, vector<16xi32>,
            %add3A_276 = vector.broadcast %mul3A_5 : i32 to vector<16xi32>
            %add3A_277 = arith.addi %get3A_275, %add3A_276 : vector<16xi32>
            %mul3A_278 = arith.constant 16 : i32
            %mul3A_279 = arith.muli %scan3A_271, %mul3A_278 : i32
            %swap3A = arith.index_cast %mul3A_279 : i32 to index
            %swap3A_280 = tpu.vector_load %arg13[%swap3A] {strides = array<i32>} : memref<80xi32, #tpu.memory_space<vmem>>, vector<16xi32>,
            tpu.vector_store %arg13[%swap3A], %add3A_277 {strides = array<i32>} : memref<80xi32, #tpu.memory_space<vmem>>, vector<16xi32>,
            %scan3A_281 = arith.constant 0 : i32
            scf.yield %scan3A_281 : i32
          }
          %scan3A_267 = arith.constant 5 : i32
          %dma_start3A_268 = arith.constant 0 : i32
          %dma_start3A_269 = arith.constant 0 : i32
          %dma_start3A_270 = tpu.memref_slice %arg2[%dma_start3A_268, %dma_start3A_269] : memref<20480x128xf32, #tpu.memory_space<hbm>> -> memref<20480x128xf32, #tpu.memory_space<hbm>>
          tpu.enqueue_indirect_dma source(%dma_start3A_270 : memref<20480x128xf32, #tpu.memory_space<hbm>>) target(%arg17 : memref<80x128xf32, #tpu.memory_space<vmem>>) offsets(%arg13 : memref<80xi32, #tpu.memory_space<vmem>>) semaphore(%arg26 : memref<!tpu.dma_semaphore, #tpu.memory_space<semaphore_mem>>)
        } else {
        }
        %add3A_230 = arith.constant 1 : i32
        %add3A_231 = arith.addi %scan3A_65, %add3A_230 : i32
        %jit3A_232 = arith.constant 4 : i32
        %eq3A_233 = arith.constant 0 : i32
        %eq3A_234 = arith.cmpi eq, %jit3A_232, %eq3A_233 : i32
        %jit3A_235 = arith.constant 1 : i32
        %select_n3A_236 = arith.select %eq3A_234, %jit3A_235, %jit3A_232 : i32
        %rem3A_237 = arith.remsi %add3A_231, %select_n3A_236 : i32
        %ne3A_238 = arith.constant 0 : i32
        %ne3A_239 = arith.cmpi ne, %rem3A_237, %ne3A_238 : i32
        %lt3A_240 = arith.constant 0 : i32
        %lt3A_241 = arith.cmpi slt, %rem3A_237, %lt3A_240 : i32
        %lt3A_242 = arith.constant 0 : i32
        %lt3A_243 = arith.cmpi slt, %select_n3A_236, %lt3A_242 : i32
        %ne3A_244 = arith.xori %lt3A_241, %lt3A_243 : i1
        %and3A_245 = arith.andi %ne3A_244, %ne3A_239 : i1
        %add3A_246 = arith.addi %rem3A_237, %select_n3A_236 : i32
        %select_n3A_247 = arith.select %and3A_245, %add3A_246, %rem3A_237 : i32
        %eq3A_248 = arith.constant 3 : i32
        %eq3A_249 = arith.cmpi eq, %select_n3A_247, %eq3A_248 : i32
        %convert_element_type3A_250 = arith.extui %eq3A_249 : i1 to i32
        %cond3A_251 = arith.constant 0 : i32
        %cond3A_252 = arith.cmpi ne, %convert_element_type3A_250, %cond3A_251 : i32
        scf.if %cond3A_252 {
          %dma_wait3A_253 = arith.constant 0 : i32
          %dma_wait3A_254 = tpu.memref_slice %arg3[%dma_wait3A_253] : memref<160000xi32, #tpu.memory_space<hbm>> -> memref<80xi32, #tpu.memory_space<hbm>>
          %dma_wait3A_255 = arith.constant 0 : i32
          %dma_wait3A_256 = tpu.memref_slice %arg3[%dma_wait3A_255] : memref<160000xi32, #tpu.memory_space<hbm>> -> memref<80xi32, #tpu.memory_space<hbm>>
          tpu.wait_dma2 semaphore(%arg23 : memref<!tpu.dma_semaphore, #tpu.memory_space<semaphore_mem>>) src(%dma_wait3A_256 : memref<80xi32, #tpu.memory_space<hbm>>) dst(%arg10 : memref<80xi32, #tpu.memory_space<vmem>>)
          %dma_wait3A_257 = arith.constant 0 : i32
          %dma_wait3A_258 = tpu.memref_slice %arg4[%dma_wait3A_257] : memref<160000xi32, #tpu.memory_space<hbm>> -> memref<80xi32, #tpu.memory_space<hbm>>
          %dma_wait3A_259 = arith.constant 0 : i32
          %dma_wait3A_260 = tpu.memref_slice %arg4[%dma_wait3A_259] : memref<160000xi32, #tpu.memory_space<hbm>> -> memref<80xi32, #tpu.memory_space<hbm>>
          tpu.wait_dma2 semaphore(%arg23 : memref<!tpu.dma_semaphore, #tpu.memory_space<semaphore_mem>>) src(%dma_wait3A_260 : memref<80xi32, #tpu.memory_space<hbm>>) dst(%arg14 : memref<80xi32, #tpu.memory_space<vmem>>)
          %scan3A_261 = arith.constant 0 : i32
          %scan3A_262 = arith.constant 0 : i32
          %scan3A_263 = arith.constant 5 : i32
          %scan3A_264 = arith.addi %scan3A_262, %scan3A_263 : i32
          %scan3A_265 = arith.constant 1 : i32
          %scan3A_266 = scf.for %scan3A_271 = %scan3A_262 to %scan3A_264 step %scan3A_265 iter_args(%scan3A_272 = %scan3A_261) -> (i32)  : i32 {
            %mul3A_273 = arith.constant 16 : i32
            %mul3A_274 = arith.muli %scan3A_271, %mul3A_273 : i32
            %get3A = arith.index_cast %mul3A_274 : i32 to index
            %get3A_275 = tpu.vector_load %arg14[%get3A] {strides = array<i32>} : memref<80xi32, #tpu.memory_space<vmem>>, vector<16xi32>,
            %add3A_276 = vector.broadcast %mul3A_5 : i32 to vector<16xi32>
            %add3A_277 = arith.addi %get3A_275, %add3A_276 : vector<16xi32>
            %mul3A_278 = arith.constant 16 : i32
            %mul3A_279 = arith.muli %scan3A_271, %mul3A_278 : i32
            %swap3A = arith.index_cast %mul3A_279 : i32 to index
            %swap3A_280 = tpu.vector_load %arg14[%swap3A] {strides = array<i32>} : memref<80xi32, #tpu.memory_space<vmem>>, vector<16xi32>,
            tpu.vector_store %arg14[%swap3A], %add3A_277 {strides = array<i32>} : memref<80xi32, #tpu.memory_space<vmem>>, vector<16xi32>,
            %scan3A_281 = arith.constant 0 : i32
            scf.yield %scan3A_281 : i32
          }
          %scan3A_267 = arith.constant 5 : i32
          %dma_start3A_268 = arith.constant 0 : i32
          %dma_start3A_269 = arith.constant 0 : i32
          %dma_start3A_270 = tpu.memref_slice %arg2[%dma_start3A_268, %dma_start3A_269] : memref<20480x128xf32, #tpu.memory_space<hbm>> -> memref<20480x128xf32, #tpu.memory_space<hbm>>
          tpu.enqueue_indirect_dma source(%dma_start3A_270 : memref<20480x128xf32, #tpu.memory_space<hbm>>) target(%arg18 : memref<80x128xf32, #tpu.memory_space<vmem>>) offsets(%arg14 : memref<80xi32, #tpu.memory_space<vmem>>) semaphore(%arg27 : memref<!tpu.dma_semaphore, #tpu.memory_space<semaphore_mem>>)
        } else {
        }
      } else {
      }
      %jit3A = arith.constant 4 : i32
      %eq3A = arith.constant 0 : i32
      %eq3A_82 = arith.cmpi eq, %jit3A, %eq3A : i32
      %jit3A_83 = arith.constant 1 : i32
      %select_n3A = arith.select %eq3A_82, %jit3A_83, %jit3A : i32
      %rem3A = arith.remsi %scan3A_65, %select_n3A : i32
      %ne3A = arith.constant 0 : i32
      %ne3A_84 = arith.cmpi ne, %rem3A, %ne3A : i32
      %lt3A_85 = arith.constant 0 : i32
      %lt3A_86 = arith.cmpi slt, %rem3A, %lt3A_85 : i32
      %lt3A_87 = arith.constant 0 : i32
      %lt3A_88 = arith.cmpi slt, %select_n3A, %lt3A_87 : i32
      %ne3A_89 = arith.xori %lt3A_86, %lt3A_88 : i1
      %and3A = arith.andi %ne3A_89, %ne3A_84 : i1
      %add3A_90 = arith.addi %rem3A, %select_n3A : i32
      %select_n3A_91 = arith.select %and3A, %add3A_90, %rem3A : i32
      %eq3A_92 = arith.constant 0 : i32
      %eq3A_93 = arith.cmpi eq, %select_n3A_91, %eq3A_92 : i32
      %convert_element_type3A_94 = arith.extui %eq3A_93 : i1 to i32
      %cond3A_95 = arith.constant 0 : i32
      %cond3A_96 = arith.cmpi ne, %convert_element_type3A_94, %cond3A_95 : i32
      scf.if %cond3A_96 {
        %dma_wait3A_161 = arith.constant 0 : i32
        %dma_wait3A_162 = arith.constant 0 : i32
        %dma_wait3A_163 = tpu.memref_slice %arg2[%dma_wait3A_161, %dma_wait3A_162] : memref<20480x128xf32, #tpu.memory_space<hbm>> -> memref<80x128xf32, #tpu.memory_space<hbm>>
        %dma_wait3A_164 = arith.constant 0 : i32
        %dma_wait3A_165 = arith.constant 0 : i32
        %dma_wait3A_166 = tpu.memref_slice %arg2[%dma_wait3A_164, %dma_wait3A_165] : memref<20480x128xf32, #tpu.memory_space<hbm>> -> memref<80x128xf32, #tpu.memory_space<hbm>>
        tpu.wait_dma2 semaphore(%arg24 : memref<!tpu.dma_semaphore, #tpu.memory_space<semaphore_mem>>) src(%dma_wait3A_166 : memref<80x128xf32, #tpu.memory_space<hbm>>) dst(%arg15 : memref<80x128xf32, #tpu.memory_space<vmem>>)
        %dma_start3A_167 = arith.constant 0 : i32
        %dma_start3A_168 = arith.constant 0 : i32
        %dma_start3A_169 = tpu.memref_slice %arg19[%dma_start3A_167, %dma_start3A_168] : memref<10240x128xf32, #tpu.memory_space<vmem_shared>> -> memref<10240x128xf32, #tpu.memory_space<vmem_shared>>
        tpu.enqueue_indirect_dma source(%arg15 : memref<80x128xf32, #tpu.memory_space<vmem>>) target(%dma_start3A_169 : memref<10240x128xf32, #tpu.memory_space<vmem_shared>>) offsets(%arg7 : memref<80xi32, #tpu.memory_space<vmem>>) semaphore(%arg28 : memref<!tpu.dma_semaphore, #tpu.memory_space<semaphore_mem>>) {add = true}
      } else {
      }
      %jit3A_97 = arith.constant 4 : i32
      %eq3A_98 = arith.constant 0 : i32
      %eq3A_99 = arith.cmpi eq, %jit3A_97, %eq3A_98 : i32
      %jit3A_100 = arith.constant 1 : i32
      %select_n3A_101 = arith.select %eq3A_99, %jit3A_100, %jit3A_97 : i32
      %rem3A_102 = arith.remsi %scan3A_65, %select_n3A_101 : i32
      %ne3A_103 = arith.constant 0 : i32
      %ne3A_104 = arith.cmpi ne, %rem3A_102, %ne3A_103 : i32
      %lt3A_105 = arith.constant 0 : i32
      %lt3A_106 = arith.cmpi slt, %rem3A_102, %lt3A_105 : i32
      %lt3A_107 = arith.constant 0 : i32
      %lt3A_108 = arith.cmpi slt, %select_n3A_101, %lt3A_107 : i32
      %ne3A_109 = arith.xori %lt3A_106, %lt3A_108 : i1
      %and3A_110 = arith.andi %ne3A_109, %ne3A_104 : i1
      %add3A_111 = arith.addi %rem3A_102, %select_n3A_101 : i32
      %select_n3A_112 = arith.select %and3A_110, %add3A_111, %rem3A_102 : i32
      %eq3A_113 = arith.constant 1 : i32
      %eq3A_114 = arith.cmpi eq, %select_n3A_112, %eq3A_113 : i32
      %convert_element_type3A_115 = arith.extui %eq3A_114 : i1 to i32
      %cond3A_116 = arith.constant 0 : i32
      %cond3A_117 = arith.cmpi ne, %convert_element_type3A_115, %cond3A_116 : i32
      scf.if %cond3A_117 {
        %dma_wait3A_161 = arith.constant 0 : i32
        %dma_wait3A_162 = arith.constant 0 : i32
        %dma_wait3A_163 = tpu.memref_slice %arg2[%dma_wait3A_161, %dma_wait3A_162] : memref<20480x128xf32, #tpu.memory_space<hbm>> -> memref<80x128xf32, #tpu.memory_space<hbm>>
        %dma_wait3A_164 = arith.constant 0 : i32
        %dma_wait3A_165 = arith.constant 0 : i32
        %dma_wait3A_166 = tpu.memref_slice %arg2[%dma_wait3A_164, %dma_wait3A_165] : memref<20480x128xf32, #tpu.memory_space<hbm>> -> memref<80x128xf32, #tpu.memory_space<hbm>>
        tpu.wait_dma2 semaphore(%arg25 : memref<!tpu.dma_semaphore, #tpu.memory_space<semaphore_mem>>) src(%dma_wait3A_166 : memref<80x128xf32, #tpu.memory_space<hbm>>) dst(%arg16 : memref<80x128xf32, #tpu.memory_space<vmem>>)
        %dma_start3A_167 = arith.constant 0 : i32
        %dma_start3A_168 = arith.constant 0 : i32
        %dma_start3A_169 = tpu.memref_slice %arg19[%dma_start3A_167, %dma_start3A_168] : memref<10240x128xf32, #tpu.memory_space<vmem_shared>> -> memref<10240x128xf32, #tpu.memory_space<vmem_shared>>
        tpu.enqueue_indirect_dma source(%arg16 : memref<80x128xf32, #tpu.memory_space<vmem>>) target(%dma_start3A_169 : memref<10240x128xf32, #tpu.memory_space<vmem_shared>>) offsets(%arg8 : memref<80xi32, #tpu.memory_space<vmem>>) semaphore(%arg29 : memref<!tpu.dma_semaphore, #tpu.memory_space<semaphore_mem>>) {add = true}
      } else {
      }
      %jit3A_118 = arith.constant 4 : i32
      %eq3A_119 = arith.constant 0 : i32
      %eq3A_120 = arith.cmpi eq, %jit3A_118, %eq3A_119 : i32
      %jit3A_121 = arith.constant 1 : i32
      %select_n3A_122 = arith.select %eq3A_120, %jit3A_121, %jit3A_118 : i32
      %rem3A_123 = arith.remsi %scan3A_65, %select_n3A_122 : i32
      %ne3A_124 = arith.constant 0 : i32
      %ne3A_125 = arith.cmpi ne, %rem3A_123, %ne3A_124 : i32
      %lt3A_126 = arith.constant 0 : i32
      %lt3A_127 = arith.cmpi slt, %rem3A_123, %lt3A_126 : i32
      %lt3A_128 = arith.constant 0 : i32
      %lt3A_129 = arith.cmpi slt, %select_n3A_122, %lt3A_128 : i32
      %ne3A_130 = arith.xori %lt3A_127, %lt3A_129 : i1
      %and3A_131 = arith.andi %ne3A_130, %ne3A_125 : i1
      %add3A_132 = arith.addi %rem3A_123, %select_n3A_122 : i32
      %select_n3A_133 = arith.select %and3A_131, %add3A_132, %rem3A_123 : i32
      %eq3A_134 = arith.constant 2 : i32
      %eq3A_135 = arith.cmpi eq, %select_n3A_133, %eq3A_134 : i32
      %convert_element_type3A_136 = arith.extui %eq3A_135 : i1 to i32
      %cond3A_137 = arith.constant 0 : i32
      %cond3A_138 = arith.cmpi ne, %convert_element_type3A_136, %cond3A_137 : i32
      scf.if %cond3A_138 {
        %dma_wait3A_161 = arith.constant 0 : i32
        %dma_wait3A_162 = arith.constant 0 : i32
        %dma_wait3A_163 = tpu.memref_slice %arg2[%dma_wait3A_161, %dma_wait3A_162] : memref<20480x128xf32, #tpu.memory_space<hbm>> -> memref<80x128xf32, #tpu.memory_space<hbm>>
        %dma_wait3A_164 = arith.constant 0 : i32
        %dma_wait3A_165 = arith.constant 0 : i32
        %dma_wait3A_166 = tpu.memref_slice %arg2[%dma_wait3A_164, %dma_wait3A_165] : memref<20480x128xf32, #tpu.memory_space<hbm>> -> memref<80x128xf32, #tpu.memory_space<hbm>>
        tpu.wait_dma2 semaphore(%arg26 : memref<!tpu.dma_semaphore, #tpu.memory_space<semaphore_mem>>) src(%dma_wait3A_166 : memref<80x128xf32, #tpu.memory_space<hbm>>) dst(%arg17 : memref<80x128xf32, #tpu.memory_space<vmem>>)
        %dma_start3A_167 = arith.constant 0 : i32
        %dma_start3A_168 = arith.constant 0 : i32
        %dma_start3A_169 = tpu.memref_slice %arg19[%dma_start3A_167, %dma_start3A_168] : memref<10240x128xf32, #tpu.memory_space<vmem_shared>> -> memref<10240x128xf32, #tpu.memory_space<vmem_shared>>
        tpu.enqueue_indirect_dma source(%arg17 : memref<80x128xf32, #tpu.memory_space<vmem>>) target(%dma_start3A_169 : memref<10240x128xf32, #tpu.memory_space<vmem_shared>>) offsets(%arg9 : memref<80xi32, #tpu.memory_space<vmem>>) semaphore(%arg30 : memref<!tpu.dma_semaphore, #tpu.memory_space<semaphore_mem>>) {add = true}
      } else {
      }
      %jit3A_139 = arith.constant 4 : i32
      %eq3A_140 = arith.constant 0 : i32
      %eq3A_141 = arith.cmpi eq, %jit3A_139, %eq3A_140 : i32
      %jit3A_142 = arith.constant 1 : i32
      %select_n3A_143 = arith.select %eq3A_141, %jit3A_142, %jit3A_139 : i32
      %rem3A_144 = arith.remsi %scan3A_65, %select_n3A_143 : i32
      %ne3A_145 = arith.constant 0 : i32
      %ne3A_146 = arith.cmpi ne, %rem3A_144, %ne3A_145 : i32
      %lt3A_147 = arith.constant 0 : i32
      %lt3A_148 = arith.cmpi slt, %rem3A_144, %lt3A_147 : i32
      %lt3A_149 = arith.constant 0 : i32
      %lt3A_150 = arith.cmpi slt, %select_n3A_143, %lt3A_149 : i32
      %ne3A_151 = arith.xori %lt3A_148, %lt3A_150 : i1
      %and3A_152 = arith.andi %ne3A_151, %ne3A_146 : i1
      %add3A_153 = arith.addi %rem3A_144, %select_n3A_143 : i32
      %select_n3A_154 = arith.select %and3A_152, %add3A_153, %rem3A_144 : i32
      %eq3A_155 = arith.constant 3 : i32
      %eq3A_156 = arith.cmpi eq, %select_n3A_154, %eq3A_155 : i32
      %convert_element_type3A_157 = arith.extui %eq3A_156 : i1 to i32
      %cond3A_158 = arith.constant 0 : i32
      %cond3A_159 = arith.cmpi ne, %convert_element_type3A_157, %cond3A_158 : i32
      scf.if %cond3A_159 {
        %dma_wait3A_161 = arith.constant 0 : i32
        %dma_wait3A_162 = arith.constant 0 : i32
        %dma_wait3A_163 = tpu.memref_slice %arg2[%dma_wait3A_161, %dma_wait3A_162] : memref<20480x128xf32, #tpu.memory_space<hbm>> -> memref<80x128xf32, #tpu.memory_space<hbm>>
        %dma_wait3A_164 = arith.constant 0 : i32
        %dma_wait3A_165 = arith.constant 0 : i32
        %dma_wait3A_166 = tpu.memref_slice %arg2[%dma_wait3A_164, %dma_wait3A_165] : memref<20480x128xf32, #tpu.memory_space<hbm>> -> memref<80x128xf32, #tpu.memory_space<hbm>>
        tpu.wait_dma2 semaphore(%arg27 : memref<!tpu.dma_semaphore, #tpu.memory_space<semaphore_mem>>) src(%dma_wait3A_166 : memref<80x128xf32, #tpu.memory_space<hbm>>) dst(%arg18 : memref<80x128xf32, #tpu.memory_space<vmem>>)
        %dma_start3A_167 = arith.constant 0 : i32
        %dma_start3A_168 = arith.constant 0 : i32
        %dma_start3A_169 = tpu.memref_slice %arg19[%dma_start3A_167, %dma_start3A_168] : memref<10240x128xf32, #tpu.memory_space<vmem_shared>> -> memref<10240x128xf32, #tpu.memory_space<vmem_shared>>
        tpu.enqueue_indirect_dma source(%arg18 : memref<80x128xf32, #tpu.memory_space<vmem>>) target(%dma_start3A_169 : memref<10240x128xf32, #tpu.memory_space<vmem_shared>>) offsets(%arg10 : memref<80xi32, #tpu.memory_space<vmem>>) semaphore(%arg31 : memref<!tpu.dma_semaphore, #tpu.memory_space<semaphore_mem>>) {add = true}
      } else {
      }
      %scan3A_160 = arith.constant 0 : i32
      scf.yield %scan3A_160 : i32
    }
    %scan3A_45 = arith.constant 125 : i32
    %dma_wait3A_46 = arith.constant 0 : i32
    %dma_wait3A_47 = arith.constant 0 : i32
    %dma_wait3A_48 = tpu.memref_slice %arg2[%dma_wait3A_46, %dma_wait3A_47] : memref<20480x128xf32, #tpu.memory_space<hbm>> -> memref<80x128xf32, #tpu.memory_space<hbm>>
    %dma_wait3A_49 = arith.constant 0 : i32
    %dma_wait3A_50 = arith.constant 0 : i32
    %dma_wait3A_51 = tpu.memref_slice %arg2[%dma_wait3A_49, %dma_wait3A_50] : memref<20480x128xf32, #tpu.memory_space<hbm>> -> memref<80x128xf32, #tpu.memory_space<hbm>>
    tpu.wait_dma2 semaphore(%arg28 : memref<!tpu.dma_semaphore, #tpu.memory_space<semaphore_mem>>) src(%dma_wait3A_51 : memref<80x128xf32, #tpu.memory_space<hbm>>) dst(%arg15 : memref<80x128xf32, #tpu.memory_space<vmem>>)
    %dma_wait3A_52 = arith.constant 0 : i32
    %dma_wait3A_53 = arith.constant 0 : i32
    %dma_wait3A_54 = tpu.memref_slice %arg2[%dma_wait3A_52, %dma_wait3A_53] : memref<20480x128xf32, #tpu.memory_space<hbm>> -> memref<80x128xf32, #tpu.memory_space<hbm>>
    %dma_wait3A_55 = arith.constant 0 : i32
    %dma_wait3A_56 = arith.constant 0 : i32
    %dma_wait3A_57 = tpu.memref_slice %arg2[%dma_wait3A_55, %dma_wait3A_56] : memref<20480x128xf32, #tpu.memory_space<hbm>> -> memref<80x128xf32, #tpu.memory_space<hbm>>
    tpu.wait_dma2 semaphore(%arg31 : memref<!tpu.dma_semaphore, #tpu.memory_space<semaphore_mem>>) src(%dma_wait3A_57 : memref<80x128xf32, #tpu.memory_space<hbm>>) dst(%arg18 : memref<80x128xf32, #tpu.memory_space<vmem>>)
    %barrier3A_58 = arith.constant 0 : index
    tpu.barrier barrier_id(%barrier3A_58)
    %mul3A_59 = arith.constant 640 : i32
    %mul3A_60 = arith.muli %arg1, %mul3A_59 : i32
    %mul3A_61 = arith.constant 640 : i32
    %mul3A_62 = arith.muli %arg1, %mul3A_61 : i32
    %add3A_63 = arith.addi %mul3A_5, %mul3A_62 : i32
    "tpu.region"() ({
      %run_scoped3A = tpu.sem_alloc : memref<!tpu.dma_semaphore, #tpu.memory_space<semaphore_mem>>
      %dma_start3A_65 = arith.constant 0 : i32
      %dma_start3A_66 = tpu.memref_slice %arg6[%add3A_63, %dma_start3A_65] : memref<20480x128xf32, #tpu.memory_space<hbm>> -> memref<640x128xf32, #tpu.memory_space<hbm>>
      %dma_start3A_67 = arith.constant 0 : i32
      %dma_start3A_68 = tpu.memref_slice %arg19[%mul3A_60, %dma_start3A_67] : memref<10240x128xf32, #tpu.memory_space<vmem_shared>> -> memref<640x128xf32, #tpu.memory_space<vmem_shared>>
      tpu.enqueue_dma source(%dma_start3A_68 : memref<640x128xf32, #tpu.memory_space<vmem_shared>>) target(%dma_start3A_66 : memref<640x128xf32, #tpu.memory_space<hbm>>) target_semaphore(%run_scoped3A : memref<!tpu.dma_semaphore, #tpu.memory_space<semaphore_mem>>)
      %dma_wait3A_69 = arith.constant 0 : i32
      %dma_wait3A_70 = tpu.memref_slice %arg6[%add3A_63, %dma_wait3A_69] : memref<20480x128xf32, #tpu.memory_space<hbm>> -> memref<640x128xf32, #tpu.memory_space<hbm>>
      %dma_wait3A_71 = arith.constant 0 : i32
      %dma_wait3A_72 = tpu.memref_slice %arg19[%mul3A_60, %dma_wait3A_71] : memref<10240x128xf32, #tpu.memory_space<vmem_shared>> -> memref<640x128xf32, #tpu.memory_space<vmem_shared>>
      tpu.wait_dma2 semaphore(%run_scoped3A : memref<!tpu.dma_semaphore, #tpu.memory_space<semaphore_mem>>) src(%dma_wait3A_72 : memref<640x128xf32, #tpu.memory_space<vmem_shared>>) dst(%dma_wait3A_70 : memref<640x128xf32, #tpu.memory_space<hbm>>)
      tpu.yield
    }) : () -> ()
    %barrier3A_64 = arith.constant 0 : index
    tpu.barrier barrier_id(%barrier3A_64)
    return
  }
}

#map = affine_map<(d0, d1) -> (0, 0)>
#map1 = affine_map<(d0, d1) -> (0)>
module attributes {stable_mosaic.version = 14 : i64} {
  func.func @_spmm_body(%arg0: i32, %arg1: i32, %arg2: memref<20480x128xf32, #tpu.memory_space<hbm>>, %arg3: memref<160000xi32, #tpu.memory_space<hbm>>, %arg4: memref<160000xi32, #tpu.memory_space<hbm>>, %arg5: memref<640x128xf32, #tpu.memory_space<hbm>>, %arg6: memref<20480x128xf32, #tpu.memory_space<hbm>>, %arg7: memref<80xi32, #tpu.memory_space<vmem>>, %arg8: memref<80xi32, #tpu.memory_space<vmem>>, %arg9: memref<80xi32, #tpu.memory_space<vmem>>, %arg10: memref<80xi32, #tpu.memory_space<vmem>>, %arg11: memref<80xi32, #tpu.memory_space<vmem>>, %arg12: memref<80xi32, #tpu.memory_space<vmem>>, %arg13: memref<80xi32, #tpu.memory_space<vmem>>, %arg14: memref<80xi32, #tpu.memory_space<vmem>>, %arg15: memref<80x128xf32, #tpu.memory_space<vmem>>, %arg16: memref<80x128xf32, #tpu.memory_space<vmem>>, %arg17: memref<80x128xf32, #tpu.memory_space<vmem>>, %arg18: memref<80x128xf32, #tpu.memory_space<vmem>>, %arg19: memref<10240x128xf32, #tpu.memory_space<vmem_shared>>, %arg20: memref<!tpu.dma_semaphore, #tpu.memory_space<semaphore_mem>>, %arg21: memref<!tpu.dma_semaphore, #tpu.memory_space<semaphore_mem>>, %arg22: memref<!tpu.dma_semaphore, #tpu.memory_space<semaphore_mem>>, %arg23: memref<!tpu.dma_semaphore, #tpu.memory_space<semaphore_mem>>, %arg24: memref<!tpu.dma_semaphore, #tpu.memory_space<semaphore_mem>>, %arg25: memref<!tpu.dma_semaphore, #tpu.memory_space<semaphore_mem>>, %arg26: memref<!tpu.dma_semaphore, #tpu.memory_space<semaphore_mem>>, %arg27: memref<!tpu.dma_semaphore, #tpu.memory_space<semaphore_mem>>, %arg28: memref<!tpu.dma_semaphore, #tpu.memory_space<semaphore_mem>>, %arg29: memref<!tpu.dma_semaphore, #tpu.memory_space<semaphore_mem>>, %arg30: memref<!tpu.dma_semaphore, #tpu.memory_space<semaphore_mem>>, %arg31: memref<!tpu.dma_semaphore, #tpu.memory_space<semaphore_mem>>) attributes {dimension_semantics = [#tpu.dimension_semantics<core_parallel>, #tpu.dimension_semantics<subcore_parallel>], iteration_bounds = array<i64: 2, 16>, scalar_prefetch = 0 : i64, scratch_operands = 25 : i64, tpu.core_type = #tpu.core_type<sc_vector_subcore>, window_params = [{transform_indices = #map}, {transform_indices = #map1}, {transform_indices = #map1}, {transform_indices = #map}, {transform_indices = #map}]} {
    %mul3A = arith.constant 10000 : i32
    %mul3A_0 = arith.muli %arg1, %mul3A : i32
    %mul3A_1 = arith.constant 1 : i32
    %mul3A_2 = arith.muli %arg0, %mul3A_1 : i32
    %add3A = arith.constant 0 : i32
    %add3A_3 = arith.addi %mul3A_2, %add3A : i32
    %mul3A_4 = arith.constant 10240 : i32
    %mul3A_5 = arith.muli %add3A_3, %mul3A_4 : i32
    %mul3A_6 = arith.constant 640 : i32
    %mul3A_7 = arith.muli %arg1, %mul3A_6 : i32
    "tpu.region"() ({
      %run_scoped3A = tpu.sem_alloc : memref<!tpu.dma_semaphore, #tpu.memory_space<semaphore_mem>>
      %dma_start3A_65 = arith.constant 0 : i32
      %dma_start3A_66 = tpu.memref_slice %arg19[%mul3A_7, %dma_start3A_65] : memref<10240x128xf32, #tpu.memory_space<vmem_shared>> -> memref<640x128xf32, #tpu.memory_space<vmem_shared>>
      tpu.enqueue_dma source(%arg5 : memref<640x128xf32, #tpu.memory_space<hbm>>) target(%dma_start3A_66 : memref<640x128xf32, #tpu.memory_space<vmem_shared>>) target_semaphore(%run_scoped3A : memref<!tpu.dma_semaphore, #tpu.memory_space<semaphore_mem>>)
      %dma_wait3A_67 = arith.constant 0 : i32
      %dma_wait3A_68 = tpu.memref_slice %arg19[%mul3A_7, %dma_wait3A_67] : memref<10240x128xf32, #tpu.memory_space<vmem_shared>> -> memref<640x128xf32, #tpu.memory_space<vmem_shared>>
      tpu.wait_dma2 semaphore(%run_scoped3A : memref<!tpu.dma_semaphore, #tpu.memory_space<semaphore_mem>>) src(%arg5 : memref<640x128xf32, #tpu.memory_space<hbm>>) dst(%dma_wait3A_68 : memref<640x128xf32, #tpu.memory_space<vmem_shared>>)
      tpu.yield
    }) : () -> ()
    %barrier3A = arith.constant 0 : index
    tpu.barrier barrier_id(%barrier3A)
    %add3A_8 = arith.constant 0 : i32
    %add3A_9 = arith.addi %mul3A_0, %add3A_8 : i32
    %dma_start3A = tpu.memref_slice %arg3[%add3A_9] : memref<160000xi32, #tpu.memory_space<hbm>> -> memref<80xi32, #tpu.memory_space<hbm>>
    %dma_start3A_10 = tpu.memref_slice %arg3[%add3A_9] : memref<160000xi32, #tpu.memory_space<hbm>> -> memref<80xi32, #tpu.memory_space<hbm>>
    tpu.enqueue_dma source(%dma_start3A_10 : memref<80xi32, #tpu.memory_space<hbm>>) target(%arg7 : memref<80xi32, #tpu.memory_space<vmem>>) target_semaphore(%arg20 : memref<!tpu.dma_semaphore, #tpu.memory_space<semaphore_mem>>)
    %add3A_11 = arith.constant 0 : i32
    %add3A_12 = arith.addi %mul3A_0, %add3A_11 : i32
    %dma_start3A_13 = tpu.memref_slice %arg4[%add3A_12] : memref<160000xi32, #tpu.memory_space<hbm>> -> memref<80xi32, #tpu.memory_space<hbm>>
    %dma_start3A_14 = tpu.memref_slice %arg4[%add3A_12] : memref<160000xi32, #tpu.memory_space<hbm>> -> memref<80xi32, #tpu.memory_space<hbm>>
    tpu.enqueue_dma source(%dma_start3A_14 : memref<80xi32, #tpu.memory_space<hbm>>) target(%arg11 : memref<80xi32, #tpu.memory_space<vmem>>) target_semaphore(%arg20 : memref<!tpu.dma_semaphore, #tpu.memory_space<semaphore_mem>>)
    %add3A_15 = arith.constant 80 : i32
    %add3A_16 = arith.addi %mul3A_0, %add3A_15 : i32
    %dma_start3A_17 = tpu.memref_slice %arg3[%add3A_16] : memref<160000xi32, #tpu.memory_space<hbm>> -> memref<80xi32, #tpu.memory_space<hbm>>
    %dma_start3A_18 = tpu.memref_slice %arg3[%add3A_16] : memref<160000xi32, #tpu.memory_space<hbm>> -> memref<80xi32, #tpu.memory_space<hbm>>
    tpu.enqueue_dma source(%dma_start3A_18 : memref<80xi32, #tpu.memory_space<hbm>>) target(%arg8 : memref<80xi32, #tpu.memory_space<vmem>>) target_semaphore(%arg21 : memref<!tpu.dma_semaphore, #tpu.memory_space<semaphore_mem>>)
    %add3A_19 = arith.constant 80 : i32
    %add3A_20 = arith.addi %mul3A_0, %add3A_19 : i32
    %dma_start3A_21 = tpu.memref_slice %arg4[%add3A_20] : memref<160000xi32, #tpu.memory_space<hbm>> -> memref<80xi32, #tpu.memory_space<hbm>>
    %dma_start3A_22 = tpu.memref_slice %arg4[%add3A_20] : memref<160000xi32, #tpu.memory_space<hbm>> -> memref<80xi32, #tpu.memory_space<hbm>>
    tpu.enqueue_dma source(%dma_start3A_22 : memref<80xi32, #tpu.memory_space<hbm>>) target(%arg12 : memref<80xi32, #tpu.memory_space<vmem>>) target_semaphore(%arg21 : memref<!tpu.dma_semaphore, #tpu.memory_space<semaphore_mem>>)
    %dma_wait3A = arith.constant 0 : i32
    %dma_wait3A_23 = tpu.memref_slice %arg3[%dma_wait3A] : memref<160000xi32, #tpu.memory_space<hbm>> -> memref<80xi32, #tpu.memory_space<hbm>>
    %dma_wait3A_24 = arith.constant 0 : i32
    %dma_wait3A_25 = tpu.memref_slice %arg3[%dma_wait3A_24] : memref<160000xi32, #tpu.memory_space<hbm>> -> memref<80xi32, #tpu.memory_space<hbm>>
    tpu.wait_dma2 semaphore(%arg20 : memref<!tpu.dma_semaphore, #tpu.memory_space<semaphore_mem>>) src(%dma_wait3A_25 : memref<80xi32, #tpu.memory_space<hbm>>) dst(%arg7 : memref<80xi32, #tpu.memory_space<vmem>>)
    %dma_wait3A_26 = arith.constant 0 : i32
    %dma_wait3A_27 = tpu.memref_slice %arg4[%dma_wait3A_26] : memref<160000xi32, #tpu.memory_space<hbm>> -> memref<80xi32, #tpu.memory_space<hbm>>
    %dma_wait3A_28 = arith.constant 0 : i32
    %dma_wait3A_29 = tpu.memref_slice %arg4[%dma_wait3A_28] : memref<160000xi32, #tpu.memory_space<hbm>> -> memref<80xi32, #tpu.memory_space<hbm>>
    tpu.wait_dma2 semaphore(%arg20 : memref<!tpu.dma_semaphore, #tpu.memory_space<semaphore_mem>>) src(%dma_wait3A_29 : memref<80xi32, #tpu.memory_space<hbm>>) dst(%arg11 : memref<80xi32, #tpu.memory_space<vmem>>)
    %scan3A = arith.constant 0 : i32
    %scan3A_30 = arith.constant 0 : i32
    %scan3A_31 = arith.constant 5 : i32
    %scan3A_32 = arith.addi %scan3A_30, %scan3A_31 : i32
    %scan3A_33 = arith.constant 1 : i32
    %scan3A_34 = scf.for %scan3A_65 = %scan3A_30 to %scan3A_32 step %scan3A_33 iter_args(%scan3A_66 = %scan3A) -> (i32)  : i32 {
      %mul3A_67 = arith.constant 16 : i32
      %mul3A_68 = arith.muli %scan3A_65, %mul3A_67 : i32
      %get3A = arith.index_cast %mul3A_68 : i32 to index
      %get3A_69 = tpu.vector_load %arg11[%get3A] {strides = array<i32>} : memref<80xi32, #tpu.memory_space<vmem>>, vector<16xi32>,
      %add3A_70 = vector.broadcast %mul3A_5 : i32 to vector<16xi32>
      %add3A_71 = arith.addi %get3A_69, %add3A_70 : vector<16xi32>
      %mul3A_72 = arith.constant 16 : i32
      %mul3A_73 = arith.muli %scan3A_65, %mul3A_72 : i32
      %swap3A = arith.index_cast %mul3A_73 : i32 to index
      %swap3A_74 = tpu.vector_load %arg11[%swap3A] {strides = array<i32>} : memref<80xi32, #tpu.memory_space<vmem>>, vector<16xi32>,
      tpu.vector_store %arg11[%swap3A], %add3A_71 {strides = array<i32>} : memref<80xi32, #tpu.memory_space<vmem>>, vector<16xi32>,
      %scan3A_75 = arith.constant 0 : i32
      scf.yield %scan3A_75 : i32
    }
    %scan3A_35 = arith.constant 5 : i32
    %dma_start3A_36 = arith.constant 0 : i32
    %dma_start3A_37 = arith.constant 0 : i32
    %dma_start3A_38 = tpu.memref_slice %arg2[%dma_start3A_36, %dma_start3A_37] : memref<20480x128xf32, #tpu.memory_space<hbm>> -> memref<20480x128xf32, #tpu.memory_space<hbm>>
    tpu.enqueue_indirect_dma source(%dma_start3A_38 : memref<20480x128xf32, #tpu.memory_space<hbm>>) target(%arg15 : memref<80x128xf32, #tpu.memory_space<vmem>>) offsets(%arg11 : memref<80xi32, #tpu.memory_space<vmem>>) semaphore(%arg24 : memref<!tpu.dma_semaphore, #tpu.memory_space<semaphore_mem>>)
    %scan3A_39 = arith.constant 0 : i32
    %scan3A_40 = arith.constant 0 : i32
    %scan3A_41 = arith.constant 125 : i32
    %scan3A_42 = arith.addi %scan3A_40, %scan3A_41 : i32
    %scan3A_43 = arith.constant 1 : i32
    %scan3A_44 = scf.for %scan3A_65 = %scan3A_40 to %scan3A_42 step %scan3A_43 iter_args(%scan3A_66 = %scan3A_39) -> (i32)  : i32 {
      %ge3A = arith.constant 2 : i32
      %ge3A_67 = arith.cmpi sge, %scan3A_65, %ge3A : i32
      %convert_element_type3A = arith.extui %ge3A_67 : i1 to i32
      %cond3A = arith.constant 0 : i32
      %cond3A_68 = arith.cmpi ne, %convert_element_type3A, %cond3A : i32
      scf.if %cond3A_68 {
        %sub3A = arith.constant 2 : i32
        %sub3A_161 = arith.subi %scan3A_65, %sub3A : i32
        %jit3A_162 = arith.constant 4 : i32
        %eq3A_163 = arith.constant 0 : i32
        %eq3A_164 = arith.cmpi eq, %jit3A_162, %eq3A_163 : i32
        %jit3A_165 = arith.constant 1 : i32
        %select_n3A_166 = arith.select %eq3A_164, %jit3A_165, %jit3A_162 : i32
        %rem3A_167 = arith.remsi %sub3A_161, %select_n3A_166 : i32
        %ne3A_168 = arith.constant 0 : i32
        %ne3A_169 = arith.cmpi ne, %rem3A_167, %ne3A_168 : i32
        %lt3A_170 = arith.constant 0 : i32
        %lt3A_171 = arith.cmpi slt, %rem3A_167, %lt3A_170 : i32
        %lt3A_172 = arith.constant 0 : i32
        %lt3A_173 = arith.cmpi slt, %select_n3A_166, %lt3A_172 : i32
        %ne3A_174 = arith.xori %lt3A_171, %lt3A_173 : i1
        %and3A_175 = arith.andi %ne3A_174, %ne3A_169 : i1
        %add3A_176 = arith.addi %rem3A_167, %select_n3A_166 : i32
        %select_n3A_177 = arith.select %and3A_175, %add3A_176, %rem3A_167 : i32
        %eq3A_178 = arith.constant 0 : i32
        %eq3A_179 = arith.cmpi eq, %select_n3A_177, %eq3A_178 : i32
        %convert_element_type3A_180 = arith.extui %eq3A_179 : i1 to i32
        %cond3A_181 = arith.constant 0 : i32
        %cond3A_182 = arith.cmpi ne, %convert_element_type3A_180, %cond3A_181 : i32
        scf.if %cond3A_182 {
          %dma_wait3A_252 = arith.constant 0 : i32
          %dma_wait3A_253 = arith.constant 0 : i32
          %dma_wait3A_254 = tpu.memref_slice %arg2[%dma_wait3A_252, %dma_wait3A_253] : memref<20480x128xf32, #tpu.memory_space<hbm>> -> memref<80x128xf32, #tpu.memory_space<hbm>>
          %dma_wait3A_255 = arith.constant 0 : i32
          %dma_wait3A_256 = arith.constant 0 : i32
          %dma_wait3A_257 = tpu.memref_slice %arg2[%dma_wait3A_255, %dma_wait3A_256] : memref<20480x128xf32, #tpu.memory_space<hbm>> -> memref<80x128xf32, #tpu.memory_space<hbm>>
          tpu.wait_dma2 semaphore(%arg28 : memref<!tpu.dma_semaphore, #tpu.memory_space<semaphore_mem>>) src(%dma_wait3A_257 : memref<80x128xf32, #tpu.memory_space<hbm>>) dst(%arg15 : memref<80x128xf32, #tpu.memory_space<vmem>>)
        } else {
        }
        %sub3A_183 = arith.constant 2 : i32
        %sub3A_184 = arith.subi %scan3A_65, %sub3A_183 : i32
        %jit3A_185 = arith.constant 4 : i32
        %eq3A_186 = arith.constant 0 : i32
        %eq3A_187 = arith.cmpi eq, %jit3A_185, %eq3A_186 : i32
        %jit3A_188 = arith.constant 1 : i32
        %select_n3A_189 = arith.select %eq3A_187, %jit3A_188, %jit3A_185 : i32
        %rem3A_190 = arith.remsi %sub3A_184, %select_n3A_189 : i32
        %ne3A_191 = arith.constant 0 : i32
        %ne3A_192 = arith.cmpi ne, %rem3A_190, %ne3A_191 : i32
        %lt3A_193 = arith.constant 0 : i32
        %lt3A_194 = arith.cmpi slt, %rem3A_190, %lt3A_193 : i32
        %lt3A_195 = arith.constant 0 : i32
        %lt3A_196 = arith.cmpi slt, %select_n3A_189, %lt3A_195 : i32
        %ne3A_197 = arith.xori %lt3A_194, %lt3A_196 : i1
        %and3A_198 = arith.andi %ne3A_197, %ne3A_192 : i1
        %add3A_199 = arith.addi %rem3A_190, %select_n3A_189 : i32
        %select_n3A_200 = arith.select %and3A_198, %add3A_199, %rem3A_190 : i32
        %eq3A_201 = arith.constant 1 : i32
        %eq3A_202 = arith.cmpi eq, %select_n3A_200, %eq3A_201 : i32
        %convert_element_type3A_203 = arith.extui %eq3A_202 : i1 to i32
        %cond3A_204 = arith.constant 0 : i32
        %cond3A_205 = arith.cmpi ne, %convert_element_type3A_203, %cond3A_204 : i32
        scf.if %cond3A_205 {
          %dma_wait3A_252 = arith.constant 0 : i32
          %dma_wait3A_253 = arith.constant 0 : i32
          %dma_wait3A_254 = tpu.memref_slice %arg2[%dma_wait3A_252, %dma_wait3A_253] : memref<20480x128xf32, #tpu.memory_space<hbm>> -> memref<80x128xf32, #tpu.memory_space<hbm>>
          %dma_wait3A_255 = arith.constant 0 : i32
          %dma_wait3A_256 = arith.constant 0 : i32
          %dma_wait3A_257 = tpu.memref_slice %arg2[%dma_wait3A_255, %dma_wait3A_256] : memref<20480x128xf32, #tpu.memory_space<hbm>> -> memref<80x128xf32, #tpu.memory_space<hbm>>
          tpu.wait_dma2 semaphore(%arg29 : memref<!tpu.dma_semaphore, #tpu.memory_space<semaphore_mem>>) src(%dma_wait3A_257 : memref<80x128xf32, #tpu.memory_space<hbm>>) dst(%arg16 : memref<80x128xf32, #tpu.memory_space<vmem>>)
        } else {
        }
        %sub3A_206 = arith.constant 2 : i32
        %sub3A_207 = arith.subi %scan3A_65, %sub3A_206 : i32
        %jit3A_208 = arith.constant 4 : i32
        %eq3A_209 = arith.constant 0 : i32
        %eq3A_210 = arith.cmpi eq, %jit3A_208, %eq3A_209 : i32
        %jit3A_211 = arith.constant 1 : i32
        %select_n3A_212 = arith.select %eq3A_210, %jit3A_211, %jit3A_208 : i32
        %rem3A_213 = arith.remsi %sub3A_207, %select_n3A_212 : i32
        %ne3A_214 = arith.constant 0 : i32
        %ne3A_215 = arith.cmpi ne, %rem3A_213, %ne3A_214 : i32
        %lt3A_216 = arith.constant 0 : i32
        %lt3A_217 = arith.cmpi slt, %rem3A_213, %lt3A_216 : i32
        %lt3A_218 = arith.constant 0 : i32
        %lt3A_219 = arith.cmpi slt, %select_n3A_212, %lt3A_218 : i32
        %ne3A_220 = arith.xori %lt3A_217, %lt3A_219 : i1
        %and3A_221 = arith.andi %ne3A_220, %ne3A_215 : i1
        %add3A_222 = arith.addi %rem3A_213, %select_n3A_212 : i32
        %select_n3A_223 = arith.select %and3A_221, %add3A_222, %rem3A_213 : i32
        %eq3A_224 = arith.constant 2 : i32
        %eq3A_225 = arith.cmpi eq, %select_n3A_223, %eq3A_224 : i32
        %convert_element_type3A_226 = arith.extui %eq3A_225 : i1 to i32
        %cond3A_227 = arith.constant 0 : i32
        %cond3A_228 = arith.cmpi ne, %convert_element_type3A_226, %cond3A_227 : i32
        scf.if %cond3A_228 {
          %dma_wait3A_252 = arith.constant 0 : i32
          %dma_wait3A_253 = arith.constant 0 : i32
          %dma_wait3A_254 = tpu.memref_slice %arg2[%dma_wait3A_252, %dma_wait3A_253] : memref<20480x128xf32, #tpu.memory_space<hbm>> -> memref<80x128xf32, #tpu.memory_space<hbm>>
          %dma_wait3A_255 = arith.constant 0 : i32
          %dma_wait3A_256 = arith.constant 0 : i32
          %dma_wait3A_257 = tpu.memref_slice %arg2[%dma_wait3A_255, %dma_wait3A_256] : memref<20480x128xf32, #tpu.memory_space<hbm>> -> memref<80x128xf32, #tpu.memory_space<hbm>>
          tpu.wait_dma2 semaphore(%arg30 : memref<!tpu.dma_semaphore, #tpu.memory_space<semaphore_mem>>) src(%dma_wait3A_257 : memref<80x128xf32, #tpu.memory_space<hbm>>) dst(%arg17 : memref<80x128xf32, #tpu.memory_space<vmem>>)
        } else {
        }
        %sub3A_229 = arith.constant 2 : i32
        %sub3A_230 = arith.subi %scan3A_65, %sub3A_229 : i32
        %jit3A_231 = arith.constant 4 : i32
        %eq3A_232 = arith.constant 0 : i32
        %eq3A_233 = arith.cmpi eq, %jit3A_231, %eq3A_232 : i32
        %jit3A_234 = arith.constant 1 : i32
        %select_n3A_235 = arith.select %eq3A_233, %jit3A_234, %jit3A_231 : i32
        %rem3A_236 = arith.remsi %sub3A_230, %select_n3A_235 : i32
        %ne3A_237 = arith.constant 0 : i32
        %ne3A_238 = arith.cmpi ne, %rem3A_236, %ne3A_237 : i32
        %lt3A_239 = arith.constant 0 : i32
        %lt3A_240 = arith.cmpi slt, %rem3A_236, %lt3A_239 : i32
        %lt3A_241 = arith.constant 0 : i32
        %lt3A_242 = arith.cmpi slt, %select_n3A_235, %lt3A_241 : i32
        %ne3A_243 = arith.xori %lt3A_240, %lt3A_242 : i1
        %and3A_244 = arith.andi %ne3A_243, %ne3A_238 : i1
        %add3A_245 = arith.addi %rem3A_236, %select_n3A_235 : i32
        %select_n3A_246 = arith.select %and3A_244, %add3A_245, %rem3A_236 : i32
        %eq3A_247 = arith.constant 3 : i32
        %eq3A_248 = arith.cmpi eq, %select_n3A_246, %eq3A_247 : i32
        %convert_element_type3A_249 = arith.extui %eq3A_248 : i1 to i32
        %cond3A_250 = arith.constant 0 : i32
        %cond3A_251 = arith.cmpi ne, %convert_element_type3A_249, %cond3A_250 : i32
        scf.if %cond3A_251 {
          %dma_wait3A_252 = arith.constant 0 : i32
          %dma_wait3A_253 = arith.constant 0 : i32
          %dma_wait3A_254 = tpu.memref_slice %arg2[%dma_wait3A_252, %dma_wait3A_253] : memref<20480x128xf32, #tpu.memory_space<hbm>> -> memref<80x128xf32, #tpu.memory_space<hbm>>
          %dma_wait3A_255 = arith.constant 0 : i32
          %dma_wait3A_256 = arith.constant 0 : i32
          %dma_wait3A_257 = tpu.memref_slice %arg2[%dma_wait3A_255, %dma_wait3A_256] : memref<20480x128xf32, #tpu.memory_space<hbm>> -> memref<80x128xf32, #tpu.memory_space<hbm>>
          tpu.wait_dma2 semaphore(%arg31 : memref<!tpu.dma_semaphore, #tpu.memory_space<semaphore_mem>>) src(%dma_wait3A_257 : memref<80x128xf32, #tpu.memory_space<hbm>>) dst(%arg18 : memref<80x128xf32, #tpu.memory_space<vmem>>)
        } else {
        }
      } else {
      }
      %add3A_69 = arith.constant 2 : i32
      %add3A_70 = arith.addi %scan3A_65, %add3A_69 : i32
      %lt3A = arith.constant 125 : i32
      %lt3A_71 = arith.cmpi slt, %add3A_70, %lt3A : i32
      %convert_element_type3A_72 = arith.extui %lt3A_71 : i1 to i32
      %cond3A_73 = arith.constant 0 : i32
      %cond3A_74 = arith.cmpi ne, %convert_element_type3A_72, %cond3A_73 : i32
      scf.if %cond3A_74 {
        %add3A_161 = arith.constant 2 : i32
        %add3A_162 = arith.addi %scan3A_65, %add3A_161 : i32
        %jit3A_163 = arith.constant 4 : i32
        %eq3A_164 = arith.constant 0 : i32
        %eq3A_165 = arith.cmpi eq, %jit3A_163, %eq3A_164 : i32
        %jit3A_166 = arith.constant 1 : i32
        %select_n3A_167 = arith.select %eq3A_165, %jit3A_166, %jit3A_163 : i32
        %rem3A_168 = arith.remsi %add3A_162, %select_n3A_167 : i32
        %ne3A_169 = arith.constant 0 : i32
        %ne3A_170 = arith.cmpi ne, %rem3A_168, %ne3A_169 : i32
        %lt3A_171 = arith.constant 0 : i32
        %lt3A_172 = arith.cmpi slt, %rem3A_168, %lt3A_171 : i32
        %lt3A_173 = arith.constant 0 : i32
        %lt3A_174 = arith.cmpi slt, %select_n3A_167, %lt3A_173 : i32
        %ne3A_175 = arith.xori %lt3A_172, %lt3A_174 : i1
        %and3A_176 = arith.andi %ne3A_175, %ne3A_170 : i1
        %add3A_177 = arith.addi %rem3A_168, %select_n3A_167 : i32
        %select_n3A_178 = arith.select %and3A_176, %add3A_177, %rem3A_168 : i32
        %eq3A_179 = arith.constant 0 : i32
        %eq3A_180 = arith.cmpi eq, %select_n3A_178, %eq3A_179 : i32
        %convert_element_type3A_181 = arith.extui %eq3A_180 : i1 to i32
        %cond3A_182 = arith.constant 0 : i32
        %cond3A_183 = arith.cmpi ne, %convert_element_type3A_181, %cond3A_182 : i32
        scf.if %cond3A_183 {
          %add3A_253 = arith.constant 2 : i32
          %add3A_254 = arith.addi %scan3A_65, %add3A_253 : i32
          %mul3A_255 = arith.constant 80 : i32
          %mul3A_256 = arith.muli %add3A_254, %mul3A_255 : i32
          %add3A_257 = arith.addi %mul3A_0, %mul3A_256 : i32
          %dma_start3A_258 = tpu.memref_slice %arg3[%add3A_257] : memref<160000xi32, #tpu.memory_space<hbm>> -> memref<80xi32, #tpu.memory_space<hbm>>
          %dma_start3A_259 = tpu.memref_slice %arg3[%add3A_257] : memref<160000xi32, #tpu.memory_space<hbm>> -> memref<80xi32, #tpu.memory_space<hbm>>
          tpu.enqueue_dma source(%dma_start3A_259 : memref<80xi32, #tpu.memory_space<hbm>>) target(%arg7 : memref<80xi32, #tpu.memory_space<vmem>>) target_semaphore(%arg20 : memref<!tpu.dma_semaphore, #tpu.memory_space<semaphore_mem>>)
          %mul3A_260 = arith.constant 80 : i32
          %mul3A_261 = arith.muli %add3A_254, %mul3A_260 : i32
          %add3A_262 = arith.addi %mul3A_0, %mul3A_261 : i32
          %dma_start3A_263 = tpu.memref_slice %arg4[%add3A_262] : memref<160000xi32, #tpu.memory_space<hbm>> -> memref<80xi32, #tpu.memory_space<hbm>>
          %dma_start3A_264 = tpu.memref_slice %arg4[%add3A_262] : memref<160000xi32, #tpu.memory_space<hbm>> -> memref<80xi32, #tpu.memory_space<hbm>>
          tpu.enqueue_dma source(%dma_start3A_264 : memref<80xi32, #tpu.memory_space<hbm>>) target(%arg11 : memref<80xi32, #tpu.memory_space<vmem>>) target_semaphore(%arg20 : memref<!tpu.dma_semaphore, #tpu.memory_space<semaphore_mem>>)
        } else {
        }
        %add3A_184 = arith.constant 2 : i32
        %add3A_185 = arith.addi %scan3A_65, %add3A_184 : i32
        %jit3A_186 = arith.constant 4 : i32
        %eq3A_187 = arith.constant 0 : i32
        %eq3A_188 = arith.cmpi eq, %jit3A_186, %eq3A_187 : i32
        %jit3A_189 = arith.constant 1 : i32
        %select_n3A_190 = arith.select %eq3A_188, %jit3A_189, %jit3A_186 : i32
        %rem3A_191 = arith.remsi %add3A_185, %select_n3A_190 : i32
        %ne3A_192 = arith.constant 0 : i32
        %ne3A_193 = arith.cmpi ne, %rem3A_191, %ne3A_192 : i32
        %lt3A_194 = arith.constant 0 : i32
        %lt3A_195 = arith.cmpi slt, %rem3A_191, %lt3A_194 : i32
        %lt3A_196 = arith.constant 0 : i32
        %lt3A_197 = arith.cmpi slt, %select_n3A_190, %lt3A_196 : i32
        %ne3A_198 = arith.xori %lt3A_195, %lt3A_197 : i1
        %and3A_199 = arith.andi %ne3A_198, %ne3A_193 : i1
        %add3A_200 = arith.addi %rem3A_191, %select_n3A_190 : i32
        %select_n3A_201 = arith.select %and3A_199, %add3A_200, %rem3A_191 : i32
        %eq3A_202 = arith.constant 1 : i32
        %eq3A_203 = arith.cmpi eq, %select_n3A_201, %eq3A_202 : i32
        %convert_element_type3A_204 = arith.extui %eq3A_203 : i1 to i32
        %cond3A_205 = arith.constant 0 : i32
        %cond3A_206 = arith.cmpi ne, %convert_element_type3A_204, %cond3A_205 : i32
        scf.if %cond3A_206 {
          %add3A_253 = arith.constant 2 : i32
          %add3A_254 = arith.addi %scan3A_65, %add3A_253 : i32
          %mul3A_255 = arith.constant 80 : i32
          %mul3A_256 = arith.muli %add3A_254, %mul3A_255 : i32
          %add3A_257 = arith.addi %mul3A_0, %mul3A_256 : i32
          %dma_start3A_258 = tpu.memref_slice %arg3[%add3A_257] : memref<160000xi32, #tpu.memory_space<hbm>> -> memref<80xi32, #tpu.memory_space<hbm>>
          %dma_start3A_259 = tpu.memref_slice %arg3[%add3A_257] : memref<160000xi32, #tpu.memory_space<hbm>> -> memref<80xi32, #tpu.memory_space<hbm>>
          tpu.enqueue_dma source(%dma_start3A_259 : memref<80xi32, #tpu.memory_space<hbm>>) target(%arg8 : memref<80xi32, #tpu.memory_space<vmem>>) target_semaphore(%arg21 : memref<!tpu.dma_semaphore, #tpu.memory_space<semaphore_mem>>)
          %mul3A_260 = arith.constant 80 : i32
          %mul3A_261 = arith.muli %add3A_254, %mul3A_260 : i32
          %add3A_262 = arith.addi %mul3A_0, %mul3A_261 : i32
          %dma_start3A_263 = tpu.memref_slice %arg4[%add3A_262] : memref<160000xi32, #tpu.memory_space<hbm>> -> memref<80xi32, #tpu.memory_space<hbm>>
          %dma_start3A_264 = tpu.memref_slice %arg4[%add3A_262] : memref<160000xi32, #tpu.memory_space<hbm>> -> memref<80xi32, #tpu.memory_space<hbm>>
          tpu.enqueue_dma source(%dma_start3A_264 : memref<80xi32, #tpu.memory_space<hbm>>) target(%arg12 : memref<80xi32, #tpu.memory_space<vmem>>) target_semaphore(%arg21 : memref<!tpu.dma_semaphore, #tpu.memory_space<semaphore_mem>>)
        } else {
        }
        %add3A_207 = arith.constant 2 : i32
        %add3A_208 = arith.addi %scan3A_65, %add3A_207 : i32
        %jit3A_209 = arith.constant 4 : i32
        %eq3A_210 = arith.constant 0 : i32
        %eq3A_211 = arith.cmpi eq, %jit3A_209, %eq3A_210 : i32
        %jit3A_212 = arith.constant 1 : i32
        %select_n3A_213 = arith.select %eq3A_211, %jit3A_212, %jit3A_209 : i32
        %rem3A_214 = arith.remsi %add3A_208, %select_n3A_213 : i32
        %ne3A_215 = arith.constant 0 : i32
        %ne3A_216 = arith.cmpi ne, %rem3A_214, %ne3A_215 : i32
        %lt3A_217 = arith.constant 0 : i32
        %lt3A_218 = arith.cmpi slt, %rem3A_214, %lt3A_217 : i32
        %lt3A_219 = arith.constant 0 : i32
        %lt3A_220 = arith.cmpi slt, %select_n3A_213, %lt3A_219 : i32
        %ne3A_221 = arith.xori %lt3A_218, %lt3A_220 : i1
        %and3A_222 = arith.andi %ne3A_221, %ne3A_216 : i1
        %add3A_223 = arith.addi %rem3A_214, %select_n3A_213 : i32
        %select_n3A_224 = arith.select %and3A_222, %add3A_223, %rem3A_214 : i32
        %eq3A_225 = arith.constant 2 : i32
        %eq3A_226 = arith.cmpi eq, %select_n3A_224, %eq3A_225 : i32
        %convert_element_type3A_227 = arith.extui %eq3A_226 : i1 to i32
        %cond3A_228 = arith.constant 0 : i32
        %cond3A_229 = arith.cmpi ne, %convert_element_type3A_227, %cond3A_228 : i32
        scf.if %cond3A_229 {
          %add3A_253 = arith.constant 2 : i32
          %add3A_254 = arith.addi %scan3A_65, %add3A_253 : i32
          %mul3A_255 = arith.constant 80 : i32
          %mul3A_256 = arith.muli %add3A_254, %mul3A_255 : i32
          %add3A_257 = arith.addi %mul3A_0, %mul3A_256 : i32
          %dma_start3A_258 = tpu.memref_slice %arg3[%add3A_257] : memref<160000xi32, #tpu.memory_space<hbm>> -> memref<80xi32, #tpu.memory_space<hbm>>
          %dma_start3A_259 = tpu.memref_slice %arg3[%add3A_257] : memref<160000xi32, #tpu.memory_space<hbm>> -> memref<80xi32, #tpu.memory_space<hbm>>
          tpu.enqueue_dma source(%dma_start3A_259 : memref<80xi32, #tpu.memory_space<hbm>>) target(%arg9 : memref<80xi32, #tpu.memory_space<vmem>>) target_semaphore(%arg22 : memref<!tpu.dma_semaphore, #tpu.memory_space<semaphore_mem>>)
          %mul3A_260 = arith.constant 80 : i32
          %mul3A_261 = arith.muli %add3A_254, %mul3A_260 : i32
          %add3A_262 = arith.addi %mul3A_0, %mul3A_261 : i32
          %dma_start3A_263 = tpu.memref_slice %arg4[%add3A_262] : memref<160000xi32, #tpu.memory_space<hbm>> -> memref<80xi32, #tpu.memory_space<hbm>>
          %dma_start3A_264 = tpu.memref_slice %arg4[%add3A_262] : memref<160000xi32, #tpu.memory_space<hbm>> -> memref<80xi32, #tpu.memory_space<hbm>>
          tpu.enqueue_dma source(%dma_start3A_264 : memref<80xi32, #tpu.memory_space<hbm>>) target(%arg13 : memref<80xi32, #tpu.memory_space<vmem>>) target_semaphore(%arg22 : memref<!tpu.dma_semaphore, #tpu.memory_space<semaphore_mem>>)
        } else {
        }
        %add3A_230 = arith.constant 2 : i32
        %add3A_231 = arith.addi %scan3A_65, %add3A_230 : i32
        %jit3A_232 = arith.constant 4 : i32
        %eq3A_233 = arith.constant 0 : i32
        %eq3A_234 = arith.cmpi eq, %jit3A_232, %eq3A_233 : i32
        %jit3A_235 = arith.constant 1 : i32
        %select_n3A_236 = arith.select %eq3A_234, %jit3A_235, %jit3A_232 : i32
        %rem3A_237 = arith.remsi %add3A_231, %select_n3A_236 : i32
        %ne3A_238 = arith.constant 0 : i32
        %ne3A_239 = arith.cmpi ne, %rem3A_237, %ne3A_238 : i32
        %lt3A_240 = arith.constant 0 : i32
        %lt3A_241 = arith.cmpi slt, %rem3A_237, %lt3A_240 : i32
        %lt3A_242 = arith.constant 0 : i32
        %lt3A_243 = arith.cmpi slt, %select_n3A_236, %lt3A_242 : i32
        %ne3A_244 = arith.xori %lt3A_241, %lt3A_243 : i1
        %and3A_245 = arith.andi %ne3A_244, %ne3A_239 : i1
        %add3A_246 = arith.addi %rem3A_237, %select_n3A_236 : i32
        %select_n3A_247 = arith.select %and3A_245, %add3A_246, %rem3A_237 : i32
        %eq3A_248 = arith.constant 3 : i32
        %eq3A_249 = arith.cmpi eq, %select_n3A_247, %eq3A_248 : i32
        %convert_element_type3A_250 = arith.extui %eq3A_249 : i1 to i32
        %cond3A_251 = arith.constant 0 : i32
        %cond3A_252 = arith.cmpi ne, %convert_element_type3A_250, %cond3A_251 : i32
        scf.if %cond3A_252 {
          %add3A_253 = arith.constant 2 : i32
          %add3A_254 = arith.addi %scan3A_65, %add3A_253 : i32
          %mul3A_255 = arith.constant 80 : i32
          %mul3A_256 = arith.muli %add3A_254, %mul3A_255 : i32
          %add3A_257 = arith.addi %mul3A_0, %mul3A_256 : i32
          %dma_start3A_258 = tpu.memref_slice %arg3[%add3A_257] : memref<160000xi32, #tpu.memory_space<hbm>> -> memref<80xi32, #tpu.memory_space<hbm>>
          %dma_start3A_259 = tpu.memref_slice %arg3[%add3A_257] : memref<160000xi32, #tpu.memory_space<hbm>> -> memref<80xi32, #tpu.memory_space<hbm>>
          tpu.enqueue_dma source(%dma_start3A_259 : memref<80xi32, #tpu.memory_space<hbm>>) target(%arg10 : memref<80xi32, #tpu.memory_space<vmem>>) target_semaphore(%arg23 : memref<!tpu.dma_semaphore, #tpu.memory_space<semaphore_mem>>)
          %mul3A_260 = arith.constant 80 : i32
          %mul3A_261 = arith.muli %add3A_254, %mul3A_260 : i32
          %add3A_262 = arith.addi %mul3A_0, %mul3A_261 : i32
          %dma_start3A_263 = tpu.memref_slice %arg4[%add3A_262] : memref<160000xi32, #tpu.memory_space<hbm>> -> memref<80xi32, #tpu.memory_space<hbm>>
          %dma_start3A_264 = tpu.memref_slice %arg4[%add3A_262] : memref<160000xi32, #tpu.memory_space<hbm>> -> memref<80xi32, #tpu.memory_space<hbm>>
          tpu.enqueue_dma source(%dma_start3A_264 : memref<80xi32, #tpu.memory_space<hbm>>) target(%arg14 : memref<80xi32, #tpu.memory_space<vmem>>) target_semaphore(%arg23 : memref<!tpu.dma_semaphore, #tpu.memory_space<semaphore_mem>>)
        } else {
        }
      } else {
      }
      %add3A_75 = arith.constant 1 : i32
      %add3A_76 = arith.addi %scan3A_65, %add3A_75 : i32
      %lt3A_77 = arith.constant 125 : i32
      %lt3A_78 = arith.cmpi slt, %add3A_76, %lt3A_77 : i32
      %convert_element_type3A_79 = arith.extui %lt3A_78 : i1 to i32
      %cond3A_80 = arith.constant 0 : i32
      %cond3A_81 = arith.cmpi ne, %convert_element_type3A_79, %cond3A_80 : i32
      scf.if %cond3A_81 {
        %add3A_161 = arith.constant 1 : i32
        %add3A_162 = arith.addi %scan3A_65, %add3A_161 : i32
        %jit3A_163 = arith.constant 4 : i32
        %eq3A_164 = arith.constant 0 : i32
        %eq3A_165 = arith.cmpi eq, %jit3A_163, %eq3A_164 : i32
        %jit3A_166 = arith.constant 1 : i32
        %select_n3A_167 = arith.select %eq3A_165, %jit3A_166, %jit3A_163 : i32
        %rem3A_168 = arith.remsi %add3A_162, %select_n3A_167 : i32
        %ne3A_169 = arith.constant 0 : i32
        %ne3A_170 = arith.cmpi ne, %rem3A_168, %ne3A_169 : i32
        %lt3A_171 = arith.constant 0 : i32
        %lt3A_172 = arith.cmpi slt, %rem3A_168, %lt3A_171 : i32
        %lt3A_173 = arith.constant 0 : i32
        %lt3A_174 = arith.cmpi slt, %select_n3A_167, %lt3A_173 : i32
        %ne3A_175 = arith.xori %lt3A_172, %lt3A_174 : i1
        %and3A_176 = arith.andi %ne3A_175, %ne3A_170 : i1
        %add3A_177 = arith.addi %rem3A_168, %select_n3A_167 : i32
        %select_n3A_178 = arith.select %and3A_176, %add3A_177, %rem3A_168 : i32
        %eq3A_179 = arith.constant 0 : i32
        %eq3A_180 = arith.cmpi eq, %select_n3A_178, %eq3A_179 : i32
        %convert_element_type3A_181 = arith.extui %eq3A_180 : i1 to i32
        %cond3A_182 = arith.constant 0 : i32
        %cond3A_183 = arith.cmpi ne, %convert_element_type3A_181, %cond3A_182 : i32
        scf.if %cond3A_183 {
          %dma_wait3A_253 = arith.constant 0 : i32
          %dma_wait3A_254 = tpu.memref_slice %arg3[%dma_wait3A_253] : memref<160000xi32, #tpu.memory_space<hbm>> -> memref<80xi32, #tpu.memory_space<hbm>>
          %dma_wait3A_255 = arith.constant 0 : i32
          %dma_wait3A_256 = tpu.memref_slice %arg3[%dma_wait3A_255] : memref<160000xi32, #tpu.memory_space<hbm>> -> memref<80xi32, #tpu.memory_space<hbm>>
          tpu.wait_dma2 semaphore(%arg20 : memref<!tpu.dma_semaphore, #tpu.memory_space<semaphore_mem>>) src(%dma_wait3A_256 : memref<80xi32, #tpu.memory_space<hbm>>) dst(%arg7 : memref<80xi32, #tpu.memory_space<vmem>>)
          %dma_wait3A_257 = arith.constant 0 : i32
          %dma_wait3A_258 = tpu.memref_slice %arg4[%dma_wait3A_257] : memref<160000xi32, #tpu.memory_space<hbm>> -> memref<80xi32, #tpu.memory_space<hbm>>
          %dma_wait3A_259 = arith.constant 0 : i32
          %dma_wait3A_260 = tpu.memref_slice %arg4[%dma_wait3A_259] : memref<160000xi32, #tpu.memory_space<hbm>> -> memref<80xi32, #tpu.memory_space<hbm>>
          tpu.wait_dma2 semaphore(%arg20 : memref<!tpu.dma_semaphore, #tpu.memory_space<semaphore_mem>>) src(%dma_wait3A_260 : memref<80xi32, #tpu.memory_space<hbm>>) dst(%arg11 : memref<80xi32, #tpu.memory_space<vmem>>)
          %scan3A_261 = arith.constant 0 : i32
          %scan3A_262 = arith.constant 0 : i32
          %scan3A_263 = arith.constant 5 : i32
          %scan3A_264 = arith.addi %scan3A_262, %scan3A_263 : i32
          %scan3A_265 = arith.constant 1 : i32
          %scan3A_266 = scf.for %scan3A_271 = %scan3A_262 to %scan3A_264 step %scan3A_265 iter_args(%scan3A_272 = %scan3A_261) -> (i32)  : i32 {
            %mul3A_273 = arith.constant 16 : i32
            %mul3A_274 = arith.muli %scan3A_271, %mul3A_273 : i32
            %get3A = arith.index_cast %mul3A_274 : i32 to index
            %get3A_275 = tpu.vector_load %arg11[%get3A] {strides = array<i32>} : memref<80xi32, #tpu.memory_space<vmem>>, vector<16xi32>,
            %add3A_276 = vector.broadcast %mul3A_5 : i32 to vector<16xi32>
            %add3A_277 = arith.addi %get3A_275, %add3A_276 : vector<16xi32>
            %mul3A_278 = arith.constant 16 : i32
            %mul3A_279 = arith.muli %scan3A_271, %mul3A_278 : i32
            %swap3A = arith.index_cast %mul3A_279 : i32 to index
            %swap3A_280 = tpu.vector_load %arg11[%swap3A] {strides = array<i32>} : memref<80xi32, #tpu.memory_space<vmem>>, vector<16xi32>,
            tpu.vector_store %arg11[%swap3A], %add3A_277 {strides = array<i32>} : memref<80xi32, #tpu.memory_space<vmem>>, vector<16xi32>,
            %scan3A_281 = arith.constant 0 : i32
            scf.yield %scan3A_281 : i32
          }
          %scan3A_267 = arith.constant 5 : i32
          %dma_start3A_268 = arith.constant 0 : i32
          %dma_start3A_269 = arith.constant 0 : i32
          %dma_start3A_270 = tpu.memref_slice %arg2[%dma_start3A_268, %dma_start3A_269] : memref<20480x128xf32, #tpu.memory_space<hbm>> -> memref<20480x128xf32, #tpu.memory_space<hbm>>
          tpu.enqueue_indirect_dma source(%dma_start3A_270 : memref<20480x128xf32, #tpu.memory_space<hbm>>) target(%arg15 : memref<80x128xf32, #tpu.memory_space<vmem>>) offsets(%arg11 : memref<80xi32, #tpu.memory_space<vmem>>) semaphore(%arg24 : memref<!tpu.dma_semaphore, #tpu.memory_space<semaphore_mem>>)
        } else {
        }
        %add3A_184 = arith.constant 1 : i32
        %add3A_185 = arith.addi %scan3A_65, %add3A_184 : i32
        %jit3A_186 = arith.constant 4 : i32
        %eq3A_187 = arith.constant 0 : i32
        %eq3A_188 = arith.cmpi eq, %jit3A_186, %eq3A_187 : i32
        %jit3A_189 = arith.constant 1 : i32
        %select_n3A_190 = arith.select %eq3A_188, %jit3A_189, %jit3A_186 : i32
        %rem3A_191 = arith.remsi %add3A_185, %select_n3A_190 : i32
        %ne3A_192 = arith.constant 0 : i32
        %ne3A_193 = arith.cmpi ne, %rem3A_191, %ne3A_192 : i32
        %lt3A_194 = arith.constant 0 : i32
        %lt3A_195 = arith.cmpi slt, %rem3A_191, %lt3A_194 : i32
        %lt3A_196 = arith.constant 0 : i32
        %lt3A_197 = arith.cmpi slt, %select_n3A_190, %lt3A_196 : i32
        %ne3A_198 = arith.xori %lt3A_195, %lt3A_197 : i1
        %and3A_199 = arith.andi %ne3A_198, %ne3A_193 : i1
        %add3A_200 = arith.addi %rem3A_191, %select_n3A_190 : i32
        %select_n3A_201 = arith.select %and3A_199, %add3A_200, %rem3A_191 : i32
        %eq3A_202 = arith.constant 1 : i32
        %eq3A_203 = arith.cmpi eq, %select_n3A_201, %eq3A_202 : i32
        %convert_element_type3A_204 = arith.extui %eq3A_203 : i1 to i32
        %cond3A_205 = arith.constant 0 : i32
        %cond3A_206 = arith.cmpi ne, %convert_element_type3A_204, %cond3A_205 : i32
        scf.if %cond3A_206 {
          %dma_wait3A_253 = arith.constant 0 : i32
          %dma_wait3A_254 = tpu.memref_slice %arg3[%dma_wait3A_253] : memref<160000xi32, #tpu.memory_space<hbm>> -> memref<80xi32, #tpu.memory_space<hbm>>
          %dma_wait3A_255 = arith.constant 0 : i32
          %dma_wait3A_256 = tpu.memref_slice %arg3[%dma_wait3A_255] : memref<160000xi32, #tpu.memory_space<hbm>> -> memref<80xi32, #tpu.memory_space<hbm>>
          tpu.wait_dma2 semaphore(%arg21 : memref<!tpu.dma_semaphore, #tpu.memory_space<semaphore_mem>>) src(%dma_wait3A_256 : memref<80xi32, #tpu.memory_space<hbm>>) dst(%arg8 : memref<80xi32, #tpu.memory_space<vmem>>)
          %dma_wait3A_257 = arith.constant 0 : i32
          %dma_wait3A_258 = tpu.memref_slice %arg4[%dma_wait3A_257] : memref<160000xi32, #tpu.memory_space<hbm>> -> memref<80xi32, #tpu.memory_space<hbm>>
          %dma_wait3A_259 = arith.constant 0 : i32
          %dma_wait3A_260 = tpu.memref_slice %arg4[%dma_wait3A_259] : memref<160000xi32, #tpu.memory_space<hbm>> -> memref<80xi32, #tpu.memory_space<hbm>>
          tpu.wait_dma2 semaphore(%arg21 : memref<!tpu.dma_semaphore, #tpu.memory_space<semaphore_mem>>) src(%dma_wait3A_260 : memref<80xi32, #tpu.memory_space<hbm>>) dst(%arg12 : memref<80xi32, #tpu.memory_space<vmem>>)
          %scan3A_261 = arith.constant 0 : i32
          %scan3A_262 = arith.constant 0 : i32
          %scan3A_263 = arith.constant 5 : i32
          %scan3A_264 = arith.addi %scan3A_262, %scan3A_263 : i32
          %scan3A_265 = arith.constant 1 : i32
          %scan3A_266 = scf.for %scan3A_271 = %scan3A_262 to %scan3A_264 step %scan3A_265 iter_args(%scan3A_272 = %scan3A_261) -> (i32)  : i32 {
            %mul3A_273 = arith.constant 16 : i32
            %mul3A_274 = arith.muli %scan3A_271, %mul3A_273 : i32
            %get3A = arith.index_cast %mul3A_274 : i32 to index
            %get3A_275 = tpu.vector_load %arg12[%get3A] {strides = array<i32>} : memref<80xi32, #tpu.memory_space<vmem>>, vector<16xi32>,
            %add3A_276 = vector.broadcast %mul3A_5 : i32 to vector<16xi32>
            %add3A_277 = arith.addi %get3A_275, %add3A_276 : vector<16xi32>
            %mul3A_278 = arith.constant 16 : i32
            %mul3A_279 = arith.muli %scan3A_271, %mul3A_278 : i32
            %swap3A = arith.index_cast %mul3A_279 : i32 to index
            %swap3A_280 = tpu.vector_load %arg12[%swap3A] {strides = array<i32>} : memref<80xi32, #tpu.memory_space<vmem>>, vector<16xi32>,
            tpu.vector_store %arg12[%swap3A], %add3A_277 {strides = array<i32>} : memref<80xi32, #tpu.memory_space<vmem>>, vector<16xi32>,
            %scan3A_281 = arith.constant 0 : i32
            scf.yield %scan3A_281 : i32
          }
          %scan3A_267 = arith.constant 5 : i32
          %dma_start3A_268 = arith.constant 0 : i32
          %dma_start3A_269 = arith.constant 0 : i32
          %dma_start3A_270 = tpu.memref_slice %arg2[%dma_start3A_268, %dma_start3A_269] : memref<20480x128xf32, #tpu.memory_space<hbm>> -> memref<20480x128xf32, #tpu.memory_space<hbm>>
          tpu.enqueue_indirect_dma source(%dma_start3A_270 : memref<20480x128xf32, #tpu.memory_space<hbm>>) target(%arg16 : memref<80x128xf32, #tpu.memory_space<vmem>>) offsets(%arg12 : memref<80xi32, #tpu.memory_space<vmem>>) semaphore(%arg25 : memref<!tpu.dma_semaphore, #tpu.memory_space<semaphore_mem>>)
        } else {
        }
        %add3A_207 = arith.constant 1 : i32
        %add3A_208 = arith.addi %scan3A_65, %add3A_207 : i32
        %jit3A_209 = arith.constant 4 : i32
        %eq3A_210 = arith.constant 0 : i32
        %eq3A_211 = arith.cmpi eq, %jit3A_209, %eq3A_210 : i32
        %jit3A_212 = arith.constant 1 : i32
        %select_n3A_213 = arith.select %eq3A_211, %jit3A_212, %jit3A_209 : i32
        %rem3A_214 = arith.remsi %add3A_208, %select_n3A_213 : i32
        %ne3A_215 = arith.constant 0 : i32
        %ne3A_216 = arith.cmpi ne, %rem3A_214, %ne3A_215 : i32
        %lt3A_217 = arith.constant 0 : i32
        %lt3A_218 = arith.cmpi slt, %rem3A_214, %lt3A_217 : i32
        %lt3A_219 = arith.constant 0 : i32
        %lt3A_220 = arith.cmpi slt, %select_n3A_213, %lt3A_219 : i32
        %ne3A_221 = arith.xori %lt3A_218, %lt3A_220 : i1
        %and3A_222 = arith.andi %ne3A_221, %ne3A_216 : i1
        %add3A_223 = arith.addi %rem3A_214, %select_n3A_213 : i32
        %select_n3A_224 = arith.select %and3A_222, %add3A_223, %rem3A_214 : i32
        %eq3A_225 = arith.constant 2 : i32
        %eq3A_226 = arith.cmpi eq, %select_n3A_224, %eq3A_225 : i32
        %convert_element_type3A_227 = arith.extui %eq3A_226 : i1 to i32
        %cond3A_228 = arith.constant 0 : i32
        %cond3A_229 = arith.cmpi ne, %convert_element_type3A_227, %cond3A_228 : i32
        scf.if %cond3A_229 {
          %dma_wait3A_253 = arith.constant 0 : i32
          %dma_wait3A_254 = tpu.memref_slice %arg3[%dma_wait3A_253] : memref<160000xi32, #tpu.memory_space<hbm>> -> memref<80xi32, #tpu.memory_space<hbm>>
          %dma_wait3A_255 = arith.constant 0 : i32
          %dma_wait3A_256 = tpu.memref_slice %arg3[%dma_wait3A_255] : memref<160000xi32, #tpu.memory_space<hbm>> -> memref<80xi32, #tpu.memory_space<hbm>>
          tpu.wait_dma2 semaphore(%arg22 : memref<!tpu.dma_semaphore, #tpu.memory_space<semaphore_mem>>) src(%dma_wait3A_256 : memref<80xi32, #tpu.memory_space<hbm>>) dst(%arg9 : memref<80xi32, #tpu.memory_space<vmem>>)
          %dma_wait3A_257 = arith.constant 0 : i32
          %dma_wait3A_258 = tpu.memref_slice %arg4[%dma_wait3A_257] : memref<160000xi32, #tpu.memory_space<hbm>> -> memref<80xi32, #tpu.memory_space<hbm>>
          %dma_wait3A_259 = arith.constant 0 : i32
          %dma_wait3A_260 = tpu.memref_slice %arg4[%dma_wait3A_259] : memref<160000xi32, #tpu.memory_space<hbm>> -> memref<80xi32, #tpu.memory_space<hbm>>
          tpu.wait_dma2 semaphore(%arg22 : memref<!tpu.dma_semaphore, #tpu.memory_space<semaphore_mem>>) src(%dma_wait3A_260 : memref<80xi32, #tpu.memory_space<hbm>>) dst(%arg13 : memref<80xi32, #tpu.memory_space<vmem>>)
          %scan3A_261 = arith.constant 0 : i32
          %scan3A_262 = arith.constant 0 : i32
          %scan3A_263 = arith.constant 5 : i32
          %scan3A_264 = arith.addi %scan3A_262, %scan3A_263 : i32
          %scan3A_265 = arith.constant 1 : i32
          %scan3A_266 = scf.for %scan3A_271 = %scan3A_262 to %scan3A_264 step %scan3A_265 iter_args(%scan3A_272 = %scan3A_261) -> (i32)  : i32 {
            %mul3A_273 = arith.constant 16 : i32
            %mul3A_274 = arith.muli %scan3A_271, %mul3A_273 : i32
            %get3A = arith.index_cast %mul3A_274 : i32 to index
            %get3A_275 = tpu.vector_load %arg13[%get3A] {strides = array<i32>} : memref<80xi32, #tpu.memory_space<vmem>>, vector<16xi32>,
            %add3A_276 = vector.broadcast %mul3A_5 : i32 to vector<16xi32>
            %add3A_277 = arith.addi %get3A_275, %add3A_276 : vector<16xi32>
            %mul3A_278 = arith.constant 16 : i32
            %mul3A_279 = arith.muli %scan3A_271, %mul3A_278 : i32
            %swap3A = arith.index_cast %mul3A_279 : i32 to index
            %swap3A_280 = tpu.vector_load %arg13[%swap3A] {strides = array<i32>} : memref<80xi32, #tpu.memory_space<vmem>>, vector<16xi32>,
            tpu.vector_store %arg13[%swap3A], %add3A_277 {strides = array<i32>} : memref<80xi32, #tpu.memory_space<vmem>>, vector<16xi32>,
            %scan3A_281 = arith.constant 0 : i32
            scf.yield %scan3A_281 : i32
          }
          %scan3A_267 = arith.constant 5 : i32
          %dma_start3A_268 = arith.constant 0 : i32
          %dma_start3A_269 = arith.constant 0 : i32
          %dma_start3A_270 = tpu.memref_slice %arg2[%dma_start3A_268, %dma_start3A_269] : memref<20480x128xf32, #tpu.memory_space<hbm>> -> memref<20480x128xf32, #tpu.memory_space<hbm>>
          tpu.enqueue_indirect_dma source(%dma_start3A_270 : memref<20480x128xf32, #tpu.memory_space<hbm>>) target(%arg17 : memref<80x128xf32, #tpu.memory_space<vmem>>) offsets(%arg13 : memref<80xi32, #tpu.memory_space<vmem>>) semaphore(%arg26 : memref<!tpu.dma_semaphore, #tpu.memory_space<semaphore_mem>>)
        } else {
        }
        %add3A_230 = arith.constant 1 : i32
        %add3A_231 = arith.addi %scan3A_65, %add3A_230 : i32
        %jit3A_232 = arith.constant 4 : i32
        %eq3A_233 = arith.constant 0 : i32
        %eq3A_234 = arith.cmpi eq, %jit3A_232, %eq3A_233 : i32
        %jit3A_235 = arith.constant 1 : i32
        %select_n3A_236 = arith.select %eq3A_234, %jit3A_235, %jit3A_232 : i32
        %rem3A_237 = arith.remsi %add3A_231, %select_n3A_236 : i32
        %ne3A_238 = arith.constant 0 : i32
        %ne3A_239 = arith.cmpi ne, %rem3A_237, %ne3A_238 : i32
        %lt3A_240 = arith.constant 0 : i32
        %lt3A_241 = arith.cmpi slt, %rem3A_237, %lt3A_240 : i32
        %lt3A_242 = arith.constant 0 : i32
        %lt3A_243 = arith.cmpi slt, %select_n3A_236, %lt3A_242 : i32
        %ne3A_244 = arith.xori %lt3A_241, %lt3A_243 : i1
        %and3A_245 = arith.andi %ne3A_244, %ne3A_239 : i1
        %add3A_246 = arith.addi %rem3A_237, %select_n3A_236 : i32
        %select_n3A_247 = arith.select %and3A_245, %add3A_246, %rem3A_237 : i32
        %eq3A_248 = arith.constant 3 : i32
        %eq3A_249 = arith.cmpi eq, %select_n3A_247, %eq3A_248 : i32
        %convert_element_type3A_250 = arith.extui %eq3A_249 : i1 to i32
        %cond3A_251 = arith.constant 0 : i32
        %cond3A_252 = arith.cmpi ne, %convert_element_type3A_250, %cond3A_251 : i32
        scf.if %cond3A_252 {
          %dma_wait3A_253 = arith.constant 0 : i32
          %dma_wait3A_254 = tpu.memref_slice %arg3[%dma_wait3A_253] : memref<160000xi32, #tpu.memory_space<hbm>> -> memref<80xi32, #tpu.memory_space<hbm>>
          %dma_wait3A_255 = arith.constant 0 : i32
          %dma_wait3A_256 = tpu.memref_slice %arg3[%dma_wait3A_255] : memref<160000xi32, #tpu.memory_space<hbm>> -> memref<80xi32, #tpu.memory_space<hbm>>
          tpu.wait_dma2 semaphore(%arg23 : memref<!tpu.dma_semaphore, #tpu.memory_space<semaphore_mem>>) src(%dma_wait3A_256 : memref<80xi32, #tpu.memory_space<hbm>>) dst(%arg10 : memref<80xi32, #tpu.memory_space<vmem>>)
          %dma_wait3A_257 = arith.constant 0 : i32
          %dma_wait3A_258 = tpu.memref_slice %arg4[%dma_wait3A_257] : memref<160000xi32, #tpu.memory_space<hbm>> -> memref<80xi32, #tpu.memory_space<hbm>>
          %dma_wait3A_259 = arith.constant 0 : i32
          %dma_wait3A_260 = tpu.memref_slice %arg4[%dma_wait3A_259] : memref<160000xi32, #tpu.memory_space<hbm>> -> memref<80xi32, #tpu.memory_space<hbm>>
          tpu.wait_dma2 semaphore(%arg23 : memref<!tpu.dma_semaphore, #tpu.memory_space<semaphore_mem>>) src(%dma_wait3A_260 : memref<80xi32, #tpu.memory_space<hbm>>) dst(%arg14 : memref<80xi32, #tpu.memory_space<vmem>>)
          %scan3A_261 = arith.constant 0 : i32
          %scan3A_262 = arith.constant 0 : i32
          %scan3A_263 = arith.constant 5 : i32
          %scan3A_264 = arith.addi %scan3A_262, %scan3A_263 : i32
          %scan3A_265 = arith.constant 1 : i32
          %scan3A_266 = scf.for %scan3A_271 = %scan3A_262 to %scan3A_264 step %scan3A_265 iter_args(%scan3A_272 = %scan3A_261) -> (i32)  : i32 {
            %mul3A_273 = arith.constant 16 : i32
            %mul3A_274 = arith.muli %scan3A_271, %mul3A_273 : i32
            %get3A = arith.index_cast %mul3A_274 : i32 to index
            %get3A_275 = tpu.vector_load %arg14[%get3A] {strides = array<i32>} : memref<80xi32, #tpu.memory_space<vmem>>, vector<16xi32>,
            %add3A_276 = vector.broadcast %mul3A_5 : i32 to vector<16xi32>
            %add3A_277 = arith.addi %get3A_275, %add3A_276 : vector<16xi32>
            %mul3A_278 = arith.constant 16 : i32
            %mul3A_279 = arith.muli %scan3A_271, %mul3A_278 : i32
            %swap3A = arith.index_cast %mul3A_279 : i32 to index
            %swap3A_280 = tpu.vector_load %arg14[%swap3A] {strides = array<i32>} : memref<80xi32, #tpu.memory_space<vmem>>, vector<16xi32>,
            tpu.vector_store %arg14[%swap3A], %add3A_277 {strides = array<i32>} : memref<80xi32, #tpu.memory_space<vmem>>, vector<16xi32>,
            %scan3A_281 = arith.constant 0 : i32
            scf.yield %scan3A_281 : i32
          }
          %scan3A_267 = arith.constant 5 : i32
          %dma_start3A_268 = arith.constant 0 : i32
          %dma_start3A_269 = arith.constant 0 : i32
          %dma_start3A_270 = tpu.memref_slice %arg2[%dma_start3A_268, %dma_start3A_269] : memref<20480x128xf32, #tpu.memory_space<hbm>> -> memref<20480x128xf32, #tpu.memory_space<hbm>>
          tpu.enqueue_indirect_dma source(%dma_start3A_270 : memref<20480x128xf32, #tpu.memory_space<hbm>>) target(%arg18 : memref<80x128xf32, #tpu.memory_space<vmem>>) offsets(%arg14 : memref<80xi32, #tpu.memory_space<vmem>>) semaphore(%arg27 : memref<!tpu.dma_semaphore, #tpu.memory_space<semaphore_mem>>)
        } else {
        }
      } else {
      }
      %jit3A = arith.constant 4 : i32
      %eq3A = arith.constant 0 : i32
      %eq3A_82 = arith.cmpi eq, %jit3A, %eq3A : i32
      %jit3A_83 = arith.constant 1 : i32
      %select_n3A = arith.select %eq3A_82, %jit3A_83, %jit3A : i32
      %rem3A = arith.remsi %scan3A_65, %select_n3A : i32
      %ne3A = arith.constant 0 : i32
      %ne3A_84 = arith.cmpi ne, %rem3A, %ne3A : i32
      %lt3A_85 = arith.constant 0 : i32
      %lt3A_86 = arith.cmpi slt, %rem3A, %lt3A_85 : i32
      %lt3A_87 = arith.constant 0 : i32
      %lt3A_88 = arith.cmpi slt, %select_n3A, %lt3A_87 : i32
      %ne3A_89 = arith.xori %lt3A_86, %lt3A_88 : i1
      %and3A = arith.andi %ne3A_89, %ne3A_84 : i1
      %add3A_90 = arith.addi %rem3A, %select_n3A : i32
      %select_n3A_91 = arith.select %and3A, %add3A_90, %rem3A : i32
      %eq3A_92 = arith.constant 0 : i32
      %eq3A_93 = arith.cmpi eq, %select_n3A_91, %eq3A_92 : i32
      %convert_element_type3A_94 = arith.extui %eq3A_93 : i1 to i32
      %cond3A_95 = arith.constant 0 : i32
      %cond3A_96 = arith.cmpi ne, %convert_element_type3A_94, %cond3A_95 : i32
      scf.if %cond3A_96 {
        %dma_wait3A_161 = arith.constant 0 : i32
        %dma_wait3A_162 = arith.constant 0 : i32
        %dma_wait3A_163 = tpu.memref_slice %arg2[%dma_wait3A_161, %dma_wait3A_162] : memref<20480x128xf32, #tpu.memory_space<hbm>> -> memref<80x128xf32, #tpu.memory_space<hbm>>
        %dma_wait3A_164 = arith.constant 0 : i32
        %dma_wait3A_165 = arith.constant 0 : i32
        %dma_wait3A_166 = tpu.memref_slice %arg2[%dma_wait3A_164, %dma_wait3A_165] : memref<20480x128xf32, #tpu.memory_space<hbm>> -> memref<80x128xf32, #tpu.memory_space<hbm>>
        tpu.wait_dma2 semaphore(%arg24 : memref<!tpu.dma_semaphore, #tpu.memory_space<semaphore_mem>>) src(%dma_wait3A_166 : memref<80x128xf32, #tpu.memory_space<hbm>>) dst(%arg15 : memref<80x128xf32, #tpu.memory_space<vmem>>)
        %dma_start3A_167 = arith.constant 0 : i32
        %dma_start3A_168 = arith.constant 0 : i32
        %dma_start3A_169 = tpu.memref_slice %arg19[%dma_start3A_167, %dma_start3A_168] : memref<10240x128xf32, #tpu.memory_space<vmem_shared>> -> memref<10240x128xf32, #tpu.memory_space<vmem_shared>>
        tpu.enqueue_indirect_dma source(%arg15 : memref<80x128xf32, #tpu.memory_space<vmem>>) target(%dma_start3A_169 : memref<10240x128xf32, #tpu.memory_space<vmem_shared>>) offsets(%arg7 : memref<80xi32, #tpu.memory_space<vmem>>) semaphore(%arg28 : memref<!tpu.dma_semaphore, #tpu.memory_space<semaphore_mem>>) {add = true}
      } else {
      }
      %jit3A_97 = arith.constant 4 : i32
      %eq3A_98 = arith.constant 0 : i32
      %eq3A_99 = arith.cmpi eq, %jit3A_97, %eq3A_98 : i32
      %jit3A_100 = arith.constant 1 : i32
      %select_n3A_101 = arith.select %eq3A_99, %jit3A_100, %jit3A_97 : i32
      %rem3A_102 = arith.remsi %scan3A_65, %select_n3A_101 : i32
      %ne3A_103 = arith.constant 0 : i32
      %ne3A_104 = arith.cmpi ne, %rem3A_102, %ne3A_103 : i32
      %lt3A_105 = arith.constant 0 : i32
      %lt3A_106 = arith.cmpi slt, %rem3A_102, %lt3A_105 : i32
      %lt3A_107 = arith.constant 0 : i32
      %lt3A_108 = arith.cmpi slt, %select_n3A_101, %lt3A_107 : i32
      %ne3A_109 = arith.xori %lt3A_106, %lt3A_108 : i1
      %and3A_110 = arith.andi %ne3A_109, %ne3A_104 : i1
      %add3A_111 = arith.addi %rem3A_102, %select_n3A_101 : i32
      %select_n3A_112 = arith.select %and3A_110, %add3A_111, %rem3A_102 : i32
      %eq3A_113 = arith.constant 1 : i32
      %eq3A_114 = arith.cmpi eq, %select_n3A_112, %eq3A_113 : i32
      %convert_element_type3A_115 = arith.extui %eq3A_114 : i1 to i32
      %cond3A_116 = arith.constant 0 : i32
      %cond3A_117 = arith.cmpi ne, %convert_element_type3A_115, %cond3A_116 : i32
      scf.if %cond3A_117 {
        %dma_wait3A_161 = arith.constant 0 : i32
        %dma_wait3A_162 = arith.constant 0 : i32
        %dma_wait3A_163 = tpu.memref_slice %arg2[%dma_wait3A_161, %dma_wait3A_162] : memref<20480x128xf32, #tpu.memory_space<hbm>> -> memref<80x128xf32, #tpu.memory_space<hbm>>
        %dma_wait3A_164 = arith.constant 0 : i32
        %dma_wait3A_165 = arith.constant 0 : i32
        %dma_wait3A_166 = tpu.memref_slice %arg2[%dma_wait3A_164, %dma_wait3A_165] : memref<20480x128xf32, #tpu.memory_space<hbm>> -> memref<80x128xf32, #tpu.memory_space<hbm>>
        tpu.wait_dma2 semaphore(%arg25 : memref<!tpu.dma_semaphore, #tpu.memory_space<semaphore_mem>>) src(%dma_wait3A_166 : memref<80x128xf32, #tpu.memory_space<hbm>>) dst(%arg16 : memref<80x128xf32, #tpu.memory_space<vmem>>)
        %dma_start3A_167 = arith.constant 0 : i32
        %dma_start3A_168 = arith.constant 0 : i32
        %dma_start3A_169 = tpu.memref_slice %arg19[%dma_start3A_167, %dma_start3A_168] : memref<10240x128xf32, #tpu.memory_space<vmem_shared>> -> memref<10240x128xf32, #tpu.memory_space<vmem_shared>>
        tpu.enqueue_indirect_dma source(%arg16 : memref<80x128xf32, #tpu.memory_space<vmem>>) target(%dma_start3A_169 : memref<10240x128xf32, #tpu.memory_space<vmem_shared>>) offsets(%arg8 : memref<80xi32, #tpu.memory_space<vmem>>) semaphore(%arg29 : memref<!tpu.dma_semaphore, #tpu.memory_space<semaphore_mem>>) {add = true}
      } else {
      }
      %jit3A_118 = arith.constant 4 : i32
      %eq3A_119 = arith.constant 0 : i32
      %eq3A_120 = arith.cmpi eq, %jit3A_118, %eq3A_119 : i32
      %jit3A_121 = arith.constant 1 : i32
      %select_n3A_122 = arith.select %eq3A_120, %jit3A_121, %jit3A_118 : i32
      %rem3A_123 = arith.remsi %scan3A_65, %select_n3A_122 : i32
      %ne3A_124 = arith.constant 0 : i32
      %ne3A_125 = arith.cmpi ne, %rem3A_123, %ne3A_124 : i32
      %lt3A_126 = arith.constant 0 : i32
      %lt3A_127 = arith.cmpi slt, %rem3A_123, %lt3A_126 : i32
      %lt3A_128 = arith.constant 0 : i32
      %lt3A_129 = arith.cmpi slt, %select_n3A_122, %lt3A_128 : i32
      %ne3A_130 = arith.xori %lt3A_127, %lt3A_129 : i1
      %and3A_131 = arith.andi %ne3A_130, %ne3A_125 : i1
      %add3A_132 = arith.addi %rem3A_123, %select_n3A_122 : i32
      %select_n3A_133 = arith.select %and3A_131, %add3A_132, %rem3A_123 : i32
      %eq3A_134 = arith.constant 2 : i32
      %eq3A_135 = arith.cmpi eq, %select_n3A_133, %eq3A_134 : i32
      %convert_element_type3A_136 = arith.extui %eq3A_135 : i1 to i32
      %cond3A_137 = arith.constant 0 : i32
      %cond3A_138 = arith.cmpi ne, %convert_element_type3A_136, %cond3A_137 : i32
      scf.if %cond3A_138 {
        %dma_wait3A_161 = arith.constant 0 : i32
        %dma_wait3A_162 = arith.constant 0 : i32
        %dma_wait3A_163 = tpu.memref_slice %arg2[%dma_wait3A_161, %dma_wait3A_162] : memref<20480x128xf32, #tpu.memory_space<hbm>> -> memref<80x128xf32, #tpu.memory_space<hbm>>
        %dma_wait3A_164 = arith.constant 0 : i32
        %dma_wait3A_165 = arith.constant 0 : i32
        %dma_wait3A_166 = tpu.memref_slice %arg2[%dma_wait3A_164, %dma_wait3A_165] : memref<20480x128xf32, #tpu.memory_space<hbm>> -> memref<80x128xf32, #tpu.memory_space<hbm>>
        tpu.wait_dma2 semaphore(%arg26 : memref<!tpu.dma_semaphore, #tpu.memory_space<semaphore_mem>>) src(%dma_wait3A_166 : memref<80x128xf32, #tpu.memory_space<hbm>>) dst(%arg17 : memref<80x128xf32, #tpu.memory_space<vmem>>)
        %dma_start3A_167 = arith.constant 0 : i32
        %dma_start3A_168 = arith.constant 0 : i32
        %dma_start3A_169 = tpu.memref_slice %arg19[%dma_start3A_167, %dma_start3A_168] : memref<10240x128xf32, #tpu.memory_space<vmem_shared>> -> memref<10240x128xf32, #tpu.memory_space<vmem_shared>>
        tpu.enqueue_indirect_dma source(%arg17 : memref<80x128xf32, #tpu.memory_space<vmem>>) target(%dma_start3A_169 : memref<10240x128xf32, #tpu.memory_space<vmem_shared>>) offsets(%arg9 : memref<80xi32, #tpu.memory_space<vmem>>) semaphore(%arg30 : memref<!tpu.dma_semaphore, #tpu.memory_space<semaphore_mem>>) {add = true}
      } else {
      }
      %jit3A_139 = arith.constant 4 : i32
      %eq3A_140 = arith.constant 0 : i32
      %eq3A_141 = arith.cmpi eq, %jit3A_139, %eq3A_140 : i32
      %jit3A_142 = arith.constant 1 : i32
      %select_n3A_143 = arith.select %eq3A_141, %jit3A_142, %jit3A_139 : i32
      %rem3A_144 = arith.remsi %scan3A_65, %select_n3A_143 : i32
      %ne3A_145 = arith.constant 0 : i32
      %ne3A_146 = arith.cmpi ne, %rem3A_144, %ne3A_145 : i32
      %lt3A_147 = arith.constant 0 : i32
      %lt3A_148 = arith.cmpi slt, %rem3A_144, %lt3A_147 : i32
      %lt3A_149 = arith.constant 0 : i32
      %lt3A_150 = arith.cmpi slt, %select_n3A_143, %lt3A_149 : i32
      %ne3A_151 = arith.xori %lt3A_148, %lt3A_150 : i1
      %and3A_152 = arith.andi %ne3A_151, %ne3A_146 : i1
      %add3A_153 = arith.addi %rem3A_144, %select_n3A_143 : i32
      %select_n3A_154 = arith.select %and3A_152, %add3A_153, %rem3A_144 : i32
      %eq3A_155 = arith.constant 3 : i32
      %eq3A_156 = arith.cmpi eq, %select_n3A_154, %eq3A_155 : i32
      %convert_element_type3A_157 = arith.extui %eq3A_156 : i1 to i32
      %cond3A_158 = arith.constant 0 : i32
      %cond3A_159 = arith.cmpi ne, %convert_element_type3A_157, %cond3A_158 : i32
      scf.if %cond3A_159 {
        %dma_wait3A_161 = arith.constant 0 : i32
        %dma_wait3A_162 = arith.constant 0 : i32
        %dma_wait3A_163 = tpu.memref_slice %arg2[%dma_wait3A_161, %dma_wait3A_162] : memref<20480x128xf32, #tpu.memory_space<hbm>> -> memref<80x128xf32, #tpu.memory_space<hbm>>
        %dma_wait3A_164 = arith.constant 0 : i32
        %dma_wait3A_165 = arith.constant 0 : i32
        %dma_wait3A_166 = tpu.memref_slice %arg2[%dma_wait3A_164, %dma_wait3A_165] : memref<20480x128xf32, #tpu.memory_space<hbm>> -> memref<80x128xf32, #tpu.memory_space<hbm>>
        tpu.wait_dma2 semaphore(%arg27 : memref<!tpu.dma_semaphore, #tpu.memory_space<semaphore_mem>>) src(%dma_wait3A_166 : memref<80x128xf32, #tpu.memory_space<hbm>>) dst(%arg18 : memref<80x128xf32, #tpu.memory_space<vmem>>)
        %dma_start3A_167 = arith.constant 0 : i32
        %dma_start3A_168 = arith.constant 0 : i32
        %dma_start3A_169 = tpu.memref_slice %arg19[%dma_start3A_167, %dma_start3A_168] : memref<10240x128xf32, #tpu.memory_space<vmem_shared>> -> memref<10240x128xf32, #tpu.memory_space<vmem_shared>>
        tpu.enqueue_indirect_dma source(%arg18 : memref<80x128xf32, #tpu.memory_space<vmem>>) target(%dma_start3A_169 : memref<10240x128xf32, #tpu.memory_space<vmem_shared>>) offsets(%arg10 : memref<80xi32, #tpu.memory_space<vmem>>) semaphore(%arg31 : memref<!tpu.dma_semaphore, #tpu.memory_space<semaphore_mem>>) {add = true}
      } else {
      }
      %scan3A_160 = arith.constant 0 : i32
      scf.yield %scan3A_160 : i32
    }
    %scan3A_45 = arith.constant 125 : i32
    %dma_wait3A_46 = arith.constant 0 : i32
    %dma_wait3A_47 = arith.constant 0 : i32
    %dma_wait3A_48 = tpu.memref_slice %arg2[%dma_wait3A_46, %dma_wait3A_47] : memref<20480x128xf32, #tpu.memory_space<hbm>> -> memref<80x128xf32, #tpu.memory_space<hbm>>
    %dma_wait3A_49 = arith.constant 0 : i32
    %dma_wait3A_50 = arith.constant 0 : i32
    %dma_wait3A_51 = tpu.memref_slice %arg2[%dma_wait3A_49, %dma_wait3A_50] : memref<20480x128xf32, #tpu.memory_space<hbm>> -> memref<80x128xf32, #tpu.memory_space<hbm>>
    tpu.wait_dma2 semaphore(%arg28 : memref<!tpu.dma_semaphore, #tpu.memory_space<semaphore_mem>>) src(%dma_wait3A_51 : memref<80x128xf32, #tpu.memory_space<hbm>>) dst(%arg15 : memref<80x128xf32, #tpu.memory_space<vmem>>)
    %dma_wait3A_52 = arith.constant 0 : i32
    %dma_wait3A_53 = arith.constant 0 : i32
    %dma_wait3A_54 = tpu.memref_slice %arg2[%dma_wait3A_52, %dma_wait3A_53] : memref<20480x128xf32, #tpu.memory_space<hbm>> -> memref<80x128xf32, #tpu.memory_space<hbm>>
    %dma_wait3A_55 = arith.constant 0 : i32
    %dma_wait3A_56 = arith.constant 0 : i32
    %dma_wait3A_57 = tpu.memref_slice %arg2[%dma_wait3A_55, %dma_wait3A_56] : memref<20480x128xf32, #tpu.memory_space<hbm>> -> memref<80x128xf32, #tpu.memory_space<hbm>>
    tpu.wait_dma2 semaphore(%arg31 : memref<!tpu.dma_semaphore, #tpu.memory_space<semaphore_mem>>) src(%dma_wait3A_57 : memref<80x128xf32, #tpu.memory_space<hbm>>) dst(%arg18 : memref<80x128xf32, #tpu.memory_space<vmem>>)
    %barrier3A_58 = arith.constant 0 : index
    tpu.barrier barrier_id(%barrier3A_58)
    %mul3A_59 = arith.constant 640 : i32
    %mul3A_60 = arith.muli %arg1, %mul3A_59 : i32
    %mul3A_61 = arith.constant 640 : i32
    %mul3A_62 = arith.muli %arg1, %mul3A_61 : i32
    %add3A_63 = arith.addi %mul3A_5, %mul3A_62 : i32
    "tpu.region"() ({
      %run_scoped3A = tpu.sem_alloc : memref<!tpu.dma_semaphore, #tpu.memory_space<semaphore_mem>>
      %dma_start3A_65 = arith.constant 0 : i32
      %dma_start3A_66 = tpu.memref_slice %arg6[%add3A_63, %dma_start3A_65] : memref<20480x128xf32, #tpu.memory_space<hbm>> -> memref<640x128xf32, #tpu.memory_space<hbm>>
      %dma_start3A_67 = arith.constant 0 : i32
      %dma_start3A_68 = tpu.memref_slice %arg19[%mul3A_60, %dma_start3A_67] : memref<10240x128xf32, #tpu.memory_space<vmem_shared>> -> memref<640x128xf32, #tpu.memory_space<vmem_shared>>
      tpu.enqueue_dma source(%dma_start3A_68 : memref<640x128xf32, #tpu.memory_space<vmem_shared>>) target(%dma_start3A_66 : memref<640x128xf32, #tpu.memory_space<hbm>>) target_semaphore(%run_scoped3A : memref<!tpu.dma_semaphore, #tpu.memory_space<semaphore_mem>>)
      %dma_wait3A_69 = arith.constant 0 : i32
      %dma_wait3A_70 = tpu.memref_slice %arg6[%add3A_63, %dma_wait3A_69] : memref<20480x128xf32, #tpu.memory_space<hbm>> -> memref<640x128xf32, #tpu.memory_space<hbm>>
      %dma_wait3A_71 = arith.constant 0 : i32
      %dma_wait3A_72 = tpu.memref_slice %arg19[%mul3A_60, %dma_wait3A_71] : memref<10240x128xf32, #tpu.memory_space<vmem_shared>> -> memref<640x128xf32, #tpu.memory_space<vmem_shared>>
      tpu.wait_dma2 semaphore(%run_scoped3A : memref<!tpu.dma_semaphore, #tpu.memory_space<semaphore_mem>>) src(%dma_wait3A_72 : memref<640x128xf32, #tpu.memory_space<vmem_shared>>) dst(%dma_wait3A_70 : memref<640x128xf32, #tpu.memory_space<hbm>>)
      tpu.yield
    }) : () -> ()
    %barrier3A_64 = arith.constant 0 : index
    tpu.barrier barrier_id(%barrier3A_64)
    return
  }
}

module attributes {stable_mosaic.version = 14 : i64} {
  func.func @_tc_dinv_body(%arg0: memref<32x10000xf32, #tpu.memory_space<vmem>>, %arg1: memref<10000xf32, #tpu.memory_space<vmem>>) attributes {dimension_semantics = [], scalar_prefetch = 0 : i64, scratch_operands = 0 : i64, tpu.core_type = #tpu.core_type<tc>} {
    %get3A = arith.constant 0 : index
    %get3A_0 = arith.constant 0 : index
    %get3A_1 = vector.load %arg0[%get3A, %get3A_0] : memref<32x10000xf32, #tpu.memory_space<vmem>>, vector<32x10000xf32>
    %reduce_sum3A = arith.constant dense<0.000000e+00> : vector<10000xf32>
    %reduce_sum3A_2 = vector.multi_reduction <add>, %get3A_1, %reduce_sum3A [0] : vector<32x10000xf32> to vector<10000xf32>
    %gt3A = arith.constant 0.000000e+00 : f32
    %gt3A_3 = vector.broadcast %gt3A : f32 to vector<10000xf32>
    %gt3A_4 = arith.cmpf ogt, %reduce_sum3A_2, %gt3A_3 : vector<10000xf32>
    %max3A = arith.constant 9.99999996E-13 : f32
    %max3A_5 = vector.broadcast %max3A : f32 to vector<10000xf32>
    %max3A_6 = arith.maximumf %reduce_sum3A_2, %max3A_5 : vector<10000xf32>
    %rsqrt3A = math.rsqrt %max3A_6 : vector<10000xf32>
    %jit3A = arith.constant 0.000000e+00 : f32
    %broadcast_in_dim3A = vector.broadcast %jit3A : f32 to vector<10000xf32>
    %select_n3A = arith.select %gt3A_4, %rsqrt3A, %broadcast_in_dim3A : vector<10000xi1>, vector<10000xf32>
    %swap3A = arith.constant 0 : index
    %swap3A_7 = vector.load %arg1[%swap3A] : memref<10000xf32, #tpu.memory_space<vmem>>, vector<10000xf32>
    tpu.vector_store %arg1[%swap3A], %select_n3A {strides = array<i32>} : memref<10000xf32, #tpu.memory_space<vmem>>, vector<10000xf32>,
    return
  }
}

module attributes {stable_mosaic.version = 14 : i64} {
  func.func @_tc_scale_body(%arg0: i32, %arg1: memref<400x1xf32, #tpu.memory_space<vmem>>, %arg2: memref<400x256xf32, #tpu.memory_space<vmem>>, %arg3: memref<2x400x128xf32, #tpu.memory_space<vmem>>) attributes {dimension_semantics = [#tpu.dimension_semantics<arbitrary>], iteration_bounds = array<i64: 25>, scalar_prefetch = 0 : i64, scratch_operands = 0 : i64, tpu.core_type = #tpu.core_type<tc>, window_params = [{transform_indices = @transform_0, window_bounds = array<i64: 400, 1>}, {transform_indices = @transform_1, window_bounds = array<i64: 400, 256>}, {transform_indices = @transform_2, window_bounds = array<i64: 2, 400, 128>}]} {
    %get3A = arith.constant 0 : index
    %get3A_0 = arith.constant 0 : index
    %get3A_1 = vector.load %arg2[%get3A, %get3A_0] : memref<400x256xf32, #tpu.memory_space<vmem>>, vector<400x256xf32>
    %get3A_2 = arith.constant 0 : index
    %get3A_3 = arith.constant 0 : index
    %get3A_4 = vector.load %arg1[%get3A_2, %get3A_3] : memref<400x1xf32, #tpu.memory_space<vmem>>, vector<400x1xf32>
    %mul3A = vector.broadcast %get3A_4 : vector<400x1xf32> to vector<400x256xf32>
    %mul3A_5 = arith.mulf %get3A_1, %mul3A : vector<400x256xf32>
    %slice3A = vector.extract_strided_slice %mul3A_5 {offsets = [0, 0], sizes = [400, 128], strides = [1, 1]} : vector<400x256xf32> to vector<400x128xf32>
    %swap3A = arith.constant 0 : index
    %swap3A_6 = arith.constant 0 : index
    %swap3A_7 = arith.constant 0 : index
    %swap3A_8 = vector.load %arg3[%swap3A, %swap3A_6, %swap3A_7] : memref<2x400x128xf32, #tpu.memory_space<vmem>>, vector<1x400x128xf32>
    %swap3A_9 = vector.shape_cast %swap3A_8 : vector<1x400x128xf32> to vector<400x128xf32>
    %swap3A_10 = vector.shape_cast %slice3A : vector<400x128xf32> to vector<1x400x128xf32>
    tpu.vector_store %arg3[%swap3A, %swap3A_6, %swap3A_7], %swap3A_10 {strides = array<i32>} : memref<2x400x128xf32, #tpu.memory_space<vmem>>, vector<1x400x128xf32>,
    %slice3A_11 = vector.extract_strided_slice %mul3A_5 {offsets = [0, 128], sizes = [400, 128], strides = [1, 1]} : vector<400x256xf32> to vector<400x128xf32>
    %swap3A_12 = arith.constant 1 : index
    %swap3A_13 = arith.constant 0 : index
    %swap3A_14 = arith.constant 0 : index
    %swap3A_15 = vector.load %arg3[%swap3A_12, %swap3A_13, %swap3A_14] : memref<2x400x128xf32, #tpu.memory_space<vmem>>, vector<1x400x128xf32>
    %swap3A_16 = vector.shape_cast %swap3A_15 : vector<1x400x128xf32> to vector<400x128xf32>
    %swap3A_17 = vector.shape_cast %slice3A_11 : vector<400x128xf32> to vector<1x400x128xf32>
    tpu.vector_store %arg3[%swap3A_12, %swap3A_13, %swap3A_14], %swap3A_17 {strides = array<i32>} : memref<2x400x128xf32, #tpu.memory_space<vmem>>, vector<1x400x128xf32>,
    return
  }
  func.func @transform_0(%arg0: i32) -> (i32, i32) {
    %c0_i32 = arith.constant 0 : i32
    %c0_i32_0 = arith.constant 0 : i32
    return %arg0, %c0_i32 : i32, i32
  }
  func.func @transform_1(%arg0: i32) -> (i32, i32) {
    %c0_i32 = arith.constant 0 : i32
    %c0_i32_0 = arith.constant 0 : i32
    return %arg0, %c0_i32 : i32, i32
  }
  func.func @transform_2(%arg0: i32) -> (i32, i32, i32) {
    %c0_i32 = arith.constant 0 : i32
    %c0_i32_0 = arith.constant 0 : i32
    %c0_i32_1 = arith.constant 0 : i32
    return %c0_i32, %arg0, %c0_i32_0 : i32, i32, i32
  }
}

module attributes {stable_mosaic.version = 14 : i64} {
  func.func @_tc_h1_body(%arg0: i32, %arg1: memref<400x256xf32, #tpu.memory_space<vmem>>, %arg2: memref<256x512xbf16, #tpu.memory_space<vmem>>, %arg3: memref<1x512xf32, #tpu.memory_space<vmem>>, %arg4: memref<400x512xf32, #tpu.memory_space<vmem>>) attributes {dimension_semantics = [#tpu.dimension_semantics<arbitrary>], iteration_bounds = array<i64: 25>, scalar_prefetch = 0 : i64, scratch_operands = 0 : i64, tpu.core_type = #tpu.core_type<tc>, window_params = [{transform_indices = @transform_0, window_bounds = array<i64: 400, 256>}, {pipeline_mode = #tpu.pipeline_mode<synchronous>, transform_indices = @transform_1, window_bounds = array<i64: 256, 512>}, {pipeline_mode = #tpu.pipeline_mode<synchronous>, transform_indices = @transform_2, window_bounds = array<i64: 1, 512>}, {transform_indices = @transform_3, window_bounds = array<i64: 400, 512>}]} {
    %get3A = arith.constant 0 : index
    %get3A_0 = arith.constant 0 : index
    %get3A_1 = vector.load %arg1[%get3A, %get3A_0] : memref<400x256xf32, #tpu.memory_space<vmem>>, vector<400x256xf32>
    %convert_element_type3A = arith.truncf %get3A_1 : vector<400x256xf32> to vector<400x256xbf16>
    %get3A_2 = arith.constant 0 : index
    %get3A_3 = arith.constant 0 : index
    %get3A_4 = vector.load %arg2[%get3A_2, %get3A_3] : memref<256x512xbf16, #tpu.memory_space<vmem>>, vector<256x512xbf16>
    %dot_general3A = arith.constant dense<0.000000e+00> : vector<400x512xf32>
    %dot_general3A_5 = tpu.matmul %convert_element_type3A, %get3A_4, %dot_general3A {dimension_numbers = #tpu.dot_dimension_numbers<[1], [0], [0], [1], [0, 0, 1, 1], [], []>, transpose_lhs_hint = false} : vector<400x256xbf16>, vector<256x512xbf16>, vector<400x512xf32> -> vector<400x512xf32>
    %get3A_6 = arith.constant 0 : index
    %get3A_7 = arith.constant 0 : index
    %get3A_8 = vector.load %arg3[%get3A_6, %get3A_7] : memref<1x512xf32, #tpu.memory_space<vmem>>, vector<1x512xf32>
    %add3A = vector.broadcast %get3A_8 : vector<1x512xf32> to vector<400x512xf32>
    %add3A_9 = arith.addf %dot_general3A_5, %add3A : vector<400x512xf32>
    %swap3A = arith.constant 0 : index
    %swap3A_10 = arith.constant 0 : index
    %swap3A_11 = vector.load %arg4[%swap3A, %swap3A_10] : memref<400x512xf32, #tpu.memory_space<vmem>>, vector<400x512xf32>
    tpu.vector_store %arg4[%swap3A, %swap3A_10], %add3A_9 {strides = array<i32>} : memref<400x512xf32, #tpu.memory_space<vmem>>, vector<400x512xf32>,
    return
  }
  func.func @transform_0(%arg0: i32) -> (i32, i32) {
    %c0_i32 = arith.constant 0 : i32
    %c0_i32_0 = arith.constant 0 : i32
    return %arg0, %c0_i32 : i32, i32
  }
  func.func @transform_1(%arg0: i32) -> (i32, i32) {
    %c0_i32 = arith.constant 0 : i32
    %c0_i32_0 = arith.constant 0 : i32
    %c0_i32_1 = arith.constant 0 : i32
    return %c0_i32, %c0_i32_0 : i32, i32
  }
  func.func @transform_2(%arg0: i32) -> (i32, i32) {
    %c0_i32 = arith.constant 0 : i32
    %c0_i32_0 = arith.constant 0 : i32
    %c0_i32_1 = arith.constant 0 : i32
    return %c0_i32, %c0_i32_0 : i32, i32
  }
  func.func @transform_3(%arg0: i32) -> (i32, i32) {
    %c0_i32 = arith.constant 0 : i32
    %c0_i32_0 = arith.constant 0 : i32
    return %arg0, %c0_i32 : i32, i32
  }
}

module attributes {stable_mosaic.version = 14 : i64} {
  func.func @_tc_svec_body(%arg0: memref<32x10000xf32, #tpu.memory_space<vmem>>, %arg1: memref<10000x1xf32, #tpu.memory_space<vmem>>, %arg2: memref<10000xf32, #tpu.memory_space<vmem>>) attributes {dimension_semantics = [], scalar_prefetch = 0 : i64, scratch_operands = 0 : i64, tpu.core_type = #tpu.core_type<tc>} {
    %get3A = arith.constant 0 : index
    %get3A_0 = arith.constant 0 : index
    %get3A_1 = vector.load %arg0[%get3A, %get3A_0] : memref<32x10000xf32, #tpu.memory_space<vmem>>, vector<32x10000xf32>
    %reduce_sum3A = arith.constant dense<0.000000e+00> : vector<10000xf32>
    %reduce_sum3A_2 = vector.multi_reduction <add>, %get3A_1, %reduce_sum3A [0] : vector<32x10000xf32> to vector<10000xf32>
    %get3A_3 = arith.constant 0 : index
    %get3A_4 = arith.constant 0 : index
    %get3A_5 = vector.load %arg1[%get3A_3, %get3A_4] : memref<10000x1xf32, #tpu.memory_space<vmem>>, vector<10000x1xf32>
    %squeeze3A = vector.shape_cast %get3A_5 : vector<10000x1xf32> to vector<10000xf32>
    %mul3A = arith.mulf %reduce_sum3A_2, %squeeze3A : vector<10000xf32>
    %swap3A = arith.constant 0 : index
    %swap3A_6 = vector.load %arg2[%swap3A] : memref<10000xf32, #tpu.memory_space<vmem>>, vector<10000xf32>
    tpu.vector_store %arg2[%swap3A], %mul3A {strides = array<i32>} : memref<10000xf32, #tpu.memory_space<vmem>>, vector<10000xf32>,
    return
  }
}

module attributes {stable_mosaic.version = 14 : i64} {
  func.func @_tc_layer2_body(%arg0: i32, %arg1: memref<400x1xf32, #tpu.memory_space<vmem>>, %arg2: memref<400x1xf32, #tpu.memory_space<vmem>>, %arg3: memref<400x512xf32, #tpu.memory_space<vmem>>, %arg4: memref<2x400x128xf32, #tpu.memory_space<vmem>>, %arg5: memref<256x512xbf16, #tpu.memory_space<vmem>>, %arg6: memref<1x512xf32, #tpu.memory_space<vmem>>, %arg7: memref<512x512xbf16, #tpu.memory_space<vmem>>, %arg8: memref<1x512xf32, #tpu.memory_space<vmem>>, %arg9: memref<400x512xf32, #tpu.memory_space<vmem>>, %arg10: memref<4x400x128xf32, #tpu.memory_space<vmem>>) attributes {dimension_semantics = [#tpu.dimension_semantics<arbitrary>], iteration_bounds = array<i64: 25>, scalar_prefetch = 0 : i64, scratch_operands = 0 : i64, tpu.core_type = #tpu.core_type<tc>, window_params = [{transform_indices = @transform_0, window_bounds = array<i64: 400, 1>}, {transform_indices = @transform_1, window_bounds = array<i64: 400, 1>}, {transform_indices = @transform_2, window_bounds = array<i64: 400, 512>}, {transform_indices = @transform_3, window_bounds = array<i64: 2, 400, 128>}, {pipeline_mode = #tpu.pipeline_mode<synchronous>, transform_indices = @transform_4, window_bounds = array<i64: 256, 512>}, {pipeline_mode = #tpu.pipeline_mode<synchronous>, transform_indices = @transform_5, window_bounds = array<i64: 1, 512>}, {pipeline_mode = #tpu.pipeline_mode<synchronous>, transform_indices = @transform_6, window_bounds = array<i64: 512, 512>}, {pipeline_mode = #tpu.pipeline_mode<synchronous>, transform_indices = @transform_7, window_bounds = array<i64: 1, 512>}, {transform_indices = @transform_8, window_bounds = array<i64: 400, 512>}, {transform_indices = @transform_9, window_bounds = array<i64: 4, 400, 128>}]} {
    %get3A = arith.constant 0 : index
    %get3A_0 = arith.constant 0 : index
    %get3A_1 = vector.load %arg1[%get3A, %get3A_0] : memref<400x1xf32, #tpu.memory_space<vmem>>, vector<400x1xf32>
    %get3A_2 = arith.constant 0 : index
    %get3A_3 = arith.constant 0 : index
    %get3A_4 = arith.constant 0 : index
    %get3A_5 = vector.load %arg4[%get3A_2, %get3A_3, %get3A_4] : memref<2x400x128xf32, #tpu.memory_space<vmem>>, vector<1x400x128xf32>
    %get3A_6 = vector.shape_cast %get3A_5 : vector<1x400x128xf32> to vector<400x128xf32>
    %get3A_7 = arith.constant 1 : index
    %get3A_8 = arith.constant 0 : index
    %get3A_9 = arith.constant 0 : index
    %get3A_10 = vector.load %arg4[%get3A_7, %get3A_8, %get3A_9] : memref<2x400x128xf32, #tpu.memory_space<vmem>>, vector<1x400x128xf32>
    %get3A_11 = vector.shape_cast %get3A_10 : vector<1x400x128xf32> to vector<400x128xf32>
    %concatenate3A = tpu.concatenate %get3A_6, %get3A_11 in 1 : vector<400x128xf32>, vector<400x128xf32> -> vector<400x256xf32>
    %mul3A = vector.broadcast %get3A_1 : vector<400x1xf32> to vector<400x256xf32>
    %mul3A_12 = arith.mulf %mul3A, %concatenate3A : vector<400x256xf32>
    %convert_element_type3A = arith.truncf %mul3A_12 : vector<400x256xf32> to vector<400x256xbf16>
    %get3A_13 = arith.constant 0 : index
    %get3A_14 = arith.constant 0 : index
    %get3A_15 = vector.load %arg5[%get3A_13, %get3A_14] : memref<256x512xbf16, #tpu.memory_space<vmem>>, vector<256x512xbf16>
    %dot_general3A = arith.constant dense<0.000000e+00> : vector<400x512xf32>
    %dot_general3A_16 = tpu.matmul %convert_element_type3A, %get3A_15, %dot_general3A {dimension_numbers = #tpu.dot_dimension_numbers<[1], [0], [0], [1], [0, 0, 1, 1], [], []>, transpose_lhs_hint = false} : vector<400x256xbf16>, vector<256x512xbf16>, vector<400x512xf32> -> vector<400x512xf32>
    %get3A_17 = arith.constant 0 : index
    %get3A_18 = arith.constant 0 : index
    %get3A_19 = vector.load %arg3[%get3A_17, %get3A_18] : memref<400x512xf32, #tpu.memory_space<vmem>>, vector<400x512xf32>
    %sub3A = arith.subf %get3A_19, %dot_general3A_16 : vector<400x512xf32>
    %get3A_20 = arith.constant 0 : index
    %get3A_21 = arith.constant 0 : index
    %get3A_22 = vector.load %arg2[%get3A_20, %get3A_21] : memref<400x1xf32, #tpu.memory_space<vmem>>, vector<400x1xf32>
    %get3A_23 = arith.constant 0 : index
    %get3A_24 = arith.constant 0 : index
    %get3A_25 = vector.load %arg6[%get3A_23, %get3A_24] : memref<1x512xf32, #tpu.memory_space<vmem>>, vector<1x512xf32>
    %mul3A_26 = vector.broadcast %get3A_22 : vector<400x1xf32> to vector<400x512xf32>
    %mul3A_27 = vector.broadcast %get3A_25 : vector<1x512xf32> to vector<400x512xf32>
    %mul3A_28 = arith.mulf %mul3A_26, %mul3A_27 : vector<400x512xf32>
    %sub3A_29 = arith.subf %sub3A, %mul3A_28 : vector<400x512xf32>
    %max3A = arith.constant 0.000000e+00 : f32
    %max3A_30 = vector.broadcast %max3A : f32 to vector<400x512xf32>
    %max3A_31 = arith.maximumf %sub3A_29, %max3A_30 : vector<400x512xf32>
    %convert_element_type3A_32 = arith.truncf %max3A_31 : vector<400x512xf32> to vector<400x512xbf16>
    %get3A_33 = arith.constant 0 : index
    %get3A_34 = arith.constant 0 : index
    %get3A_35 = vector.load %arg7[%get3A_33, %get3A_34] : memref<512x512xbf16, #tpu.memory_space<vmem>>, vector<512x512xbf16>
    %dot_general3A_36 = arith.constant dense<0.000000e+00> : vector<400x512xf32>
    %dot_general3A_37 = tpu.matmul %convert_element_type3A_32, %get3A_35, %dot_general3A_36 {dimension_numbers = #tpu.dot_dimension_numbers<[1], [0], [0], [1], [0, 0, 1, 1], [], []>, transpose_lhs_hint = false} : vector<400x512xbf16>, vector<512x512xbf16>, vector<400x512xf32> -> vector<400x512xf32>
    %get3A_38 = arith.constant 0 : index
    %get3A_39 = arith.constant 0 : index
    %get3A_40 = vector.load %arg8[%get3A_38, %get3A_39] : memref<1x512xf32, #tpu.memory_space<vmem>>, vector<1x512xf32>
    %add3A = vector.broadcast %get3A_40 : vector<1x512xf32> to vector<400x512xf32>
    %add3A_41 = arith.addf %dot_general3A_37, %add3A : vector<400x512xf32>
    %swap3A = arith.constant 0 : index
    %swap3A_42 = arith.constant 0 : index
    %swap3A_43 = vector.load %arg9[%swap3A, %swap3A_42] : memref<400x512xf32, #tpu.memory_space<vmem>>, vector<400x512xf32>
    tpu.vector_store %arg9[%swap3A, %swap3A_42], %add3A_41 {strides = array<i32>} : memref<400x512xf32, #tpu.memory_space<vmem>>, vector<400x512xf32>,
    %mul3A_44 = vector.broadcast %get3A_1 : vector<400x1xf32> to vector<400x512xf32>
    %mul3A_45 = arith.mulf %add3A_41, %mul3A_44 : vector<400x512xf32>
    %slice3A = vector.extract_strided_slice %mul3A_45 {offsets = [0, 0], sizes = [400, 128], strides = [1, 1]} : vector<400x512xf32> to vector<400x128xf32>
    %swap3A_46 = arith.constant 0 : index
    %swap3A_47 = arith.constant 0 : index
    %swap3A_48 = arith.constant 0 : index
    %swap3A_49 = vector.load %arg10[%swap3A_46, %swap3A_47, %swap3A_48] : memref<4x400x128xf32, #tpu.memory_space<vmem>>, vector<1x400x128xf32>
    %swap3A_50 = vector.shape_cast %swap3A_49 : vector<1x400x128xf32> to vector<400x128xf32>
    %swap3A_51 = vector.shape_cast %slice3A : vector<400x128xf32> to vector<1x400x128xf32>
    tpu.vector_store %arg10[%swap3A_46, %swap3A_47, %swap3A_48], %swap3A_51 {strides = array<i32>} : memref<4x400x128xf32, #tpu.memory_space<vmem>>, vector<1x400x128xf32>,
    %slice3A_52 = vector.extract_strided_slice %mul3A_45 {offsets = [0, 128], sizes = [400, 128], strides = [1, 1]} : vector<400x512xf32> to vector<400x128xf32>
    %swap3A_53 = arith.constant 1 : index
    %swap3A_54 = arith.constant 0 : index
    %swap3A_55 = arith.constant 0 : index
    %swap3A_56 = vector.load %arg10[%swap3A_53, %swap3A_54, %swap3A_55] : memref<4x400x128xf32, #tpu.memory_space<vmem>>, vector<1x400x128xf32>
    %swap3A_57 = vector.shape_cast %swap3A_56 : vector<1x400x128xf32> to vector<400x128xf32>
    %swap3A_58 = vector.shape_cast %slice3A_52 : vector<400x128xf32> to vector<1x400x128xf32>
    tpu.vector_store %arg10[%swap3A_53, %swap3A_54, %swap3A_55], %swap3A_58 {strides = array<i32>} : memref<4x400x128xf32, #tpu.memory_space<vmem>>, vector<1x400x128xf32>,
    %slice3A_59 = vector.extract_strided_slice %mul3A_45 {offsets = [0, 256], sizes = [400, 128], strides = [1, 1]} : vector<400x512xf32> to vector<400x128xf32>
    %swap3A_60 = arith.constant 2 : index
    %swap3A_61 = arith.constant 0 : index
    %swap3A_62 = arith.constant 0 : index
    %swap3A_63 = vector.load %arg10[%swap3A_60, %swap3A_61, %swap3A_62] : memref<4x400x128xf32, #tpu.memory_space<vmem>>, vector<1x400x128xf32>
    %swap3A_64 = vector.shape_cast %swap3A_63 : vector<1x400x128xf32> to vector<400x128xf32>
    %swap3A_65 = vector.shape_cast %slice3A_59 : vector<400x128xf32> to vector<1x400x128xf32>
    tpu.vector_store %arg10[%swap3A_60, %swap3A_61, %swap3A_62], %swap3A_65 {strides = array<i32>} : memref<4x400x128xf32, #tpu.memory_space<vmem>>, vector<1x400x128xf32>,
    %slice3A_66 = vector.extract_strided_slice %mul3A_45 {offsets = [0, 384], sizes = [400, 128], strides = [1, 1]} : vector<400x512xf32> to vector<400x128xf32>
    %swap3A_67 = arith.constant 3 : index
    %swap3A_68 = arith.constant 0 : index
    %swap3A_69 = arith.constant 0 : index
    %swap3A_70 = vector.load %arg10[%swap3A_67, %swap3A_68, %swap3A_69] : memref<4x400x128xf32, #tpu.memory_space<vmem>>, vector<1x400x128xf32>
    %swap3A_71 = vector.shape_cast %swap3A_70 : vector<1x400x128xf32> to vector<400x128xf32>
    %swap3A_72 = vector.shape_cast %slice3A_66 : vector<400x128xf32> to vector<1x400x128xf32>
    tpu.vector_store %arg10[%swap3A_67, %swap3A_68, %swap3A_69], %swap3A_72 {strides = array<i32>} : memref<4x400x128xf32, #tpu.memory_space<vmem>>, vector<1x400x128xf32>,
    return
  }
  func.func @transform_0(%arg0: i32) -> (i32, i32) {
    %c0_i32 = arith.constant 0 : i32
    %c0_i32_0 = arith.constant 0 : i32
    return %arg0, %c0_i32 : i32, i32
  }
  func.func @transform_1(%arg0: i32) -> (i32, i32) {
    %c0_i32 = arith.constant 0 : i32
    %c0_i32_0 = arith.constant 0 : i32
    return %arg0, %c0_i32 : i32, i32
  }
  func.func @transform_2(%arg0: i32) -> (i32, i32) {
    %c0_i32 = arith.constant 0 : i32
    %c0_i32_0 = arith.constant 0 : i32
    return %arg0, %c0_i32 : i32, i32
  }
  func.func @transform_3(%arg0: i32) -> (i32, i32, i32) {
    %c0_i32 = arith.constant 0 : i32
    %c0_i32_0 = arith.constant 0 : i32
    %c0_i32_1 = arith.constant 0 : i32
    return %c0_i32, %arg0, %c0_i32_0 : i32, i32, i32
  }
  func.func @transform_4(%arg0: i32) -> (i32, i32) {
    %c0_i32 = arith.constant 0 : i32
    %c0_i32_0 = arith.constant 0 : i32
    %c0_i32_1 = arith.constant 0 : i32
    return %c0_i32, %c0_i32_0 : i32, i32
  }
  func.func @transform_5(%arg0: i32) -> (i32, i32) {
    %c0_i32 = arith.constant 0 : i32
    %c0_i32_0 = arith.constant 0 : i32
    %c0_i32_1 = arith.constant 0 : i32
    return %c0_i32, %c0_i32_0 : i32, i32
  }
  func.func @transform_6(%arg0: i32) -> (i32, i32) {
    %c0_i32 = arith.constant 0 : i32
    %c0_i32_0 = arith.constant 0 : i32
    %c0_i32_1 = arith.constant 0 : i32
    return %c0_i32, %c0_i32_0 : i32, i32
  }
  func.func @transform_7(%arg0: i32) -> (i32, i32) {
    %c0_i32 = arith.constant 0 : i32
    %c0_i32_0 = arith.constant 0 : i32
    %c0_i32_1 = arith.constant 0 : i32
    return %c0_i32, %c0_i32_0 : i32, i32
  }
  func.func @transform_8(%arg0: i32) -> (i32, i32) {
    %c0_i32 = arith.constant 0 : i32
    %c0_i32_0 = arith.constant 0 : i32
    return %arg0, %c0_i32 : i32, i32
  }
  func.func @transform_9(%arg0: i32) -> (i32, i32, i32) {
    %c0_i32 = arith.constant 0 : i32
    %c0_i32_0 = arith.constant 0 : i32
    %c0_i32_1 = arith.constant 0 : i32
    return %c0_i32, %arg0, %c0_i32_0 : i32, i32, i32
  }
}

module attributes {stable_mosaic.version = 14 : i64} {
  func.func @_tc_mid_body(%arg0: i32, %arg1: memref<400x1xf32, #tpu.memory_space<vmem>>, %arg2: memref<400x512xf32, #tpu.memory_space<vmem>>, %arg3: memref<4x400x128xf32, #tpu.memory_space<vmem>>, %arg4: memref<512x256xbf16, #tpu.memory_space<vmem>>, %arg5: memref<1x256xf32, #tpu.memory_space<vmem>>, %arg6: memref<400x256xf32, #tpu.memory_space<vmem>>, %arg7: memref<2x400x128xf32, #tpu.memory_space<vmem>>) attributes {dimension_semantics = [#tpu.dimension_semantics<arbitrary>], iteration_bounds = array<i64: 25>, scalar_prefetch = 0 : i64, scratch_operands = 0 : i64, tpu.core_type = #tpu.core_type<tc>, window_params = [{transform_indices = @transform_0, window_bounds = array<i64: 400, 1>}, {transform_indices = @transform_1, window_bounds = array<i64: 400, 512>}, {transform_indices = @transform_2, window_bounds = array<i64: 4, 400, 128>}, {pipeline_mode = #tpu.pipeline_mode<synchronous>, transform_indices = @transform_3, window_bounds = array<i64: 512, 256>}, {pipeline_mode = #tpu.pipeline_mode<synchronous>, transform_indices = @transform_4, window_bounds = array<i64: 1, 256>}, {transform_indices = @transform_5, window_bounds = array<i64: 400, 256>}, {transform_indices = @transform_6, window_bounds = array<i64: 2, 400, 128>}]} {
    %get3A = arith.constant 0 : index
    %get3A_0 = arith.constant 0 : index
    %get3A_1 = vector.load %arg1[%get3A, %get3A_0] : memref<400x1xf32, #tpu.memory_space<vmem>>, vector<400x1xf32>
    %get3A_2 = arith.constant 0 : index
    %get3A_3 = arith.constant 0 : index
    %get3A_4 = arith.constant 0 : index
    %get3A_5 = vector.load %arg3[%get3A_2, %get3A_3, %get3A_4] : memref<4x400x128xf32, #tpu.memory_space<vmem>>, vector<1x400x128xf32>
    %get3A_6 = vector.shape_cast %get3A_5 : vector<1x400x128xf32> to vector<400x128xf32>
    %get3A_7 = arith.constant 1 : index
    %get3A_8 = arith.constant 0 : index
    %get3A_9 = arith.constant 0 : index
    %get3A_10 = vector.load %arg3[%get3A_7, %get3A_8, %get3A_9] : memref<4x400x128xf32, #tpu.memory_space<vmem>>, vector<1x400x128xf32>
    %get3A_11 = vector.shape_cast %get3A_10 : vector<1x400x128xf32> to vector<400x128xf32>
    %get3A_12 = arith.constant 2 : index
    %get3A_13 = arith.constant 0 : index
    %get3A_14 = arith.constant 0 : index
    %get3A_15 = vector.load %arg3[%get3A_12, %get3A_13, %get3A_14] : memref<4x400x128xf32, #tpu.memory_space<vmem>>, vector<1x400x128xf32>
    %get3A_16 = vector.shape_cast %get3A_15 : vector<1x400x128xf32> to vector<400x128xf32>
    %get3A_17 = arith.constant 3 : index
    %get3A_18 = arith.constant 0 : index
    %get3A_19 = arith.constant 0 : index
    %get3A_20 = vector.load %arg3[%get3A_17, %get3A_18, %get3A_19] : memref<4x400x128xf32, #tpu.memory_space<vmem>>, vector<1x400x128xf32>
    %get3A_21 = vector.shape_cast %get3A_20 : vector<1x400x128xf32> to vector<400x128xf32>
    %concatenate3A = tpu.concatenate %get3A_6, %get3A_11, %get3A_16, %get3A_21 in 1 : vector<400x128xf32>, vector<400x128xf32>, vector<400x128xf32>, vector<400x128xf32> -> vector<400x512xf32>
    %get3A_22 = arith.constant 0 : index
    %get3A_23 = arith.constant 0 : index
    %get3A_24 = vector.load %arg2[%get3A_22, %get3A_23] : memref<400x512xf32, #tpu.memory_space<vmem>>, vector<400x512xf32>
    %mul3A = vector.broadcast %get3A_1 : vector<400x1xf32> to vector<400x512xf32>
    %mul3A_25 = arith.mulf %mul3A, %concatenate3A : vector<400x512xf32>
    %sub3A = arith.subf %get3A_24, %mul3A_25 : vector<400x512xf32>
    %max3A = arith.constant 0.000000e+00 : f32
    %max3A_26 = vector.broadcast %max3A : f32 to vector<400x512xf32>
    %max3A_27 = arith.maximumf %sub3A, %max3A_26 : vector<400x512xf32>
    %convert_element_type3A = arith.truncf %max3A_27 : vector<400x512xf32> to vector<400x512xbf16>
    %get3A_28 = arith.constant 0 : index
    %get3A_29 = arith.constant 0 : index
    %get3A_30 = vector.load %arg4[%get3A_28, %get3A_29] : memref<512x256xbf16, #tpu.memory_space<vmem>>, vector<512x256xbf16>
    %dot_general3A = arith.constant dense<0.000000e+00> : vector<400x256xf32>
    %dot_general3A_31 = tpu.matmul %convert_element_type3A, %get3A_30, %dot_general3A {dimension_numbers = #tpu.dot_dimension_numbers<[1], [0], [0], [1], [0, 0, 1, 1], [], []>, transpose_lhs_hint = false} : vector<400x512xbf16>, vector<512x256xbf16>, vector<400x256xf32> -> vector<400x256xf32>
    %get3A_32 = arith.constant 0 : index
    %get3A_33 = arith.constant 0 : index
    %get3A_34 = vector.load %arg5[%get3A_32, %get3A_33] : memref<1x256xf32, #tpu.memory_space<vmem>>, vector<1x256xf32>
    %add3A = vector.broadcast %get3A_34 : vector<1x256xf32> to vector<400x256xf32>
    %add3A_35 = arith.addf %dot_general3A_31, %add3A : vector<400x256xf32>
    %swap3A = arith.constant 0 : index
    %swap3A_36 = arith.constant 0 : index
    %swap3A_37 = vector.load %arg6[%swap3A, %swap3A_36] : memref<400x256xf32, #tpu.memory_space<vmem>>, vector<400x256xf32>
    tpu.vector_store %arg6[%swap3A, %swap3A_36], %add3A_35 {strides = array<i32>} : memref<400x256xf32, #tpu.memory_space<vmem>>, vector<400x256xf32>,
    %mul3A_38 = vector.broadcast %get3A_1 : vector<400x1xf32> to vector<400x256xf32>
    %mul3A_39 = arith.mulf %add3A_35, %mul3A_38 : vector<400x256xf32>
    %slice3A = vector.extract_strided_slice %mul3A_39 {offsets = [0, 0], sizes = [400, 128], strides = [1, 1]} : vector<400x256xf32> to vector<400x128xf32>
    %swap3A_40 = arith.constant 0 : index
    %swap3A_41 = arith.constant 0 : index
    %swap3A_42 = arith.constant 0 : index
    %swap3A_43 = vector.load %arg7[%swap3A_40, %swap3A_41, %swap3A_42] : memref<2x400x128xf32, #tpu.memory_space<vmem>>, vector<1x400x128xf32>
    %swap3A_44 = vector.shape_cast %swap3A_43 : vector<1x400x128xf32> to vector<400x128xf32>
    %swap3A_45 = vector.shape_cast %slice3A : vector<400x128xf32> to vector<1x400x128xf32>
    tpu.vector_store %arg7[%swap3A_40, %swap3A_41, %swap3A_42], %swap3A_45 {strides = array<i32>} : memref<2x400x128xf32, #tpu.memory_space<vmem>>, vector<1x400x128xf32>,
    %slice3A_46 = vector.extract_strided_slice %mul3A_39 {offsets = [0, 128], sizes = [400, 128], strides = [1, 1]} : vector<400x256xf32> to vector<400x128xf32>
    %swap3A_47 = arith.constant 1 : index
    %swap3A_48 = arith.constant 0 : index
    %swap3A_49 = arith.constant 0 : index
    %swap3A_50 = vector.load %arg7[%swap3A_47, %swap3A_48, %swap3A_49] : memref<2x400x128xf32, #tpu.memory_space<vmem>>, vector<1x400x128xf32>
    %swap3A_51 = vector.shape_cast %swap3A_50 : vector<1x400x128xf32> to vector<400x128xf32>
    %swap3A_52 = vector.shape_cast %slice3A_46 : vector<400x128xf32> to vector<1x400x128xf32>
    tpu.vector_store %arg7[%swap3A_47, %swap3A_48, %swap3A_49], %swap3A_52 {strides = array<i32>} : memref<2x400x128xf32, #tpu.memory_space<vmem>>, vector<1x400x128xf32>,
    return
  }
  func.func @transform_0(%arg0: i32) -> (i32, i32) {
    %c0_i32 = arith.constant 0 : i32
    %c0_i32_0 = arith.constant 0 : i32
    return %arg0, %c0_i32 : i32, i32
  }
  func.func @transform_1(%arg0: i32) -> (i32, i32) {
    %c0_i32 = arith.constant 0 : i32
    %c0_i32_0 = arith.constant 0 : i32
    return %arg0, %c0_i32 : i32, i32
  }
  func.func @transform_2(%arg0: i32) -> (i32, i32, i32) {
    %c0_i32 = arith.constant 0 : i32
    %c0_i32_0 = arith.constant 0 : i32
    %c0_i32_1 = arith.constant 0 : i32
    return %c0_i32, %arg0, %c0_i32_0 : i32, i32, i32
  }
  func.func @transform_3(%arg0: i32) -> (i32, i32) {
    %c0_i32 = arith.constant 0 : i32
    %c0_i32_0 = arith.constant 0 : i32
    %c0_i32_1 = arith.constant 0 : i32
    return %c0_i32, %c0_i32_0 : i32, i32
  }
  func.func @transform_4(%arg0: i32) -> (i32, i32) {
    %c0_i32 = arith.constant 0 : i32
    %c0_i32_0 = arith.constant 0 : i32
    %c0_i32_1 = arith.constant 0 : i32
    return %c0_i32, %c0_i32_0 : i32, i32
  }
  func.func @transform_5(%arg0: i32) -> (i32, i32) {
    %c0_i32 = arith.constant 0 : i32
    %c0_i32_0 = arith.constant 0 : i32
    return %arg0, %c0_i32 : i32, i32
  }
  func.func @transform_6(%arg0: i32) -> (i32, i32, i32) {
    %c0_i32 = arith.constant 0 : i32
    %c0_i32_0 = arith.constant 0 : i32
    %c0_i32_1 = arith.constant 0 : i32
    return %c0_i32, %arg0, %c0_i32_0 : i32, i32, i32
  }
}

module attributes {stable_mosaic.version = 14 : i64} {
  func.func @_tc_last_body(%arg0: i32, %arg1: memref<400x1xf32, #tpu.memory_space<vmem>>, %arg2: memref<400x256xf32, #tpu.memory_space<vmem>>, %arg3: memref<2x400x128xf32, #tpu.memory_space<vmem>>, %arg4: memref<400x256xf32, #tpu.memory_space<vmem>>) attributes {dimension_semantics = [#tpu.dimension_semantics<arbitrary>], iteration_bounds = array<i64: 25>, scalar_prefetch = 0 : i64, scratch_operands = 0 : i64, tpu.core_type = #tpu.core_type<tc>, window_params = [{transform_indices = @transform_0, window_bounds = array<i64: 400, 1>}, {transform_indices = @transform_1, window_bounds = array<i64: 400, 256>}, {transform_indices = @transform_2, window_bounds = array<i64: 2, 400, 128>}, {transform_indices = @transform_3, window_bounds = array<i64: 400, 256>}]} {
    %get3A = arith.constant 0 : index
    %get3A_0 = arith.constant 0 : index
    %get3A_1 = vector.load %arg1[%get3A, %get3A_0] : memref<400x1xf32, #tpu.memory_space<vmem>>, vector<400x1xf32>
    %get3A_2 = arith.constant 0 : index
    %get3A_3 = arith.constant 0 : index
    %get3A_4 = arith.constant 0 : index
    %get3A_5 = vector.load %arg3[%get3A_2, %get3A_3, %get3A_4] : memref<2x400x128xf32, #tpu.memory_space<vmem>>, vector<1x400x128xf32>
    %get3A_6 = vector.shape_cast %get3A_5 : vector<1x400x128xf32> to vector<400x128xf32>
    %get3A_7 = arith.constant 1 : index
    %get3A_8 = arith.constant 0 : index
    %get3A_9 = arith.constant 0 : index
    %get3A_10 = vector.load %arg3[%get3A_7, %get3A_8, %get3A_9] : memref<2x400x128xf32, #tpu.memory_space<vmem>>, vector<1x400x128xf32>
    %get3A_11 = vector.shape_cast %get3A_10 : vector<1x400x128xf32> to vector<400x128xf32>
    %concatenate3A = tpu.concatenate %get3A_6, %get3A_11 in 1 : vector<400x128xf32>, vector<400x128xf32> -> vector<400x256xf32>
    %get3A_12 = arith.constant 0 : index
    %get3A_13 = arith.constant 0 : index
    %get3A_14 = vector.load %arg2[%get3A_12, %get3A_13] : memref<400x256xf32, #tpu.memory_space<vmem>>, vector<400x256xf32>
    %mul3A = vector.broadcast %get3A_1 : vector<400x1xf32> to vector<400x256xf32>
    %mul3A_15 = arith.mulf %mul3A, %concatenate3A : vector<400x256xf32>
    %sub3A = arith.subf %get3A_14, %mul3A_15 : vector<400x256xf32>
    %swap3A = arith.constant 0 : index
    %swap3A_16 = arith.constant 0 : index
    %swap3A_17 = vector.load %arg4[%swap3A, %swap3A_16] : memref<400x256xf32, #tpu.memory_space<vmem>>, vector<400x256xf32>
    tpu.vector_store %arg4[%swap3A, %swap3A_16], %sub3A {strides = array<i32>} : memref<400x256xf32, #tpu.memory_space<vmem>>, vector<400x256xf32>,
    return
  }
  func.func @transform_0(%arg0: i32) -> (i32, i32) {
    %c0_i32 = arith.constant 0 : i32
    %c0_i32_0 = arith.constant 0 : i32
    return %arg0, %c0_i32 : i32, i32
  }
  func.func @transform_1(%arg0: i32) -> (i32, i32) {
    %c0_i32 = arith.constant 0 : i32
    %c0_i32_0 = arith.constant 0 : i32
    return %arg0, %c0_i32 : i32, i32
  }
  func.func @transform_2(%arg0: i32) -> (i32, i32, i32) {
    %c0_i32 = arith.constant 0 : i32
    %c0_i32_0 = arith.constant 0 : i32
    %c0_i32_1 = arith.constant 0 : i32
    return %c0_i32, %arg0, %c0_i32_0 : i32, i32, i32
  }
  func.func @transform_3(%arg0: i32) -> (i32, i32) {
    %c0_i32 = arith.constant 0 : i32
    %c0_i32_0 = arith.constant 0 : i32
    return %arg0, %c0_i32 : i32, i32
  }
}

</mosaic_0001>

<sc_bundles>
// kernel: kernel.14.cloned.1.call-start
scs
__scs_entry_jumppad:
0x0: {  	(pc) =	sbr.rel $0x88, $3  }
0x1: {  	(tag) =	ssettag $0x0;
	lr =	simm.s32 $0x1  }
0x2: {  	[smem:$0x3F99] =	sst lr;
	_ =	strace $0xD0000000  }
0x3: {  	_ = 	snop  }
0x4: {  	_ = 	snop  }
0x5: {  	_ = 	snop  }
0x6: {  	_ = 	snop  }
0x7: {  	_ = 	snop  }
__scs_overlays_trampoline_lowered:
0x8: {  	[smem:$0x3FA8] =	sst s0  }
0x9: {  	[smem:$0x3FA9] =	sst s1  }
0xa: {  	[smem:$0x3FAA] =	sst s2  }
0xb: {  	[smem:$0x3FAB] =	sst s3  }
0xc: {  	[smem:$0x3FAC] =	sst s4  }
0xd: {  	[smem:$0x3FAD] =	sst s5  }
0xe: {  	[smem:$0x3FAE] =	sst s6  }
0xf: {  	[smem:$0x3FAF] =	sst s7  }
0x10: {  	[smem:$0x3FB0] =	sst s8  }
0x11: {  	[smem:$0x3FB1] =	sst s9;
	s0 =	simm.s32 @!p0 $0x0  }
0x12: {  	s1 =	sld [smem:$0x3F97];
	s0 =	simm.s32 @p0 $0x1  }
0x13: {  	[smem:$0x3FB2] =	sst s0;
	s0 =	simm.s32 @!p1 $0x0  }
0x14: {  	s2 =	sld [smem:$0x3F96];
	s0 =	simm.s32 @p1 $0x1  }
0x15: {  	[smem:$0x3FB3] =	sst s0;
	s0 =	simm.s32 @!p2 $0x0  }
0x16: {  	s3 =	sld [smem:$0x3FDB];
	s0 =	simm.s32 @p2 $0x1  }
0x17: {  	s4 =	simm.s32 $0x1BF5;
	[smem:$0x3FB5] =	sst s0  }
0x18: {  	s0 =	sld [smem:$0x3F98];
	_ =	swait.ge [sflag:s4], $0x0  }
0x19: {  	s7 =	sld [smem:$0x3F99]  }
0x1a: {  	s8 =	sadd.s32 $0xFFFFE003, lr  }
0x1b: {  	s9 =	sadd.s32 $0xFFFFFEF7, lr;
	s5 =	simm.s32 $0xFFFFFFFF;
	p2 =	slt.u32 s8, $0xFFFFF086  }
0x1c: {  	p1 =	slt.u32 s9, $0xF7A;
	s5 =	simm.s32 @!p2 $0x0  }
0x1d: {  	s5 =	simm.s32 @p1 $0x1;
	p0 =	seq.s32 s7, s2  }
0x1e: {  	s7 =	smul.u32 @!p0 $0xF7A, s2;
	p2 =	seq.s32 @!p0 s5, $0x0  }
0x1f: {  	s9 =	smul.u32 $0xF7A, s1;
	s8 =	simm.s32 @!p0 $0x1BF5;
	p2 =	por !p2, p0  }
0x20: {  	[sflag:s8] =	ssyncset.s32 @!p0 $0xFFFFF086;
	s6 =	sadd.s32 @!p0 s3, s7;
	s7 =	simm.s32 @!p0 $0x108  }
0x21: {  	s3 =	sadd.s32 s3, s9;
	s6 =	sadd.s32 @!p0 $0x88, s6;
	s7 =	simm.s32 @p2 $0x1082  }
0x22: {  	[simem:s7], [sflag:s8] =	dma.local @!p0 [hbm:s6], $0xF7A  }
0x23: {  	s9 =	sor.u32 $0xD0000000, s2;
	s6 =	simm.s32 $0x108;
	_ =	swait.ge @!p0 [sflag:s8], $0x0  }
0x24: {  	s3 =	sadd.s32 $0x88, s3;
	s6 =	simm.s32 @!p1 $0x1082;
	[sflag:s4] =	ssyncset.s32 $0xFFFFF086  }
0x25: {  	[simem:s6], [sflag:s4] =	dma.local [hbm:s3], $0xF7A  }
0x26: {  	[smem:$0x3F99] =	sst s1;
	(tag) =	ssettag s2;
	_ =	strace s9  }
0x27: {  	s1 =	sld [smem:$0x3FA9]  }
0x28: {  	s2 =	sld [smem:$0x3FAA]  }
0x29: {  	s4 =	sld [smem:$0x3FAC]  }
0x2a: {  	p0 =	seq.s32 s5, $0x0;
	s5 =	sld [smem:$0x3FAD]  }
0x2b: {  	s6 =	sld [smem:$0x3FAE]  }
0x2c: {  	s7 =	sld [smem:$0x3FAF]  }
0x2d: {  	s3 =	simm.s32 $0x108;
	s8 =	sld [smem:$0x3FB0]  }
0x2e: {  	s3 =	simm.s32 @!p0 $0x1082;
	s9 =	sld [smem:$0x3FB1]  }
0x2f: {  	lr =	sadd.s32 s0, s3;
	s0 =	sld [smem:$0x3FA8]  }
0x30: {  	s3 =	sld [smem:$0x3FAB]  }
0x31: {  	[smem:$0x3FB4] =	sst s10  }
0x32: {  	s10 =	sld [smem:$0x3FB2];
	_ =	sdelay $0x3  }
0x33: {  	p0 =	seq.s32 s10, $0x1;
	s10 =	sld [smem:$0x3FB4];
	_ =	sdelay $0x3  }
0x34: {  	[smem:$0x3FB4] =	sst s10  }
0x35: {  	s10 =	sld [smem:$0x3FB3];
	_ =	sdelay $0x3  }
0x36: {  	p1 =	seq.s32 s10, $0x1;
	s10 =	sld [smem:$0x3FB4];
	_ =	sdelay $0x3  }
0x37: {  	[smem:$0x3FB4] =	sst s10  }
0x38: {  	s10 =	sld [smem:$0x3FB5]  }
0x39: {  	_ = 	snop;
	(pc) =	sbr.ind lr, $3  }
0x3a: {  	_ = 	snop  }
0x3b: {  	_ = 	snop  }
0x3c: {  	p2 =	seq.s32 s10, $0x1;
	s10 =	sld [smem:$0x3FB4]  }
0x3d: {  	_ =	shalt  }
0x3e: {  	_ =	shalt  }
0x3f: {  	_ =	shalt  }
0x40: {  	_ =	shalt  }
0x41: {  	_ =	shalt  }
0x42: {  	_ =	shalt  }
0x43: {  	_ =	shalt  }
0x44: {  	_ =	shalt  }
0x45: {  	_ =	shalt  }
0x46: {  	_ =	shalt  }
0x47: {  	_ =	shalt  }
0x48: {  	_ =	shalt  }
0x49: {  	_ =	shalt  }
0x4a: {  	_ =	shalt  }
0x4b: {  	_ =	shalt  }
0x4c: {  	_ =	shalt  }
0x4d: {  	_ =	shalt  }
0x4e: {  	_ =	shalt  }
0x4f: {  	_ =	shalt  }
0x50: {  	_ =	shalt  }
0x51: {  	_ =	shalt  }
0x52: {  	_ =	shalt  }
0x53: {  	_ =	shalt  }
0x54: {  	_ =	shalt  }
0x55: {  	_ =	shalt  }
0x56: {  	_ =	shalt  }
0x57: {  	_ =	shalt  }
0x58: {  	_ =	shalt  }
0x59: {  	_ =	shalt  }
0x5a: {  	_ =	shalt  }
0x5b: {  	_ =	shalt  }
0x5c: {  	_ =	shalt  }
0x5d: {  	_ =	shalt  }
0x5e: {  	_ =	shalt  }
0x5f: {  	_ =	shalt  }
0x60: {  	_ =	shalt  }
0x61: {  	_ =	shalt  }
0x62: {  	_ =	shalt  }
0x63: {  	_ =	shalt  }
0x64: {  	_ =	shalt  }
0x65: {  	_ =	shalt  }
0x66: {  	_ =	shalt  }
0x67: {  	_ =	shalt  }
0x68: {  	_ =	shalt  }
0x69: {  	_ =	shalt  }
0x6a: {  	_ =	shalt  }
0x6b: {  	_ =	shalt  }
0x6c: {  	_ =	shalt  }
0x6d: {  	_ =	shalt  }
0x6e: {  	_ =	shalt  }
0x6f: {  	_ =	shalt  }
0x70: {  	_ =	shalt  }
0x71: {  	_ =	shalt  }
0x72: {  	_ =	shalt  }
0x73: {  	_ =	shalt  }
0x74: {  	_ =	shalt  }
0x75: {  	_ =	shalt  }
0x76: {  	_ =	shalt  }
0x77: {  	_ =	shalt  }
0x78: {  	_ =	shalt  }
0x79: {  	_ =	shalt  }
0x7a: {  	_ =	shalt  }
0x7b: {  	_ =	shalt  }
0x7c: {  	_ =	shalt  }
0x7d: {  	_ =	shalt  }
0x7e: {  	_ =	shalt  }
0x7f: {  	_ =	shalt  }
0x80: {  	_ =	shalt  }
0x81: {  	_ =	shalt  }
0x82: {  	_ =	shalt  }
0x83: {  	_ =	shalt  }
0x84: {  	_ =	shalt  }
0x85: {  	_ =	shalt  }
0x86: {  	_ =	shalt  }
0x87: {  	_ =	shalt  }
.Lfunc_end0:
.L_simem_size_0:
called_computation_lowered:
.L_overlay_start_0:
0x88: {  	s2 =	sld [smem:$0x3FD9]  }
0x89: {  	s3 =	sld [smem:$0x3FFE];
	_ =	sdelay $0x1  }
0x8a: {  	s1 =	srdreg.scid  }
0x8b: {  	s0 =	sand.u32 $0x1, s1  }
0x8c: {  	s17 =	sshll.u32 s0, $0xA;
	s2 =	sadd.s32 s3, s2  }
0x8d: {  	s2 =	sadd.s32 s2, s17  }
0x8e: {  	[smem:$0x3FC0] =	sst s2  }
0x8f: {  	_ = 	snop  }
0x90: {  	s2 =	sld [smem:$0x3FD0];
	(tm) =	ssettm $0x1  }
0x91: {  	s18 =	sld [smem:$0x3FFB];
	_ =	sdelay $0x3  }
0x92: {  	_ =	strace s18  }
0x93: {  	s3 =	sld [smem:$0x3FFC];
	_ =	sdelay $0x3  }
0x94: {  	_ =	strace s3  }
0x95: {  	s3 =	sld [smem:$0x3FFD];
	_ =	sdelay $0x3  }
0x96: {  	_ =	strace s3  }
0x97: {  	_ =	strace $0x8FFFFFFF  }
0x98: {  	s19 =	sld [smem:$0x3FDB];
	_ =	sdelay $0x1  }
0x99: {  	s4 =	simm.s32 $_scs_section_size  }
0x9a: {  	s5 =	simm.s32 $_size__tile_overlayer_lowered;
	s6 =	simm.s32 $_tile_overlayer_lowered  }
0x9b: {  	s22 =	simm.s32 $0x1BFF;
	s21 =	sshll.u32 s6, $0x1;
	s3 =	sadd.s32 s4, s19  }
0x9c: {  	s7 =	simm.s32 $0x0;
	s20 =	sshll.u32 s5, $0x1;
	s5 =	sadd.s32 s21, s3  }
0x9d: {  	[timem:s7], [sflag:s22] =	dma.local [hbm:s5], s20  }
0x9e: {  	_ =	swait.ge [sflag:s22], s20  }
0x9f: {  	s4 =	ssub.s32 $0x0, s20;
	[sflag:s22] =	ssyncset.done $0x0  }
0xa0: {  	[sflag:s22] =	ssyncadd.s32 s4;
	_ =	sdelay $0x1  }
0xa1: {  	s23 =	simm.s32 $0x1B8B  }
0xa2: {  	_ =	swait.ge [sflag:s23], $0x1  }
0xa3: {  	[sflag:s23] =	ssyncset.done $0x0  }
0xa4: {  	s25 =	simm.s32 $0x1B8E;
	s24 =	sld [smem:$0x3FFE];
	[sflag:s23] =	ssyncadd.s32 $0xFFFFFFFF  }
0xa5: {  	s26 =	simm.s32 $execute0_lowered;
	[smem:$0x3FD2] =	sst s25  }
0xa6: {  	s5 =	sshll.u32 s26, $0x1;
	_ =	strace $0x80000046;
	[dreg:$0x1] =	wrdreg $0xFFFFFFFF  }
0xa7: {  	s28 =	simm.s32 $_size_execute0_lowered;
	s3 =	sadd.s32 s3, s5;
	[dreg:$0x0] =	wrdreg $0x0  }
0xa8: {  	s5 =	sshll.u32 s28, $0x1;
	[dreg:$0x2] =	wrdreg s3  }
0xa9: {  	[dreg:$0x3] =	wrdreg s5  }
0xaa: {  	[dreg:$0x4] =	wrdreg $0xC0  }
0xab: {  	_ =	task [dreg:s7], $0x5FFFF  }
0xac: {  	[dreg:$0x1] =	wrdreg $0xFFFFFFFF  }
0xad: {  	[dreg:$0x0] =	wrdreg $0x60  }
0xae: {  	[dreg:$0x2] =	wrdreg s24  }
0xaf: {  	[dreg:$0x3] =	wrdreg s2  }
0xb0: {  	[dreg:$0x4] =	wrdreg $0x9  }
0xb1: {  	_ =	task.clear_ibuf [dreg:s7], $0x5FFFF;
	_ =	strace $0x90000046  }
0xb2: {  	s29 =	simm.s32 $0x9;
	_ =	strace $0x80000048  }
0xb3: {  	_ =	swait.ge [sflag:s29], $0x1  }
0xb4: {  	[sflag:s29] =	ssyncadd.s32 $0xFFFFFFFF  }
0xb5: {  	_ =	strace $0x90000048  }
0xb6: {  	_ =	sfence  }
0xb7: {  	s30 =	sld [smem:$0x0];
	_ =	sdelay $0x2  }
0xb8: {  	s31 =	sshll.u32 s1, $0xD;
	s1 =	sshrl.u32 s1, $0x2  }
0xb9: {  	s3 =	sand.u32 $0x4000, s31;
	s1 =	sadd.s32 s1, s30  }
0xba: {  	s0 =	sor.u32 s3, s0;
	s1 =	sshll.u32 s1, $0x11  }
0xbb: {  	s0 =	sor.u32 s1, s0  }
0xbc: {  	s0 =	sadd.s32 $0x8F2B, s0  }
0xbd: {  	[sflag:s0] =	ssyncadd.remote.s32 $0x1  }
0xbe: {  	_ =	sfence.sel $0xFFFF  }
0xbf: {  	[dreg:$0x0] =	wrdreg $0xFFFFFFFF;
	(pc) =	sbr.abs _section_cstart, $3  }
0xc0: {  	[dreg:$0x1] =	wrdreg $0xFFFFFFFF  }
0xc1: {  	_ =	task.clear_ibuf [dreg:s7], $0x2FFFF;
	_ =	strace $0x9FFFFFFF  }
0xc2: {  	(tm) =	ssettm $0x7FFFFFFF  }
0xc3: {  	_ =	shalt  }
tec
execute0_lowered:
.L_overlay_start_1:
0x0: {  	(tag) =	ssettag $0x1  }
0x1: {  	s3 =	rddreg [dreg:$0x0]  }
0x2: {  	s1 =	srdreg.scid;
	s0 =	stileid.u32  }
0x3: {  	s4 =	rddreg [dreg:$0x1];
	s5 =	sand.u32 $0x1, s1;
	s2 =	sshll.u32 s0, $0x1  }
0x4: {  	s1 =	rddreg [dreg:$0x2];
	s6 =	sor.u32 s5, s2  }
0x5: {  	s2 =	simm.s32 $0x0;
	s5 =	ssub.s32 $0x2, s5;
	s7 =	smul.u32 $0x271, s6  }
0x6: {  	v0 =	vlaneseq.u32;
	[smem:$0x7FF] =	sst s2;
	s8 =	sshrl.u32 s5, $0x1;
	s6 =	smul.u32 $0x4E2, s6  }
0x7: {  	v1 =	vmul.u32 $0xFFFFFFFF, v0;
	_ =	strace $0x80000047;
	s5 =	ssub.s32 s5, s8;
	s8 =	simm.s32 $0x0  }
0x8: {  	s3 =	sadd.s32 s7, s3;
	s4 =	sadd.s32 s4, s6;
	s5 =	smax.u32 s5, $0x1  }
0x9: {  	v2 =	vimm.f32 $1.000000000e+00;
	v0 =	vimm.f32 $0.0e+00;
	v1 =	vadd.s32 $0x1388, v1;
	s6 =	simm.s32 $0x1;
	s7 =	simm.s32 $0x1400;
	s3 =	sadd.s32 $0x7C00, s3  }
.LBB2_1:
0xa: {  	[tilespmem:s2], [sflag:$0x1] =	stream.linear.gather [hbm4b:s3+s2], $0x1388, $0x38;
	[tilespmem:$0x3B80] =	vst v63  }
0xb: {  	_ =	swait.ge [sflag:s6], $0x1388  }
0xc: {  	[sflag:s6] =	ssyncset.done $0x0  }
0xd: {  	s9 =	simm.s32 $0x0;
	[sflag:s6] =	ssyncadd.s32 $0xFFFFEC78  }
.LBB2_2:
0xe: {  	p0 =	sne.s32 s9, $0x9C00  }
.Ltmp0:
0xf: {  	_ = 	snop;
	(pc) =	sbr.rel @p0 .LBB2_2-.Ltmp0, $3  }
0x10: {  	_ =	sdelay $0x1  }
0x11: {  	s10 =	sshra.s32 s9, $0x2  }
0x12: {  	s9 =	sadd.s32 $0x40, s9;
	[tilespmem:s10+$0x1400] =	vst v0  }
0x13: {  	s9 =	simm.s32 $0x0  }
0x14: {  	s10 =	simm.s32 $0x10;
	s11 =	simm.s32 $0x0;
	v3 =	vld [tilespmem:s9+$0x0]  }
.LBB2_4:
0x15: {  	p0 =	sne.s32 s10, $0x1380;
	v4 =	vmov s9;
	s9 =	smov.u32 s10  }
0x16: {  	vm0 =	vlt.u32 v4, v1;
	_ =	sdelay $0x2  }
.Ltmp1:
0x17: {  	(pc) =	sbr.rel @p0 .LBB2_4-.Ltmp1, $3  }
0x18: {  	_ =	sdelay $0x1  }
0x19: {  	s11 =	sadd.s32 $0x10, s11;
	[tilespmem:v3+s7+$0x0] =	vst.idx.add.f32.msk vm0, v2  }
0x1a: {  	s10 =	sadd.s32 $0x10, s10;
	v3 =	vld [tilespmem:s11+$0x0]  }
0x1b: {  	_ = 	snop  }
0x1c: {  	v4 =	vmov s9  }
0x1d: {  	vm0 =	vlt.u32 v4, v1;
	_ =	sdelay $0x3  }
0x1e: {  	s8 =	sadd.s32 $0x1, s8  }
0x1f: {  	p0 =	sne.s32 s8, s5  }
.Ltmp2:
0x20: {  	[tilespmem:v3+s7+$0x0] =	vst.idx.add.f32.msk vm0, v2;
	(pc) =	sbr.rel @p0 .LBB2_1-.Ltmp2, $4  }
0x21: {  	[hbm4b:s4+s2] =	stream.linear.scatter [tilespmem:s7], [sflag:$0x1], $0x2710, $0x38;
	[tilespmem:$0x3B80] =	vst v63  }
0x22: {  	_ =	swait.ge [sflag:s6], $0x2710  }
0x23: {  	[sflag:s6] =	ssyncset.done $0x0  }
0x24: {  	[sflag:s6] =	ssyncadd.s32 $0xFFFFD8F0  }
0x25: {  	_ =	sfence.sel $0x180000  }
0x26: {  	[bflag:$0x0] =	sbarrier.arrive $0xFFFF  }
0x27: {  	p0 =	sne.s32 s0, $0x0;
	_ =	strace $0x90000047  }
0x28: {  	s0 =	sadd.s32 @!p0 $0x100000, s1;
	[bflag:$0x2] =	sbarrier.arrive $0xFFFF  }
0x29: {  	[sflag:s0] =	ssyncadd.tile.s32 @!p0 $0x1;
	_ =	shalt  }
.Lfunc_end2:
_tile_overlayer_lowered:
.L_overlay_start_2:
0x2a: {  	(tag) =	ssettag $0x2  }
0x2b: {  	s0 =	rddreg [dreg:$0x0];
	s2 =	stileid.u32  }
0x2c: {  	s1 =	rddreg [dreg:$0x1];
	p0 =	sne.s32 s2, $0x0  }
0x2d: {  	s3 =	rddreg [dreg:$0x2];
	[bflag:$0x3] =	sbarrier.arrive $0xFFFF;
	s2 =	simm.s32 @!p0 $0x1C01  }
0x2e: {  	[timem:s3], [sflag:s2] =	dma.local @!p0 [hbm:s0], s1  }
0x2f: {  	s0 =	simm.s32 @!p0 $0x1  }
0x30: {  	_ =	swait.ge @!p0 [sflag:s0], s1  }
0x31: {  	s1 =	ssub.s32 @!p0 $0x0, s1;
	[sflag:s0] =	ssyncset.done @!p0 $0x0  }
0x32: {  	[sflag:s0] =	ssyncadd.s32 @!p0 s1  }
0x33: {  	[bflag:$0x3] =	sbarrier.arrive $0xFFFF  }
0x34: {  	_ =	shalt  }

// kernel: kernel.17.cloned.1.call-start
scs
__scs_entry_jumppad:
0x0: {  	(pc) =	sbr.rel $0x88, $3  }
0x1: {  	(tag) =	ssettag $0x0;
	lr =	simm.s32 $0x1  }
0x2: {  	[smem:$0x3F99] =	sst lr;
	_ =	strace $0xD0000000  }
0x3: {  	_ = 	snop  }
0x4: {  	_ = 	snop  }
0x5: {  	_ = 	snop  }
0x6: {  	_ = 	snop  }
0x7: {  	_ = 	snop  }
__scs_overlays_trampoline_lowered:
0x8: {  	[smem:$0x3FA8] =	sst s0  }
0x9: {  	[smem:$0x3FA9] =	sst s1  }
0xa: {  	[smem:$0x3FAA] =	sst s2  }
0xb: {  	[smem:$0x3FAB] =	sst s3  }
0xc: {  	[smem:$0x3FAC] =	sst s4  }
0xd: {  	[smem:$0x3FAD] =	sst s5  }
0xe: {  	[smem:$0x3FAE] =	sst s6  }
0xf: {  	[smem:$0x3FAF] =	sst s7  }
0x10: {  	[smem:$0x3FB0] =	sst s8  }
0x11: {  	[smem:$0x3FB1] =	sst s9;
	s0 =	simm.s32 @!p0 $0x0  }
0x12: {  	s1 =	sld [smem:$0x3F97];
	s0 =	simm.s32 @p0 $0x1  }
0x13: {  	[smem:$0x3FB2] =	sst s0;
	s0 =	simm.s32 @!p1 $0x0  }
0x14: {  	s2 =	sld [smem:$0x3F96];
	s0 =	simm.s32 @p1 $0x1  }
0x15: {  	[smem:$0x3FB3] =	sst s0;
	s0 =	simm.s32 @!p2 $0x0  }
0x16: {  	s3 =	sld [smem:$0x3FDB];
	s0 =	simm.s32 @p2 $0x1  }
0x17: {  	s4 =	simm.s32 $0x1BF5;
	[smem:$0x3FB5] =	sst s0  }
0x18: {  	s0 =	sld [smem:$0x3F98];
	_ =	swait.ge [sflag:s4], $0x0  }
0x19: {  	s7 =	sld [smem:$0x3F99]  }
0x1a: {  	s8 =	sadd.s32 $0xFFFFE003, lr  }
0x1b: {  	s9 =	sadd.s32 $0xFFFFFEF7, lr;
	s5 =	simm.s32 $0xFFFFFFFF;
	p2 =	slt.u32 s8, $0xFFFFF086  }
0x1c: {  	p1 =	slt.u32 s9, $0xF7A;
	s5 =	simm.s32 @!p2 $0x0  }
0x1d: {  	s5 =	simm.s32 @p1 $0x1;
	p0 =	seq.s32 s7, s2  }
0x1e: {  	s7 =	smul.u32 @!p0 $0xF7A, s2;
	p2 =	seq.s32 @!p0 s5, $0x0  }
0x1f: {  	s9 =	smul.u32 $0xF7A, s1;
	s8 =	simm.s32 @!p0 $0x1BF5;
	p2 =	por !p2, p0  }
0x20: {  	[sflag:s8] =	ssyncset.s32 @!p0 $0xFFFFF086;
	s6 =	sadd.s32 @!p0 s3, s7;
	s7 =	simm.s32 @!p0 $0x108  }
0x21: {  	s3 =	sadd.s32 s3, s9;
	s6 =	sadd.s32 @!p0 $0x88, s6;
	s7 =	simm.s32 @p2 $0x1082  }
0x22: {  	[simem:s7], [sflag:s8] =	dma.local @!p0 [hbm:s6], $0xF7A  }
0x23: {  	s9 =	sor.u32 $0xD0000000, s2;
	s6 =	simm.s32 $0x108;
	_ =	swait.ge @!p0 [sflag:s8], $0x0  }
0x24: {  	s3 =	sadd.s32 $0x88, s3;
	s6 =	simm.s32 @!p1 $0x1082;
	[sflag:s4] =	ssyncset.s32 $0xFFFFF086  }
0x25: {  	[simem:s6], [sflag:s4] =	dma.local [hbm:s3], $0xF7A  }
0x26: {  	[smem:$0x3F99] =	sst s1;
	(tag) =	ssettag s2;
	_ =	strace s9  }
0x27: {  	s1 =	sld [smem:$0x3FA9]  }
0x28: {  	s2 =	sld [smem:$0x3FAA]  }
0x29: {  	s4 =	sld [smem:$0x3FAC]  }
0x2a: {  	p0 =	seq.s32 s5, $0x0;
	s5 =	sld [smem:$0x3FAD]  }
0x2b: {  	s6 =	sld [smem:$0x3FAE]  }
0x2c: {  	s7 =	sld [smem:$0x3FAF]  }
0x2d: {  	s3 =	simm.s32 $0x108;
	s8 =	sld [smem:$0x3FB0]  }
0x2e: {  	s3 =	simm.s32 @!p0 $0x1082;
	s9 =	sld [smem:$0x3FB1]  }
0x2f: {  	lr =	sadd.s32 s0, s3;
	s0 =	sld [smem:$0x3FA8]  }
0x30: {  	s3 =	sld [smem:$0x3FAB]  }
0x31: {  	[smem:$0x3FB4] =	sst s10  }
0x32: {  	s10 =	sld [smem:$0x3FB2];
	_ =	sdelay $0x3  }
0x33: {  	p0 =	seq.s32 s10, $0x1;
	s10 =	sld [smem:$0x3FB4];
	_ =	sdelay $0x3  }
0x34: {  	[smem:$0x3FB4] =	sst s10  }
0x35: {  	s10 =	sld [smem:$0x3FB3];
	_ =	sdelay $0x3  }
0x36: {  	p1 =	seq.s32 s10, $0x1;
	s10 =	sld [smem:$0x3FB4];
	_ =	sdelay $0x3  }
0x37: {  	[smem:$0x3FB4] =	sst s10  }
0x38: {  	s10 =	sld [smem:$0x3FB5]  }
0x39: {  	_ = 	snop;
	(pc) =	sbr.ind lr, $3  }
0x3a: {  	_ = 	snop  }
0x3b: {  	_ = 	snop  }
0x3c: {  	p2 =	seq.s32 s10, $0x1;
	s10 =	sld [smem:$0x3FB4]  }
0x3d: {  	_ =	shalt  }
0x3e: {  	_ =	shalt  }
0x3f: {  	_ =	shalt  }
0x40: {  	_ =	shalt  }
0x41: {  	_ =	shalt  }
0x42: {  	_ =	shalt  }
0x43: {  	_ =	shalt  }
0x44: {  	_ =	shalt  }
0x45: {  	_ =	shalt  }
0x46: {  	_ =	shalt  }
0x47: {  	_ =	shalt  }
0x48: {  	_ =	shalt  }
0x49: {  	_ =	shalt  }
0x4a: {  	_ =	shalt  }
0x4b: {  	_ =	shalt  }
0x4c: {  	_ =	shalt  }
0x4d: {  	_ =	shalt  }
0x4e: {  	_ =	shalt  }
0x4f: {  	_ =	shalt  }
0x50: {  	_ =	shalt  }
0x51: {  	_ =	shalt  }
0x52: {  	_ =	shalt  }
0x53: {  	_ =	shalt  }
0x54: {  	_ =	shalt  }
0x55: {  	_ =	shalt  }
0x56: {  	_ =	shalt  }
0x57: {  	_ =	shalt  }
0x58: {  	_ =	shalt  }
0x59: {  	_ =	shalt  }
0x5a: {  	_ =	shalt  }
0x5b: {  	_ =	shalt  }
0x5c: {  	_ =	shalt  }
0x5d: {  	_ =	shalt  }
0x5e: {  	_ =	shalt  }
0x5f: {  	_ =	shalt  }
0x60: {  	_ =	shalt  }
0x61: {  	_ =	shalt  }
0x62: {  	_ =	shalt  }
0x63: {  	_ =	shalt  }
0x64: {  	_ =	shalt  }
0x65: {  	_ =	shalt  }
0x66: {  	_ =	shalt  }
0x67: {  	_ =	shalt  }
0x68: {  	_ =	shalt  }
0x69: {  	_ =	shalt  }
0x6a: {  	_ =	shalt  }
0x6b: {  	_ =	shalt  }
0x6c: {  	_ =	shalt  }
0x6d: {  	_ =	shalt  }
0x6e: {  	_ =	shalt  }
0x6f: {  	_ =	shalt  }
0x70: {  	_ =	shalt  }
0x71: {  	_ =	shalt  }
0x72: {  	_ =	shalt  }
0x73: {  	_ =	shalt  }
0x74: {  	_ =	shalt  }
0x75: {  	_ =	shalt  }
0x76: {  	_ =	shalt  }
0x77: {  	_ =	shalt  }
0x78: {  	_ =	shalt  }
0x79: {  	_ =	shalt  }
0x7a: {  	_ =	shalt  }
0x7b: {  	_ =	shalt  }
0x7c: {  	_ =	shalt  }
0x7d: {  	_ =	shalt  }
0x7e: {  	_ =	shalt  }
0x7f: {  	_ =	shalt  }
0x80: {  	_ =	shalt  }
0x81: {  	_ =	shalt  }
0x82: {  	_ =	shalt  }
0x83: {  	_ =	shalt  }
0x84: {  	_ =	shalt  }
0x85: {  	_ =	shalt  }
0x86: {  	_ =	shalt  }
0x87: {  	_ =	shalt  }
.Lfunc_end0:
.L_simem_size_0:
called_computation.1_lowered:
.L_overlay_start_0:
0x88: {  	s2 =	sld [smem:$0x3FD9]  }
0x89: {  	s3 =	sld [smem:$0x3FFE];
	_ =	sdelay $0x1  }
0x8a: {  	s1 =	srdreg.scid  }
0x8b: {  	s0 =	sand.u32 $0x1, s1  }
0x8c: {  	s17 =	sshll.u32 s0, $0xA;
	s2 =	sadd.s32 s3, s2  }
0x8d: {  	s2 =	sadd.s32 s2, s17  }
0x8e: {  	[smem:$0x3FC0] =	sst s2  }
0x8f: {  	_ = 	snop  }
0x90: {  	(tm) =	ssettm $0x1  }
0x91: {  	s18 =	sld [smem:$0x3FFB];
	_ =	sdelay $0x3  }
0x92: {  	_ =	strace s18  }
0x93: {  	s2 =	sld [smem:$0x3FFC];
	_ =	sdelay $0x3  }
0x94: {  	_ =	strace s2  }
0x95: {  	s2 =	sld [smem:$0x3FFD];
	_ =	sdelay $0x3  }
0x96: {  	_ =	strace s2  }
0x97: {  	_ =	strace $0x8FFFFFFF  }
0x98: {  	s19 =	sld [smem:$0x3FDB];
	_ =	sdelay $0x1  }
0x99: {  	s20 =	simm.s32 $_scs_section_size  }
0x9a: {  	s4 =	simm.s32 $_size__tile_overlayer_lowered;
	s5 =	simm.s32 $_tile_overlayer_lowered  }
0x9b: {  	s6 =	simm.s32 $0x1BFF;
	s21 =	sshll.u32 s5, $0x1;
	s3 =	sadd.s32 s20, s19  }
0x9c: {  	s22 =	simm.s32 $0x0;
	s4 =	sshll.u32 s4, $0x1;
	s5 =	sadd.s32 s21, s3  }
0x9d: {  	[timem:s22], [sflag:s6] =	dma.local [hbm:s5], s4  }
0x9e: {  	_ =	swait.ge [sflag:s6], s4  }
0x9f: {  	s4 =	ssub.s32 $0x0, s4;
	[sflag:s6] =	ssyncset.done $0x0  }
0xa0: {  	[sflag:s6] =	ssyncadd.s32 s4;
	_ =	sdelay $0x1  }
0xa1: {  	s23 =	simm.s32 $0x1B8B  }
0xa2: {  	_ =	swait.ge [sflag:s23], $0x1  }
0xa3: {  	[sflag:s23] =	ssyncset.done $0x0  }
0xa4: {  	[sflag:s23] =	ssyncadd.s32 $0xFFFFFFFF  }
0xa5: {  	s4 =	sld [smem:$0x0]  }
0xa6: {  	s5 =	sand.u32 $0xFFFFFFFE, s1  }
0xa7: {  	p0 =	sne.s32 s1, s5  }
0xa8: {  	s5 =	sshll.u32 @p0 s5, $0xE  }
0xa9: {  	s5 =	sadd.s32 @p0 $0x11B8D, s5;
	s6 =	sshll.u32 @p0 s4, $0x11  }
0xaa: {  	s5 =	sor.u32 @p0 s6, s5  }
0xab: {  	[sflag:s5] =	ssyncadd.remote.s32 @p0 $0x1;
	_ =	sdelay $0x1  }
0xac: {  	s5 =	simm.s32 @p0 $0x1B8D  }
0xad: {  	_ =	swait.eq @p0 [sflag:s5], $0x1  }
0xae: {  	[sflag:s5] =	ssyncadd.s32 @p0 $0xFFFFFFFF  }
0xaf: {  	s6 =	sshll.u32 @!p0 s1, $0xE  }
0xb0: {  	s6 =	sor.u32 @!p0 $0x4000, s6;
	s5 =	simm.s32 @!p0 $0x1B8D  }
0xb1: {  	s4 =	sshll.u32 @!p0 s4, $0x11;
	s6 =	sadd.s32 @!p0 $0x11B8D, s6;
	_ =	swait.eq @!p0 [sflag:s5], $0x1  }
0xb2: {  	s4 =	sor.u32 @!p0 s4, s6;
	[sflag:s5] =	ssyncadd.s32 @!p0 $0xFFFFFFFF  }
0xb3: {  	s25 =	simm.s32 $0x1B8E;
	s24 =	sld [smem:$0x3FFE];
	[sflag:s4] =	ssyncadd.remote.s32 @!p0 $0x1  }
0xb4: {  	s26 =	simm.s32 $execute0_lowered;
	[smem:$0x3FD2] =	sst s25  }
0xb5: {  	s5 =	sshll.u32 s26, $0x1;
	_ =	strace $0x8000004C;
	[dreg:$0x1] =	wrdreg $0xFFFFFFFF  }
0xb6: {  	s28 =	simm.s32 $_size_execute0_lowered;
	s3 =	sadd.s32 s3, s5;
	[dreg:$0x0] =	wrdreg $0x0  }
0xb7: {  	s5 =	sshll.u32 s28, $0x1;
	[dreg:$0x2] =	wrdreg s3  }
0xb8: {  	[dreg:$0x3] =	wrdreg s5  }
0xb9: {  	[dreg:$0x4] =	wrdreg $0xC0  }
0xba: {  	_ =	task [dreg:s22], $0x5FFFF  }
0xbb: {  	[dreg:$0x1] =	wrdreg $0xFFFFFFFF  }
0xbc: {  	[dreg:$0x0] =	wrdreg $0x60  }
0xbd: {  	[dreg:$0x2] =	wrdreg s24  }
0xbe: {  	[dreg:$0x3] =	wrdreg $0xA4000  }
0xbf: {  	[dreg:$0x4] =	wrdreg $0x9  }
0xc0: {  	_ =	task.clear_ibuf [dreg:s22], $0x5FFFF;
	_ =	strace $0x9000004C  }
0xc1: {  	s29 =	simm.s32 $0x9;
	_ =	strace $0x8000004E  }
0xc2: {  	_ =	swait.ge [sflag:s29], $0x1  }
0xc3: {  	[sflag:s29] =	ssyncadd.s32 $0xFFFFFFFF  }
0xc4: {  	_ =	strace $0x9000004E  }
0xc5: {  	_ =	sfence  }
0xc6: {  	s30 =	sld [smem:$0x0];
	_ =	sdelay $0x2  }
0xc7: {  	s31 =	sshll.u32 s1, $0xD;
	s1 =	sshrl.u32 s1, $0x2  }
0xc8: {  	s4 =	sand.u32 $0x4000, s31;
	s1 =	sadd.s32 s1, s30  }
0xc9: {  	s0 =	sor.u32 s4, s0;
	s1 =	sshll.u32 s1, $0x11  }
0xca: {  	s0 =	sor.u32 s1, s0  }
0xcb: {  	s0 =	sadd.s32 $0x8F2B, s0  }
0xcc: {  	[sflag:s0] =	ssyncadd.remote.s32 $0x1  }
0xcd: {  	_ =	sfence.sel $0xFFFF  }
0xce: {  	[dreg:$0x0] =	wrdreg $0xFFFFFFFF;
	(pc) =	sbr.abs _section_cstart, $3  }
0xcf: {  	[dreg:$0x1] =	wrdreg $0xFFFFFFFF  }
0xd0: {  	_ =	task.clear_ibuf [dreg:s22], $0x2FFFF;
	_ =	strace $0x9FFFFFFF  }
0xd1: {  	(tm) =	ssettm $0x7FFFFFFF  }
tec
execute0_lowered:
.L_overlay_start_1:
0x0: {  	(tag) =	ssettag $0x1  }
0x1: {  	s0 =	rddreg [dreg:$0x0]  }
0x2: {  	s1 =	rddreg [dreg:$0x1];
	s3 =	simm.s32 $0x0;
	s2 =	srdreg.scid  }
0x3: {  	s12 =	stileid.u32;
	s17 =	simm.s32 $0xD;
	s18 =	simm.s32 $0x200  }
0x4: {  	s28 =	simm.s32 $0x6;
	s29 =	simm.s32 $0x5;
	s30 =	simm.s32 $0xC  }
0x5: {  	s31 =	simm.s32 $0x0;
	[smem:$0x7FF] =	sst s3;
	s2 =	sand.u32 $0x1, s2  }
0x6: {  	s7 =	smul.u32 $0x280, s12;
	s4 =	sadd.s32 $0xD200, s0;
	s5 =	sadd.s32 $0x7C00, s0  }
0x7: {  	s6 =	sadd.s32 $0x2C00, s0;
	s11 =	smul.u32 $0x50000, s12;
	s13 =	sadd.s32 $0x5D200, s0  }
0x8: {  	s20 =	sshll.u32 s12, $0x6;
	s8 =	smul.u32 $0x2800, s2;
	s2 =	ssub.s32 $0x2, s2  }
0x9: {  	_ =	strace $0x8000004D;
	[dreg:$0x3] =	wrdreg s13;
	s10 =	sshrl.u32 s2, $0x1  }
0xa: {  	s19 =	sshrl.u32 s11, $0x2;
	s9 =	sadd.s32 s7, s8;
	s7 =	smul.u32 $0x2710, s12  }
0xb: {  	s2 =	ssub.s32 s2, s10;
	s16 =	sadd.s32 s19, s1;
	s19 =	simm.s32 $0x80  }
0xc: {  	s9 =	sshll.u32 s9, $0x4;
	s15 =	smax.u32 s2, $0x1;
	s16 =	sshrl.u32 s16, $0x3  }
0xd: {  	s0 =	sadd.s32 s9, s0;
	s21 =	sshrl.u32 s7, $0x3;
	s9 =	sor.u32 $0x1C0D, s20  }
0xe: {  	s20 =	simm.s32 $0x280;
	s22 =	sadd.s32 $0xA, s21;
	s23 =	sadd.s32 s5, s21  }
.Ltmp0:
0xf: {  	s24 =	sadd.s32 s6, s21;
	[dreg:$0x4] =	wrdreg s23;
	(pc) =	sbr.rel .LBB2_1-.Ltmp0, $4  }
0x10: {  	s14 =	sadd.s32 $0x5FA00, s0;
	s21 =	simm.s32 $0x1;
	[dreg:$0x5] =	wrdreg s24  }
0x11: {  	s25 =	sadd.s32 s5, s22;
	s26 =	sadd.s32 s6, s22;
	s22 =	simm.s32 $0x50  }
0x12: {  	s23 =	simm.s32 $0x400;
	s24 =	simm.s32 $0x9;
	[dreg:$0x6] =	wrdreg s25  }
0x13: {  	v0 =	vmov s8;
	[dreg:$0x7] =	wrdreg s26;
	s25 =	simm.s32 $0x2;
	s26 =	simm.s32 $0x2C00  }
.LBB2_18:
0x14: {  	_ =	swait.ge [sflag:s24], $0x2800  }
0x15: {  	[sflag:s24] =	ssyncset.done $0x0  }
0x16: {  	[sflag:s24] =	ssyncadd.s32 $0xFFFFD800  }
0x17: {  	_ =	swait.ge [sflag:s30], $0x2800  }
0x18: {  	[sflag:s30] =	ssyncset.done $0x0  }
0x19: {  	s31 =	sadd.s32 $0x1, s31;
	[sflag:s30] =	ssyncadd.s32 $0xFFFFD800  }
0x1a: {  	p0 =	sne.s32 s31, s15;
	[bflag:$0x0] =	sbarrier.arrive $0xFFFF  }
0x1b: {  	[hbm:s14], [sflag:s9] =	dma.local [spmem:s16], $0x2800  }
.Ltmp1:
0x1c: {  	_ =	swait.ge [sflag:s17], $0x2800;
	(pc) =	sbr.rel @!p0 .LBB2_19-.Ltmp1, $3  }
0x1d: {  	[sflag:s17] =	ssyncset.done $0x0  }
0x1e: {  	[sflag:s17] =	ssyncadd.s32 $0xFFFFD800  }
0x1f: {  	[bflag:$0x0] =	sbarrier.arrive $0xFFFF;
	_ =	sdelay $0x1  }
.LBB2_1:
0x20: {  	s0 =	rddreg [dreg:$0x3]  }
0x21: {  	[spmem:s16], [sflag:s9] =	dma.local [hbm:s0], $0x2800  }
0x22: {  	_ =	swait.ge [sflag:s17], $0x2800  }
0x23: {  	[sflag:s17] =	ssyncset.done $0x0  }
0x24: {  	[sflag:s17] =	ssyncadd.s32 $0xFFFFD800  }
0x25: {  	[bflag:$0x0] =	sbarrier.arrive $0xFFFF  }
0x26: {  	s10 =	rddreg [dreg:$0x4]  }
0x27: {  	[tilespmem:s3], [sflag:$0x1] =	stream.linear.gather [hbm4b:s10+s3], $0x50, $0x38;
	[tilespmem:$0x1E400] =	vst v63  }
0x28: {  	s11 =	rddreg [dreg:$0x5]  }
0x29: {  	[tilespmem:s18], [sflag:$0x1] =	stream.linear.gather [hbm4b:s11+s3], $0x50, $0x38;
	[tilespmem:$0x1E400] =	vst v63  }
0x2a: {  	s12 =	rddreg [dreg:$0x6]  }
0x2b: {  	[tilespmem:s19], [sflag:$0x2] =	stream.linear.gather [hbm4b:s12+s3], $0x50, $0x38;
	[tilespmem:$0x1E400] =	vst v63  }
0x2c: {  	s13 =	rddreg [dreg:$0x7]  }
0x2d: {  	[tilespmem:s20], [sflag:$0x2] =	stream.linear.gather [hbm4b:s13+s3], $0x50, $0x38;
	[tilespmem:$0x1E400] =	vst v63  }
0x2e: {  	_ =	swait.ge [sflag:s21], $0x50  }
0x2f: {  	[sflag:s21] =	ssyncset.done $0x0  }
0x30: {  	[sflag:s21] =	ssyncadd.s32 $0xFFFFFFB0  }
0x31: {  	_ =	swait.ge [sflag:s21], $0x50  }
0x32: {  	[sflag:s21] =	ssyncset.done $0x0  }
0x33: {  	[sflag:s21] =	ssyncadd.s32 $0xFFFFFFB0  }
0x34: {  	v1 =	vld [tilespmem:$0x200]  }
0x35: {  	v2 =	vld [tilespmem:$0x210]  }
0x36: {  	v3 =	vld [tilespmem:$0x220]  }
0x37: {  	v4 =	vld [tilespmem:$0x230]  }
0x38: {  	v5 =	vld [tilespmem:$0x240]  }
0x39: {  	v1 =	vadd.s32 v0, v1  }
0x3a: {  	[tilespmem:$0x200] =	vst v1;
	v1 =	vadd.s32 v0, v2  }
.Ltmp2:
0x3b: {  	[tilespmem:$0x210] =	vst v1;
	v1 =	vadd.s32 v0, v3;
	(pc) =	sbr.rel .LBB2_2-.Ltmp2, $4  }
0x3c: {  	[tilespmem:$0x220] =	vst v1;
	v1 =	vadd.s32 v0, v4  }
0x3d: {  	[tilespmem:$0x230] =	vst v1;
	v1 =	vadd.s32 v0, v5  }
0x3e: {  	s0 =	simm.s32 $0x0;
	[tilespmem:$0x240] =	vst v1  }
0x3f: {  	[tilespmem:s23], [sflag:$0x5] =	stream.indirect.gather [hbm4b:s4+s22], $0x80, s18, s22, $0xb8;
	[tilespmem:$0x1E400] =	vst v63  }
.LBB2_20:
0x40: {  	p0 =	seq.s32 s2, $0x2  }
0x41: {  	s2 =	simm.s32 @p0 $0x7  }
0x42: {  	_ =	swait.ge @p0 [sflag:s2], $0x2800  }
0x43: {  	s8 =	simm.s32 @p0 $0x100;
	[sflag:s2] =	ssyncset.done @p0 $0x0  }
0x44: {  	s10 =	simm.s32 @p0 $0x5400;
	[sflag:s2] =	ssyncadd.s32 @p0 $0xFFFFD800;
	s2 =	simm.s32 @p0 $0x50  }
0x45: {  	[spmem:s1] =	stream.indirect.scatter.add.f32 @p0 [tilespmem:s10], [sflag:$0xB], $0x80, s8, s2, $0xb8;
	[tilespmem:$0x1E400] =	vst v63  }
0x46: {  	s2 =	simm.s32 @!p0 $0x8  }
0x47: {  	_ =	swait.ge @!p0 [sflag:s2], $0x2800  }
0x48: {  	s8 =	simm.s32 @!p0 $0x180;
	[sflag:s2] =	ssyncset.done @!p0 $0x0  }
0x49: {  	s10 =	simm.s32 @!p0 $0x7C00;
	[sflag:s2] =	ssyncadd.s32 @!p0 $0xFFFFD800;
	s2 =	simm.s32 @!p0 $0x50  }
0x4a: {  	[spmem:s1] =	stream.indirect.scatter.add.f32 @!p0 [tilespmem:s10], [sflag:$0xC], $0x80, s8, s2, $0xb8;
	[tilespmem:$0x1E400] =	vst v63  }
.LBB2_17:
0x4b: {  	p0 =	slt.u32 s0, $0x7D  }
.Ltmp3:
0x4c: {  	_ = 	snop;
	(pc) =	sbr.rel @!p0 .LBB2_18-.Ltmp3, $1  }
0x4d: {  	_ =	sdelay $0x3  }
.LBB2_2:
0x4e: {  	p1 =	sgt.u32 s0, $0x1  }
.Ltmp4:
0x4f: {  	_ = 	snop;
	(pc) =	sbr.rel @!p1 .LBB2_3-.Ltmp4, $3  }
0x50: {  	_ =	sdelay $0x1  }
0x51: {  	s2 =	sand.u32 $0x3, s0  }
0x52: {  	p0 =	sgt.s32 s2, $0x1  }
0x53: {  	p1 =	seq.s32 @!p0 s2, $0x0  }
0x54: {  	p1 =	por !p1, p0  }
0x55: {  	p2 =	seq.s32 @p0 s2, $0x2;
	s10 =	simm.s32 $0x9;
	s8 =	simm.s32 @!p1 $0xB  }
0x56: {  	p2 =	por !p2, !p0;
	s8 =	simm.s32 @p1 $0xC;
	p1 =	sgt.u32 s0, $0x7A  }
.Ltmp5:
0x57: {  	s10 =	simm.s32 @p2 $0xA;
	(pc) =	sbr.rel @p1 .LBB2_10-.Ltmp5, $4  }
0x58: {  	s8 =	smov.u32 @p0 s10  }
0x59: {  	_ =	swait.ge [sflag:s8], $0x2800  }
0x5a: {  	[sflag:s8] =	ssyncset.done $0x0  }
0x5b: {  	[sflag:s8] =	ssyncadd.s32 $0xFFFFD800  }
.Ltmp6:
0x5c: {  	(pc) =	sbr.rel .LBB2_6-.Ltmp6, $2  }
0x5d: {  	_ =	sdelay $0x2  }
0x5e: {  	s8 =	sadd.s32 $0x2, s0  }
.LBB2_3:
0x5f: {  	s8 =	sor.u32 $0x2, s0  }
.LBB2_6:
0x60: {  	s10 =	sand.u32 $0x3, s8;
	s13 =	smul.u32 $0x50, s8  }
0x61: {  	p1 =	sgt.s32 s10, $0x1  }
0x62: {  	s8 =	sadd.s32 s7, s13;
	p2 =	seq.s32 @p1 s10, $0x2  }
0x63: {  	s8 =	sshrl.u32 s8, $0x3;
	p3 =	por !p2, !p1  }
0x64: {  	s11 =	sadd.s32 s5, s8;
	s12 =	simm.s32 @!p3 $0x0;
	s13 =	simm.s32 @!p3 $0x100  }
0x65: {  	[tilespmem:s13], [sflag:$0x3] =	stream.linear.gather @!p3 [hbm4b:s11+s12], $0x50, $0x38;
	[tilespmem:$0x1E400] =	vst v63  }
0x66: {  	p2 =	por p2, !p1;
	s8 =	sadd.s32 s6, s8;
	s13 =	simm.s32 @!p3 $0x300  }
0x67: {  	[tilespmem:s13], [sflag:$0x3] =	stream.linear.gather @!p3 [hbm4b:s8+s12], $0x50, $0x38;
	[tilespmem:$0x1E400] =	vst v63  }
0x68: {  	s12 =	simm.s32 @!p2 $0x0;
	s13 =	simm.s32 @!p2 $0x180  }
0x69: {  	[tilespmem:s13], [sflag:$0x4] =	stream.linear.gather @!p2 [hbm4b:s11+s12], $0x50, $0x38;
	[tilespmem:$0x1E400] =	vst v63  }
0x6a: {  	s13 =	simm.s32 @!p2 $0x380  }
0x6b: {  	[tilespmem:s13], [sflag:$0x4] =	stream.linear.gather @!p2 [hbm4b:s8+s12], $0x50, $0x38;
	[tilespmem:$0x1E400] =	vst v63  }
0x6c: {  	p2 =	seq.s32 @!p1 s10, $0x0  }
0x6d: {  	p3 =	por !p2, p1  }
0x6e: {  	s10 =	simm.s32 @!p3 $0x0  }
0x6f: {  	[tilespmem:s10], [sflag:$0x1] =	stream.linear.gather @!p3 [hbm4b:s11+s10], $0x50, $0x38;
	[tilespmem:$0x1E400] =	vst v63  }
0x70: {  	p1 =	por p2, p1;
	s12 =	simm.s32 @!p3 $0x200  }
0x71: {  	[tilespmem:s12], [sflag:$0x1] =	stream.linear.gather @!p3 [hbm4b:s8+s10], $0x50, $0x38;
	[tilespmem:$0x1E400] =	vst v63  }
0x72: {  	s10 =	simm.s32 @!p1 $0x0;
	s12 =	simm.s32 @!p1 $0x80  }
0x73: {  	[tilespmem:s12], [sflag:$0x2] =	stream.linear.gather @!p1 [hbm4b:s11+s10], $0x50, $0x38;
	[tilespmem:$0x1E400] =	vst v63  }
0x74: {  	s0 =	sadd.s32 $0x1, s0;
	s11 =	simm.s32 @!p1 $0x280  }
0x75: {  	[tilespmem:s11], [sflag:$0x2] =	stream.linear.gather @!p1 [hbm4b:s8+s10], $0x50, $0x38;
	[tilespmem:$0x1E400] =	vst v63  }
0x76: {  	s8 =	sand.u32 $0x3, s0  }
0x77: {  	p1 =	sgt.s32 s8, $0x1  }
.Ltmp7:
0x78: {  	_ = 	snop;
	(pc) =	sbr.rel @p1 .LBB2_9-.Ltmp7, $1  }
0x79: {  	_ =	sdelay $0x3  }
0x7a: {  	p1 =	seq.s32 s8, $0x0  }
.Ltmp8:
0x7b: {  	_ = 	snop;
	(pc) =	sbr.rel @p1 .LBB2_11-.Ltmp8, $1  }
0x7c: {  	_ =	sdelay $0x3  }
0x7d: {  	_ =	swait.ge [sflag:s25], $0x50  }
0x7e: {  	[sflag:s25] =	ssyncset.done $0x0  }
0x7f: {  	[sflag:s25] =	ssyncadd.s32 $0xFFFFFFB0  }
0x80: {  	_ =	swait.ge [sflag:s25], $0x50  }
0x81: {  	[sflag:s25] =	ssyncset.done $0x0  }
0x82: {  	[sflag:s25] =	ssyncadd.s32 $0xFFFFFFB0  }
0x83: {  	v1 =	vld [tilespmem:$0x280]  }
0x84: {  	v2 =	vld [tilespmem:$0x290]  }
0x85: {  	v3 =	vld [tilespmem:$0x2A0]  }
0x86: {  	v4 =	vld [tilespmem:$0x2B0]  }
0x87: {  	v5 =	vld [tilespmem:$0x2C0]  }
0x88: {  	v1 =	vadd.s32 v0, v1  }
0x89: {  	[tilespmem:$0x280] =	vst v1;
	v1 =	vadd.s32 v0, v2  }
.Ltmp9:
0x8a: {  	[tilespmem:$0x290] =	vst v1;
	v1 =	vadd.s32 v0, v3;
	(pc) =	sbr.rel .LBB2_12-.Ltmp9, $4  }
0x8b: {  	[tilespmem:$0x2A0] =	vst v1;
	v1 =	vadd.s32 v0, v4  }
0x8c: {  	[tilespmem:$0x2B0] =	vst v1;
	v1 =	vadd.s32 v0, v5  }
0x8d: {  	[tilespmem:$0x2C0] =	vst v1  }
0x8e: {  	[tilespmem:s26], [sflag:$0x6] =	stream.indirect.gather [hbm4b:s4+s22], $0x80, s20, s22, $0xb8;
	[tilespmem:$0x1E400] =	vst v63  }
.LBB2_9:
0x8f: {  	p1 =	seq.s32 s8, $0x2  }
0x90: {  	s8 =	simm.s32 @p1 $0x3  }
0x91: {  	_ =	swait.ge @p1 [sflag:s8], $0x50  }
0x92: {  	[sflag:s8] =	ssyncset.done @p1 $0x0  }
0x93: {  	[sflag:s8] =	ssyncadd.s32 @p1 $0xFFFFFFB0  }
0x94: {  	_ =	swait.ge @p1 [sflag:s8], $0x50  }
0x95: {  	[sflag:s8] =	ssyncset.done @p1 $0x0  }
0x96: {  	[sflag:s8] =	ssyncadd.s32 @p1 $0xFFFFFFB0  }
0x97: {  	v1 =	vld @p1 [tilespmem:$0x300]  }
0x98: {  	v2 =	vld @p1 [tilespmem:$0x310]  }
0x99: {  	v3 =	vld @p1 [tilespmem:$0x320]  }
0x9a: {  	v4 =	vld @p1 [tilespmem:$0x330]  }
0x9b: {  	v5 =	vld @p1 [tilespmem:$0x340]  }
0x9c: {  	v1 =	vadd.s32 @p1 v0, v1  }
0x9d: {  	[tilespmem:$0x300] =	vst @p1 v1;
	v1 =	vadd.s32 @p1 v0, v2  }
0x9e: {  	[tilespmem:$0x310] =	vst @p1 v1;
	v1 =	vadd.s32 @p1 v0, v3  }
0x9f: {  	[tilespmem:$0x320] =	vst @p1 v1;
	v1 =	vadd.s32 @p1 v0, v4  }
0xa0: {  	[tilespmem:$0x330] =	vst @p1 v1;
	v1 =	vadd.s32 @p1 v0, v5  }
0xa1: {  	s10 =	simm.s32 @p1 $0x300;
	s11 =	simm.s32 @p1 $0x5400;
	s8 =	simm.s32 @p1 $0x50;
	[tilespmem:$0x340] =	vst @p1 v1  }
0xa2: {  	[tilespmem:s11], [sflag:$0x7] =	stream.indirect.gather @p1 [hbm4b:s4+s8], $0x80, s10, s8, $0xb8;
	[tilespmem:$0x1E400] =	vst v63  }
0xa3: {  	s8 =	simm.s32 @!p1 $0x4  }
0xa4: {  	_ =	swait.ge @!p1 [sflag:s8], $0x50  }
0xa5: {  	[sflag:s8] =	ssyncset.done @!p1 $0x0  }
0xa6: {  	[sflag:s8] =	ssyncadd.s32 @!p1 $0xFFFFFFB0  }
0xa7: {  	_ =	swait.ge @!p1 [sflag:s8], $0x50  }
0xa8: {  	[sflag:s8] =	ssyncset.done @!p1 $0x0  }
0xa9: {  	[sflag:s8] =	ssyncadd.s32 @!p1 $0xFFFFFFB0  }
0xaa: {  	v1 =	vld @!p1 [tilespmem:$0x380]  }
0xab: {  	v2 =	vld @!p1 [tilespmem:$0x390]  }
0xac: {  	v3 =	vld @!p1 [tilespmem:$0x3A0]  }
0xad: {  	v4 =	vld @!p1 [tilespmem:$0x3B0]  }
0xae: {  	v5 =	vld @!p1 [tilespmem:$0x3C0]  }
0xaf: {  	v1 =	vadd.s32 @!p1 v0, v1  }
0xb0: {  	[tilespmem:$0x380] =	vst @!p1 v1;
	v1 =	vadd.s32 @!p1 v0, v2  }
.Ltmp10:
0xb1: {  	[tilespmem:$0x390] =	vst @!p1 v1;
	v1 =	vadd.s32 @!p1 v0, v3;
	(pc) =	sbr.rel .LBB2_12-.Ltmp10, $4  }
0xb2: {  	[tilespmem:$0x3A0] =	vst @!p1 v1;
	v1 =	vadd.s32 @!p1 v0, v4  }
0xb3: {  	[tilespmem:$0x3B0] =	vst @!p1 v1;
	v1 =	vadd.s32 @!p1 v0, v5  }
0xb4: {  	s10 =	simm.s32 @!p1 $0x380;
	s11 =	simm.s32 @!p1 $0x7C00;
	s8 =	simm.s32 @!p1 $0x50;
	[tilespmem:$0x3C0] =	vst @!p1 v1  }
0xb5: {  	[tilespmem:s11], [sflag:$0x8] =	stream.indirect.gather @!p1 [hbm4b:s4+s8], $0x80, s10, s8, $0xb8;
	[tilespmem:$0x1E400] =	vst v63  }
.LBB2_10:
0xb6: {  	p1 =	seq.s32 s0, $0x7C  }
.Ltmp11:
0xb7: {  	_ = 	snop;
	(pc) =	sbr.rel @p1 .LBB2_15-.Ltmp11, $2  }
0xb8: {  	_ =	sdelay $0x2  }
0xb9: {  	s0 =	simm.s32 $0x7C;
	s8 =	simm.s32 $0x7D  }
.LBB2_11:
0xba: {  	_ =	swait.ge [sflag:s21], $0x50  }
0xbb: {  	[sflag:s21] =	ssyncset.done $0x0  }
0xbc: {  	[sflag:s21] =	ssyncadd.s32 $0xFFFFFFB0  }
0xbd: {  	_ =	swait.ge [sflag:s21], $0x50  }
0xbe: {  	[sflag:s21] =	ssyncset.done $0x0  }
0xbf: {  	[sflag:s21] =	ssyncadd.s32 $0xFFFFFFB0  }
0xc0: {  	v1 =	vld [tilespmem:$0x200]  }
0xc1: {  	v2 =	vld [tilespmem:$0x210]  }
0xc2: {  	v3 =	vld [tilespmem:$0x220]  }
0xc3: {  	v4 =	vld [tilespmem:$0x230]  }
0xc4: {  	v5 =	vld [tilespmem:$0x240]  }
0xc5: {  	v1 =	vadd.s32 v0, v1  }
0xc6: {  	[tilespmem:$0x200] =	vst v1;
	v1 =	vadd.s32 v0, v2  }
0xc7: {  	[tilespmem:$0x210] =	vst v1;
	v1 =	vadd.s32 v0, v3  }
0xc8: {  	[tilespmem:$0x220] =	vst v1;
	v1 =	vadd.s32 v0, v4  }
0xc9: {  	[tilespmem:$0x230] =	vst v1;
	v1 =	vadd.s32 v0, v5  }
0xca: {  	[tilespmem:$0x240] =	vst v1  }
0xcb: {  	[tilespmem:s23], [sflag:$0x5] =	stream.indirect.gather [hbm4b:s4+s22], $0x80, s18, s22, $0xb8;
	[tilespmem:$0x1E400] =	vst v63  }
.LBB2_12:
.Ltmp12:
0xcc: {  	(pc) =	sbr.rel @p0 .LBB2_20-.Ltmp12, $1  }
0xcd: {  	_ =	sdelay $0x3  }
0xce: {  	p0 =	seq.s32 s2, $0x0  }
.Ltmp13:
0xcf: {  	_ = 	snop;
	(pc) =	sbr.rel @!p0 .LBB2_16-.Ltmp13, $1  }
0xd0: {  	_ =	sdelay $0x3  }
0xd1: {  	s8 =	smov.u32 s0  }
.LBB2_15:
.Ltmp14:
0xd2: {  	(pc) =	sbr.rel .LBB2_17-.Ltmp14, $4  }
0xd3: {  	_ =	swait.ge [sflag:s29], $0x2800  }
0xd4: {  	[sflag:s29] =	ssyncset.done $0x0  }
0xd5: {  	s0 =	smov.u32 s8;
	[sflag:s29] =	ssyncadd.s32 $0xFFFFD800  }
0xd6: {  	[spmem:s1] =	stream.indirect.scatter.add.f32 [tilespmem:s23], [sflag:$0x9], $0x80, s3, s22, $0xb8;
	[tilespmem:$0x1E400] =	vst v63  }
.LBB2_16:
.Ltmp15:
0xd7: {  	(pc) =	sbr.rel .LBB2_17-.Ltmp15, $4  }
0xd8: {  	_ =	swait.ge [sflag:s28], $0x2800  }
0xd9: {  	[sflag:s28] =	ssyncset.done $0x0  }
0xda: {  	[sflag:s28] =	ssyncadd.s32 $0xFFFFD800  }
0xdb: {  	[spmem:s1] =	stream.indirect.scatter.add.f32 [tilespmem:s26], [sflag:$0xA], $0x80, s19, s22, $0xb8;
	[tilespmem:$0x1E400] =	vst v63  }
.LBB2_19:
0xdc: {  	_ =	sfence.sel $0x180000  }
0xdd: {  	[bflag:$0x0] =	sbarrier.arrive $0xFFFF  }
0xde: {  	_ =	strace $0x9000004D  }
0xdf: {  	s0 =	stileid.u32;
	[bflag:$0x2] =	sbarrier.arrive $0xFFFF  }
0xe0: {  	p0 =	sne.s32 s0, $0x0;
	s0 =	rddreg [dreg:$0x2]  }
0xe1: {  	s0 =	sadd.s32 @!p0 $0x100000, s0  }
0xe2: {  	[sflag:s0] =	ssyncadd.tile.s32 @!p0 $0x1;
	_ =	shalt  }
.Lfunc_end2:
_tile_overlayer_lowered:
.L_overlay_start_2:
0xe3: {  	(tag) =	ssettag $0x2  }
0xe4: {  	s0 =	rddreg [dreg:$0x0];
	s2 =	stileid.u32  }
0xe5: {  	s1 =	rddreg [dreg:$0x1];
	p0 =	sne.s32 s2, $0x0  }
0xe6: {  	s3 =	rddreg [dreg:$0x2];
	[bflag:$0x3] =	sbarrier.arrive $0xFFFF;
	s2 =	simm.s32 @!p0 $0x1C0D  }
0xe7: {  	[timem:s3], [sflag:s2] =	dma.local @!p0 [hbm:s0], s1  }
0xe8: {  	s0 =	simm.s32 @!p0 $0xD  }
0xe9: {  	_ =	swait.ge @!p0 [sflag:s0], s1  }
0xea: {  	s1 =	ssub.s32 @!p0 $0x0, s1;
	[sflag:s0] =	ssyncset.done @!p0 $0x0  }
0xeb: {  	[sflag:s0] =	ssyncadd.s32 @!p0 s1  }
0xec: {  	[bflag:$0x3] =	sbarrier.arrive $0xFFFF  }
0xed: {  	_ =	shalt  }

// kernel: kernel.20.cloned.1.call-start
scs
__scs_entry_jumppad:
0x0: {  	(pc) =	sbr.rel $0x88, $3  }
0x1: {  	(tag) =	ssettag $0x0;
	lr =	simm.s32 $0x1  }
0x2: {  	[smem:$0x3F99] =	sst lr;
	_ =	strace $0xD0000000  }
0x3: {  	_ = 	snop  }
0x4: {  	_ = 	snop  }
0x5: {  	_ = 	snop  }
0x6: {  	_ = 	snop  }
0x7: {  	_ = 	snop  }
__scs_overlays_trampoline_lowered:
0x8: {  	[smem:$0x3FA8] =	sst s0  }
0x9: {  	[smem:$0x3FA9] =	sst s1  }
0xa: {  	[smem:$0x3FAA] =	sst s2  }
0xb: {  	[smem:$0x3FAB] =	sst s3  }
0xc: {  	[smem:$0x3FAC] =	sst s4  }
0xd: {  	[smem:$0x3FAD] =	sst s5  }
0xe: {  	[smem:$0x3FAE] =	sst s6  }
0xf: {  	[smem:$0x3FAF] =	sst s7  }
0x10: {  	[smem:$0x3FB0] =	sst s8  }
0x11: {  	[smem:$0x3FB1] =	sst s9;
	s0 =	simm.s32 @!p0 $0x0  }
0x12: {  	s1 =	sld [smem:$0x3F97];
	s0 =	simm.s32 @p0 $0x1  }
0x13: {  	[smem:$0x3FB2] =	sst s0;
	s0 =	simm.s32 @!p1 $0x0  }
0x14: {  	s2 =	sld [smem:$0x3F96];
	s0 =	simm.s32 @p1 $0x1  }
0x15: {  	[smem:$0x3FB3] =	sst s0;
	s0 =	simm.s32 @!p2 $0x0  }
0x16: {  	s3 =	sld [smem:$0x3FDB];
	s0 =	simm.s32 @p2 $0x1  }
0x17: {  	s4 =	simm.s32 $0x1BF5;
	[smem:$0x3FB5] =	sst s0  }
0x18: {  	s0 =	sld [smem:$0x3F98];
	_ =	swait.ge [sflag:s4], $0x0  }
0x19: {  	s7 =	sld [smem:$0x3F99]  }
0x1a: {  	s8 =	sadd.s32 $0xFFFFE003, lr  }
0x1b: {  	s9 =	sadd.s32 $0xFFFFFEF7, lr;
	s5 =	simm.s32 $0xFFFFFFFF;
	p2 =	slt.u32 s8, $0xFFFFF086  }
0x1c: {  	p1 =	slt.u32 s9, $0xF7A;
	s5 =	simm.s32 @!p2 $0x0  }
0x1d: {  	s5 =	simm.s32 @p1 $0x1;
	p0 =	seq.s32 s7, s2  }
0x1e: {  	s7 =	smul.u32 @!p0 $0xF7A, s2;
	p2 =	seq.s32 @!p0 s5, $0x0  }
0x1f: {  	s9 =	smul.u32 $0xF7A, s1;
	s8 =	simm.s32 @!p0 $0x1BF5;
	p2 =	por !p2, p0  }
0x20: {  	[sflag:s8] =	ssyncset.s32 @!p0 $0xFFFFF086;
	s6 =	sadd.s32 @!p0 s3, s7;
	s7 =	simm.s32 @!p0 $0x108  }
0x21: {  	s3 =	sadd.s32 s3, s9;
	s6 =	sadd.s32 @!p0 $0x88, s6;
	s7 =	simm.s32 @p2 $0x1082  }
0x22: {  	[simem:s7], [sflag:s8] =	dma.local @!p0 [hbm:s6], $0xF7A  }
0x23: {  	s9 =	sor.u32 $0xD0000000, s2;
	s6 =	simm.s32 $0x108;
	_ =	swait.ge @!p0 [sflag:s8], $0x0  }
0x24: {  	s3 =	sadd.s32 $0x88, s3;
	s6 =	simm.s32 @!p1 $0x1082;
	[sflag:s4] =	ssyncset.s32 $0xFFFFF086  }
0x25: {  	[simem:s6], [sflag:s4] =	dma.local [hbm:s3], $0xF7A  }
0x26: {  	[smem:$0x3F99] =	sst s1;
	(tag) =	ssettag s2;
	_ =	strace s9  }
0x27: {  	s1 =	sld [smem:$0x3FA9]  }
0x28: {  	s2 =	sld [smem:$0x3FAA]  }
0x29: {  	s4 =	sld [smem:$0x3FAC]  }
0x2a: {  	p0 =	seq.s32 s5, $0x0;
	s5 =	sld [smem:$0x3FAD]  }
0x2b: {  	s6 =	sld [smem:$0x3FAE]  }
0x2c: {  	s7 =	sld [smem:$0x3FAF]  }
0x2d: {  	s3 =	simm.s32 $0x108;
	s8 =	sld [smem:$0x3FB0]  }
0x2e: {  	s3 =	simm.s32 @!p0 $0x1082;
	s9 =	sld [smem:$0x3FB1]  }
0x2f: {  	lr =	sadd.s32 s0, s3;
	s0 =	sld [smem:$0x3FA8]  }
0x30: {  	s3 =	sld [smem:$0x3FAB]  }
0x31: {  	[smem:$0x3FB4] =	sst s10  }
0x32: {  	s10 =	sld [smem:$0x3FB2];
	_ =	sdelay $0x3  }
0x33: {  	p0 =	seq.s32 s10, $0x1;
	s10 =	sld [smem:$0x3FB4];
	_ =	sdelay $0x3  }
0x34: {  	[smem:$0x3FB4] =	sst s10  }
0x35: {  	s10 =	sld [smem:$0x3FB3];
	_ =	sdelay $0x3  }
0x36: {  	p1 =	seq.s32 s10, $0x1;
	s10 =	sld [smem:$0x3FB4];
	_ =	sdelay $0x3  }
0x37: {  	[smem:$0x3FB4] =	sst s10  }
0x38: {  	s10 =	sld [smem:$0x3FB5]  }
0x39: {  	_ = 	snop;
	(pc) =	sbr.ind lr, $3  }
0x3a: {  	_ = 	snop  }
0x3b: {  	_ = 	snop  }
0x3c: {  	p2 =	seq.s32 s10, $0x1;
	s10 =	sld [smem:$0x3FB4]  }
0x3d: {  	_ =	shalt  }
0x3e: {  	_ =	shalt  }
0x3f: {  	_ =	shalt  }
0x40: {  	_ =	shalt  }
0x41: {  	_ =	shalt  }
0x42: {  	_ =	shalt  }
0x43: {  	_ =	shalt  }
0x44: {  	_ =	shalt  }
0x45: {  	_ =	shalt  }
0x46: {  	_ =	shalt  }
0x47: {  	_ =	shalt  }
0x48: {  	_ =	shalt  }
0x49: {  	_ =	shalt  }
0x4a: {  	_ =	shalt  }
0x4b: {  	_ =	shalt  }
0x4c: {  	_ =	shalt  }
0x4d: {  	_ =	shalt  }
0x4e: {  	_ =	shalt  }
0x4f: {  	_ =	shalt  }
0x50: {  	_ =	shalt  }
0x51: {  	_ =	shalt  }
0x52: {  	_ =	shalt  }
0x53: {  	_ =	shalt  }
0x54: {  	_ =	shalt  }
0x55: {  	_ =	shalt  }
0x56: {  	_ =	shalt  }
0x57: {  	_ =	shalt  }
0x58: {  	_ =	shalt  }
0x59: {  	_ =	shalt  }
0x5a: {  	_ =	shalt  }
0x5b: {  	_ =	shalt  }
0x5c: {  	_ =	shalt  }
0x5d: {  	_ =	shalt  }
0x5e: {  	_ =	shalt  }
0x5f: {  	_ =	shalt  }
0x60: {  	_ =	shalt  }
0x61: {  	_ =	shalt  }
0x62: {  	_ =	shalt  }
0x63: {  	_ =	shalt  }
0x64: {  	_ =	shalt  }
0x65: {  	_ =	shalt  }
0x66: {  	_ =	shalt  }
0x67: {  	_ =	shalt  }
0x68: {  	_ =	shalt  }
0x69: {  	_ =	shalt  }
0x6a: {  	_ =	shalt  }
0x6b: {  	_ =	shalt  }
0x6c: {  	_ =	shalt  }
0x6d: {  	_ =	shalt  }
0x6e: {  	_ =	shalt  }
0x6f: {  	_ =	shalt  }
0x70: {  	_ =	shalt  }
0x71: {  	_ =	shalt  }
0x72: {  	_ =	shalt  }
0x73: {  	_ =	shalt  }
0x74: {  	_ =	shalt  }
0x75: {  	_ =	shalt  }
0x76: {  	_ =	shalt  }
0x77: {  	_ =	shalt  }
0x78: {  	_ =	shalt  }
0x79: {  	_ =	shalt  }
0x7a: {  	_ =	shalt  }
0x7b: {  	_ =	shalt  }
0x7c: {  	_ =	shalt  }
0x7d: {  	_ =	shalt  }
0x7e: {  	_ =	shalt  }
0x7f: {  	_ =	shalt  }
0x80: {  	_ =	shalt  }
0x81: {  	_ =	shalt  }
0x82: {  	_ =	shalt  }
0x83: {  	_ =	shalt  }
0x84: {  	_ =	shalt  }
0x85: {  	_ =	shalt  }
0x86: {  	_ =	shalt  }
0x87: {  	_ =	shalt  }
.Lfunc_end0:
.L_simem_size_0:
called_computation.2_lowered:
.L_overlay_start_0:
0x88: {  	s2 =	sld [smem:$0x3FD9]  }
0x89: {  	s3 =	sld [smem:$0x3FFE];
	_ =	sdelay $0x1  }
0x8a: {  	s1 =	srdreg.scid  }
0x8b: {  	s0 =	sand.u32 $0x1, s1  }
0x8c: {  	s17 =	sshll.u32 s0, $0xA;
	s2 =	sadd.s32 s3, s2  }
0x8d: {  	s2 =	sadd.s32 s2, s17  }
0x8e: {  	[smem:$0x3FC0] =	sst s2  }
0x8f: {  	_ = 	snop  }
0x90: {  	s2 =	sld [smem:$0x3FD0];
	(tm) =	ssettm $0x1  }
0x91: {  	s18 =	sld [smem:$0x3FFB];
	_ =	sdelay $0x3  }
0x92: {  	_ =	strace s18  }
0x93: {  	s3 =	sld [smem:$0x3FFC];
	_ =	sdelay $0x3  }
0x94: {  	_ =	strace s3  }
0x95: {  	s3 =	sld [smem:$0x3FFD];
	_ =	sdelay $0x3  }
0x96: {  	_ =	strace s3  }
0x97: {  	_ =	strace $0x8FFFFFFF  }
0x98: {  	s19 =	sld [smem:$0x3FDB];
	_ =	sdelay $0x1  }
0x99: {  	s4 =	simm.s32 $_scs_section_size  }
0x9a: {  	s5 =	simm.s32 $_size__tile_overlayer_lowered;
	s6 =	simm.s32 $_tile_overlayer_lowered  }
0x9b: {  	s22 =	simm.s32 $0x1BFF;
	s21 =	sshll.u32 s6, $0x1;
	s3 =	sadd.s32 s4, s19  }
0x9c: {  	s7 =	simm.s32 $0x0;
	s20 =	sshll.u32 s5, $0x1;
	s5 =	sadd.s32 s21, s3  }
0x9d: {  	[timem:s7], [sflag:s22] =	dma.local [hbm:s5], s20  }
0x9e: {  	_ =	swait.ge [sflag:s22], s20  }
0x9f: {  	s4 =	ssub.s32 $0x0, s20;
	[sflag:s22] =	ssyncset.done $0x0  }
0xa0: {  	[sflag:s22] =	ssyncadd.s32 s4;
	_ =	sdelay $0x1  }
0xa1: {  	s23 =	simm.s32 $0x1B8B  }
0xa2: {  	_ =	swait.ge [sflag:s23], $0x1  }
0xa3: {  	[sflag:s23] =	ssyncset.done $0x0  }
0xa4: {  	s25 =	simm.s32 $0x1B8E;
	s24 =	sld [smem:$0x3FFE];
	[sflag:s23] =	ssyncadd.s32 $0xFFFFFFFF  }
0xa5: {  	s26 =	simm.s32 $execute0_lowered;
	[smem:$0x3FD2] =	sst s25  }
0xa6: {  	s5 =	sshll.u32 s26, $0x1;
	_ =	strace $0x80000049;
	[dreg:$0x1] =	wrdreg $0xFFFFFFFF  }
0xa7: {  	s28 =	simm.s32 $_size_execute0_lowered;
	s3 =	sadd.s32 s3, s5;
	[dreg:$0x0] =	wrdreg $0x0  }
0xa8: {  	s5 =	sshll.u32 s28, $0x1;
	[dreg:$0x2] =	wrdreg s3  }
0xa9: {  	[dreg:$0x3] =	wrdreg s5  }
0xaa: {  	[dreg:$0x4] =	wrdreg $0xC0  }
0xab: {  	_ =	task [dreg:s7], $0x5FFFF  }
0xac: {  	[dreg:$0x1] =	wrdreg $0xFFFFFFFF  }
0xad: {  	[dreg:$0x0] =	wrdreg $0x60  }
0xae: {  	[dreg:$0x2] =	wrdreg s24  }
0xaf: {  	[dreg:$0x3] =	wrdreg s2  }
0xb0: {  	[dreg:$0x4] =	wrdreg $0xA  }
0xb1: {  	_ =	task.clear_ibuf [dreg:s7], $0x5FFFF;
	_ =	strace $0x90000049  }
0xb2: {  	s29 =	simm.s32 $0xA;
	_ =	strace $0x8000004B  }
0xb3: {  	_ =	swait.ge [sflag:s29], $0x1  }
0xb4: {  	[sflag:s29] =	ssyncadd.s32 $0xFFFFFFFF  }
0xb5: {  	_ =	strace $0x9000004B  }
0xb6: {  	_ =	sfence  }
0xb7: {  	s30 =	sld [smem:$0x0];
	_ =	sdelay $0x2  }
0xb8: {  	s31 =	sshll.u32 s1, $0xD;
	s1 =	sshrl.u32 s1, $0x2  }
0xb9: {  	s3 =	sand.u32 $0x4000, s31;
	s1 =	sadd.s32 s1, s30  }
0xba: {  	s0 =	sor.u32 s3, s0;
	s1 =	sshll.u32 s1, $0x11  }
0xbb: {  	s0 =	sor.u32 s1, s0  }
0xbc: {  	s0 =	sadd.s32 $0x8F2B, s0  }
0xbd: {  	[sflag:s0] =	ssyncadd.remote.s32 $0x1  }
0xbe: {  	_ =	sfence.sel $0xFFFF  }
0xbf: {  	[dreg:$0x0] =	wrdreg $0xFFFFFFFF;
	(pc) =	sbr.abs _section_cstart, $3  }
0xc0: {  	[dreg:$0x1] =	wrdreg $0xFFFFFFFF  }
0xc1: {  	_ =	task.clear_ibuf [dreg:s7], $0x2FFFF;
	_ =	strace $0x9FFFFFFF  }
0xc2: {  	(tm) =	ssettm $0x7FFFFFFF  }
0xc3: {  	_ =	shalt  }
tec
execute0_lowered:
.L_overlay_start_1:
0x0: {  	(tag) =	ssettag $0x1  }
0x1: {  	s4 =	rddreg [dreg:$0x0]  }
0x2: {  	s1 =	srdreg.scid;
	s0 =	stileid.u32  }
0x3: {  	s6 =	rddreg [dreg:$0x1];
	s2 =	simm.s32 $0x0;
	s11 =	simm.s32 $0x4F80  }
0x4: {  	s3 =	sand.u32 $0x1, s1;
	s5 =	sshll.u32 s0, $0x1;
	s1 =	rddreg [dreg:$0x2]  }
0x5: {  	s12 =	simm.s32 $0x0;
	[smem:$0x7FF] =	sst s2;
	s5 =	sor.u32 s3, s5  }
0x6: {  	s8 =	ssub.s32 $0x2, s3;
	_ =	strace $0x8000004A;
	s7 =	smul.u32 $0x271, s5  }
0x7: {  	v0 =	vlaneseq.u32;
	s3 =	sadd.s32 $0xCC00, s4;
	s9 =	sshrl.u32 s8, $0x1;
	s10 =	smul.u32 $0x4E2, s5  }
0x8: {  	v2 =	vmul.u32 $0xFFFFFFFF, v0;
	s31 =	ssub.s32 s8, s9;
	s8 =	simm.s32 $0x1;
	s9 =	simm.s32 $0x1400  }
0x9: {  	s30 =	sadd.s32 s7, s4;
	s6 =	sadd.s32 s6, s10;
	s7 =	smax.u32 s31, $0x1  }
0xa: {  	v1 =	vimm.f32 $0.0e+00;
	v0 =	vimm.s32 $0x0;
	v2 =	vadd.s32 $0x1388, v2;
	s10 =	simm.s32 $0x2800;
	s4 =	sadd.s32 $0x7C00, s30;
	s5 =	sadd.s32 $0x2C00, s30  }
.LBB2_1:
0xb: {  	[tilespmem:$0x1380] =	vst v0  }
0xc: {  	[tilespmem:$0x2780] =	vst v0  }
0xd: {  	[tilespmem:s2], [sflag:$0x1] =	stream.linear.gather [hbm4b:s4+s2], $0x1388, $0x38;
	[tilespmem:$0x7700] =	vst v63  }
0xe: {  	_ =	swait.ge [sflag:s8], $0x1388  }
0xf: {  	[sflag:s8] =	ssyncset.done $0x0  }
0x10: {  	[sflag:s8] =	ssyncadd.s32 $0xFFFFEC78  }
0x11: {  	[tilespmem:s9], [sflag:$0x1] =	stream.linear.gather [hbm4b:s5+s2], $0x1388, $0x38;
	[tilespmem:$0x7700] =	vst v63  }
0x12: {  	_ =	swait.ge [sflag:s8], $0x1388  }
0x13: {  	[sflag:s8] =	ssyncset.done $0x0  }
0x14: {  	[sflag:s8] =	ssyncadd.s32 $0xFFFFEC78  }
0x15: {  	[tilespmem:s10], [sflag:$0x1] =	stream.linear.gather [hbm4b:s3+s2], $0x2780, $0x38;
	[tilespmem:$0x7700] =	vst v63  }
0x16: {  	_ =	swait.ge [sflag:s8], $0x2780  }
0x17: {  	[sflag:s8] =	ssyncset.done $0x0  }
0x18: {  	s13 =	simm.s32 $0x0;
	[sflag:s8] =	ssyncadd.s32 $0xFFFFD880  }
.LBB2_2:
0x19: {  	p0 =	sne.s32 s13, $0x9C00  }
.Ltmp0:
0x1a: {  	_ = 	snop;
	(pc) =	sbr.rel @p0 .LBB2_2-.Ltmp0, $3  }
0x1b: {  	_ =	sdelay $0x1  }
0x1c: {  	s14 =	sshra.s32 s13, $0x2  }
0x1d: {  	s13 =	sadd.s32 $0x40, s13;
	[tilespmem:s14+$0x4F80] =	vst v1  }
0x1e: {  	s14 =	simm.s32 $0x1400  }
0x1f: {  	s13 =	simm.s32 $0x0;
	v3 =	vld [tilespmem:s14+$0x0]  }
0x20: {  	v4 =	vmov s13  }
0x21: {  	vm0 =	vlt.u32 v4, v2;
	_ =	sdelay $0x2  }
0x22: {  	v4 =	vld [tilespmem:s13+$0x0];
	_ =	sdelay $0x2  }
0x23: {  	v3 =	vld.idx.msk [tilespmem:v3+s10+$0x0], vm0;
	_ =	sdelay $0x4  }
0x24: {  	s14 =	simm.s32 $0x1410;
	[tilespmem:v4+s11+$0x0] =	vst.idx.add.f32.msk vm0, v3  }
0x25: {  	s15 =	simm.s32 $0x10;
	s16 =	simm.s32 $0x20;
	v3 =	vld [tilespmem:s14+$0x0]  }
.LBB2_4:
0x26: {  	p0 =	sne.s32 s16, $0x1380;
	v4 =	vmov s15;
	s15 =	smov.u32 s16  }
0x27: {  	vm0 =	vlt.u32 v4, v2;
	_ =	sdelay $0x2  }
0x28: {  	s13 =	sadd.s32 $0x10, s13  }
0x29: {  	v4 =	vld [tilespmem:s13+$0x0];
	_ =	sdelay $0x1  }
0x2a: {  	v3 =	vld.idx.msk [tilespmem:v3+s10+$0x0], vm0;
	_ =	sdelay $0x2  }
.Ltmp1:
0x2b: {  	(pc) =	sbr.rel @p0 .LBB2_4-.Ltmp1, $3  }
0x2c: {  	_ =	sdelay $0x1  }
0x2d: {  	s14 =	sadd.s32 $0x10, s14;
	[tilespmem:v4+s11+$0x0] =	vst.idx.add.f32.msk vm0, v3  }
0x2e: {  	s16 =	sadd.s32 $0x10, s16;
	v3 =	vld [tilespmem:s14+$0x0]  }
0x2f: {  	_ = 	snop  }
0x30: {  	v4 =	vmov s15  }
0x31: {  	vm0 =	vlt.u32 v4, v2;
	_ =	sdelay $0x1  }
0x32: {  	s13 =	sadd.s32 $0x10, s13  }
0x33: {  	v63 =	vld [tilespmem:s13+$0x0];
	_ =	sdelay $0x2  }
0x34: {  	v3 =	vld.idx.msk [tilespmem:v3+s10+$0x0], vm0;
	_ =	sdelay $0x2  }
0x35: {  	s12 =	sadd.s32 $0x1, s12  }
0x36: {  	p0 =	sne.s32 s12, s7  }
.Ltmp2:
0x37: {  	[tilespmem:v63+s11+$0x0] =	vst.idx.add.f32.msk vm0, v3;
	(pc) =	sbr.rel @p0 .LBB2_1-.Ltmp2, $4  }
0x38: {  	[hbm4b:s6+s2] =	stream.linear.scatter [tilespmem:s11], [sflag:$0x1], $0x2710, $0x38;
	[tilespmem:$0x7700] =	vst v63  }
0x39: {  	_ =	swait.ge [sflag:s8], $0x2710  }
0x3a: {  	[sflag:s8] =	ssyncset.done $0x0  }
0x3b: {  	[sflag:s8] =	ssyncadd.s32 $0xFFFFD8F0  }
0x3c: {  	_ =	sfence.sel $0x180000  }
0x3d: {  	[bflag:$0x0] =	sbarrier.arrive $0xFFFF  }
0x3e: {  	p0 =	sne.s32 s0, $0x0;
	_ =	strace $0x9000004A  }
0x3f: {  	s0 =	sadd.s32 @!p0 $0x100000, s1;
	[bflag:$0x2] =	sbarrier.arrive $0xFFFF  }
0x40: {  	[sflag:s0] =	ssyncadd.tile.s32 @!p0 $0x1;
	_ =	shalt  }
.Lfunc_end2:
_tile_overlayer_lowered:
.L_overlay_start_2:
0x41: {  	(tag) =	ssettag $0x2  }
0x42: {  	s0 =	rddreg [dreg:$0x0];
	s2 =	stileid.u32  }
0x43: {  	s1 =	rddreg [dreg:$0x1];
	p0 =	sne.s32 s2, $0x0  }
0x44: {  	s3 =	rddreg [dreg:$0x2];
	[bflag:$0x3] =	sbarrier.arrive $0xFFFF;
	s2 =	simm.s32 @!p0 $0x1C01  }
0x45: {  	[timem:s3], [sflag:s2] =	dma.local @!p0 [hbm:s0], s1  }
0x46: {  	s0 =	simm.s32 @!p0 $0x1  }
0x47: {  	_ =	swait.ge @!p0 [sflag:s0], s1  }
0x48: {  	s1 =	ssub.s32 @!p0 $0x0, s1;
	[sflag:s0] =	ssyncset.done @!p0 $0x0  }
0x49: {  	[sflag:s0] =	ssyncadd.s32 @!p0 s1  }
0x4a: {  	[bflag:$0x3] =	sbarrier.arrive $0xFFFF  }
0x4b: {  	_ =	shalt  }

// kernel: kernel.23.cloned.1.call-start
scs
__scs_entry_jumppad:
0x0: {  	(pc) =	sbr.rel $0x88, $3  }
0x1: {  	(tag) =	ssettag $0x0;
	lr =	simm.s32 $0x1  }
0x2: {  	[smem:$0x3F99] =	sst lr;
	_ =	strace $0xD0000000  }
0x3: {  	_ = 	snop  }
0x4: {  	_ = 	snop  }
0x5: {  	_ = 	snop  }
0x6: {  	_ = 	snop  }
0x7: {  	_ = 	snop  }
__scs_overlays_trampoline_lowered:
0x8: {  	[smem:$0x3FA8] =	sst s0  }
0x9: {  	[smem:$0x3FA9] =	sst s1  }
0xa: {  	[smem:$0x3FAA] =	sst s2  }
0xb: {  	[smem:$0x3FAB] =	sst s3  }
0xc: {  	[smem:$0x3FAC] =	sst s4  }
0xd: {  	[smem:$0x3FAD] =	sst s5  }
0xe: {  	[smem:$0x3FAE] =	sst s6  }
0xf: {  	[smem:$0x3FAF] =	sst s7  }
0x10: {  	[smem:$0x3FB0] =	sst s8  }
0x11: {  	[smem:$0x3FB1] =	sst s9;
	s0 =	simm.s32 @!p0 $0x0  }
0x12: {  	s1 =	sld [smem:$0x3F97];
	s0 =	simm.s32 @p0 $0x1  }
0x13: {  	[smem:$0x3FB2] =	sst s0;
	s0 =	simm.s32 @!p1 $0x0  }
0x14: {  	s2 =	sld [smem:$0x3F96];
	s0 =	simm.s32 @p1 $0x1  }
0x15: {  	[smem:$0x3FB3] =	sst s0;
	s0 =	simm.s32 @!p2 $0x0  }
0x16: {  	s3 =	sld [smem:$0x3FDB];
	s0 =	simm.s32 @p2 $0x1  }
0x17: {  	s4 =	simm.s32 $0x1BF5;
	[smem:$0x3FB5] =	sst s0  }
0x18: {  	s0 =	sld [smem:$0x3F98];
	_ =	swait.ge [sflag:s4], $0x0  }
0x19: {  	s7 =	sld [smem:$0x3F99]  }
0x1a: {  	s8 =	sadd.s32 $0xFFFFE003, lr  }
0x1b: {  	s9 =	sadd.s32 $0xFFFFFEF7, lr;
	s5 =	simm.s32 $0xFFFFFFFF;
	p2 =	slt.u32 s8, $0xFFFFF086  }
0x1c: {  	p1 =	slt.u32 s9, $0xF7A;
	s5 =	simm.s32 @!p2 $0x0  }
0x1d: {  	s5 =	simm.s32 @p1 $0x1;
	p0 =	seq.s32 s7, s2  }
0x1e: {  	s7 =	smul.u32 @!p0 $0xF7A, s2;
	p2 =	seq.s32 @!p0 s5, $0x0  }
0x1f: {  	s9 =	smul.u32 $0xF7A, s1;
	s8 =	simm.s32 @!p0 $0x1BF5;
	p2 =	por !p2, p0  }
0x20: {  	[sflag:s8] =	ssyncset.s32 @!p0 $0xFFFFF086;
	s6 =	sadd.s32 @!p0 s3, s7;
	s7 =	simm.s32 @!p0 $0x108  }
0x21: {  	s3 =	sadd.s32 s3, s9;
	s6 =	sadd.s32 @!p0 $0x88, s6;
	s7 =	simm.s32 @p2 $0x1082  }
0x22: {  	[simem:s7], [sflag:s8] =	dma.local @!p0 [hbm:s6], $0xF7A  }
0x23: {  	s9 =	sor.u32 $0xD0000000, s2;
	s6 =	simm.s32 $0x108;
	_ =	swait.ge @!p0 [sflag:s8], $0x0  }
0x24: {  	s3 =	sadd.s32 $0x88, s3;
	s6 =	simm.s32 @!p1 $0x1082;
	[sflag:s4] =	ssyncset.s32 $0xFFFFF086  }
0x25: {  	[simem:s6], [sflag:s4] =	dma.local [hbm:s3], $0xF7A  }
0x26: {  	[smem:$0x3F99] =	sst s1;
	(tag) =	ssettag s2;
	_ =	strace s9  }
0x27: {  	s1 =	sld [smem:$0x3FA9]  }
0x28: {  	s2 =	sld [smem:$0x3FAA]  }
0x29: {  	s4 =	sld [smem:$0x3FAC]  }
0x2a: {  	p0 =	seq.s32 s5, $0x0;
	s5 =	sld [smem:$0x3FAD]  }
0x2b: {  	s6 =	sld [smem:$0x3FAE]  }
0x2c: {  	s7 =	sld [smem:$0x3FAF]  }
0x2d: {  	s3 =	simm.s32 $0x108;
	s8 =	sld [smem:$0x3FB0]  }
0x2e: {  	s3 =	simm.s32 @!p0 $0x1082;
	s9 =	sld [smem:$0x3FB1]  }
0x2f: {  	lr =	sadd.s32 s0, s3;
	s0 =	sld [smem:$0x3FA8]  }
0x30: {  	s3 =	sld [smem:$0x3FAB]  }
0x31: {  	[smem:$0x3FB4] =	sst s10  }
0x32: {  	s10 =	sld [smem:$0x3FB2];
	_ =	sdelay $0x3  }
0x33: {  	p0 =	seq.s32 s10, $0x1;
	s10 =	sld [smem:$0x3FB4];
	_ =	sdelay $0x3  }
0x34: {  	[smem:$0x3FB4] =	sst s10  }
0x35: {  	s10 =	sld [smem:$0x3FB3];
	_ =	sdelay $0x3  }
0x36: {  	p1 =	seq.s32 s10, $0x1;
	s10 =	sld [smem:$0x3FB4];
	_ =	sdelay $0x3  }
0x37: {  	[smem:$0x3FB4] =	sst s10  }
0x38: {  	s10 =	sld [smem:$0x3FB5]  }
0x39: {  	_ = 	snop;
	(pc) =	sbr.ind lr, $3  }
0x3a: {  	_ = 	snop  }
0x3b: {  	_ = 	snop  }
0x3c: {  	p2 =	seq.s32 s10, $0x1;
	s10 =	sld [smem:$0x3FB4]  }
0x3d: {  	_ =	shalt  }
0x3e: {  	_ =	shalt  }
0x3f: {  	_ =	shalt  }
0x40: {  	_ =	shalt  }
0x41: {  	_ =	shalt  }
0x42: {  	_ =	shalt  }
0x43: {  	_ =	shalt  }
0x44: {  	_ =	shalt  }
0x45: {  	_ =	shalt  }
0x46: {  	_ =	shalt  }
0x47: {  	_ =	shalt  }
0x48: {  	_ =	shalt  }
0x49: {  	_ =	shalt  }
0x4a: {  	_ =	shalt  }
0x4b: {  	_ =	shalt  }
0x4c: {  	_ =	shalt  }
0x4d: {  	_ =	shalt  }
0x4e: {  	_ =	shalt  }
0x4f: {  	_ =	shalt  }
0x50: {  	_ =	shalt  }
0x51: {  	_ =	shalt  }
0x52: {  	_ =	shalt  }
0x53: {  	_ =	shalt  }
0x54: {  	_ =	shalt  }
0x55: {  	_ =	shalt  }
0x56: {  	_ =	shalt  }
0x57: {  	_ =	shalt  }
0x58: {  	_ =	shalt  }
0x59: {  	_ =	shalt  }
0x5a: {  	_ =	shalt  }
0x5b: {  	_ =	shalt  }
0x5c: {  	_ =	shalt  }
0x5d: {  	_ =	shalt  }
0x5e: {  	_ =	shalt  }
0x5f: {  	_ =	shalt  }
0x60: {  	_ =	shalt  }
0x61: {  	_ =	shalt  }
0x62: {  	_ =	shalt  }
0x63: {  	_ =	shalt  }
0x64: {  	_ =	shalt  }
0x65: {  	_ =	shalt  }
0x66: {  	_ =	shalt  }
0x67: {  	_ =	shalt  }
0x68: {  	_ =	shalt  }
0x69: {  	_ =	shalt  }
0x6a: {  	_ =	shalt  }
0x6b: {  	_ =	shalt  }
0x6c: {  	_ =	shalt  }
0x6d: {  	_ =	shalt  }
0x6e: {  	_ =	shalt  }
0x6f: {  	_ =	shalt  }
0x70: {  	_ =	shalt  }
0x71: {  	_ =	shalt  }
0x72: {  	_ =	shalt  }
0x73: {  	_ =	shalt  }
0x74: {  	_ =	shalt  }
0x75: {  	_ =	shalt  }
0x76: {  	_ =	shalt  }
0x77: {  	_ =	shalt  }
0x78: {  	_ =	shalt  }
0x79: {  	_ =	shalt  }
0x7a: {  	_ =	shalt  }
0x7b: {  	_ =	shalt  }
0x7c: {  	_ =	shalt  }
0x7d: {  	_ =	shalt  }
0x7e: {  	_ =	shalt  }
0x7f: {  	_ =	shalt  }
0x80: {  	_ =	shalt  }
0x81: {  	_ =	shalt  }
0x82: {  	_ =	shalt  }
0x83: {  	_ =	shalt  }
0x84: {  	_ =	shalt  }
0x85: {  	_ =	shalt  }
0x86: {  	_ =	shalt  }
0x87: {  	_ =	shalt  }
.Lfunc_end0:
.L_simem_size_0:
called_computation.3_lowered:
.L_overlay_start_0:
0x88: {  	s2 =	sld [smem:$0x3FD9]  }
0x89: {  	s3 =	sld [smem:$0x3FFE];
	_ =	sdelay $0x1  }
0x8a: {  	s1 =	srdreg.scid  }
0x8b: {  	s0 =	sand.u32 $0x1, s1  }
0x8c: {  	s16 =	sshll.u32 s0, $0xA;
	s2 =	sadd.s32 s3, s2  }
0x8d: {  	s2 =	sadd.s32 s2, s16  }
0x8e: {  	[smem:$0x3FC0] =	sst s2  }
0x8f: {  	_ = 	snop  }
0x90: {  	(tm) =	ssettm $0x1  }
0x91: {  	s17 =	sld [smem:$0x3FFB];
	_ =	sdelay $0x3  }
0x92: {  	_ =	strace s17  }
0x93: {  	s2 =	sld [smem:$0x3FFC];
	_ =	sdelay $0x3  }
0x94: {  	_ =	strace s2  }
0x95: {  	s2 =	sld [smem:$0x3FFD];
	_ =	sdelay $0x3  }
0x96: {  	_ =	strace s2  }
0x97: {  	_ =	strace $0x8FFFFFFF  }
0x98: {  	s18 =	sld [smem:$0x3FDB];
	_ =	sdelay $0x1  }
0x99: {  	s19 =	simm.s32 $_scs_section_size  }
0x9a: {  	s4 =	simm.s32 $_size__tile_overlayer_lowered;
	s5 =	simm.s32 $_tile_overlayer_lowered  }
0x9b: {  	s22 =	simm.s32 $0x1BFF;
	s21 =	sshll.u32 s5, $0x1;
	s2 =	sadd.s32 s19, s18  }
0x9c: {  	s6 =	simm.s32 $0x0;
	s20 =	sshll.u32 s4, $0x1;
	s4 =	sadd.s32 s21, s2  }
0x9d: {  	[timem:s6], [sflag:s22] =	dma.local [hbm:s4], s20  }
0x9e: {  	_ =	swait.ge [sflag:s22], s20  }
0x9f: {  	s3 =	ssub.s32 $0x0, s20;
	[sflag:s22] =	ssyncset.done $0x0  }
0xa0: {  	[sflag:s22] =	ssyncadd.s32 s3;
	_ =	sdelay $0x1  }
0xa1: {  	s23 =	simm.s32 $0x1B8B  }
0xa2: {  	_ =	swait.ge [sflag:s23], $0x1  }
0xa3: {  	[sflag:s23] =	ssyncset.done $0x0  }
0xa4: {  	s25 =	simm.s32 $0x1B8E;
	s24 =	sld [smem:$0x3FFE];
	[sflag:s23] =	ssyncadd.s32 $0xFFFFFFFF  }
0xa5: {  	s26 =	simm.s32 $execute0_lowered;
	[smem:$0x3FD2] =	sst s25  }
0xa6: {  	s4 =	sshll.u32 s26, $0x1;
	_ =	strace $0x8000004F;
	[dreg:$0x1] =	wrdreg $0xFFFFFFFF  }
0xa7: {  	s28 =	simm.s32 $_size_execute0_lowered;
	s2 =	sadd.s32 s2, s4;
	[dreg:$0x0] =	wrdreg $0x0  }
0xa8: {  	s4 =	sshll.u32 s28, $0x1;
	[dreg:$0x2] =	wrdreg s2  }
0xa9: {  	[dreg:$0x3] =	wrdreg s4  }
0xaa: {  	[dreg:$0x4] =	wrdreg $0xC0  }
0xab: {  	_ =	task [dreg:s6], $0x5FFFF  }
0xac: {  	[dreg:$0x1] =	wrdreg $0xFFFFFFFF  }
0xad: {  	[dreg:$0x0] =	wrdreg $0x60  }
0xae: {  	[dreg:$0x2] =	wrdreg s24  }
0xaf: {  	[dreg:$0x3] =	wrdreg $0xA4000  }
0xb0: {  	[dreg:$0x4] =	wrdreg $0x9  }
0xb1: {  	_ =	task.clear_ibuf [dreg:s6], $0x5FFFF;
	_ =	strace $0x9000004F  }
0xb2: {  	s29 =	simm.s32 $0x9;
	_ =	strace $0x80000051  }
0xb3: {  	_ =	swait.ge [sflag:s29], $0x1  }
0xb4: {  	[sflag:s29] =	ssyncadd.s32 $0xFFFFFFFF  }
0xb5: {  	_ =	strace $0x90000051  }
0xb6: {  	_ =	sfence  }
0xb7: {  	s30 =	sld [smem:$0x0];
	_ =	sdelay $0x2  }
0xb8: {  	s31 =	sshll.u32 s1, $0xD;
	s1 =	sshrl.u32 s1, $0x2  }
0xb9: {  	s3 =	sand.u32 $0x4000, s31;
	s1 =	sadd.s32 s1, s30  }
0xba: {  	s0 =	sor.u32 s3, s0;
	s1 =	sshll.u32 s1, $0x11  }
0xbb: {  	s0 =	sor.u32 s1, s0  }
0xbc: {  	s0 =	sadd.s32 $0x8F2B, s0  }
0xbd: {  	[sflag:s0] =	ssyncadd.remote.s32 $0x1  }
0xbe: {  	_ =	sfence.sel $0xFFFF  }
0xbf: {  	[dreg:$0x0] =	wrdreg $0xFFFFFFFF;
	(pc) =	sbr.abs _section_cstart, $3  }
0xc0: {  	[dreg:$0x1] =	wrdreg $0xFFFFFFFF  }
0xc1: {  	_ =	task.clear_ibuf [dreg:s6], $0x2FFFF;
	_ =	strace $0x9FFFFFFF  }
0xc2: {  	(tm) =	ssettm $0x7FFFFFFF  }
0xc3: {  	_ =	shalt  }
tec
execute0_lowered:
.L_overlay_start_1:
0x0: {  	(tag) =	ssettag $0x1  }
0x1: {  	s0 =	rddreg [dreg:$0x0]  }
0x2: {  	s1 =	rddreg [dreg:$0x1];
	s2 =	simm.s32 $0x0  }
0x3: {  	s3 =	srdreg.scid;
	s8 =	stileid.u32;
	s28 =	simm.s32 $0x2C00  }
0x4: {  	s29 =	simm.s32 $0x6;
	s31 =	simm.s32 $0xC;
	[smem:$0x7FF] =	sst s2  }
0x5: {  	s4 =	sadd.s32 $0x14BE00, s0;
	s5 =	sadd.s32 $0x7C00, s0;
	s6 =	smul.u32 $0x2710, s8  }
0x6: {  	s3 =	sand.u32 $0x1, s3;
	s7 =	sadd.s32 $0x2C00, s0;
	s11 =	smul.u32 $0x50000, s8  }
0x7: {  	s10 =	sadd.s32 $0x5D200, s0;
	s0 =	sadd.s32 $0x5FA00, s0;
	s13 =	smul.u32 $0x280, s8  }
0x8: {  	s20 =	sshll.u32 s8, $0x6;
	_ =	strace $0x80000050;
	s9 =	ssub.s32 $0x2, s3  }
0x9: {  	s3 =	smul.u32 $0x5000, s3;
	[dreg:$0x3] =	wrdreg s10;
	s18 =	sshrl.u32 s9, $0x1  }
0xa: {  	s19 =	sshrl.u32 s11, $0x2;
	s12 =	sshrl.u32 s6, $0x3;
	s14 =	ssub.s32 s9, s18  }
0xb: {  	s15 =	sadd.s32 s19, s1;
	s9 =	sor.u32 $0x1C0D, s20;
	s21 =	sadd.s32 s5, s12  }
0xc: {  	s22 =	sadd.s32 s7, s12;
	s16 =	sadd.s32 $0xA, s12;
	s30 =	sadd.s32 $0x2800, s3  }
0xd: {  	s17 =	sadd.s32 s13, s3;
	s19 =	simm.s32 $0x200;
	[dreg:$0x4] =	wrdreg s21  }
0xe: {  	s20 =	simm.s32 $0x80;
	[dreg:$0x5] =	wrdreg s22;
	s12 =	sadd.s32 s5, s16  }
0xf: {  	s18 =	sadd.s32 s13, s30;
	s13 =	sadd.s32 s7, s16;
	s23 =	sshll.u32 s17, $0x4  }
0x10: {  	s26 =	smax.u32 s14, $0x1;
	s17 =	sshrl.u32 s15, $0x3;
	s21 =	simm.s32 $0x280  }
.Ltmp0:
0x11: {  	s22 =	simm.s32 $0x1;
	v1 =	vmov s30;
	s30 =	simm.s32 $0x5;
	(pc) =	sbr.rel .LBB2_1-.Ltmp0, $4  }
0x12: {  	s24 =	sshll.u32 s18, $0x4;
	s25 =	sadd.s32 s0, s23;
	[dreg:$0x8] =	wrdreg s26  }
0x13: {  	s18 =	simm.s32 $0xD;
	s23 =	simm.s32 $0x50;
	s26 =	simm.s32 $0x2  }
0x14: {  	[dreg:$0x6] =	wrdreg s25;
	s0 =	sadd.s32 s0, s24;
	s24 =	simm.s32 $0x400  }
0x15: {  	v0 =	vmov s3;
	s25 =	simm.s32 $0x9;
	[dreg:$0x7] =	wrdreg s0;
	s0 =	simm.s32 $0x0  }
.LBB2_35:
0x16: {  	_ =	swait.ge [sflag:s25], $0x2800  }
0x17: {  	[sflag:s25] =	ssyncset.done $0x0  }
0x18: {  	[sflag:s25] =	ssyncadd.s32 $0xFFFFD800  }
0x19: {  	_ =	swait.ge [sflag:s31], $0x2800  }
0x1a: {  	[sflag:s31] =	ssyncset.done $0x0  }
0x1b: {  	[sflag:s31] =	ssyncadd.s32 $0xFFFFD800  }
0x1c: {  	[bflag:$0x0] =	sbarrier.arrive $0xFFFF  }
0x1d: {  	s3 =	rddreg [dreg:$0x7]  }
0x1e: {  	[hbm:s3], [sflag:s9] =	dma.local [spmem:s17], $0x2800  }
0x1f: {  	_ =	swait.ge [sflag:s18], $0x2800  }
0x20: {  	s0 =	sadd.s32 $0x1, s0;
	s16 =	rddreg [dreg:$0x8]  }
0x21: {  	p0 =	sne.s32 s0, s16  }
.Ltmp1:
0x22: {  	_ = 	snop;
	(pc) =	sbr.rel @!p0 .LBB2_36-.Ltmp1, $3  }
0x23: {  	[sflag:s18] =	ssyncset.done $0x0  }
0x24: {  	[sflag:s18] =	ssyncadd.s32 $0xFFFFD800  }
0x25: {  	[bflag:$0x0] =	sbarrier.arrive $0xFFFF;
	_ =	sdelay $0x1  }
.LBB2_1:
0x26: {  	s3 =	rddreg [dreg:$0x3]  }
0x27: {  	[spmem:s17], [sflag:s9] =	dma.local [hbm:s3], $0x2800  }
0x28: {  	_ =	swait.ge [sflag:s18], $0x2800  }
0x29: {  	[sflag:s18] =	ssyncset.done $0x0  }
0x2a: {  	[sflag:s18] =	ssyncadd.s32 $0xFFFFD800  }
0x2b: {  	[bflag:$0x0] =	sbarrier.arrive $0xFFFF  }
0x2c: {  	s15 =	rddreg [dreg:$0x4]  }
0x2d: {  	[tilespmem:s2], [sflag:$0x1] =	stream.linear.gather [hbm4b:s15+s2], $0x50, $0x38;
	[tilespmem:$0x1E400] =	vst v63  }
0x2e: {  	s16 =	rddreg [dreg:$0x5]  }
0x2f: {  	[tilespmem:s19], [sflag:$0x1] =	stream.linear.gather [hbm4b:s16+s2], $0x50, $0x38;
	[tilespmem:$0x1E400] =	vst v63  }
0x30: {  	_ = 	snop  }
0x31: {  	[tilespmem:s20], [sflag:$0x2] =	stream.linear.gather [hbm4b:s12+s2], $0x50, $0x38;
	[tilespmem:$0x1E400] =	vst v63  }
0x32: {  	_ = 	snop  }
0x33: {  	[tilespmem:s21], [sflag:$0x2] =	stream.linear.gather [hbm4b:s13+s2], $0x50, $0x38;
	[tilespmem:$0x1E400] =	vst v63  }
0x34: {  	_ =	swait.ge [sflag:s22], $0x50  }
0x35: {  	[sflag:s22] =	ssyncset.done $0x0  }
0x36: {  	[sflag:s22] =	ssyncadd.s32 $0xFFFFFFB0  }
0x37: {  	_ =	swait.ge [sflag:s22], $0x50  }
0x38: {  	[sflag:s22] =	ssyncset.done $0x0  }
0x39: {  	[sflag:s22] =	ssyncadd.s32 $0xFFFFFFB0  }
0x3a: {  	v2 =	vld [tilespmem:$0x200]  }
0x3b: {  	v3 =	vld [tilespmem:$0x210]  }
0x3c: {  	v4 =	vld [tilespmem:$0x220]  }
0x3d: {  	v5 =	vld [tilespmem:$0x230]  }
0x3e: {  	v6 =	vld [tilespmem:$0x240]  }
0x3f: {  	v2 =	vadd.s32 v0, v2  }
0x40: {  	[tilespmem:$0x200] =	vst v2;
	v2 =	vadd.s32 v0, v3  }
.Ltmp2:
0x41: {  	[tilespmem:$0x210] =	vst v2;
	v2 =	vadd.s32 v0, v4;
	(pc) =	sbr.rel .LBB2_2-.Ltmp2, $4  }
0x42: {  	[tilespmem:$0x220] =	vst v2;
	v2 =	vadd.s32 v0, v5  }
0x43: {  	[tilespmem:$0x230] =	vst v2;
	v2 =	vadd.s32 v0, v6  }
0x44: {  	s3 =	simm.s32 $0x0;
	[tilespmem:$0x240] =	vst v2  }
0x45: {  	[tilespmem:s24], [sflag:$0x5] =	stream.indirect.gather [hbm4b:s4+s23], $0x80, s19, s23, $0xb8;
	[tilespmem:$0x1E400] =	vst v63  }
.LBB2_37:
0x46: {  	p0 =	seq.s32 s14, $0x2  }
0x47: {  	s8 =	simm.s32 @p0 $0x7  }
0x48: {  	_ =	swait.ge @p0 [sflag:s8], $0x2800  }
0x49: {  	s10 =	simm.s32 @p0 $0x100;
	[sflag:s8] =	ssyncset.done @p0 $0x0  }
0x4a: {  	s11 =	simm.s32 @p0 $0x5400;
	[sflag:s8] =	ssyncadd.s32 @p0 $0xFFFFD800;
	s8 =	simm.s32 @p0 $0x50  }
0x4b: {  	[spmem:s1] =	stream.indirect.scatter.add.f32 @p0 [tilespmem:s11], [sflag:$0xB], $0x80, s10, s8, $0xb8;
	[tilespmem:$0x1E400] =	vst v63  }
0x4c: {  	s8 =	simm.s32 @!p0 $0x8  }
0x4d: {  	_ =	swait.ge @!p0 [sflag:s8], $0x2800  }
0x4e: {  	s10 =	simm.s32 @!p0 $0x180;
	[sflag:s8] =	ssyncset.done @!p0 $0x0  }
0x4f: {  	s11 =	simm.s32 @!p0 $0x7C00;
	[sflag:s8] =	ssyncadd.s32 @!p0 $0xFFFFD800;
	s8 =	simm.s32 @!p0 $0x50  }
0x50: {  	[spmem:s1] =	stream.indirect.scatter.add.f32 @!p0 [tilespmem:s11], [sflag:$0xC], $0x80, s10, s8, $0xb8;
	[tilespmem:$0x1E400] =	vst v63  }
.LBB2_17:
0x51: {  	p0 =	slt.u32 s3, $0x7D  }
.Ltmp3:
0x52: {  	_ = 	snop;
	(pc) =	sbr.rel @!p0 .LBB2_18-.Ltmp3, $1  }
0x53: {  	_ =	sdelay $0x3  }
.LBB2_2:
0x54: {  	p1 =	sgt.u32 s3, $0x1  }
.Ltmp4:
0x55: {  	_ = 	snop;
	(pc) =	sbr.rel @!p1 .LBB2_3-.Ltmp4, $3  }
0x56: {  	_ =	sdelay $0x1  }
0x57: {  	s14 =	sand.u32 $0x3, s3  }
0x58: {  	p0 =	sgt.s32 s14, $0x1  }
0x59: {  	p1 =	seq.s32 @!p0 s14, $0x0  }
0x5a: {  	p1 =	por !p1, p0  }
0x5b: {  	p2 =	seq.s32 @p0 s14, $0x2;
	s16 =	simm.s32 $0x9;
	s15 =	simm.s32 @!p1 $0xB  }
0x5c: {  	p2 =	por !p2, !p0;
	s15 =	simm.s32 @p1 $0xC;
	p1 =	sgt.u32 s3, $0x7A  }
.Ltmp5:
0x5d: {  	s16 =	simm.s32 @p2 $0xA;
	(pc) =	sbr.rel @p1 .LBB2_10-.Ltmp5, $4  }
0x5e: {  	s15 =	smov.u32 @p0 s16  }
0x5f: {  	_ =	swait.ge [sflag:s15], $0x2800  }
0x60: {  	[sflag:s15] =	ssyncset.done $0x0  }
0x61: {  	[sflag:s15] =	ssyncadd.s32 $0xFFFFD800  }
.Ltmp6:
0x62: {  	(pc) =	sbr.rel .LBB2_6-.Ltmp6, $2  }
0x63: {  	_ =	sdelay $0x2  }
0x64: {  	s15 =	sadd.s32 $0x2, s3  }
.LBB2_3:
0x65: {  	s15 =	sor.u32 $0x2, s3  }
.LBB2_6:
0x66: {  	s16 =	sand.u32 $0x3, s15;
	s11 =	smul.u32 $0x50, s15  }
0x67: {  	p1 =	sgt.s32 s16, $0x1  }
0x68: {  	s15 =	sadd.s32 s6, s11;
	p2 =	seq.s32 @p1 s16, $0x2  }
0x69: {  	s15 =	sshrl.u32 s15, $0x3;
	p3 =	por !p2, !p1  }
0x6a: {  	s8 =	sadd.s32 s5, s15;
	s10 =	simm.s32 @!p3 $0x0;
	s11 =	simm.s32 @!p3 $0x100  }
0x6b: {  	[tilespmem:s11], [sflag:$0x3] =	stream.linear.gather @!p3 [hbm4b:s8+s10], $0x50, $0x38;
	[tilespmem:$0x1E400] =	vst v63  }
0x6c: {  	p2 =	por p2, !p1;
	s11 =	sadd.s32 s7, s15;
	s15 =	simm.s32 @!p3 $0x300  }
0x6d: {  	[tilespmem:s15], [sflag:$0x3] =	stream.linear.gather @!p3 [hbm4b:s11+s10], $0x50, $0x38;
	[tilespmem:$0x1E400] =	vst v63  }
0x6e: {  	s10 =	simm.s32 @!p2 $0x0;
	s15 =	simm.s32 @!p2 $0x180  }
0x6f: {  	[tilespmem:s15], [sflag:$0x4] =	stream.linear.gather @!p2 [hbm4b:s8+s10], $0x50, $0x38;
	[tilespmem:$0x1E400] =	vst v63  }
0x70: {  	s15 =	simm.s32 @!p2 $0x380  }
0x71: {  	[tilespmem:s15], [sflag:$0x4] =	stream.linear.gather @!p2 [hbm4b:s11+s10], $0x50, $0x38;
	[tilespmem:$0x1E400] =	vst v63  }
0x72: {  	p2 =	seq.s32 @!p1 s16, $0x0  }
0x73: {  	p3 =	por !p2, p1  }
0x74: {  	s10 =	simm.s32 @!p3 $0x0  }
0x75: {  	[tilespmem:s10], [sflag:$0x1] =	stream.linear.gather @!p3 [hbm4b:s8+s10], $0x50, $0x38;
	[tilespmem:$0x1E400] =	vst v63  }
0x76: {  	p1 =	por p2, p1;
	s15 =	simm.s32 @!p3 $0x200  }
0x77: {  	[tilespmem:s15], [sflag:$0x1] =	stream.linear.gather @!p3 [hbm4b:s11+s10], $0x50, $0x38;
	[tilespmem:$0x1E400] =	vst v63  }
0x78: {  	s3 =	sadd.s32 $0x1, s3;
	s10 =	simm.s32 @!p1 $0x0;
	s15 =	simm.s32 @!p1 $0x80  }
0x79: {  	[tilespmem:s15], [sflag:$0x2] =	stream.linear.gather @!p1 [hbm4b:s8+s10], $0x50, $0x38;
	[tilespmem:$0x1E400] =	vst v63  }
0x7a: {  	s8 =	simm.s32 @!p1 $0x280;
	s15 =	sand.u32 $0x3, s3  }
0x7b: {  	[tilespmem:s8], [sflag:$0x2] =	stream.linear.gather @!p1 [hbm4b:s11+s10], $0x50, $0x38;
	[tilespmem:$0x1E400] =	vst v63  }
0x7c: {  	p1 =	sgt.s32 s15, $0x1  }
.Ltmp7:
0x7d: {  	_ = 	snop;
	(pc) =	sbr.rel @p1 .LBB2_9-.Ltmp7, $1  }
0x7e: {  	_ =	sdelay $0x3  }
0x7f: {  	p1 =	seq.s32 s15, $0x0  }
.Ltmp8:
0x80: {  	_ = 	snop;
	(pc) =	sbr.rel @p1 .LBB2_11-.Ltmp8, $1  }
0x81: {  	_ =	sdelay $0x3  }
0x82: {  	_ =	swait.ge [sflag:s26], $0x50  }
0x83: {  	[sflag:s26] =	ssyncset.done $0x0  }
0x84: {  	[sflag:s26] =	ssyncadd.s32 $0xFFFFFFB0  }
0x85: {  	_ =	swait.ge [sflag:s26], $0x50  }
0x86: {  	[sflag:s26] =	ssyncset.done $0x0  }
0x87: {  	[sflag:s26] =	ssyncadd.s32 $0xFFFFFFB0  }
0x88: {  	v2 =	vld [tilespmem:$0x280]  }
0x89: {  	v3 =	vld [tilespmem:$0x290]  }
0x8a: {  	v4 =	vld [tilespmem:$0x2A0]  }
0x8b: {  	v5 =	vld [tilespmem:$0x2B0]  }
0x8c: {  	v6 =	vld [tilespmem:$0x2C0]  }
0x8d: {  	v2 =	vadd.s32 v0, v2  }
0x8e: {  	[tilespmem:$0x280] =	vst v2;
	v2 =	vadd.s32 v0, v3  }
.Ltmp9:
0x8f: {  	[tilespmem:$0x290] =	vst v2;
	v2 =	vadd.s32 v0, v4;
	(pc) =	sbr.rel .LBB2_12-.Ltmp9, $4  }
0x90: {  	[tilespmem:$0x2A0] =	vst v2;
	v2 =	vadd.s32 v0, v5  }
0x91: {  	[tilespmem:$0x2B0] =	vst v2;
	v2 =	vadd.s32 v0, v6  }
0x92: {  	[tilespmem:$0x2C0] =	vst v2  }
0x93: {  	[tilespmem:s28], [sflag:$0x6] =	stream.indirect.gather [hbm4b:s4+s23], $0x80, s21, s23, $0xb8;
	[tilespmem:$0x1E400] =	vst v63  }
.LBB2_9:
0x94: {  	p1 =	seq.s32 s15, $0x2  }
0x95: {  	s8 =	simm.s32 @p1 $0x3  }
0x96: {  	_ =	swait.ge @p1 [sflag:s8], $0x50  }
0x97: {  	[sflag:s8] =	ssyncset.done @p1 $0x0  }
0x98: {  	[sflag:s8] =	ssyncadd.s32 @p1 $0xFFFFFFB0  }
0x99: {  	_ =	swait.ge @p1 [sflag:s8], $0x50  }
0x9a: {  	[sflag:s8] =	ssyncset.done @p1 $0x0  }
0x9b: {  	[sflag:s8] =	ssyncadd.s32 @p1 $0xFFFFFFB0  }
0x9c: {  	v2 =	vld @p1 [tilespmem:$0x300]  }
0x9d: {  	v3 =	vld @p1 [tilespmem:$0x310]  }
0x9e: {  	v4 =	vld @p1 [tilespmem:$0x320]  }
0x9f: {  	v5 =	vld @p1 [tilespmem:$0x330]  }
0xa0: {  	v6 =	vld @p1 [tilespmem:$0x340]  }
0xa1: {  	v2 =	vadd.s32 @p1 v0, v2  }
0xa2: {  	[tilespmem:$0x300] =	vst @p1 v2;
	v2 =	vadd.s32 @p1 v0, v3  }
0xa3: {  	[tilespmem:$0x310] =	vst @p1 v2;
	v2 =	vadd.s32 @p1 v0, v4  }
0xa4: {  	[tilespmem:$0x320] =	vst @p1 v2;
	v2 =	vadd.s32 @p1 v0, v5  }
0xa5: {  	[tilespmem:$0x330] =	vst @p1 v2;
	v2 =	vadd.s32 @p1 v0, v6  }
0xa6: {  	s10 =	simm.s32 @p1 $0x300;
	s11 =	simm.s32 @p1 $0x5400;
	s8 =	simm.s32 @p1 $0x50;
	[tilespmem:$0x340] =	vst @p1 v2  }
0xa7: {  	[tilespmem:s11], [sflag:$0x7] =	stream.indirect.gather @p1 [hbm4b:s4+s8], $0x80, s10, s8, $0xb8;
	[tilespmem:$0x1E400] =	vst v63  }
0xa8: {  	s8 =	simm.s32 @!p1 $0x4  }
0xa9: {  	_ =	swait.ge @!p1 [sflag:s8], $0x50  }
0xaa: {  	[sflag:s8] =	ssyncset.done @!p1 $0x0  }
0xab: {  	[sflag:s8] =	ssyncadd.s32 @!p1 $0xFFFFFFB0  }
0xac: {  	_ =	swait.ge @!p1 [sflag:s8], $0x50  }
0xad: {  	[sflag:s8] =	ssyncset.done @!p1 $0x0  }
0xae: {  	[sflag:s8] =	ssyncadd.s32 @!p1 $0xFFFFFFB0  }
0xaf: {  	v2 =	vld @!p1 [tilespmem:$0x380]  }
0xb0: {  	v3 =	vld @!p1 [tilespmem:$0x390]  }
0xb1: {  	v4 =	vld @!p1 [tilespmem:$0x3A0]  }
0xb2: {  	v5 =	vld @!p1 [tilespmem:$0x3B0]  }
0xb3: {  	v6 =	vld @!p1 [tilespmem:$0x3C0]  }
0xb4: {  	v2 =	vadd.s32 @!p1 v0, v2  }
0xb5: {  	[tilespmem:$0x380] =	vst @!p1 v2;
	v2 =	vadd.s32 @!p1 v0, v3  }
.Ltmp10:
0xb6: {  	[tilespmem:$0x390] =	vst @!p1 v2;
	v2 =	vadd.s32 @!p1 v0, v4;
	(pc) =	sbr.rel .LBB2_12-.Ltmp10, $4  }
0xb7: {  	[tilespmem:$0x3A0] =	vst @!p1 v2;
	v2 =	vadd.s32 @!p1 v0, v5  }
0xb8: {  	[tilespmem:$0x3B0] =	vst @!p1 v2;
	v2 =	vadd.s32 @!p1 v0, v6  }
0xb9: {  	s10 =	simm.s32 @!p1 $0x380;
	s11 =	simm.s32 @!p1 $0x7C00;
	s8 =	simm.s32 @!p1 $0x50;
	[tilespmem:$0x3C0] =	vst @!p1 v2  }
0xba: {  	[tilespmem:s11], [sflag:$0x8] =	stream.indirect.gather @!p1 [hbm4b:s4+s8], $0x80, s10, s8, $0xb8;
	[tilespmem:$0x1E400] =	vst v63  }
.LBB2_10:
0xbb: {  	p1 =	seq.s32 s3, $0x7C  }
.Ltmp11:
0xbc: {  	_ = 	snop;
	(pc) =	sbr.rel @p1 .LBB2_15-.Ltmp11, $2  }
0xbd: {  	_ =	sdelay $0x2  }
0xbe: {  	s3 =	simm.s32 $0x7C;
	s15 =	simm.s32 $0x7D  }
.LBB2_11:
0xbf: {  	_ =	swait.ge [sflag:s22], $0x50  }
0xc0: {  	[sflag:s22] =	ssyncset.done $0x0  }
0xc1: {  	[sflag:s22] =	ssyncadd.s32 $0xFFFFFFB0  }
0xc2: {  	_ =	swait.ge [sflag:s22], $0x50  }
0xc3: {  	[sflag:s22] =	ssyncset.done $0x0  }
0xc4: {  	[sflag:s22] =	ssyncadd.s32 $0xFFFFFFB0  }
0xc5: {  	v2 =	vld [tilespmem:$0x200]  }
0xc6: {  	v3 =	vld [tilespmem:$0x210]  }
0xc7: {  	v4 =	vld [tilespmem:$0x220]  }
0xc8: {  	v5 =	vld [tilespmem:$0x230]  }
0xc9: {  	v6 =	vld [tilespmem:$0x240]  }
0xca: {  	v2 =	vadd.s32 v0, v2  }
0xcb: {  	[tilespmem:$0x200] =	vst v2;
	v2 =	vadd.s32 v0, v3  }
0xcc: {  	[tilespmem:$0x210] =	vst v2;
	v2 =	vadd.s32 v0, v4  }
0xcd: {  	[tilespmem:$0x220] =	vst v2;
	v2 =	vadd.s32 v0, v5  }
0xce: {  	[tilespmem:$0x230] =	vst v2;
	v2 =	vadd.s32 v0, v6  }
0xcf: {  	[tilespmem:$0x240] =	vst v2  }
0xd0: {  	[tilespmem:s24], [sflag:$0x5] =	stream.indirect.gather [hbm4b:s4+s23], $0x80, s19, s23, $0xb8;
	[tilespmem:$0x1E400] =	vst v63  }
.LBB2_12:
.Ltmp12:
0xd1: {  	(pc) =	sbr.rel @p0 .LBB2_37-.Ltmp12, $1  }
0xd2: {  	_ =	sdelay $0x3  }
0xd3: {  	p0 =	seq.s32 s14, $0x0  }
.Ltmp13:
0xd4: {  	_ = 	snop;
	(pc) =	sbr.rel @!p0 .LBB2_16-.Ltmp13, $1  }
0xd5: {  	_ =	sdelay $0x3  }
0xd6: {  	s15 =	smov.u32 s3  }
.LBB2_15:
.Ltmp14:
0xd7: {  	(pc) =	sbr.rel .LBB2_17-.Ltmp14, $4  }
0xd8: {  	_ =	swait.ge [sflag:s30], $0x2800  }
0xd9: {  	[sflag:s30] =	ssyncset.done $0x0  }
0xda: {  	s3 =	smov.u32 s15;
	[sflag:s30] =	ssyncadd.s32 $0xFFFFD800  }
0xdb: {  	[spmem:s1] =	stream.indirect.scatter.add.f32 [tilespmem:s24], [sflag:$0x9], $0x80, s2, s23, $0xb8;
	[tilespmem:$0x1E400] =	vst v63  }
.LBB2_16:
.Ltmp15:
0xdc: {  	(pc) =	sbr.rel .LBB2_17-.Ltmp15, $4  }
0xdd: {  	_ =	swait.ge [sflag:s29], $0x2800  }
0xde: {  	[sflag:s29] =	ssyncset.done $0x0  }
0xdf: {  	[sflag:s29] =	ssyncadd.s32 $0xFFFFD800  }
0xe0: {  	[spmem:s1] =	stream.indirect.scatter.add.f32 [tilespmem:s28], [sflag:$0xA], $0x80, s20, s23, $0xb8;
	[tilespmem:$0x1E400] =	vst v63  }
.LBB2_18:
0xe1: {  	_ =	swait.ge [sflag:s25], $0x2800  }
0xe2: {  	[sflag:s25] =	ssyncset.done $0x0  }
0xe3: {  	[sflag:s25] =	ssyncadd.s32 $0xFFFFD800  }
0xe4: {  	_ =	swait.ge [sflag:s31], $0x2800  }
0xe5: {  	[sflag:s31] =	ssyncset.done $0x0  }
0xe6: {  	[sflag:s31] =	ssyncadd.s32 $0xFFFFD800  }
0xe7: {  	[bflag:$0x0] =	sbarrier.arrive $0xFFFF  }
0xe8: {  	s3 =	rddreg [dreg:$0x6]  }
0xe9: {  	[hbm:s3], [sflag:s9] =	dma.local [spmem:s17], $0x2800  }
0xea: {  	_ =	swait.ge [sflag:s18], $0x2800  }
0xeb: {  	[sflag:s18] =	ssyncset.done $0x0  }
0xec: {  	[sflag:s18] =	ssyncadd.s32 $0xFFFFD800  }
0xed: {  	[bflag:$0x0] =	sbarrier.arrive $0xFFFF  }
0xee: {  	s15 =	rddreg [dreg:$0x3]  }
0xef: {  	[spmem:s17], [sflag:s9] =	dma.local [hbm:s15], $0x2800  }
0xf0: {  	_ =	swait.ge [sflag:s18], $0x2800  }
0xf1: {  	[sflag:s18] =	ssyncset.done $0x0  }
0xf2: {  	[sflag:s18] =	ssyncadd.s32 $0xFFFFD800  }
0xf3: {  	[bflag:$0x0] =	sbarrier.arrive $0xFFFF  }
0xf4: {  	s3 =	simm.s32 $0x0;
	s8 =	rddreg [dreg:$0x4]  }
0xf5: {  	[tilespmem:s3], [sflag:$0x1] =	stream.linear.gather [hbm4b:s8+s3], $0x50, $0x38;
	[tilespmem:$0x1E400] =	vst v63  }
0xf6: {  	s16 =	rddreg [dreg:$0x5]  }
0xf7: {  	[tilespmem:s19], [sflag:$0x1] =	stream.linear.gather [hbm4b:s16+s3], $0x50, $0x38;
	[tilespmem:$0x1E400] =	vst v63  }
0xf8: {  	_ = 	snop  }
0xf9: {  	[tilespmem:s20], [sflag:$0x2] =	stream.linear.gather [hbm4b:s12+s3], $0x50, $0x38;
	[tilespmem:$0x1E400] =	vst v63  }
0xfa: {  	_ = 	snop  }
0xfb: {  	[tilespmem:s21], [sflag:$0x2] =	stream.linear.gather [hbm4b:s13+s3], $0x50, $0x38;
	[tilespmem:$0x1E400] =	vst v63  }
0xfc: {  	_ =	swait.ge [sflag:s22], $0x50  }
0xfd: {  	[sflag:s22] =	ssyncset.done $0x0  }
0xfe: {  	[sflag:s22] =	ssyncadd.s32 $0xFFFFFFB0  }
0xff: {  	_ =	swait.ge [sflag:s22], $0x50  }
0x100: {  	[sflag:s22] =	ssyncset.done $0x0  }
0x101: {  	[sflag:s22] =	ssyncadd.s32 $0xFFFFFFB0  }
0x102: {  	v2 =	vld [tilespmem:$0x200]  }
0x103: {  	v3 =	vld [tilespmem:$0x210]  }
0x104: {  	v4 =	vld [tilespmem:$0x220]  }
0x105: {  	v5 =	vld [tilespmem:$0x230]  }
0x106: {  	v6 =	vld [tilespmem:$0x240]  }
0x107: {  	v2 =	vadd.s32 v1, v2  }
0x108: {  	[tilespmem:$0x200] =	vst v2;
	v2 =	vadd.s32 v1, v3  }
.Ltmp16:
0x109: {  	[tilespmem:$0x210] =	vst v2;
	v2 =	vadd.s32 v1, v4;
	(pc) =	sbr.rel .LBB2_19-.Ltmp16, $4  }
0x10a: {  	[tilespmem:$0x220] =	vst v2;
	v2 =	vadd.s32 v1, v5  }
0x10b: {  	[tilespmem:$0x230] =	vst v2;
	v2 =	vadd.s32 v1, v6  }
0x10c: {  	[tilespmem:$0x240] =	vst v2  }
0x10d: {  	[tilespmem:s24], [sflag:$0x5] =	stream.indirect.gather [hbm4b:s4+s23], $0x80, s19, s23, $0xb8;
	[tilespmem:$0x1E400] =	vst v63  }
.LBB2_38:
0x10e: {  	p0 =	seq.s32 s14, $0x2  }
0x10f: {  	s8 =	simm.s32 @p0 $0x7  }
0x110: {  	_ =	swait.ge @p0 [sflag:s8], $0x2800  }
0x111: {  	s10 =	simm.s32 @p0 $0x100;
	[sflag:s8] =	ssyncset.done @p0 $0x0  }
0x112: {  	s11 =	simm.s32 @p0 $0x5400;
	[sflag:s8] =	ssyncadd.s32 @p0 $0xFFFFD800;
	s8 =	simm.s32 @p0 $0x50  }
0x113: {  	[spmem:s1] =	stream.indirect.scatter.add.f32 @p0 [tilespmem:s11], [sflag:$0xB], $0x80, s10, s8, $0xb8;
	[tilespmem:$0x1E400] =	vst v63  }
0x114: {  	s8 =	simm.s32 @!p0 $0x8  }
0x115: {  	_ =	swait.ge @!p0 [sflag:s8], $0x2800  }
0x116: {  	s10 =	simm.s32 @!p0 $0x180;
	[sflag:s8] =	ssyncset.done @!p0 $0x0  }
0x117: {  	s11 =	simm.s32 @!p0 $0x7C00;
	[sflag:s8] =	ssyncadd.s32 @!p0 $0xFFFFD800;
	s8 =	simm.s32 @!p0 $0x50  }
0x118: {  	[spmem:s1] =	stream.indirect.scatter.add.f32 @!p0 [tilespmem:s11], [sflag:$0xC], $0x80, s10, s8, $0xb8;
	[tilespmem:$0x1E400] =	vst v63  }
.LBB2_34:
0x119: {  	p0 =	slt.u32 s3, $0x7D  }
.Ltmp17:
0x11a: {  	_ = 	snop;
	(pc) =	sbr.rel @!p0 .LBB2_35-.Ltmp17, $1  }
0x11b: {  	_ =	sdelay $0x3  }
.LBB2_19:
0x11c: {  	p1 =	sgt.u32 s3, $0x1  }
.Ltmp18:
0x11d: {  	_ = 	snop;
	(pc) =	sbr.rel @!p1 .LBB2_20-.Ltmp18, $3  }
0x11e: {  	_ =	sdelay $0x1  }
0x11f: {  	s14 =	sand.u32 $0x3, s3  }
0x120: {  	p0 =	sgt.s32 s14, $0x1  }
0x121: {  	p1 =	seq.s32 @!p0 s14, $0x0  }
0x122: {  	p1 =	por !p1, p0  }
0x123: {  	p2 =	seq.s32 @p0 s14, $0x2;
	s8 =	simm.s32 $0x9;
	s10 =	simm.s32 @!p1 $0xB  }
0x124: {  	p2 =	por !p2, !p0;
	s10 =	simm.s32 @p1 $0xC;
	p1 =	sgt.u32 s3, $0x7A  }
.Ltmp19:
0x125: {  	s8 =	simm.s32 @p2 $0xA;
	(pc) =	sbr.rel @p1 .LBB2_27-.Ltmp19, $4  }
0x126: {  	s10 =	smov.u32 @p0 s8  }
0x127: {  	_ =	swait.ge [sflag:s10], $0x2800  }
0x128: {  	[sflag:s10] =	ssyncset.done $0x0  }
0x129: {  	[sflag:s10] =	ssyncadd.s32 $0xFFFFD800  }
.Ltmp20:
0x12a: {  	(pc) =	sbr.rel .LBB2_23-.Ltmp20, $2  }
0x12b: {  	_ =	sdelay $0x2  }
0x12c: {  	s15 =	sadd.s32 $0x2, s3  }
.LBB2_20:
0x12d: {  	s15 =	sor.u32 $0x2, s3  }
.LBB2_23:
0x12e: {  	s8 =	sand.u32 $0x3, s15;
	s10 =	smul.u32 $0x50, s15  }
0x12f: {  	p1 =	sgt.s32 s8, $0x1  }
0x130: {  	s10 =	sadd.s32 s6, s10;
	p2 =	seq.s32 @p1 s8, $0x2  }
0x131: {  	s10 =	sshrl.u32 s10, $0x3;
	p3 =	por !p2, !p1  }
0x132: {  	s11 =	sadd.s32 s5, s10;
	s15 =	simm.s32 @!p3 $0x0;
	s16 =	simm.s32 @!p3 $0x100  }
0x133: {  	[tilespmem:s16], [sflag:$0x3] =	stream.linear.gather @!p3 [hbm4b:s11+s15], $0x50, $0x38;
	[tilespmem:$0x1E400] =	vst v63  }
0x134: {  	p2 =	por p2, !p1;
	s10 =	sadd.s32 s7, s10;
	s16 =	simm.s32 @!p3 $0x300  }
0x135: {  	[tilespmem:s16], [sflag:$0x3] =	stream.linear.gather @!p3 [hbm4b:s10+s15], $0x50, $0x38;
	[tilespmem:$0x1E400] =	vst v63  }
0x136: {  	s15 =	simm.s32 @!p2 $0x0;
	s16 =	simm.s32 @!p2 $0x180  }
0x137: {  	[tilespmem:s16], [sflag:$0x4] =	stream.linear.gather @!p2 [hbm4b:s11+s15], $0x50, $0x38;
	[tilespmem:$0x1E400] =	vst v63  }
0x138: {  	s16 =	simm.s32 @!p2 $0x380  }
0x139: {  	[tilespmem:s16], [sflag:$0x4] =	stream.linear.gather @!p2 [hbm4b:s10+s15], $0x50, $0x38;
	[tilespmem:$0x1E400] =	vst v63  }
0x13a: {  	p2 =	seq.s32 @!p1 s8, $0x0  }
0x13b: {  	p3 =	por !p2, p1  }
0x13c: {  	s8 =	simm.s32 @!p3 $0x0  }
0x13d: {  	[tilespmem:s8], [sflag:$0x1] =	stream.linear.gather @!p3 [hbm4b:s11+s8], $0x50, $0x38;
	[tilespmem:$0x1E400] =	vst v63  }
0x13e: {  	p1 =	por p2, p1;
	s15 =	simm.s32 @!p3 $0x200  }
0x13f: {  	[tilespmem:s15], [sflag:$0x1] =	stream.linear.gather @!p3 [hbm4b:s10+s8], $0x50, $0x38;
	[tilespmem:$0x1E400] =	vst v63  }
0x140: {  	s3 =	sadd.s32 $0x1, s3;
	s8 =	simm.s32 @!p1 $0x0;
	s15 =	simm.s32 @!p1 $0x80  }
0x141: {  	[tilespmem:s15], [sflag:$0x2] =	stream.linear.gather @!p1 [hbm4b:s11+s8], $0x50, $0x38;
	[tilespmem:$0x1E400] =	vst v63  }
0x142: {  	s11 =	simm.s32 @!p1 $0x280;
	s15 =	sand.u32 $0x3, s3  }
0x143: {  	[tilespmem:s11], [sflag:$0x2] =	stream.linear.gather @!p1 [hbm4b:s10+s8], $0x50, $0x38;
	[tilespmem:$0x1E400] =	vst v63  }
0x144: {  	p1 =	sgt.s32 s15, $0x1  }
.Ltmp21:
0x145: {  	_ = 	snop;
	(pc) =	sbr.rel @p1 .LBB2_26-.Ltmp21, $1  }
0x146: {  	_ =	sdelay $0x3  }
0x147: {  	p1 =	seq.s32 s15, $0x0  }
.Ltmp22:
0x148: {  	_ = 	snop;
	(pc) =	sbr.rel @p1 .LBB2_28-.Ltmp22, $1  }
0x149: {  	_ =	sdelay $0x3  }
0x14a: {  	_ =	swait.ge [sflag:s26], $0x50  }
0x14b: {  	[sflag:s26] =	ssyncset.done $0x0  }
0x14c: {  	[sflag:s26] =	ssyncadd.s32 $0xFFFFFFB0  }
0x14d: {  	_ =	swait.ge [sflag:s26], $0x50  }
0x14e: {  	[sflag:s26] =	ssyncset.done $0x0  }
0x14f: {  	[sflag:s26] =	ssyncadd.s32 $0xFFFFFFB0  }
0x150: {  	v2 =	vld [tilespmem:$0x280]  }
0x151: {  	v3 =	vld [tilespmem:$0x290]  }
0x152: {  	v4 =	vld [tilespmem:$0x2A0]  }
0x153: {  	v5 =	vld [tilespmem:$0x2B0]  }
0x154: {  	v6 =	vld [tilespmem:$0x2C0]  }
0x155: {  	v2 =	vadd.s32 v1, v2  }
0x156: {  	[tilespmem:$0x280] =	vst v2;
	v2 =	vadd.s32 v1, v3  }
.Ltmp23:
0x157: {  	[tilespmem:$0x290] =	vst v2;
	v2 =	vadd.s32 v1, v4;
	(pc) =	sbr.rel .LBB2_29-.Ltmp23, $4  }
0x158: {  	[tilespmem:$0x2A0] =	vst v2;
	v2 =	vadd.s32 v1, v5  }
0x159: {  	[tilespmem:$0x2B0] =	vst v2;
	v2 =	vadd.s32 v1, v6  }
0x15a: {  	[tilespmem:$0x2C0] =	vst v2  }
0x15b: {  	[tilespmem:s28], [sflag:$0x6] =	stream.indirect.gather [hbm4b:s4+s23], $0x80, s21, s23, $0xb8;
	[tilespmem:$0x1E400] =	vst v63  }
.LBB2_26:
0x15c: {  	p1 =	seq.s32 s15, $0x2  }
0x15d: {  	s8 =	simm.s32 @p1 $0x3  }
0x15e: {  	_ =	swait.ge @p1 [sflag:s8], $0x50  }
0x15f: {  	[sflag:s8] =	ssyncset.done @p1 $0x0  }
0x160: {  	[sflag:s8] =	ssyncadd.s32 @p1 $0xFFFFFFB0  }
0x161: {  	_ =	swait.ge @p1 [sflag:s8], $0x50  }
0x162: {  	[sflag:s8] =	ssyncset.done @p1 $0x0  }
0x163: {  	[sflag:s8] =	ssyncadd.s32 @p1 $0xFFFFFFB0  }
0x164: {  	v2 =	vld @p1 [tilespmem:$0x300]  }
0x165: {  	v3 =	vld @p1 [tilespmem:$0x310]  }
0x166: {  	v4 =	vld @p1 [tilespmem:$0x320]  }
0x167: {  	v5 =	vld @p1 [tilespmem:$0x330]  }
0x168: {  	v6 =	vld @p1 [tilespmem:$0x340]  }
0x169: {  	v2 =	vadd.s32 @p1 v1, v2  }
0x16a: {  	[tilespmem:$0x300] =	vst @p1 v2;
	v2 =	vadd.s32 @p1 v1, v3  }
0x16b: {  	[tilespmem:$0x310] =	vst @p1 v2;
	v2 =	vadd.s32 @p1 v1, v4  }
0x16c: {  	[tilespmem:$0x320] =	vst @p1 v2;
	v2 =	vadd.s32 @p1 v1, v5  }
0x16d: {  	[tilespmem:$0x330] =	vst @p1 v2;
	v2 =	vadd.s32 @p1 v1, v6  }
0x16e: {  	s10 =	simm.s32 @p1 $0x300;
	s11 =	simm.s32 @p1 $0x5400;
	s8 =	simm.s32 @p1 $0x50;
	[tilespmem:$0x340] =	vst @p1 v2  }
0x16f: {  	[tilespmem:s11], [sflag:$0x7] =	stream.indirect.gather @p1 [hbm4b:s4+s8], $0x80, s10, s8, $0xb8;
	[tilespmem:$0x1E400] =	vst v63  }
0x170: {  	s8 =	simm.s32 @!p1 $0x4  }
0x171: {  	_ =	swait.ge @!p1 [sflag:s8], $0x50  }
0x172: {  	[sflag:s8] =	ssyncset.done @!p1 $0x0  }
0x173: {  	[sflag:s8] =	ssyncadd.s32 @!p1 $0xFFFFFFB0  }
0x174: {  	_ =	swait.ge @!p1 [sflag:s8], $0x50  }
0x175: {  	[sflag:s8] =	ssyncset.done @!p1 $0x0  }
0x176: {  	[sflag:s8] =	ssyncadd.s32 @!p1 $0xFFFFFFB0  }
0x177: {  	v2 =	vld @!p1 [tilespmem:$0x380]  }
0x178: {  	v3 =	vld @!p1 [tilespmem:$0x390]  }
0x179: {  	v4 =	vld @!p1 [tilespmem:$0x3A0]  }
0x17a: {  	v5 =	vld @!p1 [tilespmem:$0x3B0]  }
0x17b: {  	v6 =	vld @!p1 [tilespmem:$0x3C0]  }
0x17c: {  	v2 =	vadd.s32 @!p1 v1, v2  }
0x17d: {  	[tilespmem:$0x380] =	vst @!p1 v2;
	v2 =	vadd.s32 @!p1 v1, v3  }
.Ltmp24:
0x17e: {  	[tilespmem:$0x390] =	vst @!p1 v2;
	v2 =	vadd.s32 @!p1 v1, v4;
	(pc) =	sbr.rel .LBB2_29-.Ltmp24, $4  }
0x17f: {  	[tilespmem:$0x3A0] =	vst @!p1 v2;
	v2 =	vadd.s32 @!p1 v1, v5  }
0x180: {  	[tilespmem:$0x3B0] =	vst @!p1 v2;
	v2 =	vadd.s32 @!p1 v1, v6  }
0x181: {  	s10 =	simm.s32 @!p1 $0x380;
	s11 =	simm.s32 @!p1 $0x7C00;
	s8 =	simm.s32 @!p1 $0x50;
	[tilespmem:$0x3C0] =	vst @!p1 v2  }
0x182: {  	[tilespmem:s11], [sflag:$0x8] =	stream.indirect.gather @!p1 [hbm4b:s4+s8], $0x80, s10, s8, $0xb8;
	[tilespmem:$0x1E400] =	vst v63  }
.LBB2_27:
0x183: {  	p1 =	seq.s32 s3, $0x7C  }
.Ltmp25:
0x184: {  	_ = 	snop;
	(pc) =	sbr.rel @p1 .LBB2_32-.Ltmp25, $2  }
0x185: {  	_ =	sdelay $0x2  }
0x186: {  	s3 =	simm.s32 $0x7C;
	s15 =	simm.s32 $0x7D  }
.LBB2_28:
0x187: {  	_ =	swait.ge [sflag:s22], $0x50  }
0x188: {  	[sflag:s22] =	ssyncset.done $0x0  }
0x189: {  	[sflag:s22] =	ssyncadd.s32 $0xFFFFFFB0  }
0x18a: {  	_ =	swait.ge [sflag:s22], $0x50  }
0x18b: {  	[sflag:s22] =	ssyncset.done $0x0  }
0x18c: {  	[sflag:s22] =	ssyncadd.s32 $0xFFFFFFB0  }
0x18d: {  	v2 =	vld [tilespmem:$0x200]  }
0x18e: {  	v3 =	vld [tilespmem:$0x210]  }
0x18f: {  	v4 =	vld [tilespmem:$0x220]  }
0x190: {  	v5 =	vld [tilespmem:$0x230]  }
0x191: {  	v6 =	vld [tilespmem:$0x240]  }
0x192: {  	v2 =	vadd.s32 v1, v2  }
0x193: {  	[tilespmem:$0x200] =	vst v2;
	v2 =	vadd.s32 v1, v3  }
0x194: {  	[tilespmem:$0x210] =	vst v2;
	v2 =	vadd.s32 v1, v4  }
0x195: {  	[tilespmem:$0x220] =	vst v2;
	v2 =	vadd.s32 v1, v5  }
0x196: {  	[tilespmem:$0x230] =	vst v2;
	v2 =	vadd.s32 v1, v6  }
0x197: {  	[tilespmem:$0x240] =	vst v2  }
0x198: {  	[tilespmem:s24], [sflag:$0x5] =	stream.indirect.gather [hbm4b:s4+s23], $0x80, s19, s23, $0xb8;
	[tilespmem:$0x1E400] =	vst v63  }
.LBB2_29:
.Ltmp26:
0x199: {  	(pc) =	sbr.rel @p0 .LBB2_38-.Ltmp26, $1  }
0x19a: {  	_ =	sdelay $0x3  }
0x19b: {  	p0 =	seq.s32 s14, $0x0  }
.Ltmp27:
0x19c: {  	_ = 	snop;
	(pc) =	sbr.rel @!p0 .LBB2_33-.Ltmp27, $1  }
0x19d: {  	_ =	sdelay $0x3  }
0x19e: {  	s15 =	smov.u32 s3  }
.LBB2_32:
.Ltmp28:
0x19f: {  	(pc) =	sbr.rel .LBB2_34-.Ltmp28, $4  }
0x1a0: {  	_ =	swait.ge [sflag:s30], $0x2800  }
0x1a1: {  	[sflag:s30] =	ssyncset.done $0x0  }
0x1a2: {  	s3 =	smov.u32 s15;
	[sflag:s30] =	ssyncadd.s32 $0xFFFFD800  }
0x1a3: {  	[spmem:s1] =	stream.indirect.scatter.add.f32 [tilespmem:s24], [sflag:$0x9], $0x80, s2, s23, $0xb8;
	[tilespmem:$0x1E400] =	vst v63  }
.LBB2_33:
.Ltmp29:
0x1a4: {  	(pc) =	sbr.rel .LBB2_34-.Ltmp29, $4  }
0x1a5: {  	_ =	swait.ge [sflag:s29], $0x2800  }
0x1a6: {  	[sflag:s29] =	ssyncset.done $0x0  }
0x1a7: {  	[sflag:s29] =	ssyncadd.s32 $0xFFFFD800  }
0x1a8: {  	[spmem:s1] =	stream.indirect.scatter.add.f32 [tilespmem:s28], [sflag:$0xA], $0x80, s20, s23, $0xb8;
	[tilespmem:$0x1E400] =	vst v63  }
.LBB2_36:
0x1a9: {  	_ =	sfence.sel $0x180000  }
0x1aa: {  	[bflag:$0x0] =	sbarrier.arrive $0xFFFF  }
0x1ab: {  	_ =	strace $0x90000050  }
0x1ac: {  	s0 =	stileid.u32;
	[bflag:$0x2] =	sbarrier.arrive $0xFFFF  }
0x1ad: {  	p0 =	sne.s32 s0, $0x0;
	s0 =	rddreg [dreg:$0x2]  }
0x1ae: {  	s0 =	sadd.s32 @!p0 $0x100000, s0  }
0x1af: {  	[sflag:s0] =	ssyncadd.tile.s32 @!p0 $0x1;
	_ =	shalt  }
.Lfunc_end2:
_tile_overlayer_lowered:
.L_overlay_start_2:
0x1b0: {  	(tag) =	ssettag $0x2  }
0x1b1: {  	s0 =	rddreg [dreg:$0x0];
	s2 =	stileid.u32  }
0x1b2: {  	s1 =	rddreg [dreg:$0x1];
	p0 =	sne.s32 s2, $0x0  }
0x1b3: {  	s3 =	rddreg [dreg:$0x2];
	[bflag:$0x3] =	sbarrier.arrive $0xFFFF;
	s2 =	simm.s32 @!p0 $0x1C0D  }
0x1b4: {  	[timem:s3], [sflag:s2] =	dma.local @!p0 [hbm:s0], s1  }
0x1b5: {  	s0 =	simm.s32 @!p0 $0xD  }
0x1b6: {  	_ =	swait.ge @!p0 [sflag:s0], s1  }
0x1b7: {  	s1 =	ssub.s32 @!p0 $0x0, s1;
	[sflag:s0] =	ssyncset.done @!p0 $0x0  }
0x1b8: {  	[sflag:s0] =	ssyncadd.s32 @!p0 s1  }
0x1b9: {  	[bflag:$0x3] =	sbarrier.arrive $0xFFFF  }
0x1ba: {  	_ =	shalt  }

// kernel: kernel.26.cloned.1.call-start
scs
__scs_entry_jumppad:
0x0: {  	(pc) =	sbr.rel $0x88, $3  }
0x1: {  	(tag) =	ssettag $0x0;
	lr =	simm.s32 $0x1  }
0x2: {  	[smem:$0x3F99] =	sst lr;
	_ =	strace $0xD0000000  }
0x3: {  	_ = 	snop  }
0x4: {  	_ = 	snop  }
0x5: {  	_ = 	snop  }
0x6: {  	_ = 	snop  }
0x7: {  	_ = 	snop  }
__scs_overlays_trampoline_lowered:
0x8: {  	[smem:$0x3FA8] =	sst s0  }
0x9: {  	[smem:$0x3FA9] =	sst s1  }
0xa: {  	[smem:$0x3FAA] =	sst s2  }
0xb: {  	[smem:$0x3FAB] =	sst s3  }
0xc: {  	[smem:$0x3FAC] =	sst s4  }
0xd: {  	[smem:$0x3FAD] =	sst s5  }
0xe: {  	[smem:$0x3FAE] =	sst s6  }
0xf: {  	[smem:$0x3FAF] =	sst s7  }
0x10: {  	[smem:$0x3FB0] =	sst s8  }
0x11: {  	[smem:$0x3FB1] =	sst s9;
	s0 =	simm.s32 @!p0 $0x0  }
0x12: {  	s1 =	sld [smem:$0x3F97];
	s0 =	simm.s32 @p0 $0x1  }
0x13: {  	[smem:$0x3FB2] =	sst s0;
	s0 =	simm.s32 @!p1 $0x0  }
0x14: {  	s2 =	sld [smem:$0x3F96];
	s0 =	simm.s32 @p1 $0x1  }
0x15: {  	[smem:$0x3FB3] =	sst s0;
	s0 =	simm.s32 @!p2 $0x0  }
0x16: {  	s3 =	sld [smem:$0x3FDB];
	s0 =	simm.s32 @p2 $0x1  }
0x17: {  	s4 =	simm.s32 $0x1BF5;
	[smem:$0x3FB5] =	sst s0  }
0x18: {  	s0 =	sld [smem:$0x3F98];
	_ =	swait.ge [sflag:s4], $0x0  }
0x19: {  	s7 =	sld [smem:$0x3F99]  }
0x1a: {  	s8 =	sadd.s32 $0xFFFFE003, lr  }
0x1b: {  	s9 =	sadd.s32 $0xFFFFFEF7, lr;
	s5 =	simm.s32 $0xFFFFFFFF;
	p2 =	slt.u32 s8, $0xFFFFF086  }
0x1c: {  	p1 =	slt.u32 s9, $0xF7A;
	s5 =	simm.s32 @!p2 $0x0  }
0x1d: {  	s5 =	simm.s32 @p1 $0x1;
	p0 =	seq.s32 s7, s2  }
0x1e: {  	s7 =	smul.u32 @!p0 $0xF7A, s2;
	p2 =	seq.s32 @!p0 s5, $0x0  }
0x1f: {  	s9 =	smul.u32 $0xF7A, s1;
	s8 =	simm.s32 @!p0 $0x1BF5;
	p2 =	por !p2, p0  }
0x20: {  	[sflag:s8] =	ssyncset.s32 @!p0 $0xFFFFF086;
	s6 =	sadd.s32 @!p0 s3, s7;
	s7 =	simm.s32 @!p0 $0x108  }
0x21: {  	s3 =	sadd.s32 s3, s9;
	s6 =	sadd.s32 @!p0 $0x88, s6;
	s7 =	simm.s32 @p2 $0x1082  }
0x22: {  	[simem:s7], [sflag:s8] =	dma.local @!p0 [hbm:s6], $0xF7A  }
0x23: {  	s9 =	sor.u32 $0xD0000000, s2;
	s6 =	simm.s32 $0x108;
	_ =	swait.ge @!p0 [sflag:s8], $0x0  }
0x24: {  	s3 =	sadd.s32 $0x88, s3;
	s6 =	simm.s32 @!p1 $0x1082;
	[sflag:s4] =	ssyncset.s32 $0xFFFFF086  }
0x25: {  	[simem:s6], [sflag:s4] =	dma.local [hbm:s3], $0xF7A  }
0x26: {  	[smem:$0x3F99] =	sst s1;
	(tag) =	ssettag s2;
	_ =	strace s9  }
0x27: {  	s1 =	sld [smem:$0x3FA9]  }
0x28: {  	s2 =	sld [smem:$0x3FAA]  }
0x29: {  	s4 =	sld [smem:$0x3FAC]  }
0x2a: {  	p0 =	seq.s32 s5, $0x0;
	s5 =	sld [smem:$0x3FAD]  }
0x2b: {  	s6 =	sld [smem:$0x3FAE]  }
0x2c: {  	s7 =	sld [smem:$0x3FAF]  }
0x2d: {  	s3 =	simm.s32 $0x108;
	s8 =	sld [smem:$0x3FB0]  }
0x2e: {  	s3 =	simm.s32 @!p0 $0x1082;
	s9 =	sld [smem:$0x3FB1]  }
0x2f: {  	lr =	sadd.s32 s0, s3;
	s0 =	sld [smem:$0x3FA8]  }
0x30: {  	s3 =	sld [smem:$0x3FAB]  }
0x31: {  	[smem:$0x3FB4] =	sst s10  }
0x32: {  	s10 =	sld [smem:$0x3FB2];
	_ =	sdelay $0x3  }
0x33: {  	p0 =	seq.s32 s10, $0x1;
	s10 =	sld [smem:$0x3FB4];
	_ =	sdelay $0x3  }
0x34: {  	[smem:$0x3FB4] =	sst s10  }
0x35: {  	s10 =	sld [smem:$0x3FB3];
	_ =	sdelay $0x3  }
0x36: {  	p1 =	seq.s32 s10, $0x1;
	s10 =	sld [smem:$0x3FB4];
	_ =	sdelay $0x3  }
0x37: {  	[smem:$0x3FB4] =	sst s10  }
0x38: {  	s10 =	sld [smem:$0x3FB5]  }
0x39: {  	_ = 	snop;
	(pc) =	sbr.ind lr, $3  }
0x3a: {  	_ = 	snop  }
0x3b: {  	_ = 	snop  }
0x3c: {  	p2 =	seq.s32 s10, $0x1;
	s10 =	sld [smem:$0x3FB4]  }
0x3d: {  	_ =	shalt  }
0x3e: {  	_ =	shalt  }
0x3f: {  	_ =	shalt  }
0x40: {  	_ =	shalt  }
0x41: {  	_ =	shalt  }
0x42: {  	_ =	shalt  }
0x43: {  	_ =	shalt  }
0x44: {  	_ =	shalt  }
0x45: {  	_ =	shalt  }
0x46: {  	_ =	shalt  }
0x47: {  	_ =	shalt  }
0x48: {  	_ =	shalt  }
0x49: {  	_ =	shalt  }
0x4a: {  	_ =	shalt  }
0x4b: {  	_ =	shalt  }
0x4c: {  	_ =	shalt  }
0x4d: {  	_ =	shalt  }
0x4e: {  	_ =	shalt  }
0x4f: {  	_ =	shalt  }
0x50: {  	_ =	shalt  }
0x51: {  	_ =	shalt  }
0x52: {  	_ =	shalt  }
0x53: {  	_ =	shalt  }
0x54: {  	_ =	shalt  }
0x55: {  	_ =	shalt  }
0x56: {  	_ =	shalt  }
0x57: {  	_ =	shalt  }
0x58: {  	_ =	shalt  }
0x59: {  	_ =	shalt  }
0x5a: {  	_ =	shalt  }
0x5b: {  	_ =	shalt  }
0x5c: {  	_ =	shalt  }
0x5d: {  	_ =	shalt  }
0x5e: {  	_ =	shalt  }
0x5f: {  	_ =	shalt  }
0x60: {  	_ =	shalt  }
0x61: {  	_ =	shalt  }
0x62: {  	_ =	shalt  }
0x63: {  	_ =	shalt  }
0x64: {  	_ =	shalt  }
0x65: {  	_ =	shalt  }
0x66: {  	_ =	shalt  }
0x67: {  	_ =	shalt  }
0x68: {  	_ =	shalt  }
0x69: {  	_ =	shalt  }
0x6a: {  	_ =	shalt  }
0x6b: {  	_ =	shalt  }
0x6c: {  	_ =	shalt  }
0x6d: {  	_ =	shalt  }
0x6e: {  	_ =	shalt  }
0x6f: {  	_ =	shalt  }
0x70: {  	_ =	shalt  }
0x71: {  	_ =	shalt  }
0x72: {  	_ =	shalt  }
0x73: {  	_ =	shalt  }
0x74: {  	_ =	shalt  }
0x75: {  	_ =	shalt  }
0x76: {  	_ =	shalt  }
0x77: {  	_ =	shalt  }
0x78: {  	_ =	shalt  }
0x79: {  	_ =	shalt  }
0x7a: {  	_ =	shalt  }
0x7b: {  	_ =	shalt  }
0x7c: {  	_ =	shalt  }
0x7d: {  	_ =	shalt  }
0x7e: {  	_ =	shalt  }
0x7f: {  	_ =	shalt  }
0x80: {  	_ =	shalt  }
0x81: {  	_ =	shalt  }
0x82: {  	_ =	shalt  }
0x83: {  	_ =	shalt  }
0x84: {  	_ =	shalt  }
0x85: {  	_ =	shalt  }
0x86: {  	_ =	shalt  }
0x87: {  	_ =	shalt  }
.Lfunc_end0:
.L_simem_size_0:
called_computation.4_lowered:
.L_overlay_start_0:
0x88: {  	s2 =	sld [smem:$0x3FD9]  }
0x89: {  	s3 =	sld [smem:$0x3FFE];
	_ =	sdelay $0x1  }
0x8a: {  	s1 =	srdreg.scid  }
0x8b: {  	s0 =	sand.u32 $0x1, s1  }
0x8c: {  	s16 =	sshll.u32 s0, $0xA;
	s2 =	sadd.s32 s3, s2  }
0x8d: {  	s2 =	sadd.s32 s2, s16  }
0x8e: {  	[smem:$0x3FC0] =	sst s2  }
0x8f: {  	_ = 	snop  }
0x90: {  	(tm) =	ssettm $0x1  }
0x91: {  	s17 =	sld [smem:$0x3FFB];
	_ =	sdelay $0x3  }
0x92: {  	_ =	strace s17  }
0x93: {  	s2 =	sld [smem:$0x3FFC];
	_ =	sdelay $0x3  }
0x94: {  	_ =	strace s2  }
0x95: {  	s2 =	sld [smem:$0x3FFD];
	_ =	sdelay $0x3  }
0x96: {  	_ =	strace s2  }
0x97: {  	_ =	strace $0x8FFFFFFF  }
0x98: {  	s18 =	sld [smem:$0x3FDB];
	_ =	sdelay $0x1  }
0x99: {  	s19 =	simm.s32 $_scs_section_size  }
0x9a: {  	s4 =	simm.s32 $_size__tile_overlayer_lowered;
	s5 =	simm.s32 $_tile_overlayer_lowered  }
0x9b: {  	s22 =	simm.s32 $0x1BFF;
	s21 =	sshll.u32 s5, $0x1;
	s2 =	sadd.s32 s19, s18  }
0x9c: {  	s6 =	simm.s32 $0x0;
	s20 =	sshll.u32 s4, $0x1;
	s4 =	sadd.s32 s21, s2  }
0x9d: {  	[timem:s6], [sflag:s22] =	dma.local [hbm:s4], s20  }
0x9e: {  	_ =	swait.ge [sflag:s22], s20  }
0x9f: {  	s3 =	ssub.s32 $0x0, s20;
	[sflag:s22] =	ssyncset.done $0x0  }
0xa0: {  	[sflag:s22] =	ssyncadd.s32 s3;
	_ =	sdelay $0x1  }
0xa1: {  	s23 =	simm.s32 $0x1B8B  }
0xa2: {  	_ =	swait.ge [sflag:s23], $0x1  }
0xa3: {  	[sflag:s23] =	ssyncset.done $0x0  }
0xa4: {  	s25 =	simm.s32 $0x1B8E;
	s24 =	sld [smem:$0x3FFE];
	[sflag:s23] =	ssyncadd.s32 $0xFFFFFFFF  }
0xa5: {  	s26 =	simm.s32 $execute0_lowered;
	[smem:$0x3FD2] =	sst s25  }
0xa6: {  	s4 =	sshll.u32 s26, $0x1;
	_ =	strace $0x80000052;
	[dreg:$0x1] =	wrdreg $0xFFFFFFFF  }
0xa7: {  	s28 =	simm.s32 $_size_execute0_lowered;
	s2 =	sadd.s32 s2, s4;
	[dreg:$0x0] =	wrdreg $0x0  }
0xa8: {  	s4 =	sshll.u32 s28, $0x1;
	[dreg:$0x2] =	wrdreg s2  }
0xa9: {  	[dreg:$0x3] =	wrdreg s4  }
0xaa: {  	[dreg:$0x4] =	wrdreg $0xC0  }
0xab: {  	_ =	task [dreg:s6], $0x5FFFF  }
0xac: {  	[dreg:$0x1] =	wrdreg $0xFFFFFFFF  }
0xad: {  	[dreg:$0x0] =	wrdreg $0x60  }
0xae: {  	[dreg:$0x2] =	wrdreg s24  }
0xaf: {  	[dreg:$0x3] =	wrdreg $0xA4000  }
0xb0: {  	[dreg:$0x4] =	wrdreg $0x9  }
0xb1: {  	_ =	task.clear_ibuf [dreg:s6], $0x5FFFF;
	_ =	strace $0x90000052  }
0xb2: {  	s29 =	simm.s32 $0x9;
	_ =	strace $0x80000054  }
0xb3: {  	_ =	swait.ge [sflag:s29], $0x1  }
0xb4: {  	[sflag:s29] =	ssyncadd.s32 $0xFFFFFFFF  }
0xb5: {  	_ =	strace $0x90000054  }
0xb6: {  	_ =	sfence  }
0xb7: {  	s30 =	sld [smem:$0x0];
	_ =	sdelay $0x2  }
0xb8: {  	s31 =	sshll.u32 s1, $0xD;
	s1 =	sshrl.u32 s1, $0x2  }
0xb9: {  	s3 =	sand.u32 $0x4000, s31;
	s1 =	sadd.s32 s1, s30  }
0xba: {  	s0 =	sor.u32 s3, s0;
	s1 =	sshll.u32 s1, $0x11  }
0xbb: {  	s0 =	sor.u32 s1, s0  }
0xbc: {  	s0 =	sadd.s32 $0x8F2B, s0  }
0xbd: {  	[sflag:s0] =	ssyncadd.remote.s32 $0x1  }
0xbe: {  	_ =	sfence.sel $0xFFFF  }
0xbf: {  	[dreg:$0x0] =	wrdreg $0xFFFFFFFF;
	(pc) =	sbr.abs _section_cstart, $3  }
0xc0: {  	[dreg:$0x1] =	wrdreg $0xFFFFFFFF  }
0xc1: {  	_ =	task.clear_ibuf [dreg:s6], $0x2FFFF;
	_ =	strace $0x9FFFFFFF  }
0xc2: {  	(tm) =	ssettm $0x7FFFFFFF  }
0xc3: {  	_ =	shalt  }
tec
execute0_lowered:
.L_overlay_start_1:
0x0: {  	(tag) =	ssettag $0x1  }
0x1: {  	s0 =	rddreg [dreg:$0x0]  }
0x2: {  	s1 =	rddreg [dreg:$0x1];
	s3 =	simm.s32 $0x0;
	s2 =	srdreg.scid  }
0x3: {  	s12 =	stileid.u32;
	s17 =	simm.s32 $0xD;
	s18 =	simm.s32 $0x200  }
0x4: {  	s28 =	simm.s32 $0x6;
	s29 =	simm.s32 $0x5;
	s30 =	simm.s32 $0xC  }
0x5: {  	s31 =	simm.s32 $0x0;
	[smem:$0x7FF] =	sst s3;
	s2 =	sand.u32 $0x1, s2  }
0x6: {  	s7 =	smul.u32 $0x280, s12;
	s4 =	sadd.s32 $0xCC00, s0;
	s5 =	sadd.s32 $0x7C00, s0  }
0x7: {  	s6 =	sadd.s32 $0x2C00, s0;
	s11 =	smul.u32 $0x50000, s12;
	s13 =	sadd.s32 $0x5D200, s0  }
0x8: {  	s20 =	sshll.u32 s12, $0x6;
	s8 =	smul.u32 $0x2800, s2;
	s2 =	ssub.s32 $0x2, s2  }
0x9: {  	_ =	strace $0x80000053;
	[dreg:$0x3] =	wrdreg s13;
	s10 =	sshrl.u32 s2, $0x1  }
0xa: {  	s19 =	sshrl.u32 s11, $0x2;
	s9 =	sadd.s32 s7, s8;
	s7 =	smul.u32 $0x2710, s12  }
0xb: {  	s2 =	ssub.s32 s2, s10;
	s16 =	sadd.s32 s19, s1;
	s19 =	simm.s32 $0x80  }
0xc: {  	s9 =	sshll.u32 s9, $0x4;
	s15 =	smax.u32 s2, $0x1;
	s16 =	sshrl.u32 s16, $0x3  }
0xd: {  	s0 =	sadd.s32 s9, s0;
	s21 =	sshrl.u32 s7, $0x3;
	s9 =	sor.u32 $0x1C0D, s20  }
0xe: {  	s20 =	simm.s32 $0x280;
	s22 =	sadd.s32 $0xA, s21;
	s23 =	sadd.s32 s5, s21  }
.Ltmp0:
0xf: {  	s24 =	sadd.s32 s6, s21;
	[dreg:$0x4] =	wrdreg s23;
	(pc) =	sbr.rel .LBB2_1-.Ltmp0, $4  }
0x10: {  	s14 =	sadd.s32 $0x5FA00, s0;
	s21 =	simm.s32 $0x1;
	[dreg:$0x5] =	wrdreg s24  }
0x11: {  	s25 =	sadd.s32 s5, s22;
	s26 =	sadd.s32 s6, s22;
	s22 =	simm.s32 $0x50  }
0x12: {  	s23 =	simm.s32 $0x400;
	s24 =	simm.s32 $0x9;
	[dreg:$0x6] =	wrdreg s25  }
0x13: {  	v0 =	vmov s8;
	[dreg:$0x7] =	wrdreg s26;
	s25 =	simm.s32 $0x2;
	s26 =	simm.s32 $0x2C00  }
.LBB2_18:
0x14: {  	_ =	swait.ge [sflag:s24], $0x2800  }
0x15: {  	[sflag:s24] =	ssyncset.done $0x0  }
0x16: {  	[sflag:s24] =	ssyncadd.s32 $0xFFFFD800  }
0x17: {  	_ =	swait.ge [sflag:s30], $0x2800  }
0x18: {  	[sflag:s30] =	ssyncset.done $0x0  }
0x19: {  	s31 =	sadd.s32 $0x1, s31;
	[sflag:s30] =	ssyncadd.s32 $0xFFFFD800  }
0x1a: {  	p0 =	sne.s32 s31, s15;
	[bflag:$0x0] =	sbarrier.arrive $0xFFFF  }
0x1b: {  	[hbm:s14], [sflag:s9] =	dma.local [spmem:s16], $0x2800  }
.Ltmp1:
0x1c: {  	_ =	swait.ge [sflag:s17], $0x2800;
	(pc) =	sbr.rel @!p0 .LBB2_19-.Ltmp1, $3  }
0x1d: {  	[sflag:s17] =	ssyncset.done $0x0  }
0x1e: {  	[sflag:s17] =	ssyncadd.s32 $0xFFFFD800  }
0x1f: {  	[bflag:$0x0] =	sbarrier.arrive $0xFFFF;
	_ =	sdelay $0x1  }
.LBB2_1:
0x20: {  	s0 =	rddreg [dreg:$0x3]  }
0x21: {  	[spmem:s16], [sflag:s9] =	dma.local [hbm:s0], $0x2800  }
0x22: {  	_ =	swait.ge [sflag:s17], $0x2800  }
0x23: {  	[sflag:s17] =	ssyncset.done $0x0  }
0x24: {  	[sflag:s17] =	ssyncadd.s32 $0xFFFFD800  }
0x25: {  	[bflag:$0x0] =	sbarrier.arrive $0xFFFF  }
0x26: {  	s10 =	rddreg [dreg:$0x4]  }
0x27: {  	[tilespmem:s3], [sflag:$0x1] =	stream.linear.gather [hbm4b:s10+s3], $0x50, $0x38;
	[tilespmem:$0x1E400] =	vst v63  }
0x28: {  	s11 =	rddreg [dreg:$0x5]  }
0x29: {  	[tilespmem:s18], [sflag:$0x1] =	stream.linear.gather [hbm4b:s11+s3], $0x50, $0x38;
	[tilespmem:$0x1E400] =	vst v63  }
0x2a: {  	s12 =	rddreg [dreg:$0x6]  }
0x2b: {  	[tilespmem:s19], [sflag:$0x2] =	stream.linear.gather [hbm4b:s12+s3], $0x50, $0x38;
	[tilespmem:$0x1E400] =	vst v63  }
0x2c: {  	s13 =	rddreg [dreg:$0x7]  }
0x2d: {  	[tilespmem:s20], [sflag:$0x2] =	stream.linear.gather [hbm4b:s13+s3], $0x50, $0x38;
	[tilespmem:$0x1E400] =	vst v63  }
0x2e: {  	_ =	swait.ge [sflag:s21], $0x50  }
0x2f: {  	[sflag:s21] =	ssyncset.done $0x0  }
0x30: {  	[sflag:s21] =	ssyncadd.s32 $0xFFFFFFB0  }
0x31: {  	_ =	swait.ge [sflag:s21], $0x50  }
0x32: {  	[sflag:s21] =	ssyncset.done $0x0  }
0x33: {  	[sflag:s21] =	ssyncadd.s32 $0xFFFFFFB0  }
0x34: {  	v1 =	vld [tilespmem:$0x200]  }
0x35: {  	v2 =	vld [tilespmem:$0x210]  }
0x36: {  	v3 =	vld [tilespmem:$0x220]  }
0x37: {  	v4 =	vld [tilespmem:$0x230]  }
0x38: {  	v5 =	vld [tilespmem:$0x240]  }
0x39: {  	v1 =	vadd.s32 v0, v1  }
0x3a: {  	[tilespmem:$0x200] =	vst v1;
	v1 =	vadd.s32 v0, v2  }
.Ltmp2:
0x3b: {  	[tilespmem:$0x210] =	vst v1;
	v1 =	vadd.s32 v0, v3;
	(pc) =	sbr.rel .LBB2_2-.Ltmp2, $4  }
0x3c: {  	[tilespmem:$0x220] =	vst v1;
	v1 =	vadd.s32 v0, v4  }
0x3d: {  	[tilespmem:$0x230] =	vst v1;
	v1 =	vadd.s32 v0, v5  }
0x3e: {  	s0 =	simm.s32 $0x0;
	[tilespmem:$0x240] =	vst v1  }
0x3f: {  	[tilespmem:s23], [sflag:$0x5] =	stream.indirect.gather [hbm4b:s4+s22], $0x80, s18, s22, $0xb8;
	[tilespmem:$0x1E400] =	vst v63  }
.LBB2_20:
0x40: {  	p0 =	seq.s32 s2, $0x2  }
0x41: {  	s2 =	simm.s32 @p0 $0x7  }
0x42: {  	_ =	swait.ge @p0 [sflag:s2], $0x2800  }
0x43: {  	s8 =	simm.s32 @p0 $0x100;
	[sflag:s2] =	ssyncset.done @p0 $0x0  }
0x44: {  	s10 =	simm.s32 @p0 $0x5400;
	[sflag:s2] =	ssyncadd.s32 @p0 $0xFFFFD800;
	s2 =	simm.s32 @p0 $0x50  }
0x45: {  	[spmem:s1] =	stream.indirect.scatter.add.f32 @p0 [tilespmem:s10], [sflag:$0xB], $0x80, s8, s2, $0xb8;
	[tilespmem:$0x1E400] =	vst v63  }
0x46: {  	s2 =	simm.s32 @!p0 $0x8  }
0x47: {  	_ =	swait.ge @!p0 [sflag:s2], $0x2800  }
0x48: {  	s8 =	simm.s32 @!p0 $0x180;
	[sflag:s2] =	ssyncset.done @!p0 $0x0  }
0x49: {  	s10 =	simm.s32 @!p0 $0x7C00;
	[sflag:s2] =	ssyncadd.s32 @!p0 $0xFFFFD800;
	s2 =	simm.s32 @!p0 $0x50  }
0x4a: {  	[spmem:s1] =	stream.indirect.scatter.add.f32 @!p0 [tilespmem:s10], [sflag:$0xC], $0x80, s8, s2, $0xb8;
	[tilespmem:$0x1E400] =	vst v63  }
.LBB2_17:
0x4b: {  	p0 =	slt.u32 s0, $0x7D  }
.Ltmp3:
0x4c: {  	_ = 	snop;
	(pc) =	sbr.rel @!p0 .LBB2_18-.Ltmp3, $1  }
0x4d: {  	_ =	sdelay $0x3  }
.LBB2_2:
0x4e: {  	p1 =	sgt.u32 s0, $0x1  }
.Ltmp4:
0x4f: {  	_ = 	snop;
	(pc) =	sbr.rel @!p1 .LBB2_3-.Ltmp4, $3  }
0x50: {  	_ =	sdelay $0x1  }
0x51: {  	s2 =	sand.u32 $0x3, s0  }
0x52: {  	p0 =	sgt.s32 s2, $0x1  }
0x53: {  	p1 =	seq.s32 @!p0 s2, $0x0  }
0x54: {  	p1 =	por !p1, p0  }
0x55: {  	p2 =	seq.s32 @p0 s2, $0x2;
	s10 =	simm.s32 $0x9;
	s8 =	simm.s32 @!p1 $0xB  }
0x56: {  	p2 =	por !p2, !p0;
	s8 =	simm.s32 @p1 $0xC;
	p1 =	sgt.u32 s0, $0x7A  }
.Ltmp5:
0x57: {  	s10 =	simm.s32 @p2 $0xA;
	(pc) =	sbr.rel @p1 .LBB2_10-.Ltmp5, $4  }
0x58: {  	s8 =	smov.u32 @p0 s10  }
0x59: {  	_ =	swait.ge [sflag:s8], $0x2800  }
0x5a: {  	[sflag:s8] =	ssyncset.done $0x0  }
0x5b: {  	[sflag:s8] =	ssyncadd.s32 $0xFFFFD800  }
.Ltmp6:
0x5c: {  	(pc) =	sbr.rel .LBB2_6-.Ltmp6, $2  }
0x5d: {  	_ =	sdelay $0x2  }
0x5e: {  	s8 =	sadd.s32 $0x2, s0  }
.LBB2_3:
0x5f: {  	s8 =	sor.u32 $0x2, s0  }
.LBB2_6:
0x60: {  	s10 =	sand.u32 $0x3, s8;
	s13 =	smul.u32 $0x50, s8  }
0x61: {  	p1 =	sgt.s32 s10, $0x1  }
0x62: {  	s8 =	sadd.s32 s7, s13;
	p2 =	seq.s32 @p1 s10, $0x2  }
0x63: {  	s8 =	sshrl.u32 s8, $0x3;
	p3 =	por !p2, !p1  }
0x64: {  	s11 =	sadd.s32 s5, s8;
	s12 =	simm.s32 @!p3 $0x0;
	s13 =	simm.s32 @!p3 $0x100  }
0x65: {  	[tilespmem:s13], [sflag:$0x3] =	stream.linear.gather @!p3 [hbm4b:s11+s12], $0x50, $0x38;
	[tilespmem:$0x1E400] =	vst v63  }
0x66: {  	p2 =	por p2, !p1;
	s8 =	sadd.s32 s6, s8;
	s13 =	simm.s32 @!p3 $0x300  }
0x67: {  	[tilespmem:s13], [sflag:$0x3] =	stream.linear.gather @!p3 [hbm4b:s8+s12], $0x50, $0x38;
	[tilespmem:$0x1E400] =	vst v63  }
0x68: {  	s12 =	simm.s32 @!p2 $0x0;
	s13 =	simm.s32 @!p2 $0x180  }
0x69: {  	[tilespmem:s13], [sflag:$0x4] =	stream.linear.gather @!p2 [hbm4b:s11+s12], $0x50, $0x38;
	[tilespmem:$0x1E400] =	vst v63  }
0x6a: {  	s13 =	simm.s32 @!p2 $0x380  }
0x6b: {  	[tilespmem:s13], [sflag:$0x4] =	stream.linear.gather @!p2 [hbm4b:s8+s12], $0x50, $0x38;
	[tilespmem:$0x1E400] =	vst v63  }
0x6c: {  	p2 =	seq.s32 @!p1 s10, $0x0  }
0x6d: {  	p3 =	por !p2, p1  }
0x6e: {  	s10 =	simm.s32 @!p3 $0x0  }
0x6f: {  	[tilespmem:s10], [sflag:$0x1] =	stream.linear.gather @!p3 [hbm4b:s11+s10], $0x50, $0x38;
	[tilespmem:$0x1E400] =	vst v63  }
0x70: {  	p1 =	por p2, p1;
	s12 =	simm.s32 @!p3 $0x200  }
0x71: {  	[tilespmem:s12], [sflag:$0x1] =	stream.linear.gather @!p3 [hbm4b:s8+s10], $0x50, $0x38;
	[tilespmem:$0x1E400] =	vst v63  }
0x72: {  	s10 =	simm.s32 @!p1 $0x0;
	s12 =	simm.s32 @!p1 $0x80  }
0x73: {  	[tilespmem:s12], [sflag:$0x2] =	stream.linear.gather @!p1 [hbm4b:s11+s10], $0x50, $0x38;
	[tilespmem:$0x1E400] =	vst v63  }
0x74: {  	s0 =	sadd.s32 $0x1, s0;
	s11 =	simm.s32 @!p1 $0x280  }
0x75: {  	[tilespmem:s11], [sflag:$0x2] =	stream.linear.gather @!p1 [hbm4b:s8+s10], $0x50, $0x38;
	[tilespmem:$0x1E400] =	vst v63  }
0x76: {  	s8 =	sand.u32 $0x3, s0  }
0x77: {  	p1 =	sgt.s32 s8, $0x1  }
.Ltmp7:
0x78: {  	_ = 	snop;
	(pc) =	sbr.rel @p1 .LBB2_9-.Ltmp7, $1  }
0x79: {  	_ =	sdelay $0x3  }
0x7a: {  	p1 =	seq.s32 s8, $0x0  }
.Ltmp8:
0x7b: {  	_ = 	snop;
	(pc) =	sbr.rel @p1 .LBB2_11-.Ltmp8, $1  }
0x7c: {  	_ =	sdelay $0x3  }
0x7d: {  	_ =	swait.ge [sflag:s25], $0x50  }
0x7e: {  	[sflag:s25] =	ssyncset.done $0x0  }
0x7f: {  	[sflag:s25] =	ssyncadd.s32 $0xFFFFFFB0  }
0x80: {  	_ =	swait.ge [sflag:s25], $0x50  }
0x81: {  	[sflag:s25] =	ssyncset.done $0x0  }
0x82: {  	[sflag:s25] =	ssyncadd.s32 $0xFFFFFFB0  }
0x83: {  	v1 =	vld [tilespmem:$0x280]  }
0x84: {  	v2 =	vld [tilespmem:$0x290]  }
0x85: {  	v3 =	vld [tilespmem:$0x2A0]  }
0x86: {  	v4 =	vld [tilespmem:$0x2B0]  }
0x87: {  	v5 =	vld [tilespmem:$0x2C0]  }
0x88: {  	v1 =	vadd.s32 v0, v1  }
0x89: {  	[tilespmem:$0x280] =	vst v1;
	v1 =	vadd.s32 v0, v2  }
.Ltmp9:
0x8a: {  	[tilespmem:$0x290] =	vst v1;
	v1 =	vadd.s32 v0, v3;
	(pc) =	sbr.rel .LBB2_12-.Ltmp9, $4  }
0x8b: {  	[tilespmem:$0x2A0] =	vst v1;
	v1 =	vadd.s32 v0, v4  }
0x8c: {  	[tilespmem:$0x2B0] =	vst v1;
	v1 =	vadd.s32 v0, v5  }
0x8d: {  	[tilespmem:$0x2C0] =	vst v1  }
0x8e: {  	[tilespmem:s26], [sflag:$0x6] =	stream.indirect.gather [hbm4b:s4+s22], $0x80, s20, s22, $0xb8;
	[tilespmem:$0x1E400] =	vst v63  }
.LBB2_9:
0x8f: {  	p1 =	seq.s32 s8, $0x2  }
0x90: {  	s8 =	simm.s32 @p1 $0x3  }
0x91: {  	_ =	swait.ge @p1 [sflag:s8], $0x50  }
0x92: {  	[sflag:s8] =	ssyncset.done @p1 $0x0  }
0x93: {  	[sflag:s8] =	ssyncadd.s32 @p1 $0xFFFFFFB0  }
0x94: {  	_ =	swait.ge @p1 [sflag:s8], $0x50  }
0x95: {  	[sflag:s8] =	ssyncset.done @p1 $0x0  }
0x96: {  	[sflag:s8] =	ssyncadd.s32 @p1 $0xFFFFFFB0  }
0x97: {  	v1 =	vld @p1 [tilespmem:$0x300]  }
0x98: {  	v2 =	vld @p1 [tilespmem:$0x310]  }
0x99: {  	v3 =	vld @p1 [tilespmem:$0x320]  }
0x9a: {  	v4 =	vld @p1 [tilespmem:$0x330]  }
0x9b: {  	v5 =	vld @p1 [tilespmem:$0x340]  }
0x9c: {  	v1 =	vadd.s32 @p1 v0, v1  }
0x9d: {  	[tilespmem:$0x300] =	vst @p1 v1;
	v1 =	vadd.s32 @p1 v0, v2  }
0x9e: {  	[tilespmem:$0x310] =	vst @p1 v1;
	v1 =	vadd.s32 @p1 v0, v3  }
0x9f: {  	[tilespmem:$0x320] =	vst @p1 v1;
	v1 =	vadd.s32 @p1 v0, v4  }
0xa0: {  	[tilespmem:$0x330] =	vst @p1 v1;
	v1 =	vadd.s32 @p1 v0, v5  }
0xa1: {  	s10 =	simm.s32 @p1 $0x300;
	s11 =	simm.s32 @p1 $0x5400;
	s8 =	simm.s32 @p1 $0x50;
	[tilespmem:$0x340] =	vst @p1 v1  }
0xa2: {  	[tilespmem:s11], [sflag:$0x7] =	stream.indirect.gather @p1 [hbm4b:s4+s8], $0x80, s10, s8, $0xb8;
	[tilespmem:$0x1E400] =	vst v63  }
0xa3: {  	s8 =	simm.s32 @!p1 $0x4  }
0xa4: {  	_ =	swait.ge @!p1 [sflag:s8], $0x50  }
0xa5: {  	[sflag:s8] =	ssyncset.done @!p1 $0x0  }
0xa6: {  	[sflag:s8] =	ssyncadd.s32 @!p1 $0xFFFFFFB0  }
0xa7: {  	_ =	swait.ge @!p1 [sflag:s8], $0x50  }
0xa8: {  	[sflag:s8] =	ssyncset.done @!p1 $0x0  }
0xa9: {  	[sflag:s8] =	ssyncadd.s32 @!p1 $0xFFFFFFB0  }
0xaa: {  	v1 =	vld @!p1 [tilespmem:$0x380]  }
0xab: {  	v2 =	vld @!p1 [tilespmem:$0x390]  }
0xac: {  	v3 =	vld @!p1 [tilespmem:$0x3A0]  }
0xad: {  	v4 =	vld @!p1 [tilespmem:$0x3B0]  }
0xae: {  	v5 =	vld @!p1 [tilespmem:$0x3C0]  }
0xaf: {  	v1 =	vadd.s32 @!p1 v0, v1  }
0xb0: {  	[tilespmem:$0x380] =	vst @!p1 v1;
	v1 =	vadd.s32 @!p1 v0, v2  }
.Ltmp10:
0xb1: {  	[tilespmem:$0x390] =	vst @!p1 v1;
	v1 =	vadd.s32 @!p1 v0, v3;
	(pc) =	sbr.rel .LBB2_12-.Ltmp10, $4  }
0xb2: {  	[tilespmem:$0x3A0] =	vst @!p1 v1;
	v1 =	vadd.s32 @!p1 v0, v4  }
0xb3: {  	[tilespmem:$0x3B0] =	vst @!p1 v1;
	v1 =	vadd.s32 @!p1 v0, v5  }
0xb4: {  	s10 =	simm.s32 @!p1 $0x380;
	s11 =	simm.s32 @!p1 $0x7C00;
	s8 =	simm.s32 @!p1 $0x50;
	[tilespmem:$0x3C0] =	vst @!p1 v1  }
0xb5: {  	[tilespmem:s11], [sflag:$0x8] =	stream.indirect.gather @!p1 [hbm4b:s4+s8], $0x80, s10, s8, $0xb8;
	[tilespmem:$0x1E400] =	vst v63  }
.LBB2_10:
0xb6: {  	p1 =	seq.s32 s0, $0x7C  }
.Ltmp11:
0xb7: {  	_ = 	snop;
	(pc) =	sbr.rel @p1 .LBB2_15-.Ltmp11, $2  }
0xb8: {  	_ =	sdelay $0x2  }
0xb9: {  	s0 =	simm.s32 $0x7C;
	s8 =	simm.s32 $0x7D  }
.LBB2_11:
0xba: {  	_ =	swait.ge [sflag:s21], $0x50  }
0xbb: {  	[sflag:s21] =	ssyncset.done $0x0  }
0xbc: {  	[sflag:s21] =	ssyncadd.s32 $0xFFFFFFB0  }
0xbd: {  	_ =	swait.ge [sflag:s21], $0x50  }
0xbe: {  	[sflag:s21] =	ssyncset.done $0x0  }
0xbf: {  	[sflag:s21] =	ssyncadd.s32 $0xFFFFFFB0  }
0xc0: {  	v1 =	vld [tilespmem:$0x200]  }
0xc1: {  	v2 =	vld [tilespmem:$0x210]  }
0xc2: {  	v3 =	vld [tilespmem:$0x220]  }
0xc3: {  	v4 =	vld [tilespmem:$0x230]  }
0xc4: {  	v5 =	vld [tilespmem:$0x240]  }
0xc5: {  	v1 =	vadd.s32 v0, v1  }
0xc6: {  	[tilespmem:$0x200] =	vst v1;
	v1 =	vadd.s32 v0, v2  }
0xc7: {  	[tilespmem:$0x210] =	vst v1;
	v1 =	vadd.s32 v0, v3  }
0xc8: {  	[tilespmem:$0x220] =	vst v1;
	v1 =	vadd.s32 v0, v4  }
0xc9: {  	[tilespmem:$0x230] =	vst v1;
	v1 =	vadd.s32 v0, v5  }
0xca: {  	[tilespmem:$0x240] =	vst v1  }
0xcb: {  	[tilespmem:s23], [sflag:$0x5] =	stream.indirect.gather [hbm4b:s4+s22], $0x80, s18, s22, $0xb8;
	[tilespmem:$0x1E400] =	vst v63  }
.LBB2_12:
.Ltmp12:
0xcc: {  	(pc) =	sbr.rel @p0 .LBB2_20-.Ltmp12, $1  }
0xcd: {  	_ =	sdelay $0x3  }
0xce: {  	p0 =	seq.s32 s2, $0x0  }
.Ltmp13:
0xcf: {  	_ = 	snop;
	(pc) =	sbr.rel @!p0 .LBB2_16-.Ltmp13, $1  }
0xd0: {  	_ =	sdelay $0x3  }
0xd1: {  	s8 =	smov.u32 s0  }
.LBB2_15:
.Ltmp14:
0xd2: {  	(pc) =	sbr.rel .LBB2_17-.Ltmp14, $4  }
0xd3: {  	_ =	swait.ge [sflag:s29], $0x2800  }
0xd4: {  	[sflag:s29] =	ssyncset.done $0x0  }
0xd5: {  	s0 =	smov.u32 s8;
	[sflag:s29] =	ssyncadd.s32 $0xFFFFD800  }
0xd6: {  	[spmem:s1] =	stream.indirect.scatter.add.f32 [tilespmem:s23], [sflag:$0x9], $0x80, s3, s22, $0xb8;
	[tilespmem:$0x1E400] =	vst v63  }
.LBB2_16:
.Ltmp15:
0xd7: {  	(pc) =	sbr.rel .LBB2_17-.Ltmp15, $4  }
0xd8: {  	_ =	swait.ge [sflag:s28], $0x2800  }
0xd9: {  	[sflag:s28] =	ssyncset.done $0x0  }
0xda: {  	[sflag:s28] =	ssyncadd.s32 $0xFFFFD800  }
0xdb: {  	[spmem:s1] =	stream.indirect.scatter.add.f32 [tilespmem:s26], [sflag:$0xA], $0x80, s19, s22, $0xb8;
	[tilespmem:$0x1E400] =	vst v63  }
.LBB2_19:
0xdc: {  	_ =	sfence.sel $0x180000  }
0xdd: {  	[bflag:$0x0] =	sbarrier.arrive $0xFFFF  }
0xde: {  	_ =	strace $0x90000053  }
0xdf: {  	s0 =	stileid.u32;
	[bflag:$0x2] =	sbarrier.arrive $0xFFFF  }
0xe0: {  	p0 =	sne.s32 s0, $0x0;
	s0 =	rddreg [dreg:$0x2]  }
0xe1: {  	s0 =	sadd.s32 @!p0 $0x100000, s0  }
0xe2: {  	[sflag:s0] =	ssyncadd.tile.s32 @!p0 $0x1;
	_ =	shalt  }
.Lfunc_end2:
_tile_overlayer_lowered:
.L_overlay_start_2:
0xe3: {  	(tag) =	ssettag $0x2  }
0xe4: {  	s0 =	rddreg [dreg:$0x0];
	s2 =	stileid.u32  }
0xe5: {  	s1 =	rddreg [dreg:$0x1];
	p0 =	sne.s32 s2, $0x0  }
0xe6: {  	s3 =	rddreg [dreg:$0x2];
	[bflag:$0x3] =	sbarrier.arrive $0xFFFF;
	s2 =	simm.s32 @!p0 $0x1C0D  }
0xe7: {  	[timem:s3], [sflag:s2] =	dma.local @!p0 [hbm:s0], s1  }
0xe8: {  	s0 =	simm.s32 @!p0 $0xD  }
0xe9: {  	_ =	swait.ge @!p0 [sflag:s0], s1  }
0xea: {  	s1 =	ssub.s32 @!p0 $0x0, s1;
	[sflag:s0] =	ssyncset.done @!p0 $0x0  }
0xeb: {  	[sflag:s0] =	ssyncadd.s32 @!p0 s1  }
0xec: {  	[bflag:$0x3] =	sbarrier.arrive $0xFFFF  }
0xed: {  	_ =	shalt  }

</sc_bundles>
